<compile_context>
chip_gen: v7x
topology: tpu7x:2x2x1
jax: 0.10.2.dev20260603
libtpu: 0.0.44.dev20260713+nightly
codegen_flags: <defaults>
</compile_context>

<pallas_src>
import jax
import jax.numpy as jnp
from jax import lax
from jax.experimental import pallas as pl
from jax.experimental.pallas import tpu as pltpu
from jax.experimental.pallas import tpu_sc as plsc

N = 10000
E = 320000
D = 128
H = 128

_NC = 2
_NS = 16
_NW = _NC * _NS

_CH = 128
_PARTS = (64000, 128000, 128000)

_RPT = 624
_RTAIL = N - _NS * _RPT

_BE = 2000
_BN = 1000


def _prep_body(x_ref, w_ref, b_ref, t_ref):
    xb = x_ref[...]
    t_ref[...] = jnp.dot(xb, w_ref[...], preferred_element_type=jnp.float32) + b_ref[...]


def _prep(x, w1a, mb1):
    return pl.pallas_call(
        _prep_body,
        grid=(N // _BN,),
        in_specs=[
            pl.BlockSpec((_BN, D), lambda i: (i, 0)),
            pl.BlockSpec((D, H), lambda i: (0, 0)),
            pl.BlockSpec((1, H), lambda i: (0, 0)),
        ],
        out_specs=pl.BlockSpec((_BN, H), lambda i: (i, 0)),
        out_shape=jax.ShapeDtypeStruct((N, H), jnp.float32),
    )(x, w1a, mb1)


def _make_rel():
    nchunks = E // _CH
    wch = nchunks // _NW
    xtra = nchunks - wch * _NW
    pw = wch * _CH

    def body_fn(xtab_hbm, ytab_hbm, ztab_hbm, row_hbm, col_hbm, rel_hbm,
                xtab_v, ytab_v, ztab_v, rows_v, cols_v,
                rel0, rel1, sr0, sr1, si0, si1):
        wid = lax.axis_index("s") * _NC + lax.axis_index("c")
        base0 = wid * pw
        ebase = (_NW * wch + wid) * _CH
        c1 = pltpu.async_copy(xtab_hbm, xtab_v, sr0)
        c2 = pltpu.async_copy(ytab_hbm, ytab_v, sr1)
        c3 = pltpu.async_copy(ztab_hbm, ztab_v, si0)
        c4 = pltpu.async_copy(row_hbm.at[pl.ds(base0, pw)],
                              rows_v.at[pl.ds(0, pw)], si1)
        c5 = pltpu.async_copy(col_hbm.at[pl.ds(base0, pw)],
                              cols_v.at[pl.ds(0, pw)], sr0)

        @pl.when(wid < xtra)
        def _stage_extra():
            pltpu.sync_copy(row_hbm.at[pl.ds(ebase, _CH)],
                            rows_v.at[pl.ds(pw, _CH)])
            pltpu.sync_copy(col_hbm.at[pl.ds(ebase, _CH)],
                            cols_v.at[pl.ds(pw, _CH)])

        c1.wait()
        c2.wait()
        c3.wait()
        c4.wait()
        c5.wait()

        def compute_rel(off, rel_buf):
            for j in range(_CH // 16):
                ir = rows_v[pl.ds(off + j * 16, 16)]
                ic = cols_v[pl.ds(off + j * 16, 16)]
                erow = lax.iota(jnp.int32, 16) + j * 16
                for f, tab in ((0, xtab_v), (1, ytab_v), (2, ztab_v)):
                    r = plsc.load_gather(tab, [ic]) - plsc.load_gather(tab, [ir])
                    plsc.store_scatter(rel_buf, [erow, jnp.full((16,), f, jnp.int32)], r)

        def body(i, carry):
            o0 = (2 * i) * _CH
            o1 = o0 + _CH
            compute_rel(o0, rel0)
            r0 = pltpu.async_copy(rel0, rel_hbm.at[pl.ds(base0 + o0, _CH)], sr0)
            compute_rel(o1, rel1)
            r1 = pltpu.async_copy(rel1, rel_hbm.at[pl.ds(base0 + o1, _CH)], sr1)
            r0.wait()
            r1.wait()
            return carry

        lax.fori_loop(0, wch // 2, body, 0)

        if wch % 2:
            o0 = (wch - 1) * _CH
            compute_rel(o0, rel0)
            pltpu.sync_copy(rel0, rel_hbm.at[pl.ds(base0 + o0, _CH)])

        @pl.when(wid < xtra)
        def _extra_chunk():
            compute_rel(pw, rel1)
            pltpu.sync_copy(rel1, rel_hbm.at[pl.ds(ebase, _CH)])

    return pl.kernel(
        body_fn,
        out_type=jax.ShapeDtypeStruct((E, 8), jnp.float32),
        mesh=plsc.VectorSubcoreMesh(core_axis_name="c", subcore_axis_name="s"),
        compiler_params=pltpu.CompilerParams(needs_layout_passes=False),
        scratch_types=[
            pltpu.VMEM((N,), jnp.float32),
            pltpu.VMEM((N,), jnp.float32),
            pltpu.VMEM((N,), jnp.float32),
            pltpu.VMEM((pw + _CH,), jnp.int32),
            pltpu.VMEM((pw + _CH,), jnp.int32),
            pltpu.VMEM((_CH, 8), jnp.float32),
            pltpu.VMEM((_CH, 8), jnp.float32),
            pltpu.SemaphoreType.DMA,
            pltpu.SemaphoreType.DMA,
            pltpu.SemaphoreType.DMA,
            pltpu.SemaphoreType.DMA,
        ],
    )


_rel = _make_rel()


def _make_gather(nchunks):
    wch = nchunks // _NW
    xtra = nchunks - wch * _NW
    pw = wch * _CH
    ne = nchunks * _CH

    def body_fn(t_hbm, row_hbm, tr_hbm,
                rows_v, tr0, tr1, t_sh, sg0, sg1, sw0, sw1):
        wid = lax.axis_index("s") * _NC + lax.axis_index("c")
        base0 = wid * pw
        ebase = (_NW * wch + wid) * _CH
        c4 = pltpu.async_copy(row_hbm.at[pl.ds(base0, pw)],
                              rows_v.at[pl.ds(0, pw)], sw1)

        @pl.when(wid < xtra)
        def _stage_extra():
            pltpu.sync_copy(row_hbm.at[pl.ds(ebase, _CH)],
                            rows_v.at[pl.ds(pw, _CH)])

        rb = lax.axis_index("s") * _RPT
        pltpu.sync_copy(t_hbm.at[pl.ds(rb, _RPT)], t_sh.at[pl.ds(rb, _RPT)])

        @pl.when(lax.axis_index("s") == _NS - 1)
        def _fill_tail():
            tl = _NS * _RPT
            pltpu.sync_copy(t_hbm.at[pl.ds(tl, _RTAIL)], t_sh.at[pl.ds(tl, _RTAIL)])

        plsc.subcore_barrier()
        c4.wait()

        def body(i, carry):
            o0 = (2 * i) * _CH
            o1 = o0 + _CH
            g0 = pltpu.async_copy(t_sh.at[rows_v.at[pl.ds(o0, _CH)]], tr0, sg0)
            g1 = pltpu.async_copy(t_sh.at[rows_v.at[pl.ds(o1, _CH)]], tr1, sg1)
            g0.wait()
            w0 = pltpu.async_copy(tr0, tr_hbm.at[pl.ds(base0 + o0, _CH)], sw0)
            g1.wait()
            w1 = pltpu.async_copy(tr1, tr_hbm.at[pl.ds(base0 + o1, _CH)], sw1)
            w0.wait()
            w1.wait()
            return carry

        lax.fori_loop(0, wch // 2, body, 0)

        if wch % 2:
            o0 = (wch - 1) * _CH
            g0 = pltpu.async_copy(t_sh.at[rows_v.at[pl.ds(o0, _CH)]], tr0, sg0)
            g0.wait()
            pltpu.sync_copy(tr0, tr_hbm.at[pl.ds(base0 + o0, _CH)])

        @pl.when(wid < xtra)
        def _extra_chunk():
            g1 = pltpu.async_copy(t_sh.at[rows_v.at[pl.ds(pw, _CH)]], tr1, sg1)
            g1.wait()
            pltpu.sync_copy(tr1, tr_hbm.at[pl.ds(ebase, _CH)])

    return pl.kernel(
        body_fn,
        out_type=jax.ShapeDtypeStruct((ne, H), jnp.float32),
        mesh=plsc.VectorSubcoreMesh(core_axis_name="c", subcore_axis_name="s"),
        compiler_params=pltpu.CompilerParams(needs_layout_passes=False),
        scratch_types=[
            pltpu.VMEM((pw + _CH,), jnp.int32),
            pltpu.VMEM((_CH, H), jnp.float32),
            pltpu.VMEM((_CH, H), jnp.float32),
            pltpu.VMEM_SHARED((N, H), jnp.float32),
            pltpu.SemaphoreType.DMA,
            pltpu.SemaphoreType.DMA,
            pltpu.SemaphoreType.DMA,
            pltpu.SemaphoreType.DMA,
        ],
    )


_gathers = {ne: _make_gather(ne // _CH) for ne in set(_PARTS)}


def _edge_body(tr_ref, rel_ref, wrel_ref, wdist_ref, wunit_ref,
               w2_ref, b2_ref, w3_ref, b3_ref, out_ref):
    lane = lax.broadcasted_iota(jnp.int32, (_BE, 8), 1)
    rel = jnp.where(lane < 3, rel_ref[...], 0.0)
    d2 = jnp.sum(rel * rel, axis=1, keepdims=True)
    dist = jnp.sqrt(d2) + 1e-12
    unit = rel / dist
    h = (tr_ref[...].astype(jnp.float32)
         + jnp.dot(rel, wrel_ref[...], preferred_element_type=jnp.float32)
         + jnp.dot(unit, wunit_ref[...], preferred_element_type=jnp.float32)
         + dist * wdist_ref[...])
    h = jnp.maximum(h, 0.0)
    h = jnp.maximum(jnp.dot(h, w2_ref[...], preferred_element_type=jnp.float32) + b2_ref[...], 0.0)
    h = jnp.maximum(jnp.dot(h, w3_ref[...], preferred_element_type=jnp.float32) + b3_ref[...], 0.0)
    out_ref[...] = h


def _edge_mlp(tr, rel8, ob, wrel, wdist, wunit, w2, b2, w3, b3):
    ne = tr.shape[0]
    wb = lambda i: (0, 0)
    return pl.pallas_call(
        _edge_body,
        grid=(ne // _BE,),
        in_specs=[
            pl.BlockSpec((_BE, H), lambda i: (i, 0)),
            pl.BlockSpec((_BE, 8), lambda i, _ob=ob: (i + _ob, 0)),
            pl.BlockSpec((8, H), wb),
            pl.BlockSpec((1, H), wb),
            pl.BlockSpec((8, H), wb),
            pl.BlockSpec((H, H), wb),
            pl.BlockSpec((1, H), wb),
            pl.BlockSpec((H, H), wb),
            pl.BlockSpec((1, H), wb),
        ],
        out_specs=pl.BlockSpec((_BE, H), lambda i: (i, 0)),
        out_shape=jax.ShapeDtypeStruct((ne, H), jnp.float32),
    )(tr, rel8, wrel, wdist, wunit, w2, b2, w3, b3)


def _make_scatter(nchunks):
    wch = nchunks // _NW
    xtra = nchunks - wch * _NW
    wcha = ((wch + 8 + 7) // 8) * 8
    xbase = (_NW * wch // 8) * 8
    exdoff = _NW * wch - xbase
    xw = ((exdoff + xtra + 7) // 8) * 8 if xtra else 0
    r2d = max(((nchunks + 7) // 8) * 8, xbase + xw)

    def body_fn(msg_hbm, row2d_hbm, init_hbm, out_hbm,
                idx2d_v, msg0, msg1, agg_sh, sm0, sm1):
        c = lax.axis_index("c")
        s = lax.axis_index("s")
        wid = s * _NC + c
        rbase = s * _RPT
        pltpu.sync_copy(init_hbm.at[pl.ds(c * N + rbase, _RPT)],
                        agg_sh.at[pl.ds(rbase, _RPT)])

        @pl.when(s == _NS - 1)
        def _init_tail():
            pltpu.sync_copy(init_hbm.at[pl.ds(c * N + _NS * _RPT, _RTAIL)],
                            agg_sh.at[pl.ds(_NS * _RPT, _RTAIL)])

        start = wid * wch
        astart = (start // 8) * 8
        doff = start - astart
        pltpu.sync_copy(row2d_hbm.at[pl.ds(astart, wcha)],
                        idx2d_v.at[pl.ds(0, wcha)])

        @pl.when(wid < xtra)
        def _xtra_idx():
            pltpu.sync_copy(row2d_hbm.at[pl.ds(xbase, xw)],
                            idx2d_v.at[pl.ds(wcha, xw)])

        plsc.subcore_barrier()

        def body(i, carry):
            j0 = 2 * i
            j1 = j0 + 1
            m0 = pltpu.async_copy(msg_hbm.at[pl.ds((start + j0) * _CH, _CH)], msg0, sm0)
            m1 = pltpu.async_copy(msg_hbm.at[pl.ds((start + j1) * _CH, _CH)], msg1, sm1)
            m0.wait()
            pltpu.sync_copy(msg0, agg_sh.at[idx2d_v.at[doff + j0]], add=True)
            m1.wait()
            pltpu.sync_copy(msg1, agg_sh.at[idx2d_v.at[doff + j1]], add=True)
            return carry

        lax.fori_loop(0, wch // 2, body, 0)

        if wch % 2:
            jl = wch - 1
            ml = pltpu.async_copy(msg_hbm.at[pl.ds((start + jl) * _CH, _CH)], msg0, sm0)
            ml.wait()
            pltpu.sync_copy(msg0, agg_sh.at[idx2d_v.at[doff + jl]], add=True)

        @pl.when(wid < xtra)
        def _xtra_scatter():
            b = (_NW * wch + wid) * _CH
            mt = pltpu.async_copy(msg_hbm.at[pl.ds(b, _CH)], msg1, sm1)
            mt.wait()
            pltpu.sync_copy(msg1, agg_sh.at[idx2d_v.at[wcha + exdoff + wid]], add=True)

        plsc.subcore_barrier()
        pltpu.sync_copy(agg_sh.at[pl.ds(rbase, _RPT)],
                        out_hbm.at[pl.ds(c * N + rbase, _RPT)])

        @pl.when(s == _NS - 1)
        def _out_tail():
            pltpu.sync_copy(agg_sh.at[pl.ds(_NS * _RPT, _RTAIL)],
                            out_hbm.at[pl.ds(c * N + _NS * _RPT, _RTAIL)])

    kern = pl.kernel(
        body_fn,
        out_type=jax.ShapeDtypeStruct((_NC * N, H), jnp.float32),
        mesh=plsc.VectorSubcoreMesh(core_axis_name="c", subcore_axis_name="s"),
        scratch_types=[
            pltpu.VMEM((wcha + max(xw, 8), _CH), jnp.int32),
            pltpu.VMEM((_CH, H), jnp.float32),
            pltpu.VMEM((_CH, H), jnp.float32),
            pltpu.VMEM_SHARED((N, H), jnp.float32),
            pltpu.SemaphoreType.DMA,
            pltpu.SemaphoreType.DMA,
        ],
    )
    return kern, r2d


_scatters = {ne: _make_scatter(ne // _CH) for ne in set(_PARTS)}


def _node_body(x_ref, a0_ref, a1_ref,
               w1a_ref, w1b_ref, b1_ref,
               w2_ref, b2_ref, w3_ref, b3_ref, w4_ref, b4_ref, out_ref):
    agg = a0_ref[...] + a1_ref[...]
    h = (jnp.dot(x_ref[...], w1a_ref[...], preferred_element_type=jnp.float32)
         + jnp.dot(agg, w1b_ref[...], preferred_element_type=jnp.float32)
         + b1_ref[...])
    h = jnp.maximum(h, 0.0)
    h = jnp.maximum(jnp.dot(h, w2_ref[...], preferred_element_type=jnp.float32) + b2_ref[...], 0.0)
    h = jnp.maximum(jnp.dot(h, w3_ref[...], preferred_element_type=jnp.float32) + b3_ref[...], 0.0)
    out_ref[...] = jnp.dot(h, w4_ref[...], preferred_element_type=jnp.float32) + b4_ref[...]


def _node_mlp(x, aggs, cw1a, cw1b, cb1, cw2, cb2, cw3, cb3, cw4, cb4):
    a0, a1 = aggs
    wb = lambda i: (0, 0)
    return pl.pallas_call(
        _node_body,
        grid=(N // _BN,),
        in_specs=[
            pl.BlockSpec((_BN, D), lambda i: (i, 0)),
        ] + [
            pl.BlockSpec((_BN, H), lambda i: (i, 0)) for _ in range(2)
        ] + [
            pl.BlockSpec((D, H), wb),
            pl.BlockSpec((H, H), wb),
            pl.BlockSpec((1, H), wb),
            pl.BlockSpec((H, H), wb),
            pl.BlockSpec((1, H), wb),
            pl.BlockSpec((H, H), wb),
            pl.BlockSpec((1, H), wb),
            pl.BlockSpec((H, D), wb),
            pl.BlockSpec((1, D), wb),
        ],
        out_specs=pl.BlockSpec((_BN, D), lambda i: (i, 0)),
        out_shape=jax.ShapeDtypeStruct((N, D), jnp.float32),
    )(x, a0, a1, cw1a, cw1b, cb1, cw2, cb2, cw3, cb3, cw4, cb4)


def kernel(x, edge_index, mw1, mb1, mw2, mb2, mw3, mb3,
           cw1, cb1, cw2, cb2, cw3, cb3, cw4, cb4):
    row = edge_index[0]
    col = edge_index[1]

    w1a = mw1[:D]
    w1b = mw1[D:]
    z5 = jnp.zeros((5, H), jnp.float32)
    wrel = jnp.concatenate([w1b[0:3], z5], axis=0)
    wdist = w1b[3:4]
    wunit = jnp.concatenate([w1b[4:7], z5], axis=0)

    t = _prep(x, w1a, mb1.reshape(1, H))
    xs, ys, zs = x[:, 0], x[:, 1], x[:, 2]
    rel8 = _rel(xs, ys, zs, row, col)
    mw2b = mb2.reshape(1, H)
    mw3b = mb3.reshape(1, H)

    parts = []
    off = 0
    for ne in _PARTS:
        rh = lax.slice(row, (off,), (off + ne,))
        ob = off // _BE
        off += ne
        tr = _gathers[ne](t, rh)
        msg = _edge_mlp(tr, rel8, ob, wrel, wdist, wunit, mw2, mw2b, mw3, mw3b)
        nch = ne // _CH
        r2d_rows = _scatters[ne][1]
        r2d = jnp.pad(rh.reshape(nch, _CH), ((0, r2d_rows - nch), (0, 0)))
        parts.append((ne, msg, r2d))

    acc = jnp.zeros((_NC * N, H), jnp.float32)
    for ne, msg, r2d in parts:
        acc = _scatters[ne][0](msg, r2d, acc)

    return _node_mlp(x, (acc[:N], acc[N:]), cw1[:D], cw1[D:],
                     cb1.reshape(1, H), cw2, cb2.reshape(1, H),
                     cw3, cb3.reshape(1, H), cw4, cb4.reshape(1, D))

# --- scband reference (transcript-rebuilt; emitter-appended) ---
"""Pipeline reference for scband-simple-corrector-89481348645712 (READ-ONLY COPY).

The authoritative reference and input builder live on the scoring server;
editing this copy changes nothing except your own understanding.
"""

import jax, jax.numpy as jnp
import numpy as np

N = 10000
E = 320000
D = 128
H = 128
EDGE_IN = 7  # rel(3) + dist(1) + unit(3)


def setup_inputs(seed: int = 0) -> dict:
    key = jax.random.key(seed)
    ks = jax.random.split(key, 20)
    x = jax.random.normal(ks[0], (N, D), dtype=jnp.float32)
    edge_index = jax.random.randint(ks[1], (2, E), 0, N, dtype=jnp.int32)
    s = 0.05
    # msg_net: Linear(D+7 -> H), Linear(H -> H), Linear(H -> H), each followed by ReLU
    mw1 = jax.random.normal(ks[2], (D + EDGE_IN, H), dtype=jnp.float32) * s
    mb1 = jnp.zeros((H,), dtype=jnp.float32)
    mw2 = jax.random.normal(ks[3], (H, H), dtype=jnp.float32) * s
    mb2 = jnp.zeros((H,), dtype=jnp.float32)
    mw3 = jax.random.normal(ks[4], (H, H), dtype=jnp.float32) * s
    mb3 = jnp.zeros((H,), dtype=jnp.float32)
    # corr_net: Linear(H+D -> H) x3 with ReLU, then Linear(H -> D)
    cw1 = jax.random.normal(ks[5], (H + D, H), dtype=jnp.float32) * s
    cb1 = jnp.zeros((H,), dtype=jnp.float32)
    cw2 = jax.random.normal(ks[6], (H, H), dtype=jnp.float32) * s
    cb2 = jnp.zeros((H,), dtype=jnp.float32)
    cw3 = jax.random.normal(ks[7], (H, H), dtype=jnp.float32) * s
    cb3 = jnp.zeros((H,), dtype=jnp.float32)
    cw4 = jax.random.normal(ks[8], (H, D), dtype=jnp.float32) * s
    cb4 = jnp.zeros((D,), dtype=jnp.float32)
    return {"x": x, "edge_index": edge_index,
            "mw1": mw1, "mb1": mb1, "mw2": mw2, "mb2": mb2, "mw3": mw3, "mb3": mb3,
            "cw1": cw1, "cb1": cb1, "cw2": cw2, "cb2": cb2, "cw3": cw3, "cb3": cb3,
            "cw4": cw4, "cb4": cb4}


def reference(x, edge_index, mw1, mb1, mw2, mb2, mw3, mb3,
              cw1, cb1, cw2, cb2, cw3, cb3, cw4, cb4):
    row = edge_index[0]
    col = edge_index[1]
    Xi = x[row, :3]
    Xj = x[col, :3]
    rel = Xj - Xi
    dist = jnp.sqrt(jnp.sum(rel * rel, axis=1, keepdims=True)) + 1e-12
    unit = rel / dist
    edge_feat = jnp.concatenate([rel, dist, unit], axis=1)
    msg_in = jnp.concatenate([x[row], edge_feat], axis=1)
    h = jax.nn.relu(msg_in @ mw1 + mb1)
    h = jax.nn.relu(h @ mw2 + mb2)
    msg = jax.nn.relu(h @ mw3 + mb3)
    agg = jnp.zeros((x.shape[0], msg.shape[1]), dtype=x.dtype).at[row].add(msg)
    corr_in = jnp.concatenate([x, agg], axis=1)
    h = jax.nn.relu(corr_in @ cw1 + cb1)
    h = jax.nn.relu(h @ cw2 + cb2)
    h = jax.nn.relu(h @ cw3 + cb3)
    return h @ cw4 + cb4

if __name__ == "__main__":
    import jax
    _d = setup_inputs()
    print(jax.jit(kernel)(*tuple(_d.values())))

</pallas_src>

<mosaic_0001>
#map = affine_map<(d0, d1) -> (0, 0)>
#map1 = affine_map<(d0, d1) -> (0)>
module attributes {stable_mosaic.version = 14 : i64} {
  func.func @body_fn(%arg0: i32, %arg1: i32, %arg2: memref<10000x128xf32, #tpu.memory_space<hbm>>, %arg3: memref<128000xi32, #tpu.memory_space<hbm>>, %arg4: memref<128000x128xf32, #tpu.memory_space<hbm>>, %arg5: memref<4096xi32, #tpu.memory_space<vmem>>, %arg6: memref<128x128xf32, #tpu.memory_space<vmem>>, %arg7: memref<128x128xf32, #tpu.memory_space<vmem>>, %arg8: memref<10000x128xf32, #tpu.memory_space<vmem_shared>>, %arg9: memref<!tpu.dma_semaphore, #tpu.memory_space<semaphore_mem>>, %arg10: memref<!tpu.dma_semaphore, #tpu.memory_space<semaphore_mem>>, %arg11: memref<!tpu.dma_semaphore, #tpu.memory_space<semaphore_mem>>, %arg12: memref<!tpu.dma_semaphore, #tpu.memory_space<semaphore_mem>>) attributes {dimension_semantics = [#tpu.dimension_semantics<core_parallel>, #tpu.dimension_semantics<subcore_parallel>], iteration_bounds = array<i64: 2, 16>, scalar_prefetch = 0 : i64, scratch_operands = 8 : i64, tpu.core_type = #tpu.core_type<sc_vector_subcore>, window_params = [{transform_indices = #map}, {transform_indices = #map1}, {transform_indices = #map}]} {
    %mul3A = arith.constant 2 : i32
    %mul3A_0 = arith.muli %arg1, %mul3A : i32
    %add3A = arith.addi %mul3A_0, %arg0 : i32
    %mul3A_1 = arith.constant 3968 : i32
    %mul3A_2 = arith.muli %add3A, %mul3A_1 : i32
    %add3A_3 = arith.constant 992 : i32
    %add3A_4 = arith.addi %add3A_3, %add3A : i32
    %mul3A_5 = arith.constant 128 : i32
    %mul3A_6 = arith.muli %add3A_4, %mul3A_5 : i32
    %dma_start3A = arith.constant 0 : i32
    %dma_start3A_7 = tpu.memref_slice %arg5[%dma_start3A] : memref<4096xi32, #tpu.memory_space<vmem>> -> memref<3968xi32, #tpu.memory_space<vmem>>
    %dma_start3A_8 = tpu.memref_slice %arg3[%mul3A_2] : memref<128000xi32, #tpu.memory_space<hbm>> -> memref<3968xi32, #tpu.memory_space<hbm>>
    %dma_start3A_9 = arith.constant 0 : i32
    %dma_start3A_10 = tpu.memref_slice %arg5[%dma_start3A_9] : memref<4096xi32, #tpu.memory_space<vmem>> -> memref<3968xi32, #tpu.memory_space<vmem>>
    %dma_start3A_11 = tpu.memref_slice %arg3[%mul3A_2] : memref<128000xi32, #tpu.memory_space<hbm>> -> memref<3968xi32, #tpu.memory_space<hbm>>
    tpu.enqueue_dma source(%dma_start3A_11 : memref<3968xi32, #tpu.memory_space<hbm>>) target(%dma_start3A_10 : memref<3968xi32, #tpu.memory_space<vmem>>) target_semaphore(%arg12 : memref<!tpu.dma_semaphore, #tpu.memory_space<semaphore_mem>>)
    %lt3A = arith.constant 8 : i32
    %lt3A_12 = arith.cmpi slt, %add3A, %lt3A : i32
    %convert_element_type3A = arith.extui %lt3A_12 : i1 to i32
    %cond3A = arith.constant 0 : i32
    %cond3A_13 = arith.cmpi ne, %convert_element_type3A, %cond3A : i32
    scf.if %cond3A_13 {
      "tpu.region"() ({
        %run_scoped3A = tpu.sem_alloc : memref<!tpu.dma_semaphore, #tpu.memory_space<semaphore_mem>>
        %dma_start3A_47 = arith.constant 3968 : i32
        %dma_start3A_48 = tpu.memref_slice %arg5[%dma_start3A_47] : memref<4096xi32, #tpu.memory_space<vmem>> -> memref<128xi32, #tpu.memory_space<vmem>>
        %dma_start3A_49 = tpu.memref_slice %arg3[%mul3A_6] : memref<128000xi32, #tpu.memory_space<hbm>> -> memref<128xi32, #tpu.memory_space<hbm>>
        %dma_start3A_50 = arith.constant 3968 : i32
        %dma_start3A_51 = tpu.memref_slice %arg5[%dma_start3A_50] : memref<4096xi32, #tpu.memory_space<vmem>> -> memref<128xi32, #tpu.memory_space<vmem>>
        %dma_start3A_52 = tpu.memref_slice %arg3[%mul3A_6] : memref<128000xi32, #tpu.memory_space<hbm>> -> memref<128xi32, #tpu.memory_space<hbm>>
        tpu.enqueue_dma source(%dma_start3A_52 : memref<128xi32, #tpu.memory_space<hbm>>) target(%dma_start3A_51 : memref<128xi32, #tpu.memory_space<vmem>>) target_semaphore(%run_scoped3A : memref<!tpu.dma_semaphore, #tpu.memory_space<semaphore_mem>>)
        %dma_wait3A_53 = arith.constant 3968 : i32
        %dma_wait3A_54 = tpu.memref_slice %arg5[%dma_wait3A_53] : memref<4096xi32, #tpu.memory_space<vmem>> -> memref<128xi32, #tpu.memory_space<vmem>>
        %dma_wait3A_55 = tpu.memref_slice %arg3[%mul3A_6] : memref<128000xi32, #tpu.memory_space<hbm>> -> memref<128xi32, #tpu.memory_space<hbm>>
        %dma_wait3A_56 = arith.constant 3968 : i32
        %dma_wait3A_57 = tpu.memref_slice %arg5[%dma_wait3A_56] : memref<4096xi32, #tpu.memory_space<vmem>> -> memref<128xi32, #tpu.memory_space<vmem>>
        %dma_wait3A_58 = tpu.memref_slice %arg3[%mul3A_6] : memref<128000xi32, #tpu.memory_space<hbm>> -> memref<128xi32, #tpu.memory_space<hbm>>
        tpu.wait_dma2 semaphore(%run_scoped3A : memref<!tpu.dma_semaphore, #tpu.memory_space<semaphore_mem>>) src(%dma_wait3A_58 : memref<128xi32, #tpu.memory_space<hbm>>) dst(%dma_wait3A_57 : memref<128xi32, #tpu.memory_space<vmem>>)
        tpu.yield
      }) : () -> ()
    } else {
    }
    %mul3A_14 = arith.constant 624 : i32
    %mul3A_15 = arith.muli %arg1, %mul3A_14 : i32
    "tpu.region"() ({
      %run_scoped3A = tpu.sem_alloc : memref<!tpu.dma_semaphore, #tpu.memory_space<semaphore_mem>>
      %dma_start3A_47 = arith.constant 0 : i32
      %dma_start3A_48 = tpu.memref_slice %arg8[%mul3A_15, %dma_start3A_47] : memref<10000x128xf32, #tpu.memory_space<vmem_shared>> -> memref<624x128xf32, #tpu.memory_space<vmem_shared>>
      %dma_start3A_49 = arith.constant 0 : i32
      %dma_start3A_50 = tpu.memref_slice %arg2[%mul3A_15, %dma_start3A_49] : memref<10000x128xf32, #tpu.memory_space<hbm>> -> memref<624x128xf32, #tpu.memory_space<hbm>>
      tpu.enqueue_dma source(%dma_start3A_50 : memref<624x128xf32, #tpu.memory_space<hbm>>) target(%dma_start3A_48 : memref<624x128xf32, #tpu.memory_space<vmem_shared>>) target_semaphore(%run_scoped3A : memref<!tpu.dma_semaphore, #tpu.memory_space<semaphore_mem>>)
      %dma_wait3A_51 = arith.constant 0 : i32
      %dma_wait3A_52 = tpu.memref_slice %arg8[%mul3A_15, %dma_wait3A_51] : memref<10000x128xf32, #tpu.memory_space<vmem_shared>> -> memref<624x128xf32, #tpu.memory_space<vmem_shared>>
      %dma_wait3A_53 = arith.constant 0 : i32
      %dma_wait3A_54 = tpu.memref_slice %arg2[%mul3A_15, %dma_wait3A_53] : memref<10000x128xf32, #tpu.memory_space<hbm>> -> memref<624x128xf32, #tpu.memory_space<hbm>>
      tpu.wait_dma2 semaphore(%run_scoped3A : memref<!tpu.dma_semaphore, #tpu.memory_space<semaphore_mem>>) src(%dma_wait3A_54 : memref<624x128xf32, #tpu.memory_space<hbm>>) dst(%dma_wait3A_52 : memref<624x128xf32, #tpu.memory_space<vmem_shared>>)
      tpu.yield
    }) : () -> ()
    %eq3A = arith.constant 15 : i32
    %eq3A_16 = arith.cmpi eq, %arg1, %eq3A : i32
    %convert_element_type3A_17 = arith.extui %eq3A_16 : i1 to i32
    %cond3A_18 = arith.constant 0 : i32
    %cond3A_19 = arith.cmpi ne, %convert_element_type3A_17, %cond3A_18 : i32
    scf.if %cond3A_19 {
      "tpu.region"() ({
        %run_scoped3A = tpu.sem_alloc : memref<!tpu.dma_semaphore, #tpu.memory_space<semaphore_mem>>
        %dma_start3A_47 = arith.constant 9984 : i32
        %dma_start3A_48 = arith.constant 0 : i32
        %dma_start3A_49 = tpu.memref_slice %arg8[%dma_start3A_47, %dma_start3A_48] : memref<10000x128xf32, #tpu.memory_space<vmem_shared>> -> memref<16x128xf32, #tpu.memory_space<vmem_shared>>
        %dma_start3A_50 = arith.constant 9984 : i32
        %dma_start3A_51 = arith.constant 0 : i32
        %dma_start3A_52 = tpu.memref_slice %arg2[%dma_start3A_50, %dma_start3A_51] : memref<10000x128xf32, #tpu.memory_space<hbm>> -> memref<16x128xf32, #tpu.memory_space<hbm>>
        tpu.enqueue_dma source(%dma_start3A_52 : memref<16x128xf32, #tpu.memory_space<hbm>>) target(%dma_start3A_49 : memref<16x128xf32, #tpu.memory_space<vmem_shared>>) target_semaphore(%run_scoped3A : memref<!tpu.dma_semaphore, #tpu.memory_space<semaphore_mem>>)
        %dma_wait3A_53 = arith.constant 9984 : i32
        %dma_wait3A_54 = arith.constant 0 : i32
        %dma_wait3A_55 = tpu.memref_slice %arg8[%dma_wait3A_53, %dma_wait3A_54] : memref<10000x128xf32, #tpu.memory_space<vmem_shared>> -> memref<16x128xf32, #tpu.memory_space<vmem_shared>>
        %dma_wait3A_56 = arith.constant 9984 : i32
        %dma_wait3A_57 = arith.constant 0 : i32
        %dma_wait3A_58 = tpu.memref_slice %arg2[%dma_wait3A_56, %dma_wait3A_57] : memref<10000x128xf32, #tpu.memory_space<hbm>> -> memref<16x128xf32, #tpu.memory_space<hbm>>
        tpu.wait_dma2 semaphore(%run_scoped3A : memref<!tpu.dma_semaphore, #tpu.memory_space<semaphore_mem>>) src(%dma_wait3A_58 : memref<16x128xf32, #tpu.memory_space<hbm>>) dst(%dma_wait3A_55 : memref<16x128xf32, #tpu.memory_space<vmem_shared>>)
        tpu.yield
      }) : () -> ()
    } else {
    }
    %barrier3A = arith.constant 0 : index
    tpu.barrier barrier_id(%barrier3A)
    %dma_wait3A = arith.constant 0 : i32
    %dma_wait3A_20 = tpu.memref_slice %arg5[%dma_wait3A] : memref<4096xi32, #tpu.memory_space<vmem>> -> memref<3968xi32, #tpu.memory_space<vmem>>
    %dma_wait3A_21 = tpu.memref_slice %arg3[%mul3A_2] : memref<128000xi32, #tpu.memory_space<hbm>> -> memref<3968xi32, #tpu.memory_space<hbm>>
    %dma_wait3A_22 = arith.constant 0 : i32
    %dma_wait3A_23 = tpu.memref_slice %arg5[%dma_wait3A_22] : memref<4096xi32, #tpu.memory_space<vmem>> -> memref<3968xi32, #tpu.memory_space<vmem>>
    %dma_wait3A_24 = tpu.memref_slice %arg3[%mul3A_2] : memref<128000xi32, #tpu.memory_space<hbm>> -> memref<3968xi32, #tpu.memory_space<hbm>>
    tpu.wait_dma2 semaphore(%arg12 : memref<!tpu.dma_semaphore, #tpu.memory_space<semaphore_mem>>) src(%dma_wait3A_24 : memref<3968xi32, #tpu.memory_space<hbm>>) dst(%dma_wait3A_23 : memref<3968xi32, #tpu.memory_space<vmem>>)
    %scan3A = arith.constant 0 : i32
    %scan3A_25 = arith.constant 0 : i32
    %scan3A_26 = arith.constant 15 : i32
    %scan3A_27 = arith.addi %scan3A_25, %scan3A_26 : i32
    %scan3A_28 = arith.constant 1 : i32
    scf.for %scan3A_47 = %scan3A_25 to %scan3A_27 step %scan3A_28  : i32 {
      %mul3A_48 = arith.constant 2 : i32
      %mul3A_49 = arith.muli %mul3A_48, %scan3A_47 : i32
      %mul3A_50 = arith.constant 128 : i32
      %mul3A_51 = arith.muli %mul3A_49, %mul3A_50 : i32
      %add3A_52 = arith.constant 128 : i32
      %add3A_53 = arith.addi %mul3A_51, %add3A_52 : i32
      %dma_start3A_54 = tpu.memref_slice %arg5[%mul3A_51] : memref<4096xi32, #tpu.memory_space<vmem>> -> memref<128xi32, #tpu.memory_space<vmem>>
      %dma_start3A_55 = arith.constant 0 : i32
      %dma_start3A_56 = arith.constant 0 : i32
      %dma_start3A_57 = tpu.memref_slice %arg8[%dma_start3A_55, %dma_start3A_56] : memref<10000x128xf32, #tpu.memory_space<vmem_shared>> -> memref<10000x128xf32, #tpu.memory_space<vmem_shared>>
      tpu.enqueue_indirect_dma source(%dma_start3A_57 : memref<10000x128xf32, #tpu.memory_space<vmem_shared>>) target(%arg6 : memref<128x128xf32, #tpu.memory_space<vmem>>) offsets(%dma_start3A_54 : memref<128xi32, #tpu.memory_space<vmem>>) semaphore(%arg9 : memref<!tpu.dma_semaphore, #tpu.memory_space<semaphore_mem>>)
      %dma_start3A_58 = tpu.memref_slice %arg5[%add3A_53] : memref<4096xi32, #tpu.memory_space<vmem>> -> memref<128xi32, #tpu.memory_space<vmem>>
      %dma_start3A_59 = arith.constant 0 : i32
      %dma_start3A_60 = arith.constant 0 : i32
      %dma_start3A_61 = tpu.memref_slice %arg8[%dma_start3A_59, %dma_start3A_60] : memref<10000x128xf32, #tpu.memory_space<vmem_shared>> -> memref<10000x128xf32, #tpu.memory_space<vmem_shared>>
      tpu.enqueue_indirect_dma source(%dma_start3A_61 : memref<10000x128xf32, #tpu.memory_space<vmem_shared>>) target(%arg7 : memref<128x128xf32, #tpu.memory_space<vmem>>) offsets(%dma_start3A_58 : memref<128xi32, #tpu.memory_space<vmem>>) semaphore(%arg10 : memref<!tpu.dma_semaphore, #tpu.memory_space<semaphore_mem>>)
      %dma_wait3A_62 = tpu.memref_slice %arg5[%mul3A_51] : memref<4096xi32, #tpu.memory_space<vmem>> -> memref<128xi32, #tpu.memory_space<vmem>>
      %dma_wait3A_63 = arith.constant 0 : i32
      %dma_wait3A_64 = arith.constant 0 : i32
      %dma_wait3A_65 = tpu.memref_slice %arg8[%dma_wait3A_63, %dma_wait3A_64] : memref<10000x128xf32, #tpu.memory_space<vmem_shared>> -> memref<10000x128xf32, #tpu.memory_space<vmem_shared>>
      tpu.wait_indirect_dma semaphore(%arg9 : memref<!tpu.dma_semaphore, #tpu.memory_space<semaphore_mem>>) src(%dma_wait3A_65 : memref<10000x128xf32, #tpu.memory_space<vmem_shared>>) dst(%arg6 : memref<128x128xf32, #tpu.memory_space<vmem>>)
      %add3A_66 = arith.addi %mul3A_2, %mul3A_51 : i32
      %dma_start3A_67 = arith.constant 0 : i32
      %dma_start3A_68 = tpu.memref_slice %arg4[%add3A_66, %dma_start3A_67] : memref<128000x128xf32, #tpu.memory_space<hbm>> -> memref<128x128xf32, #tpu.memory_space<hbm>>
      %dma_start3A_69 = arith.constant 0 : i32
      %dma_start3A_70 = tpu.memref_slice %arg4[%add3A_66, %dma_start3A_69] : memref<128000x128xf32, #tpu.memory_space<hbm>> -> memref<128x128xf32, #tpu.memory_space<hbm>>
      tpu.enqueue_dma source(%arg6 : memref<128x128xf32, #tpu.memory_space<vmem>>) target(%dma_start3A_70 : memref<128x128xf32, #tpu.memory_space<hbm>>) target_semaphore(%arg11 : memref<!tpu.dma_semaphore, #tpu.memory_space<semaphore_mem>>)
      %dma_wait3A_71 = tpu.memref_slice %arg5[%add3A_53] : memref<4096xi32, #tpu.memory_space<vmem>> -> memref<128xi32, #tpu.memory_space<vmem>>
      %dma_wait3A_72 = arith.constant 0 : i32
      %dma_wait3A_73 = arith.constant 0 : i32
      %dma_wait3A_74 = tpu.memref_slice %arg8[%dma_wait3A_72, %dma_wait3A_73] : memref<10000x128xf32, #tpu.memory_space<vmem_shared>> -> memref<10000x128xf32, #tpu.memory_space<vmem_shared>>
      tpu.wait_indirect_dma semaphore(%arg10 : memref<!tpu.dma_semaphore, #tpu.memory_space<semaphore_mem>>) src(%dma_wait3A_74 : memref<10000x128xf32, #tpu.memory_space<vmem_shared>>) dst(%arg7 : memref<128x128xf32, #tpu.memory_space<vmem>>)
      %add3A_75 = arith.addi %mul3A_2, %add3A_53 : i32
      %dma_start3A_76 = arith.constant 0 : i32
      %dma_start3A_77 = tpu.memref_slice %arg4[%add3A_75, %dma_start3A_76] : memref<128000x128xf32, #tpu.memory_space<hbm>> -> memref<128x128xf32, #tpu.memory_space<hbm>>
      %dma_start3A_78 = arith.constant 0 : i32
      %dma_start3A_79 = tpu.memref_slice %arg4[%add3A_75, %dma_start3A_78] : memref<128000x128xf32, #tpu.memory_space<hbm>> -> memref<128x128xf32, #tpu.memory_space<hbm>>
      tpu.enqueue_dma source(%arg7 : memref<128x128xf32, #tpu.memory_space<vmem>>) target(%dma_start3A_79 : memref<128x128xf32, #tpu.memory_space<hbm>>) target_semaphore(%arg12 : memref<!tpu.dma_semaphore, #tpu.memory_space<semaphore_mem>>)
      %dma_wait3A_80 = arith.constant 0 : i32
      %dma_wait3A_81 = tpu.memref_slice %arg4[%add3A_66, %dma_wait3A_80] : memref<128000x128xf32, #tpu.memory_space<hbm>> -> memref<128x128xf32, #tpu.memory_space<hbm>>
      %dma_wait3A_82 = arith.constant 0 : i32
      %dma_wait3A_83 = tpu.memref_slice %arg4[%add3A_66, %dma_wait3A_82] : memref<128000x128xf32, #tpu.memory_space<hbm>> -> memref<128x128xf32, #tpu.memory_space<hbm>>
      tpu.wait_dma2 semaphore(%arg11 : memref<!tpu.dma_semaphore, #tpu.memory_space<semaphore_mem>>) src(%arg6 : memref<128x128xf32, #tpu.memory_space<vmem>>) dst(%dma_wait3A_83 : memref<128x128xf32, #tpu.memory_space<hbm>>)
      %dma_wait3A_84 = arith.constant 0 : i32
      %dma_wait3A_85 = tpu.memref_slice %arg4[%add3A_75, %dma_wait3A_84] : memref<128000x128xf32, #tpu.memory_space<hbm>> -> memref<128x128xf32, #tpu.memory_space<hbm>>
      %dma_wait3A_86 = arith.constant 0 : i32
      %dma_wait3A_87 = tpu.memref_slice %arg4[%add3A_75, %dma_wait3A_86] : memref<128000x128xf32, #tpu.memory_space<hbm>> -> memref<128x128xf32, #tpu.memory_space<hbm>>
      tpu.wait_dma2 semaphore(%arg12 : memref<!tpu.dma_semaphore, #tpu.memory_space<semaphore_mem>>) src(%arg7 : memref<128x128xf32, #tpu.memory_space<vmem>>) dst(%dma_wait3A_87 : memref<128x128xf32, #tpu.memory_space<hbm>>)
    }
    %scan3A_29 = arith.constant 15 : i32
    %dma_start3A_30 = arith.constant 3840 : i32
    %dma_start3A_31 = tpu.memref_slice %arg5[%dma_start3A_30] : memref<4096xi32, #tpu.memory_space<vmem>> -> memref<128xi32, #tpu.memory_space<vmem>>
    %dma_start3A_32 = arith.constant 0 : i32
    %dma_start3A_33 = arith.constant 0 : i32
    %dma_start3A_34 = tpu.memref_slice %arg8[%dma_start3A_32, %dma_start3A_33] : memref<10000x128xf32, #tpu.memory_space<vmem_shared>> -> memref<10000x128xf32, #tpu.memory_space<vmem_shared>>
    tpu.enqueue_indirect_dma source(%dma_start3A_34 : memref<10000x128xf32, #tpu.memory_space<vmem_shared>>) target(%arg6 : memref<128x128xf32, #tpu.memory_space<vmem>>) offsets(%dma_start3A_31 : memref<128xi32, #tpu.memory_space<vmem>>) semaphore(%arg9 : memref<!tpu.dma_semaphore, #tpu.memory_space<semaphore_mem>>)
    %dma_wait3A_35 = arith.constant 3840 : i32
    %dma_wait3A_36 = tpu.memref_slice %arg5[%dma_wait3A_35] : memref<4096xi32, #tpu.memory_space<vmem>> -> memref<128xi32, #tpu.memory_space<vmem>>
    %dma_wait3A_37 = arith.constant 0 : i32
    %dma_wait3A_38 = arith.constant 0 : i32
    %dma_wait3A_39 = tpu.memref_slice %arg8[%dma_wait3A_37, %dma_wait3A_38] : memref<10000x128xf32, #tpu.memory_space<vmem_shared>> -> memref<10000x128xf32, #tpu.memory_space<vmem_shared>>
    tpu.wait_indirect_dma semaphore(%arg9 : memref<!tpu.dma_semaphore, #tpu.memory_space<semaphore_mem>>) src(%dma_wait3A_39 : memref<10000x128xf32, #tpu.memory_space<vmem_shared>>) dst(%arg6 : memref<128x128xf32, #tpu.memory_space<vmem>>)
    %add3A_40 = arith.constant 3840 : i32
    %add3A_41 = arith.addi %mul3A_2, %add3A_40 : i32
    "tpu.region"() ({
      %run_scoped3A = tpu.sem_alloc : memref<!tpu.dma_semaphore, #tpu.memory_space<semaphore_mem>>
      %dma_start3A_47 = arith.constant 0 : i32
      %dma_start3A_48 = tpu.memref_slice %arg4[%add3A_41, %dma_start3A_47] : memref<128000x128xf32, #tpu.memory_space<hbm>> -> memref<128x128xf32, #tpu.memory_space<hbm>>
      %dma_start3A_49 = arith.constant 0 : i32
      %dma_start3A_50 = tpu.memref_slice %arg4[%add3A_41, %dma_start3A_49] : memref<128000x128xf32, #tpu.memory_space<hbm>> -> memref<128x128xf32, #tpu.memory_space<hbm>>
      tpu.enqueue_dma source(%arg6 : memref<128x128xf32, #tpu.memory_space<vmem>>) target(%dma_start3A_50 : memref<128x128xf32, #tpu.memory_space<hbm>>) target_semaphore(%run_scoped3A : memref<!tpu.dma_semaphore, #tpu.memory_space<semaphore_mem>>)
      %dma_wait3A_51 = arith.constant 0 : i32
      %dma_wait3A_52 = tpu.memref_slice %arg4[%add3A_41, %dma_wait3A_51] : memref<128000x128xf32, #tpu.memory_space<hbm>> -> memref<128x128xf32, #tpu.memory_space<hbm>>
      %dma_wait3A_53 = arith.constant 0 : i32
      %dma_wait3A_54 = tpu.memref_slice %arg4[%add3A_41, %dma_wait3A_53] : memref<128000x128xf32, #tpu.memory_space<hbm>> -> memref<128x128xf32, #tpu.memory_space<hbm>>
      tpu.wait_dma2 semaphore(%run_scoped3A : memref<!tpu.dma_semaphore, #tpu.memory_space<semaphore_mem>>) src(%arg6 : memref<128x128xf32, #tpu.memory_space<vmem>>) dst(%dma_wait3A_54 : memref<128x128xf32, #tpu.memory_space<hbm>>)
      tpu.yield
    }) : () -> ()
    %lt3A_42 = arith.constant 8 : i32
    %lt3A_43 = arith.cmpi slt, %add3A, %lt3A_42 : i32
    %convert_element_type3A_44 = arith.extui %lt3A_43 : i1 to i32
    %cond3A_45 = arith.constant 0 : i32
    %cond3A_46 = arith.cmpi ne, %convert_element_type3A_44, %cond3A_45 : i32
    scf.if %cond3A_46 {
      %dma_start3A_47 = arith.constant 3968 : i32
      %dma_start3A_48 = tpu.memref_slice %arg5[%dma_start3A_47] : memref<4096xi32, #tpu.memory_space<vmem>> -> memref<128xi32, #tpu.memory_space<vmem>>
      %dma_start3A_49 = arith.constant 0 : i32
      %dma_start3A_50 = arith.constant 0 : i32
      %dma_start3A_51 = tpu.memref_slice %arg8[%dma_start3A_49, %dma_start3A_50] : memref<10000x128xf32, #tpu.memory_space<vmem_shared>> -> memref<10000x128xf32, #tpu.memory_space<vmem_shared>>
      tpu.enqueue_indirect_dma source(%dma_start3A_51 : memref<10000x128xf32, #tpu.memory_space<vmem_shared>>) target(%arg7 : memref<128x128xf32, #tpu.memory_space<vmem>>) offsets(%dma_start3A_48 : memref<128xi32, #tpu.memory_space<vmem>>) semaphore(%arg10 : memref<!tpu.dma_semaphore, #tpu.memory_space<semaphore_mem>>)
      %dma_wait3A_52 = arith.constant 3968 : i32
      %dma_wait3A_53 = tpu.memref_slice %arg5[%dma_wait3A_52] : memref<4096xi32, #tpu.memory_space<vmem>> -> memref<128xi32, #tpu.memory_space<vmem>>
      %dma_wait3A_54 = arith.constant 0 : i32
      %dma_wait3A_55 = arith.constant 0 : i32
      %dma_wait3A_56 = tpu.memref_slice %arg8[%dma_wait3A_54, %dma_wait3A_55] : memref<10000x128xf32, #tpu.memory_space<vmem_shared>> -> memref<10000x128xf32, #tpu.memory_space<vmem_shared>>
      tpu.wait_indirect_dma semaphore(%arg10 : memref<!tpu.dma_semaphore, #tpu.memory_space<semaphore_mem>>) src(%dma_wait3A_56 : memref<10000x128xf32, #tpu.memory_space<vmem_shared>>) dst(%arg7 : memref<128x128xf32, #tpu.memory_space<vmem>>)
      "tpu.region"() ({
        %run_scoped3A = tpu.sem_alloc : memref<!tpu.dma_semaphore, #tpu.memory_space<semaphore_mem>>
        %dma_start3A_57 = arith.constant 0 : i32
        %dma_start3A_58 = tpu.memref_slice %arg4[%mul3A_6, %dma_start3A_57] : memref<128000x128xf32, #tpu.memory_space<hbm>> -> memref<128x128xf32, #tpu.memory_space<hbm>>
        %dma_start3A_59 = arith.constant 0 : i32
        %dma_start3A_60 = tpu.memref_slice %arg4[%mul3A_6, %dma_start3A_59] : memref<128000x128xf32, #tpu.memory_space<hbm>> -> memref<128x128xf32, #tpu.memory_space<hbm>>
        tpu.enqueue_dma source(%arg7 : memref<128x128xf32, #tpu.memory_space<vmem>>) target(%dma_start3A_60 : memref<128x128xf32, #tpu.memory_space<hbm>>) target_semaphore(%run_scoped3A : memref<!tpu.dma_semaphore, #tpu.memory_space<semaphore_mem>>)
        %dma_wait3A_61 = arith.constant 0 : i32
        %dma_wait3A_62 = tpu.memref_slice %arg4[%mul3A_6, %dma_wait3A_61] : memref<128000x128xf32, #tpu.memory_space<hbm>> -> memref<128x128xf32, #tpu.memory_space<hbm>>
        %dma_wait3A_63 = arith.constant 0 : i32
        %dma_wait3A_64 = tpu.memref_slice %arg4[%mul3A_6, %dma_wait3A_63] : memref<128000x128xf32, #tpu.memory_space<hbm>> -> memref<128x128xf32, #tpu.memory_space<hbm>>
        tpu.wait_dma2 semaphore(%run_scoped3A : memref<!tpu.dma_semaphore, #tpu.memory_space<semaphore_mem>>) src(%arg7 : memref<128x128xf32, #tpu.memory_space<vmem>>) dst(%dma_wait3A_64 : memref<128x128xf32, #tpu.memory_space<hbm>>)
        tpu.yield
      }) : () -> ()
    } else {
    }
    return
  }
}

#map = affine_map<(d0, d1) -> (0)>
#map1 = affine_map<(d0, d1) -> (0, 0)>
module attributes {stable_mosaic.version = 14 : i64} {
  func.func @body_fn(%arg0: i32, %arg1: i32, %arg2: memref<10000xf32, #tpu.memory_space<hbm>>, %arg3: memref<10000xf32, #tpu.memory_space<hbm>>, %arg4: memref<10000xf32, #tpu.memory_space<hbm>>, %arg5: memref<320000xi32, #tpu.memory_space<hbm>>, %arg6: memref<320000xi32, #tpu.memory_space<hbm>>, %arg7: memref<320000x8xf32, #tpu.memory_space<hbm>>, %arg8: memref<10000xf32, #tpu.memory_space<vmem>>, %arg9: memref<10000xf32, #tpu.memory_space<vmem>>, %arg10: memref<10000xf32, #tpu.memory_space<vmem>>, %arg11: memref<10112xi32, #tpu.memory_space<vmem>>, %arg12: memref<10112xi32, #tpu.memory_space<vmem>>, %arg13: memref<128x8xf32, #tpu.memory_space<vmem>>, %arg14: memref<128x8xf32, #tpu.memory_space<vmem>>, %arg15: memref<!tpu.dma_semaphore, #tpu.memory_space<semaphore_mem>>, %arg16: memref<!tpu.dma_semaphore, #tpu.memory_space<semaphore_mem>>, %arg17: memref<!tpu.dma_semaphore, #tpu.memory_space<semaphore_mem>>, %arg18: memref<!tpu.dma_semaphore, #tpu.memory_space<semaphore_mem>>) attributes {dimension_semantics = [#tpu.dimension_semantics<core_parallel>, #tpu.dimension_semantics<subcore_parallel>], iteration_bounds = array<i64: 2, 16>, scalar_prefetch = 0 : i64, scratch_operands = 11 : i64, tpu.core_type = #tpu.core_type<sc_vector_subcore>, window_params = [{transform_indices = #map}, {transform_indices = #map}, {transform_indices = #map}, {transform_indices = #map}, {transform_indices = #map}, {transform_indices = #map1}]} {
    %mul3A = arith.constant 2 : i32
    %mul3A_0 = arith.muli %arg1, %mul3A : i32
    %add3A = arith.addi %mul3A_0, %arg0 : i32
    %mul3A_1 = arith.constant 9984 : i32
    %mul3A_2 = arith.muli %add3A, %mul3A_1 : i32
    %add3A_3 = arith.constant 2496 : i32
    %add3A_4 = arith.addi %add3A_3, %add3A : i32
    %mul3A_5 = arith.constant 128 : i32
    %mul3A_6 = arith.muli %add3A_4, %mul3A_5 : i32
    tpu.enqueue_dma source(%arg2 : memref<10000xf32, #tpu.memory_space<hbm>>) target(%arg8 : memref<10000xf32, #tpu.memory_space<vmem>>) target_semaphore(%arg15 : memref<!tpu.dma_semaphore, #tpu.memory_space<semaphore_mem>>)
    tpu.enqueue_dma source(%arg3 : memref<10000xf32, #tpu.memory_space<hbm>>) target(%arg9 : memref<10000xf32, #tpu.memory_space<vmem>>) target_semaphore(%arg16 : memref<!tpu.dma_semaphore, #tpu.memory_space<semaphore_mem>>)
    tpu.enqueue_dma source(%arg4 : memref<10000xf32, #tpu.memory_space<hbm>>) target(%arg10 : memref<10000xf32, #tpu.memory_space<vmem>>) target_semaphore(%arg17 : memref<!tpu.dma_semaphore, #tpu.memory_space<semaphore_mem>>)
    %dma_start3A = arith.constant 0 : i32
    %dma_start3A_7 = tpu.memref_slice %arg11[%dma_start3A] : memref<10112xi32, #tpu.memory_space<vmem>> -> memref<9984xi32, #tpu.memory_space<vmem>>
    %dma_start3A_8 = tpu.memref_slice %arg5[%mul3A_2] : memref<320000xi32, #tpu.memory_space<hbm>> -> memref<9984xi32, #tpu.memory_space<hbm>>
    %dma_start3A_9 = arith.constant 0 : i32
    %dma_start3A_10 = tpu.memref_slice %arg11[%dma_start3A_9] : memref<10112xi32, #tpu.memory_space<vmem>> -> memref<9984xi32, #tpu.memory_space<vmem>>
    %dma_start3A_11 = tpu.memref_slice %arg5[%mul3A_2] : memref<320000xi32, #tpu.memory_space<hbm>> -> memref<9984xi32, #tpu.memory_space<hbm>>
    tpu.enqueue_dma source(%dma_start3A_11 : memref<9984xi32, #tpu.memory_space<hbm>>) target(%dma_start3A_10 : memref<9984xi32, #tpu.memory_space<vmem>>) target_semaphore(%arg18 : memref<!tpu.dma_semaphore, #tpu.memory_space<semaphore_mem>>)
    %dma_start3A_12 = arith.constant 0 : i32
    %dma_start3A_13 = tpu.memref_slice %arg12[%dma_start3A_12] : memref<10112xi32, #tpu.memory_space<vmem>> -> memref<9984xi32, #tpu.memory_space<vmem>>
    %dma_start3A_14 = tpu.memref_slice %arg6[%mul3A_2] : memref<320000xi32, #tpu.memory_space<hbm>> -> memref<9984xi32, #tpu.memory_space<hbm>>
    %dma_start3A_15 = arith.constant 0 : i32
    %dma_start3A_16 = tpu.memref_slice %arg12[%dma_start3A_15] : memref<10112xi32, #tpu.memory_space<vmem>> -> memref<9984xi32, #tpu.memory_space<vmem>>
    %dma_start3A_17 = tpu.memref_slice %arg6[%mul3A_2] : memref<320000xi32, #tpu.memory_space<hbm>> -> memref<9984xi32, #tpu.memory_space<hbm>>
    tpu.enqueue_dma source(%dma_start3A_17 : memref<9984xi32, #tpu.memory_space<hbm>>) target(%dma_start3A_16 : memref<9984xi32, #tpu.memory_space<vmem>>) target_semaphore(%arg15 : memref<!tpu.dma_semaphore, #tpu.memory_space<semaphore_mem>>)
    %lt3A = arith.constant 4 : i32
    %lt3A_18 = arith.cmpi slt, %add3A, %lt3A : i32
    %convert_element_type3A = arith.extui %lt3A_18 : i1 to i32
    %cond3A = arith.constant 0 : i32
    %cond3A_19 = arith.cmpi ne, %convert_element_type3A, %cond3A : i32
    scf.if %cond3A_19 {
      "tpu.region"() ({
        %run_scoped3A = tpu.sem_alloc : memref<!tpu.dma_semaphore, #tpu.memory_space<semaphore_mem>>
        %dma_start3A_41 = arith.constant 9984 : i32
        %dma_start3A_42 = tpu.memref_slice %arg11[%dma_start3A_41] : memref<10112xi32, #tpu.memory_space<vmem>> -> memref<128xi32, #tpu.memory_space<vmem>>
        %dma_start3A_43 = tpu.memref_slice %arg5[%mul3A_6] : memref<320000xi32, #tpu.memory_space<hbm>> -> memref<128xi32, #tpu.memory_space<hbm>>
        %dma_start3A_44 = arith.constant 9984 : i32
        %dma_start3A_45 = tpu.memref_slice %arg11[%dma_start3A_44] : memref<10112xi32, #tpu.memory_space<vmem>> -> memref<128xi32, #tpu.memory_space<vmem>>
        %dma_start3A_46 = tpu.memref_slice %arg5[%mul3A_6] : memref<320000xi32, #tpu.memory_space<hbm>> -> memref<128xi32, #tpu.memory_space<hbm>>
        tpu.enqueue_dma source(%dma_start3A_46 : memref<128xi32, #tpu.memory_space<hbm>>) target(%dma_start3A_45 : memref<128xi32, #tpu.memory_space<vmem>>) target_semaphore(%run_scoped3A : memref<!tpu.dma_semaphore, #tpu.memory_space<semaphore_mem>>)
        %dma_wait3A_47 = arith.constant 9984 : i32
        %dma_wait3A_48 = tpu.memref_slice %arg11[%dma_wait3A_47] : memref<10112xi32, #tpu.memory_space<vmem>> -> memref<128xi32, #tpu.memory_space<vmem>>
        %dma_wait3A_49 = tpu.memref_slice %arg5[%mul3A_6] : memref<320000xi32, #tpu.memory_space<hbm>> -> memref<128xi32, #tpu.memory_space<hbm>>
        %dma_wait3A_50 = arith.constant 9984 : i32
        %dma_wait3A_51 = tpu.memref_slice %arg11[%dma_wait3A_50] : memref<10112xi32, #tpu.memory_space<vmem>> -> memref<128xi32, #tpu.memory_space<vmem>>
        %dma_wait3A_52 = tpu.memref_slice %arg5[%mul3A_6] : memref<320000xi32, #tpu.memory_space<hbm>> -> memref<128xi32, #tpu.memory_space<hbm>>
        tpu.wait_dma2 semaphore(%run_scoped3A : memref<!tpu.dma_semaphore, #tpu.memory_space<semaphore_mem>>) src(%dma_wait3A_52 : memref<128xi32, #tpu.memory_space<hbm>>) dst(%dma_wait3A_51 : memref<128xi32, #tpu.memory_space<vmem>>)
        tpu.yield
      }) : () -> ()
      "tpu.region"() ({
        %run_scoped3A = tpu.sem_alloc : memref<!tpu.dma_semaphore, #tpu.memory_space<semaphore_mem>>
        %dma_start3A_41 = arith.constant 9984 : i32
        %dma_start3A_42 = tpu.memref_slice %arg12[%dma_start3A_41] : memref<10112xi32, #tpu.memory_space<vmem>> -> memref<128xi32, #tpu.memory_space<vmem>>
        %dma_start3A_43 = tpu.memref_slice %arg6[%mul3A_6] : memref<320000xi32, #tpu.memory_space<hbm>> -> memref<128xi32, #tpu.memory_space<hbm>>
        %dma_start3A_44 = arith.constant 9984 : i32
        %dma_start3A_45 = tpu.memref_slice %arg12[%dma_start3A_44] : memref<10112xi32, #tpu.memory_space<vmem>> -> memref<128xi32, #tpu.memory_space<vmem>>
        %dma_start3A_46 = tpu.memref_slice %arg6[%mul3A_6] : memref<320000xi32, #tpu.memory_space<hbm>> -> memref<128xi32, #tpu.memory_space<hbm>>
        tpu.enqueue_dma source(%dma_start3A_46 : memref<128xi32, #tpu.memory_space<hbm>>) target(%dma_start3A_45 : memref<128xi32, #tpu.memory_space<vmem>>) target_semaphore(%run_scoped3A : memref<!tpu.dma_semaphore, #tpu.memory_space<semaphore_mem>>)
        %dma_wait3A_47 = arith.constant 9984 : i32
        %dma_wait3A_48 = tpu.memref_slice %arg12[%dma_wait3A_47] : memref<10112xi32, #tpu.memory_space<vmem>> -> memref<128xi32, #tpu.memory_space<vmem>>
        %dma_wait3A_49 = tpu.memref_slice %arg6[%mul3A_6] : memref<320000xi32, #tpu.memory_space<hbm>> -> memref<128xi32, #tpu.memory_space<hbm>>
        %dma_wait3A_50 = arith.constant 9984 : i32
        %dma_wait3A_51 = tpu.memref_slice %arg12[%dma_wait3A_50] : memref<10112xi32, #tpu.memory_space<vmem>> -> memref<128xi32, #tpu.memory_space<vmem>>
        %dma_wait3A_52 = tpu.memref_slice %arg6[%mul3A_6] : memref<320000xi32, #tpu.memory_space<hbm>> -> memref<128xi32, #tpu.memory_space<hbm>>
        tpu.wait_dma2 semaphore(%run_scoped3A : memref<!tpu.dma_semaphore, #tpu.memory_space<semaphore_mem>>) src(%dma_wait3A_52 : memref<128xi32, #tpu.memory_space<hbm>>) dst(%dma_wait3A_51 : memref<128xi32, #tpu.memory_space<vmem>>)
        tpu.yield
      }) : () -> ()
    } else {
    }
    tpu.wait_dma2 semaphore(%arg15 : memref<!tpu.dma_semaphore, #tpu.memory_space<semaphore_mem>>) src(%arg2 : memref<10000xf32, #tpu.memory_space<hbm>>) dst(%arg8 : memref<10000xf32, #tpu.memory_space<vmem>>)
    tpu.wait_dma2 semaphore(%arg16 : memref<!tpu.dma_semaphore, #tpu.memory_space<semaphore_mem>>) src(%arg3 : memref<10000xf32, #tpu.memory_space<hbm>>) dst(%arg9 : memref<10000xf32, #tpu.memory_space<vmem>>)
    tpu.wait_dma2 semaphore(%arg17 : memref<!tpu.dma_semaphore, #tpu.memory_space<semaphore_mem>>) src(%arg4 : memref<10000xf32, #tpu.memory_space<hbm>>) dst(%arg10 : memref<10000xf32, #tpu.memory_space<vmem>>)
    %dma_wait3A = arith.constant 0 : i32
    %dma_wait3A_20 = tpu.memref_slice %arg11[%dma_wait3A] : memref<10112xi32, #tpu.memory_space<vmem>> -> memref<9984xi32, #tpu.memory_space<vmem>>
    %dma_wait3A_21 = tpu.memref_slice %arg5[%mul3A_2] : memref<320000xi32, #tpu.memory_space<hbm>> -> memref<9984xi32, #tpu.memory_space<hbm>>
    %dma_wait3A_22 = arith.constant 0 : i32
    %dma_wait3A_23 = tpu.memref_slice %arg11[%dma_wait3A_22] : memref<10112xi32, #tpu.memory_space<vmem>> -> memref<9984xi32, #tpu.memory_space<vmem>>
    %dma_wait3A_24 = tpu.memref_slice %arg5[%mul3A_2] : memref<320000xi32, #tpu.memory_space<hbm>> -> memref<9984xi32, #tpu.memory_space<hbm>>
    tpu.wait_dma2 semaphore(%arg18 : memref<!tpu.dma_semaphore, #tpu.memory_space<semaphore_mem>>) src(%dma_wait3A_24 : memref<9984xi32, #tpu.memory_space<hbm>>) dst(%dma_wait3A_23 : memref<9984xi32, #tpu.memory_space<vmem>>)
    %dma_wait3A_25 = arith.constant 0 : i32
    %dma_wait3A_26 = tpu.memref_slice %arg12[%dma_wait3A_25] : memref<10112xi32, #tpu.memory_space<vmem>> -> memref<9984xi32, #tpu.memory_space<vmem>>
    %dma_wait3A_27 = tpu.memref_slice %arg6[%mul3A_2] : memref<320000xi32, #tpu.memory_space<hbm>> -> memref<9984xi32, #tpu.memory_space<hbm>>
    %dma_wait3A_28 = arith.constant 0 : i32
    %dma_wait3A_29 = tpu.memref_slice %arg12[%dma_wait3A_28] : memref<10112xi32, #tpu.memory_space<vmem>> -> memref<9984xi32, #tpu.memory_space<vmem>>
    %dma_wait3A_30 = tpu.memref_slice %arg6[%mul3A_2] : memref<320000xi32, #tpu.memory_space<hbm>> -> memref<9984xi32, #tpu.memory_space<hbm>>
    tpu.wait_dma2 semaphore(%arg15 : memref<!tpu.dma_semaphore, #tpu.memory_space<semaphore_mem>>) src(%dma_wait3A_30 : memref<9984xi32, #tpu.memory_space<hbm>>) dst(%dma_wait3A_29 : memref<9984xi32, #tpu.memory_space<vmem>>)
    %scan3A = arith.constant 0 : i32
    %scan3A_31 = arith.constant 0 : i32
    %scan3A_32 = arith.constant 39 : i32
    %scan3A_33 = arith.addi %scan3A_31, %scan3A_32 : i32
    %scan3A_34 = arith.constant 1 : i32
    scf.for %scan3A_41 = %scan3A_31 to %scan3A_33 step %scan3A_34  : i32 {
      %mul3A_42 = arith.constant 2 : i32
      %mul3A_43 = arith.muli %mul3A_42, %scan3A_41 : i32
      %mul3A_44 = arith.constant 128 : i32
      %mul3A_45 = arith.muli %mul3A_43, %mul3A_44 : i32
      %add3A_46 = arith.constant 128 : i32
      %add3A_47 = arith.addi %mul3A_45, %add3A_46 : i32
      %add3A_48 = arith.constant 0 : i32
      %add3A_49 = arith.addi %mul3A_45, %add3A_48 : i32
      %get3A = arith.index_cast %add3A_49 : i32 to index
      %get3A_50 = tpu.vector_load %arg11[%get3A] {strides = array<i32>} : memref<10112xi32, #tpu.memory_space<vmem>>, vector<16xi32>,
      %add3A_51 = arith.constant 0 : i32
      %add3A_52 = arith.addi %mul3A_45, %add3A_51 : i32
      %get3A_53 = arith.index_cast %add3A_52 : i32 to index
      %get3A_54 = tpu.vector_load %arg12[%get3A_53] {strides = array<i32>} : memref<10112xi32, #tpu.memory_space<vmem>>, vector<16xi32>,
      %iota3A = tpu.iota {dimensions = array<i32: 0>} : vector<16xi32>
      %add3A_55 = arith.constant 0 : i32
      %add3A_56 = vector.broadcast %add3A_55 : i32 to vector<16xi32>
      %add3A_57 = arith.addi %iota3A, %add3A_56 : vector<16xi32>
      %gather3A = tpu.vector_load_idx %arg8[%get3A_54] : memref<10000xf32, #tpu.memory_space<vmem>>[vector<16xi32>], vector<16xf32>,
      %gather3A_58 = tpu.vector_load_idx %arg8[%get3A_50] : memref<10000xf32, #tpu.memory_space<vmem>>[vector<16xi32>], vector<16xf32>,
      %sub3A = arith.subf %gather3A, %gather3A_58 : vector<16xf32>
      %broadcast_in_dim3A = arith.constant 0 : i32
      %broadcast_in_dim3A_59 = vector.broadcast %broadcast_in_dim3A : i32 to vector<16xi32>
      tpu.vector_store_idx %arg13[%add3A_57, %broadcast_in_dim3A_59], %sub3A : memref<128x8xf32, #tpu.memory_space<vmem>>[vector<16xi32>, vector<16xi32>], vector<16xf32>,
      %gather3A_60 = tpu.vector_load_idx %arg9[%get3A_54] : memref<10000xf32, #tpu.memory_space<vmem>>[vector<16xi32>], vector<16xf32>,
      %gather3A_61 = tpu.vector_load_idx %arg9[%get3A_50] : memref<10000xf32, #tpu.memory_space<vmem>>[vector<16xi32>], vector<16xf32>,
      %sub3A_62 = arith.subf %gather3A_60, %gather3A_61 : vector<16xf32>
      %broadcast_in_dim3A_63 = arith.constant 1 : i32
      %broadcast_in_dim3A_64 = vector.broadcast %broadcast_in_dim3A_63 : i32 to vector<16xi32>
      tpu.vector_store_idx %arg13[%add3A_57, %broadcast_in_dim3A_64], %sub3A_62 : memref<128x8xf32, #tpu.memory_space<vmem>>[vector<16xi32>, vector<16xi32>], vector<16xf32>,
      %gather3A_65 = tpu.vector_load_idx %arg10[%get3A_54] : memref<10000xf32, #tpu.memory_space<vmem>>[vector<16xi32>], vector<16xf32>,
      %gather3A_66 = tpu.vector_load_idx %arg10[%get3A_50] : memref<10000xf32, #tpu.memory_space<vmem>>[vector<16xi32>], vector<16xf32>,
      %sub3A_67 = arith.subf %gather3A_65, %gather3A_66 : vector<16xf32>
      %broadcast_in_dim3A_68 = arith.constant 2 : i32
      %broadcast_in_dim3A_69 = vector.broadcast %broadcast_in_dim3A_68 : i32 to vector<16xi32>
      tpu.vector_store_idx %arg13[%add3A_57, %broadcast_in_dim3A_69], %sub3A_67 : memref<128x8xf32, #tpu.memory_space<vmem>>[vector<16xi32>, vector<16xi32>], vector<16xf32>,
      %add3A_70 = arith.constant 16 : i32
      %add3A_71 = arith.addi %mul3A_45, %add3A_70 : i32
      %get3A_72 = arith.index_cast %add3A_71 : i32 to index
      %get3A_73 = tpu.vector_load %arg11[%get3A_72] {strides = array<i32>} : memref<10112xi32, #tpu.memory_space<vmem>>, vector<16xi32>,
      %add3A_74 = arith.constant 16 : i32
      %add3A_75 = arith.addi %mul3A_45, %add3A_74 : i32
      %get3A_76 = arith.index_cast %add3A_75 : i32 to index
      %get3A_77 = tpu.vector_load %arg12[%get3A_76] {strides = array<i32>} : memref<10112xi32, #tpu.memory_space<vmem>>, vector<16xi32>,
      %iota3A_78 = tpu.iota {dimensions = array<i32: 0>} : vector<16xi32>
      %add3A_79 = arith.constant 16 : i32
      %add3A_80 = vector.broadcast %add3A_79 : i32 to vector<16xi32>
      %add3A_81 = arith.addi %iota3A_78, %add3A_80 : vector<16xi32>
      %gather3A_82 = tpu.vector_load_idx %arg8[%get3A_77] : memref<10000xf32, #tpu.memory_space<vmem>>[vector<16xi32>], vector<16xf32>,
      %gather3A_83 = tpu.vector_load_idx %arg8[%get3A_73] : memref<10000xf32, #tpu.memory_space<vmem>>[vector<16xi32>], vector<16xf32>,
      %sub3A_84 = arith.subf %gather3A_82, %gather3A_83 : vector<16xf32>
      %broadcast_in_dim3A_85 = arith.constant 0 : i32
      %broadcast_in_dim3A_86 = vector.broadcast %broadcast_in_dim3A_85 : i32 to vector<16xi32>
      tpu.vector_store_idx %arg13[%add3A_81, %broadcast_in_dim3A_86], %sub3A_84 : memref<128x8xf32, #tpu.memory_space<vmem>>[vector<16xi32>, vector<16xi32>], vector<16xf32>,
      %gather3A_87 = tpu.vector_load_idx %arg9[%get3A_77] : memref<10000xf32, #tpu.memory_space<vmem>>[vector<16xi32>], vector<16xf32>,
      %gather3A_88 = tpu.vector_load_idx %arg9[%get3A_73] : memref<10000xf32, #tpu.memory_space<vmem>>[vector<16xi32>], vector<16xf32>,
      %sub3A_89 = arith.subf %gather3A_87, %gather3A_88 : vector<16xf32>
      %broadcast_in_dim3A_90 = arith.constant 1 : i32
      %broadcast_in_dim3A_91 = vector.broadcast %broadcast_in_dim3A_90 : i32 to vector<16xi32>
      tpu.vector_store_idx %arg13[%add3A_81, %broadcast_in_dim3A_91], %sub3A_89 : memref<128x8xf32, #tpu.memory_space<vmem>>[vector<16xi32>, vector<16xi32>], vector<16xf32>,
      %gather3A_92 = tpu.vector_load_idx %arg10[%get3A_77] : memref<10000xf32, #tpu.memory_space<vmem>>[vector<16xi32>], vector<16xf32>,
      %gather3A_93 = tpu.vector_load_idx %arg10[%get3A_73] : memref<10000xf32, #tpu.memory_space<vmem>>[vector<16xi32>], vector<16xf32>,
      %sub3A_94 = arith.subf %gather3A_92, %gather3A_93 : vector<16xf32>
      %broadcast_in_dim3A_95 = arith.constant 2 : i32
      %broadcast_in_dim3A_96 = vector.broadcast %broadcast_in_dim3A_95 : i32 to vector<16xi32>
      tpu.vector_store_idx %arg13[%add3A_81, %broadcast_in_dim3A_96], %sub3A_94 : memref<128x8xf32, #tpu.memory_space<vmem>>[vector<16xi32>, vector<16xi32>], vector<16xf32>,
      %add3A_97 = arith.constant 32 : i32
      %add3A_98 = arith.addi %mul3A_45, %add3A_97 : i32
      %get3A_99 = arith.index_cast %add3A_98 : i32 to index
      %get3A_100 = tpu.vector_load %arg11[%get3A_99] {strides = array<i32>} : memref<10112xi32, #tpu.memory_space<vmem>>, vector<16xi32>,
      %add3A_101 = arith.constant 32 : i32
      %add3A_102 = arith.addi %mul3A_45, %add3A_101 : i32
      %get3A_103 = arith.index_cast %add3A_102 : i32 to index
      %get3A_104 = tpu.vector_load %arg12[%get3A_103] {strides = array<i32>} : memref<10112xi32, #tpu.memory_space<vmem>>, vector<16xi32>,
      %iota3A_105 = tpu.iota {dimensions = array<i32: 0>} : vector<16xi32>
      %add3A_106 = arith.constant 32 : i32
      %add3A_107 = vector.broadcast %add3A_106 : i32 to vector<16xi32>
      %add3A_108 = arith.addi %iota3A_105, %add3A_107 : vector<16xi32>
      %gather3A_109 = tpu.vector_load_idx %arg8[%get3A_104] : memref<10000xf32, #tpu.memory_space<vmem>>[vector<16xi32>], vector<16xf32>,
      %gather3A_110 = tpu.vector_load_idx %arg8[%get3A_100] : memref<10000xf32, #tpu.memory_space<vmem>>[vector<16xi32>], vector<16xf32>,
      %sub3A_111 = arith.subf %gather3A_109, %gather3A_110 : vector<16xf32>
      %broadcast_in_dim3A_112 = arith.constant 0 : i32
      %broadcast_in_dim3A_113 = vector.broadcast %broadcast_in_dim3A_112 : i32 to vector<16xi32>
      tpu.vector_store_idx %arg13[%add3A_108, %broadcast_in_dim3A_113], %sub3A_111 : memref<128x8xf32, #tpu.memory_space<vmem>>[vector<16xi32>, vector<16xi32>], vector<16xf32>,
      %gather3A_114 = tpu.vector_load_idx %arg9[%get3A_104] : memref<10000xf32, #tpu.memory_space<vmem>>[vector<16xi32>], vector<16xf32>,
      %gather3A_115 = tpu.vector_load_idx %arg9[%get3A_100] : memref<10000xf32, #tpu.memory_space<vmem>>[vector<16xi32>], vector<16xf32>,
      %sub3A_116 = arith.subf %gather3A_114, %gather3A_115 : vector<16xf32>
      %broadcast_in_dim3A_117 = arith.constant 1 : i32
      %broadcast_in_dim3A_118 = vector.broadcast %broadcast_in_dim3A_117 : i32 to vector<16xi32>
      tpu.vector_store_idx %arg13[%add3A_108, %broadcast_in_dim3A_118], %sub3A_116 : memref<128x8xf32, #tpu.memory_space<vmem>>[vector<16xi32>, vector<16xi32>], vector<16xf32>,
      %gather3A_119 = tpu.vector_load_idx %arg10[%get3A_104] : memref<10000xf32, #tpu.memory_space<vmem>>[vector<16xi32>], vector<16xf32>,
      %gather3A_120 = tpu.vector_load_idx %arg10[%get3A_100] : memref<10000xf32, #tpu.memory_space<vmem>>[vector<16xi32>], vector<16xf32>,
      %sub3A_121 = arith.subf %gather3A_119, %gather3A_120 : vector<16xf32>
      %broadcast_in_dim3A_122 = arith.constant 2 : i32
      %broadcast_in_dim3A_123 = vector.broadcast %broadcast_in_dim3A_122 : i32 to vector<16xi32>
      tpu.vector_store_idx %arg13[%add3A_108, %broadcast_in_dim3A_123], %sub3A_121 : memref<128x8xf32, #tpu.memory_space<vmem>>[vector<16xi32>, vector<16xi32>], vector<16xf32>,
      %add3A_124 = arith.constant 48 : i32
      %add3A_125 = arith.addi %mul3A_45, %add3A_124 : i32
      %get3A_126 = arith.index_cast %add3A_125 : i32 to index
      %get3A_127 = tpu.vector_load %arg11[%get3A_126] {strides = array<i32>} : memref<10112xi32, #tpu.memory_space<vmem>>, vector<16xi32>,
      %add3A_128 = arith.constant 48 : i32
      %add3A_129 = arith.addi %mul3A_45, %add3A_128 : i32
      %get3A_130 = arith.index_cast %add3A_129 : i32 to index
      %get3A_131 = tpu.vector_load %arg12[%get3A_130] {strides = array<i32>} : memref<10112xi32, #tpu.memory_space<vmem>>, vector<16xi32>,
      %iota3A_132 = tpu.iota {dimensions = array<i32: 0>} : vector<16xi32>
      %add3A_133 = arith.constant 48 : i32
      %add3A_134 = vector.broadcast %add3A_133 : i32 to vector<16xi32>
      %add3A_135 = arith.addi %iota3A_132, %add3A_134 : vector<16xi32>
      %gather3A_136 = tpu.vector_load_idx %arg8[%get3A_131] : memref<10000xf32, #tpu.memory_space<vmem>>[vector<16xi32>], vector<16xf32>,
      %gather3A_137 = tpu.vector_load_idx %arg8[%get3A_127] : memref<10000xf32, #tpu.memory_space<vmem>>[vector<16xi32>], vector<16xf32>,
      %sub3A_138 = arith.subf %gather3A_136, %gather3A_137 : vector<16xf32>
      %broadcast_in_dim3A_139 = arith.constant 0 : i32
      %broadcast_in_dim3A_140 = vector.broadcast %broadcast_in_dim3A_139 : i32 to vector<16xi32>
      tpu.vector_store_idx %arg13[%add3A_135, %broadcast_in_dim3A_140], %sub3A_138 : memref<128x8xf32, #tpu.memory_space<vmem>>[vector<16xi32>, vector<16xi32>], vector<16xf32>,
      %gather3A_141 = tpu.vector_load_idx %arg9[%get3A_131] : memref<10000xf32, #tpu.memory_space<vmem>>[vector<16xi32>], vector<16xf32>,
      %gather3A_142 = tpu.vector_load_idx %arg9[%get3A_127] : memref<10000xf32, #tpu.memory_space<vmem>>[vector<16xi32>], vector<16xf32>,
      %sub3A_143 = arith.subf %gather3A_141, %gather3A_142 : vector<16xf32>
      %broadcast_in_dim3A_144 = arith.constant 1 : i32
      %broadcast_in_dim3A_145 = vector.broadcast %broadcast_in_dim3A_144 : i32 to vector<16xi32>
      tpu.vector_store_idx %arg13[%add3A_135, %broadcast_in_dim3A_145], %sub3A_143 : memref<128x8xf32, #tpu.memory_space<vmem>>[vector<16xi32>, vector<16xi32>], vector<16xf32>,
      %gather3A_146 = tpu.vector_load_idx %arg10[%get3A_131] : memref<10000xf32, #tpu.memory_space<vmem>>[vector<16xi32>], vector<16xf32>,
      %gather3A_147 = tpu.vector_load_idx %arg10[%get3A_127] : memref<10000xf32, #tpu.memory_space<vmem>>[vector<16xi32>], vector<16xf32>,
      %sub3A_148 = arith.subf %gather3A_146, %gather3A_147 : vector<16xf32>
      %broadcast_in_dim3A_149 = arith.constant 2 : i32
      %broadcast_in_dim3A_150 = vector.broadcast %broadcast_in_dim3A_149 : i32 to vector<16xi32>
      tpu.vector_store_idx %arg13[%add3A_135, %broadcast_in_dim3A_150], %sub3A_148 : memref<128x8xf32, #tpu.memory_space<vmem>>[vector<16xi32>, vector<16xi32>], vector<16xf32>,
      %add3A_151 = arith.constant 64 : i32
      %add3A_152 = arith.addi %mul3A_45, %add3A_151 : i32
      %get3A_153 = arith.index_cast %add3A_152 : i32 to index
      %get3A_154 = tpu.vector_load %arg11[%get3A_153] {strides = array<i32>} : memref<10112xi32, #tpu.memory_space<vmem>>, vector<16xi32>,
      %add3A_155 = arith.constant 64 : i32
      %add3A_156 = arith.addi %mul3A_45, %add3A_155 : i32
      %get3A_157 = arith.index_cast %add3A_156 : i32 to index
      %get3A_158 = tpu.vector_load %arg12[%get3A_157] {strides = array<i32>} : memref<10112xi32, #tpu.memory_space<vmem>>, vector<16xi32>,
      %iota3A_159 = tpu.iota {dimensions = array<i32: 0>} : vector<16xi32>
      %add3A_160 = arith.constant 64 : i32
      %add3A_161 = vector.broadcast %add3A_160 : i32 to vector<16xi32>
      %add3A_162 = arith.addi %iota3A_159, %add3A_161 : vector<16xi32>
      %gather3A_163 = tpu.vector_load_idx %arg8[%get3A_158] : memref<10000xf32, #tpu.memory_space<vmem>>[vector<16xi32>], vector<16xf32>,
      %gather3A_164 = tpu.vector_load_idx %arg8[%get3A_154] : memref<10000xf32, #tpu.memory_space<vmem>>[vector<16xi32>], vector<16xf32>,
      %sub3A_165 = arith.subf %gather3A_163, %gather3A_164 : vector<16xf32>
      %broadcast_in_dim3A_166 = arith.constant 0 : i32
      %broadcast_in_dim3A_167 = vector.broadcast %broadcast_in_dim3A_166 : i32 to vector<16xi32>
      tpu.vector_store_idx %arg13[%add3A_162, %broadcast_in_dim3A_167], %sub3A_165 : memref<128x8xf32, #tpu.memory_space<vmem>>[vector<16xi32>, vector<16xi32>], vector<16xf32>,
      %gather3A_168 = tpu.vector_load_idx %arg9[%get3A_158] : memref<10000xf32, #tpu.memory_space<vmem>>[vector<16xi32>], vector<16xf32>,
      %gather3A_169 = tpu.vector_load_idx %arg9[%get3A_154] : memref<10000xf32, #tpu.memory_space<vmem>>[vector<16xi32>], vector<16xf32>,
      %sub3A_170 = arith.subf %gather3A_168, %gather3A_169 : vector<16xf32>
      %broadcast_in_dim3A_171 = arith.constant 1 : i32
      %broadcast_in_dim3A_172 = vector.broadcast %broadcast_in_dim3A_171 : i32 to vector<16xi32>
      tpu.vector_store_idx %arg13[%add3A_162, %broadcast_in_dim3A_172], %sub3A_170 : memref<128x8xf32, #tpu.memory_space<vmem>>[vector<16xi32>, vector<16xi32>], vector<16xf32>,
      %gather3A_173 = tpu.vector_load_idx %arg10[%get3A_158] : memref<10000xf32, #tpu.memory_space<vmem>>[vector<16xi32>], vector<16xf32>,
      %gather3A_174 = tpu.vector_load_idx %arg10[%get3A_154] : memref<10000xf32, #tpu.memory_space<vmem>>[vector<16xi32>], vector<16xf32>,
      %sub3A_175 = arith.subf %gather3A_173, %gather3A_174 : vector<16xf32>
      %broadcast_in_dim3A_176 = arith.constant 2 : i32
      %broadcast_in_dim3A_177 = vector.broadcast %broadcast_in_dim3A_176 : i32 to vector<16xi32>
      tpu.vector_store_idx %arg13[%add3A_162, %broadcast_in_dim3A_177], %sub3A_175 : memref<128x8xf32, #tpu.memory_space<vmem>>[vector<16xi32>, vector<16xi32>], vector<16xf32>,
      %add3A_178 = arith.constant 80 : i32
      %add3A_179 = arith.addi %mul3A_45, %add3A_178 : i32
      %get3A_180 = arith.index_cast %add3A_179 : i32 to index
      %get3A_181 = tpu.vector_load %arg11[%get3A_180] {strides = array<i32>} : memref<10112xi32, #tpu.memory_space<vmem>>, vector<16xi32>,
      %add3A_182 = arith.constant 80 : i32
      %add3A_183 = arith.addi %mul3A_45, %add3A_182 : i32
      %get3A_184 = arith.index_cast %add3A_183 : i32 to index
      %get3A_185 = tpu.vector_load %arg12[%get3A_184] {strides = array<i32>} : memref<10112xi32, #tpu.memory_space<vmem>>, vector<16xi32>,
      %iota3A_186 = tpu.iota {dimensions = array<i32: 0>} : vector<16xi32>
      %add3A_187 = arith.constant 80 : i32
      %add3A_188 = vector.broadcast %add3A_187 : i32 to vector<16xi32>
      %add3A_189 = arith.addi %iota3A_186, %add3A_188 : vector<16xi32>
      %gather3A_190 = tpu.vector_load_idx %arg8[%get3A_185] : memref<10000xf32, #tpu.memory_space<vmem>>[vector<16xi32>], vector<16xf32>,
      %gather3A_191 = tpu.vector_load_idx %arg8[%get3A_181] : memref<10000xf32, #tpu.memory_space<vmem>>[vector<16xi32>], vector<16xf32>,
      %sub3A_192 = arith.subf %gather3A_190, %gather3A_191 : vector<16xf32>
      %broadcast_in_dim3A_193 = arith.constant 0 : i32
      %broadcast_in_dim3A_194 = vector.broadcast %broadcast_in_dim3A_193 : i32 to vector<16xi32>
      tpu.vector_store_idx %arg13[%add3A_189, %broadcast_in_dim3A_194], %sub3A_192 : memref<128x8xf32, #tpu.memory_space<vmem>>[vector<16xi32>, vector<16xi32>], vector<16xf32>,
      %gather3A_195 = tpu.vector_load_idx %arg9[%get3A_185] : memref<10000xf32, #tpu.memory_space<vmem>>[vector<16xi32>], vector<16xf32>,
      %gather3A_196 = tpu.vector_load_idx %arg9[%get3A_181] : memref<10000xf32, #tpu.memory_space<vmem>>[vector<16xi32>], vector<16xf32>,
      %sub3A_197 = arith.subf %gather3A_195, %gather3A_196 : vector<16xf32>
      %broadcast_in_dim3A_198 = arith.constant 1 : i32
      %broadcast_in_dim3A_199 = vector.broadcast %broadcast_in_dim3A_198 : i32 to vector<16xi32>
      tpu.vector_store_idx %arg13[%add3A_189, %broadcast_in_dim3A_199], %sub3A_197 : memref<128x8xf32, #tpu.memory_space<vmem>>[vector<16xi32>, vector<16xi32>], vector<16xf32>,
      %gather3A_200 = tpu.vector_load_idx %arg10[%get3A_185] : memref<10000xf32, #tpu.memory_space<vmem>>[vector<16xi32>], vector<16xf32>,
      %gather3A_201 = tpu.vector_load_idx %arg10[%get3A_181] : memref<10000xf32, #tpu.memory_space<vmem>>[vector<16xi32>], vector<16xf32>,
      %sub3A_202 = arith.subf %gather3A_200, %gather3A_201 : vector<16xf32>
      %broadcast_in_dim3A_203 = arith.constant 2 : i32
      %broadcast_in_dim3A_204 = vector.broadcast %broadcast_in_dim3A_203 : i32 to vector<16xi32>
      tpu.vector_store_idx %arg13[%add3A_189, %broadcast_in_dim3A_204], %sub3A_202 : memref<128x8xf32, #tpu.memory_space<vmem>>[vector<16xi32>, vector<16xi32>], vector<16xf32>,
      %add3A_205 = arith.constant 96 : i32
      %add3A_206 = arith.addi %mul3A_45, %add3A_205 : i32
      %get3A_207 = arith.index_cast %add3A_206 : i32 to index
      %get3A_208 = tpu.vector_load %arg11[%get3A_207] {strides = array<i32>} : memref<10112xi32, #tpu.memory_space<vmem>>, vector<16xi32>,
      %add3A_209 = arith.constant 96 : i32
      %add3A_210 = arith.addi %mul3A_45, %add3A_209 : i32
      %get3A_211 = arith.index_cast %add3A_210 : i32 to index
      %get3A_212 = tpu.vector_load %arg12[%get3A_211] {strides = array<i32>} : memref<10112xi32, #tpu.memory_space<vmem>>, vector<16xi32>,
      %iota3A_213 = tpu.iota {dimensions = array<i32: 0>} : vector<16xi32>
      %add3A_214 = arith.constant 96 : i32
      %add3A_215 = vector.broadcast %add3A_214 : i32 to vector<16xi32>
      %add3A_216 = arith.addi %iota3A_213, %add3A_215 : vector<16xi32>
      %gather3A_217 = tpu.vector_load_idx %arg8[%get3A_212] : memref<10000xf32, #tpu.memory_space<vmem>>[vector<16xi32>], vector<16xf32>,
      %gather3A_218 = tpu.vector_load_idx %arg8[%get3A_208] : memref<10000xf32, #tpu.memory_space<vmem>>[vector<16xi32>], vector<16xf32>,
      %sub3A_219 = arith.subf %gather3A_217, %gather3A_218 : vector<16xf32>
      %broadcast_in_dim3A_220 = arith.constant 0 : i32
      %broadcast_in_dim3A_221 = vector.broadcast %broadcast_in_dim3A_220 : i32 to vector<16xi32>
      tpu.vector_store_idx %arg13[%add3A_216, %broadcast_in_dim3A_221], %sub3A_219 : memref<128x8xf32, #tpu.memory_space<vmem>>[vector<16xi32>, vector<16xi32>], vector<16xf32>,
      %gather3A_222 = tpu.vector_load_idx %arg9[%get3A_212] : memref<10000xf32, #tpu.memory_space<vmem>>[vector<16xi32>], vector<16xf32>,
      %gather3A_223 = tpu.vector_load_idx %arg9[%get3A_208] : memref<10000xf32, #tpu.memory_space<vmem>>[vector<16xi32>], vector<16xf32>,
      %sub3A_224 = arith.subf %gather3A_222, %gather3A_223 : vector<16xf32>
      %broadcast_in_dim3A_225 = arith.constant 1 : i32
      %broadcast_in_dim3A_226 = vector.broadcast %broadcast_in_dim3A_225 : i32 to vector<16xi32>
      tpu.vector_store_idx %arg13[%add3A_216, %broadcast_in_dim3A_226], %sub3A_224 : memref<128x8xf32, #tpu.memory_space<vmem>>[vector<16xi32>, vector<16xi32>], vector<16xf32>,
      %gather3A_227 = tpu.vector_load_idx %arg10[%get3A_212] : memref<10000xf32, #tpu.memory_space<vmem>>[vector<16xi32>], vector<16xf32>,
      %gather3A_228 = tpu.vector_load_idx %arg10[%get3A_208] : memref<10000xf32, #tpu.memory_space<vmem>>[vector<16xi32>], vector<16xf32>,
      %sub3A_229 = arith.subf %gather3A_227, %gather3A_228 : vector<16xf32>
      %broadcast_in_dim3A_230 = arith.constant 2 : i32
      %broadcast_in_dim3A_231 = vector.broadcast %broadcast_in_dim3A_230 : i32 to vector<16xi32>
      tpu.vector_store_idx %arg13[%add3A_216, %broadcast_in_dim3A_231], %sub3A_229 : memref<128x8xf32, #tpu.memory_space<vmem>>[vector<16xi32>, vector<16xi32>], vector<16xf32>,
      %add3A_232 = arith.constant 112 : i32
      %add3A_233 = arith.addi %mul3A_45, %add3A_232 : i32
      %get3A_234 = arith.index_cast %add3A_233 : i32 to index
      %get3A_235 = tpu.vector_load %arg11[%get3A_234] {strides = array<i32>} : memref<10112xi32, #tpu.memory_space<vmem>>, vector<16xi32>,
      %add3A_236 = arith.constant 112 : i32
      %add3A_237 = arith.addi %mul3A_45, %add3A_236 : i32
      %get3A_238 = arith.index_cast %add3A_237 : i32 to index
      %get3A_239 = tpu.vector_load %arg12[%get3A_238] {strides = array<i32>} : memref<10112xi32, #tpu.memory_space<vmem>>, vector<16xi32>,
      %iota3A_240 = tpu.iota {dimensions = array<i32: 0>} : vector<16xi32>
      %add3A_241 = arith.constant 112 : i32
      %add3A_242 = vector.broadcast %add3A_241 : i32 to vector<16xi32>
      %add3A_243 = arith.addi %iota3A_240, %add3A_242 : vector<16xi32>
      %gather3A_244 = tpu.vector_load_idx %arg8[%get3A_239] : memref<10000xf32, #tpu.memory_space<vmem>>[vector<16xi32>], vector<16xf32>,
      %gather3A_245 = tpu.vector_load_idx %arg8[%get3A_235] : memref<10000xf32, #tpu.memory_space<vmem>>[vector<16xi32>], vector<16xf32>,
      %sub3A_246 = arith.subf %gather3A_244, %gather3A_245 : vector<16xf32>
      %broadcast_in_dim3A_247 = arith.constant 0 : i32
      %broadcast_in_dim3A_248 = vector.broadcast %broadcast_in_dim3A_247 : i32 to vector<16xi32>
      tpu.vector_store_idx %arg13[%add3A_243, %broadcast_in_dim3A_248], %sub3A_246 : memref<128x8xf32, #tpu.memory_space<vmem>>[vector<16xi32>, vector<16xi32>], vector<16xf32>,
      %gather3A_249 = tpu.vector_load_idx %arg9[%get3A_239] : memref<10000xf32, #tpu.memory_space<vmem>>[vector<16xi32>], vector<16xf32>,
      %gather3A_250 = tpu.vector_load_idx %arg9[%get3A_235] : memref<10000xf32, #tpu.memory_space<vmem>>[vector<16xi32>], vector<16xf32>,
      %sub3A_251 = arith.subf %gather3A_249, %gather3A_250 : vector<16xf32>
      %broadcast_in_dim3A_252 = arith.constant 1 : i32
      %broadcast_in_dim3A_253 = vector.broadcast %broadcast_in_dim3A_252 : i32 to vector<16xi32>
      tpu.vector_store_idx %arg13[%add3A_243, %broadcast_in_dim3A_253], %sub3A_251 : memref<128x8xf32, #tpu.memory_space<vmem>>[vector<16xi32>, vector<16xi32>], vector<16xf32>,
      %gather3A_254 = tpu.vector_load_idx %arg10[%get3A_239] : memref<10000xf32, #tpu.memory_space<vmem>>[vector<16xi32>], vector<16xf32>,
      %gather3A_255 = tpu.vector_load_idx %arg10[%get3A_235] : memref<10000xf32, #tpu.memory_space<vmem>>[vector<16xi32>], vector<16xf32>,
      %sub3A_256 = arith.subf %gather3A_254, %gather3A_255 : vector<16xf32>
      %broadcast_in_dim3A_257 = arith.constant 2 : i32
      %broadcast_in_dim3A_258 = vector.broadcast %broadcast_in_dim3A_257 : i32 to vector<16xi32>
      tpu.vector_store_idx %arg13[%add3A_243, %broadcast_in_dim3A_258], %sub3A_256 : memref<128x8xf32, #tpu.memory_space<vmem>>[vector<16xi32>, vector<16xi32>], vector<16xf32>,
      %add3A_259 = arith.addi %mul3A_2, %mul3A_45 : i32
      %dma_start3A_260 = arith.constant 0 : i32
      %dma_start3A_261 = tpu.memref_slice %arg7[%add3A_259, %dma_start3A_260] : memref<320000x8xf32, #tpu.memory_space<hbm>> -> memref<128x8xf32, #tpu.memory_space<hbm>>
      %dma_start3A_262 = arith.constant 0 : i32
      %dma_start3A_263 = tpu.memref_slice %arg7[%add3A_259, %dma_start3A_262] : memref<320000x8xf32, #tpu.memory_space<hbm>> -> memref<128x8xf32, #tpu.memory_space<hbm>>
      tpu.enqueue_dma source(%arg13 : memref<128x8xf32, #tpu.memory_space<vmem>>) target(%dma_start3A_263 : memref<128x8xf32, #tpu.memory_space<hbm>>) target_semaphore(%arg15 : memref<!tpu.dma_semaphore, #tpu.memory_space<semaphore_mem>>)
      %add3A_264 = arith.constant 0 : i32
      %add3A_265 = arith.addi %add3A_47, %add3A_264 : i32
      %get3A_266 = arith.index_cast %add3A_265 : i32 to index
      %get3A_267 = tpu.vector_load %arg11[%get3A_266] {strides = array<i32>} : memref<10112xi32, #tpu.memory_space<vmem>>, vector<16xi32>,
      %add3A_268 = arith.constant 0 : i32
      %add3A_269 = arith.addi %add3A_47, %add3A_268 : i32
      %get3A_270 = arith.index_cast %add3A_269 : i32 to index
      %get3A_271 = tpu.vector_load %arg12[%get3A_270] {strides = array<i32>} : memref<10112xi32, #tpu.memory_space<vmem>>, vector<16xi32>,
      %iota3A_272 = tpu.iota {dimensions = array<i32: 0>} : vector<16xi32>
      %add3A_273 = arith.constant 0 : i32
      %add3A_274 = vector.broadcast %add3A_273 : i32 to vector<16xi32>
      %add3A_275 = arith.addi %iota3A_272, %add3A_274 : vector<16xi32>
      %gather3A_276 = tpu.vector_load_idx %arg8[%get3A_271] : memref<10000xf32, #tpu.memory_space<vmem>>[vector<16xi32>], vector<16xf32>,
      %gather3A_277 = tpu.vector_load_idx %arg8[%get3A_267] : memref<10000xf32, #tpu.memory_space<vmem>>[vector<16xi32>], vector<16xf32>,
      %sub3A_278 = arith.subf %gather3A_276, %gather3A_277 : vector<16xf32>
      %broadcast_in_dim3A_279 = arith.constant 0 : i32
      %broadcast_in_dim3A_280 = vector.broadcast %broadcast_in_dim3A_279 : i32 to vector<16xi32>
      tpu.vector_store_idx %arg14[%add3A_275, %broadcast_in_dim3A_280], %sub3A_278 : memref<128x8xf32, #tpu.memory_space<vmem>>[vector<16xi32>, vector<16xi32>], vector<16xf32>,
      %gather3A_281 = tpu.vector_load_idx %arg9[%get3A_271] : memref<10000xf32, #tpu.memory_space<vmem>>[vector<16xi32>], vector<16xf32>,
      %gather3A_282 = tpu.vector_load_idx %arg9[%get3A_267] : memref<10000xf32, #tpu.memory_space<vmem>>[vector<16xi32>], vector<16xf32>,
      %sub3A_283 = arith.subf %gather3A_281, %gather3A_282 : vector<16xf32>
      %broadcast_in_dim3A_284 = arith.constant 1 : i32
      %broadcast_in_dim3A_285 = vector.broadcast %broadcast_in_dim3A_284 : i32 to vector<16xi32>
      tpu.vector_store_idx %arg14[%add3A_275, %broadcast_in_dim3A_285], %sub3A_283 : memref<128x8xf32, #tpu.memory_space<vmem>>[vector<16xi32>, vector<16xi32>], vector<16xf32>,
      %gather3A_286 = tpu.vector_load_idx %arg10[%get3A_271] : memref<10000xf32, #tpu.memory_space<vmem>>[vector<16xi32>], vector<16xf32>,
      %gather3A_287 = tpu.vector_load_idx %arg10[%get3A_267] : memref<10000xf32, #tpu.memory_space<vmem>>[vector<16xi32>], vector<16xf32>,
      %sub3A_288 = arith.subf %gather3A_286, %gather3A_287 : vector<16xf32>
      %broadcast_in_dim3A_289 = arith.constant 2 : i32
      %broadcast_in_dim3A_290 = vector.broadcast %broadcast_in_dim3A_289 : i32 to vector<16xi32>
      tpu.vector_store_idx %arg14[%add3A_275, %broadcast_in_dim3A_290], %sub3A_288 : memref<128x8xf32, #tpu.memory_space<vmem>>[vector<16xi32>, vector<16xi32>], vector<16xf32>,
      %add3A_291 = arith.constant 16 : i32
      %add3A_292 = arith.addi %add3A_47, %add3A_291 : i32
      %get3A_293 = arith.index_cast %add3A_292 : i32 to index
      %get3A_294 = tpu.vector_load %arg11[%get3A_293] {strides = array<i32>} : memref<10112xi32, #tpu.memory_space<vmem>>, vector<16xi32>,
      %add3A_295 = arith.constant 16 : i32
      %add3A_296 = arith.addi %add3A_47, %add3A_295 : i32
      %get3A_297 = arith.index_cast %add3A_296 : i32 to index
      %get3A_298 = tpu.vector_load %arg12[%get3A_297] {strides = array<i32>} : memref<10112xi32, #tpu.memory_space<vmem>>, vector<16xi32>,
      %iota3A_299 = tpu.iota {dimensions = array<i32: 0>} : vector<16xi32>
      %add3A_300 = arith.constant 16 : i32
      %add3A_301 = vector.broadcast %add3A_300 : i32 to vector<16xi32>
      %add3A_302 = arith.addi %iota3A_299, %add3A_301 : vector<16xi32>
      %gather3A_303 = tpu.vector_load_idx %arg8[%get3A_298] : memref<10000xf32, #tpu.memory_space<vmem>>[vector<16xi32>], vector<16xf32>,
      %gather3A_304 = tpu.vector_load_idx %arg8[%get3A_294] : memref<10000xf32, #tpu.memory_space<vmem>>[vector<16xi32>], vector<16xf32>,
      %sub3A_305 = arith.subf %gather3A_303, %gather3A_304 : vector<16xf32>
      %broadcast_in_dim3A_306 = arith.constant 0 : i32
      %broadcast_in_dim3A_307 = vector.broadcast %broadcast_in_dim3A_306 : i32 to vector<16xi32>
      tpu.vector_store_idx %arg14[%add3A_302, %broadcast_in_dim3A_307], %sub3A_305 : memref<128x8xf32, #tpu.memory_space<vmem>>[vector<16xi32>, vector<16xi32>], vector<16xf32>,
      %gather3A_308 = tpu.vector_load_idx %arg9[%get3A_298] : memref<10000xf32, #tpu.memory_space<vmem>>[vector<16xi32>], vector<16xf32>,
      %gather3A_309 = tpu.vector_load_idx %arg9[%get3A_294] : memref<10000xf32, #tpu.memory_space<vmem>>[vector<16xi32>], vector<16xf32>,
      %sub3A_310 = arith.subf %gather3A_308, %gather3A_309 : vector<16xf32>
      %broadcast_in_dim3A_311 = arith.constant 1 : i32
      %broadcast_in_dim3A_312 = vector.broadcast %broadcast_in_dim3A_311 : i32 to vector<16xi32>
      tpu.vector_store_idx %arg14[%add3A_302, %broadcast_in_dim3A_312], %sub3A_310 : memref<128x8xf32, #tpu.memory_space<vmem>>[vector<16xi32>, vector<16xi32>], vector<16xf32>,
      %gather3A_313 = tpu.vector_load_idx %arg10[%get3A_298] : memref<10000xf32, #tpu.memory_space<vmem>>[vector<16xi32>], vector<16xf32>,
      %gather3A_314 = tpu.vector_load_idx %arg10[%get3A_294] : memref<10000xf32, #tpu.memory_space<vmem>>[vector<16xi32>], vector<16xf32>,
      %sub3A_315 = arith.subf %gather3A_313, %gather3A_314 : vector<16xf32>
      %broadcast_in_dim3A_316 = arith.constant 2 : i32
      %broadcast_in_dim3A_317 = vector.broadcast %broadcast_in_dim3A_316 : i32 to vector<16xi32>
      tpu.vector_store_idx %arg14[%add3A_302, %broadcast_in_dim3A_317], %sub3A_315 : memref<128x8xf32, #tpu.memory_space<vmem>>[vector<16xi32>, vector<16xi32>], vector<16xf32>,
      %add3A_318 = arith.constant 32 : i32
      %add3A_319 = arith.addi %add3A_47, %add3A_318 : i32
      %get3A_320 = arith.index_cast %add3A_319 : i32 to index
      %get3A_321 = tpu.vector_load %arg11[%get3A_320] {strides = array<i32>} : memref<10112xi32, #tpu.memory_space<vmem>>, vector<16xi32>,
      %add3A_322 = arith.constant 32 : i32
      %add3A_323 = arith.addi %add3A_47, %add3A_322 : i32
      %get3A_324 = arith.index_cast %add3A_323 : i32 to index
      %get3A_325 = tpu.vector_load %arg12[%get3A_324] {strides = array<i32>} : memref<10112xi32, #tpu.memory_space<vmem>>, vector<16xi32>,
      %iota3A_326 = tpu.iota {dimensions = array<i32: 0>} : vector<16xi32>
      %add3A_327 = arith.constant 32 : i32
      %add3A_328 = vector.broadcast %add3A_327 : i32 to vector<16xi32>
      %add3A_329 = arith.addi %iota3A_326, %add3A_328 : vector<16xi32>
      %gather3A_330 = tpu.vector_load_idx %arg8[%get3A_325] : memref<10000xf32, #tpu.memory_space<vmem>>[vector<16xi32>], vector<16xf32>,
      %gather3A_331 = tpu.vector_load_idx %arg8[%get3A_321] : memref<10000xf32, #tpu.memory_space<vmem>>[vector<16xi32>], vector<16xf32>,
      %sub3A_332 = arith.subf %gather3A_330, %gather3A_331 : vector<16xf32>
      %broadcast_in_dim3A_333 = arith.constant 0 : i32
      %broadcast_in_dim3A_334 = vector.broadcast %broadcast_in_dim3A_333 : i32 to vector<16xi32>
      tpu.vector_store_idx %arg14[%add3A_329, %broadcast_in_dim3A_334], %sub3A_332 : memref<128x8xf32, #tpu.memory_space<vmem>>[vector<16xi32>, vector<16xi32>], vector<16xf32>,
      %gather3A_335 = tpu.vector_load_idx %arg9[%get3A_325] : memref<10000xf32, #tpu.memory_space<vmem>>[vector<16xi32>], vector<16xf32>,
      %gather3A_336 = tpu.vector_load_idx %arg9[%get3A_321] : memref<10000xf32, #tpu.memory_space<vmem>>[vector<16xi32>], vector<16xf32>,
      %sub3A_337 = arith.subf %gather3A_335, %gather3A_336 : vector<16xf32>
      %broadcast_in_dim3A_338 = arith.constant 1 : i32
      %broadcast_in_dim3A_339 = vector.broadcast %broadcast_in_dim3A_338 : i32 to vector<16xi32>
      tpu.vector_store_idx %arg14[%add3A_329, %broadcast_in_dim3A_339], %sub3A_337 : memref<128x8xf32, #tpu.memory_space<vmem>>[vector<16xi32>, vector<16xi32>], vector<16xf32>,
      %gather3A_340 = tpu.vector_load_idx %arg10[%get3A_325] : memref<10000xf32, #tpu.memory_space<vmem>>[vector<16xi32>], vector<16xf32>,
      %gather3A_341 = tpu.vector_load_idx %arg10[%get3A_321] : memref<10000xf32, #tpu.memory_space<vmem>>[vector<16xi32>], vector<16xf32>,
      %sub3A_342 = arith.subf %gather3A_340, %gather3A_341 : vector<16xf32>
      %broadcast_in_dim3A_343 = arith.constant 2 : i32
      %broadcast_in_dim3A_344 = vector.broadcast %broadcast_in_dim3A_343 : i32 to vector<16xi32>
      tpu.vector_store_idx %arg14[%add3A_329, %broadcast_in_dim3A_344], %sub3A_342 : memref<128x8xf32, #tpu.memory_space<vmem>>[vector<16xi32>, vector<16xi32>], vector<16xf32>,
      %add3A_345 = arith.constant 48 : i32
      %add3A_346 = arith.addi %add3A_47, %add3A_345 : i32
      %get3A_347 = arith.index_cast %add3A_346 : i32 to index
      %get3A_348 = tpu.vector_load %arg11[%get3A_347] {strides = array<i32>} : memref<10112xi32, #tpu.memory_space<vmem>>, vector<16xi32>,
      %add3A_349 = arith.constant 48 : i32
      %add3A_350 = arith.addi %add3A_47, %add3A_349 : i32
      %get3A_351 = arith.index_cast %add3A_350 : i32 to index
      %get3A_352 = tpu.vector_load %arg12[%get3A_351] {strides = array<i32>} : memref<10112xi32, #tpu.memory_space<vmem>>, vector<16xi32>,
      %iota3A_353 = tpu.iota {dimensions = array<i32: 0>} : vector<16xi32>
      %add3A_354 = arith.constant 48 : i32
      %add3A_355 = vector.broadcast %add3A_354 : i32 to vector<16xi32>
      %add3A_356 = arith.addi %iota3A_353, %add3A_355 : vector<16xi32>
      %gather3A_357 = tpu.vector_load_idx %arg8[%get3A_352] : memref<10000xf32, #tpu.memory_space<vmem>>[vector<16xi32>], vector<16xf32>,
      %gather3A_358 = tpu.vector_load_idx %arg8[%get3A_348] : memref<10000xf32, #tpu.memory_space<vmem>>[vector<16xi32>], vector<16xf32>,
      %sub3A_359 = arith.subf %gather3A_357, %gather3A_358 : vector<16xf32>
      %broadcast_in_dim3A_360 = arith.constant 0 : i32
      %broadcast_in_dim3A_361 = vector.broadcast %broadcast_in_dim3A_360 : i32 to vector<16xi32>
      tpu.vector_store_idx %arg14[%add3A_356, %broadcast_in_dim3A_361], %sub3A_359 : memref<128x8xf32, #tpu.memory_space<vmem>>[vector<16xi32>, vector<16xi32>], vector<16xf32>,
      %gather3A_362 = tpu.vector_load_idx %arg9[%get3A_352] : memref<10000xf32, #tpu.memory_space<vmem>>[vector<16xi32>], vector<16xf32>,
      %gather3A_363 = tpu.vector_load_idx %arg9[%get3A_348] : memref<10000xf32, #tpu.memory_space<vmem>>[vector<16xi32>], vector<16xf32>,
      %sub3A_364 = arith.subf %gather3A_362, %gather3A_363 : vector<16xf32>
      %broadcast_in_dim3A_365 = arith.constant 1 : i32
      %broadcast_in_dim3A_366 = vector.broadcast %broadcast_in_dim3A_365 : i32 to vector<16xi32>
      tpu.vector_store_idx %arg14[%add3A_356, %broadcast_in_dim3A_366], %sub3A_364 : memref<128x8xf32, #tpu.memory_space<vmem>>[vector<16xi32>, vector<16xi32>], vector<16xf32>,
      %gather3A_367 = tpu.vector_load_idx %arg10[%get3A_352] : memref<10000xf32, #tpu.memory_space<vmem>>[vector<16xi32>], vector<16xf32>,
      %gather3A_368 = tpu.vector_load_idx %arg10[%get3A_348] : memref<10000xf32, #tpu.memory_space<vmem>>[vector<16xi32>], vector<16xf32>,
      %sub3A_369 = arith.subf %gather3A_367, %gather3A_368 : vector<16xf32>
      %broadcast_in_dim3A_370 = arith.constant 2 : i32
      %broadcast_in_dim3A_371 = vector.broadcast %broadcast_in_dim3A_370 : i32 to vector<16xi32>
      tpu.vector_store_idx %arg14[%add3A_356, %broadcast_in_dim3A_371], %sub3A_369 : memref<128x8xf32, #tpu.memory_space<vmem>>[vector<16xi32>, vector<16xi32>], vector<16xf32>,
      %add3A_372 = arith.constant 64 : i32
      %add3A_373 = arith.addi %add3A_47, %add3A_372 : i32
      %get3A_374 = arith.index_cast %add3A_373 : i32 to index
      %get3A_375 = tpu.vector_load %arg11[%get3A_374] {strides = array<i32>} : memref<10112xi32, #tpu.memory_space<vmem>>, vector<16xi32>,
      %add3A_376 = arith.constant 64 : i32
      %add3A_377 = arith.addi %add3A_47, %add3A_376 : i32
      %get3A_378 = arith.index_cast %add3A_377 : i32 to index
      %get3A_379 = tpu.vector_load %arg12[%get3A_378] {strides = array<i32>} : memref<10112xi32, #tpu.memory_space<vmem>>, vector<16xi32>,
      %iota3A_380 = tpu.iota {dimensions = array<i32: 0>} : vector<16xi32>
      %add3A_381 = arith.constant 64 : i32
      %add3A_382 = vector.broadcast %add3A_381 : i32 to vector<16xi32>
      %add3A_383 = arith.addi %iota3A_380, %add3A_382 : vector<16xi32>
      %gather3A_384 = tpu.vector_load_idx %arg8[%get3A_379] : memref<10000xf32, #tpu.memory_space<vmem>>[vector<16xi32>], vector<16xf32>,
      %gather3A_385 = tpu.vector_load_idx %arg8[%get3A_375] : memref<10000xf32, #tpu.memory_space<vmem>>[vector<16xi32>], vector<16xf32>,
      %sub3A_386 = arith.subf %gather3A_384, %gather3A_385 : vector<16xf32>
      %broadcast_in_dim3A_387 = arith.constant 0 : i32
      %broadcast_in_dim3A_388 = vector.broadcast %broadcast_in_dim3A_387 : i32 to vector<16xi32>
      tpu.vector_store_idx %arg14[%add3A_383, %broadcast_in_dim3A_388], %sub3A_386 : memref<128x8xf32, #tpu.memory_space<vmem>>[vector<16xi32>, vector<16xi32>], vector<16xf32>,
      %gather3A_389 = tpu.vector_load_idx %arg9[%get3A_379] : memref<10000xf32, #tpu.memory_space<vmem>>[vector<16xi32>], vector<16xf32>,
      %gather3A_390 = tpu.vector_load_idx %arg9[%get3A_375] : memref<10000xf32, #tpu.memory_space<vmem>>[vector<16xi32>], vector<16xf32>,
      %sub3A_391 = arith.subf %gather3A_389, %gather3A_390 : vector<16xf32>
      %broadcast_in_dim3A_392 = arith.constant 1 : i32
      %broadcast_in_dim3A_393 = vector.broadcast %broadcast_in_dim3A_392 : i32 to vector<16xi32>
      tpu.vector_store_idx %arg14[%add3A_383, %broadcast_in_dim3A_393], %sub3A_391 : memref<128x8xf32, #tpu.memory_space<vmem>>[vector<16xi32>, vector<16xi32>], vector<16xf32>,
      %gather3A_394 = tpu.vector_load_idx %arg10[%get3A_379] : memref<10000xf32, #tpu.memory_space<vmem>>[vector<16xi32>], vector<16xf32>,
      %gather3A_395 = tpu.vector_load_idx %arg10[%get3A_375] : memref<10000xf32, #tpu.memory_space<vmem>>[vector<16xi32>], vector<16xf32>,
      %sub3A_396 = arith.subf %gather3A_394, %gather3A_395 : vector<16xf32>
      %broadcast_in_dim3A_397 = arith.constant 2 : i32
      %broadcast_in_dim3A_398 = vector.broadcast %broadcast_in_dim3A_397 : i32 to vector<16xi32>
      tpu.vector_store_idx %arg14[%add3A_383, %broadcast_in_dim3A_398], %sub3A_396 : memref<128x8xf32, #tpu.memory_space<vmem>>[vector<16xi32>, vector<16xi32>], vector<16xf32>,
      %add3A_399 = arith.constant 80 : i32
      %add3A_400 = arith.addi %add3A_47, %add3A_399 : i32
      %get3A_401 = arith.index_cast %add3A_400 : i32 to index
      %get3A_402 = tpu.vector_load %arg11[%get3A_401] {strides = array<i32>} : memref<10112xi32, #tpu.memory_space<vmem>>, vector<16xi32>,
      %add3A_403 = arith.constant 80 : i32
      %add3A_404 = arith.addi %add3A_47, %add3A_403 : i32
      %get3A_405 = arith.index_cast %add3A_404 : i32 to index
      %get3A_406 = tpu.vector_load %arg12[%get3A_405] {strides = array<i32>} : memref<10112xi32, #tpu.memory_space<vmem>>, vector<16xi32>,
      %iota3A_407 = tpu.iota {dimensions = array<i32: 0>} : vector<16xi32>
      %add3A_408 = arith.constant 80 : i32
      %add3A_409 = vector.broadcast %add3A_408 : i32 to vector<16xi32>
      %add3A_410 = arith.addi %iota3A_407, %add3A_409 : vector<16xi32>
      %gather3A_411 = tpu.vector_load_idx %arg8[%get3A_406] : memref<10000xf32, #tpu.memory_space<vmem>>[vector<16xi32>], vector<16xf32>,
      %gather3A_412 = tpu.vector_load_idx %arg8[%get3A_402] : memref<10000xf32, #tpu.memory_space<vmem>>[vector<16xi32>], vector<16xf32>,
      %sub3A_413 = arith.subf %gather3A_411, %gather3A_412 : vector<16xf32>
      %broadcast_in_dim3A_414 = arith.constant 0 : i32
      %broadcast_in_dim3A_415 = vector.broadcast %broadcast_in_dim3A_414 : i32 to vector<16xi32>
      tpu.vector_store_idx %arg14[%add3A_410, %broadcast_in_dim3A_415], %sub3A_413 : memref<128x8xf32, #tpu.memory_space<vmem>>[vector<16xi32>, vector<16xi32>], vector<16xf32>,
      %gather3A_416 = tpu.vector_load_idx %arg9[%get3A_406] : memref<10000xf32, #tpu.memory_space<vmem>>[vector<16xi32>], vector<16xf32>,
      %gather3A_417 = tpu.vector_load_idx %arg9[%get3A_402] : memref<10000xf32, #tpu.memory_space<vmem>>[vector<16xi32>], vector<16xf32>,
      %sub3A_418 = arith.subf %gather3A_416, %gather3A_417 : vector<16xf32>
      %broadcast_in_dim3A_419 = arith.constant 1 : i32
      %broadcast_in_dim3A_420 = vector.broadcast %broadcast_in_dim3A_419 : i32 to vector<16xi32>
      tpu.vector_store_idx %arg14[%add3A_410, %broadcast_in_dim3A_420], %sub3A_418 : memref<128x8xf32, #tpu.memory_space<vmem>>[vector<16xi32>, vector<16xi32>], vector<16xf32>,
      %gather3A_421 = tpu.vector_load_idx %arg10[%get3A_406] : memref<10000xf32, #tpu.memory_space<vmem>>[vector<16xi32>], vector<16xf32>,
      %gather3A_422 = tpu.vector_load_idx %arg10[%get3A_402] : memref<10000xf32, #tpu.memory_space<vmem>>[vector<16xi32>], vector<16xf32>,
      %sub3A_423 = arith.subf %gather3A_421, %gather3A_422 : vector<16xf32>
      %broadcast_in_dim3A_424 = arith.constant 2 : i32
      %broadcast_in_dim3A_425 = vector.broadcast %broadcast_in_dim3A_424 : i32 to vector<16xi32>
      tpu.vector_store_idx %arg14[%add3A_410, %broadcast_in_dim3A_425], %sub3A_423 : memref<128x8xf32, #tpu.memory_space<vmem>>[vector<16xi32>, vector<16xi32>], vector<16xf32>,
      %add3A_426 = arith.constant 96 : i32
      %add3A_427 = arith.addi %add3A_47, %add3A_426 : i32
      %get3A_428 = arith.index_cast %add3A_427 : i32 to index
      %get3A_429 = tpu.vector_load %arg11[%get3A_428] {strides = array<i32>} : memref<10112xi32, #tpu.memory_space<vmem>>, vector<16xi32>,
      %add3A_430 = arith.constant 96 : i32
      %add3A_431 = arith.addi %add3A_47, %add3A_430 : i32
      %get3A_432 = arith.index_cast %add3A_431 : i32 to index
      %get3A_433 = tpu.vector_load %arg12[%get3A_432] {strides = array<i32>} : memref<10112xi32, #tpu.memory_space<vmem>>, vector<16xi32>,
      %iota3A_434 = tpu.iota {dimensions = array<i32: 0>} : vector<16xi32>
      %add3A_435 = arith.constant 96 : i32
      %add3A_436 = vector.broadcast %add3A_435 : i32 to vector<16xi32>
      %add3A_437 = arith.addi %iota3A_434, %add3A_436 : vector<16xi32>
      %gather3A_438 = tpu.vector_load_idx %arg8[%get3A_433] : memref<10000xf32, #tpu.memory_space<vmem>>[vector<16xi32>], vector<16xf32>,
      %gather3A_439 = tpu.vector_load_idx %arg8[%get3A_429] : memref<10000xf32, #tpu.memory_space<vmem>>[vector<16xi32>], vector<16xf32>,
      %sub3A_440 = arith.subf %gather3A_438, %gather3A_439 : vector<16xf32>
      %broadcast_in_dim3A_441 = arith.constant 0 : i32
      %broadcast_in_dim3A_442 = vector.broadcast %broadcast_in_dim3A_441 : i32 to vector<16xi32>
      tpu.vector_store_idx %arg14[%add3A_437, %broadcast_in_dim3A_442], %sub3A_440 : memref<128x8xf32, #tpu.memory_space<vmem>>[vector<16xi32>, vector<16xi32>], vector<16xf32>,
      %gather3A_443 = tpu.vector_load_idx %arg9[%get3A_433] : memref<10000xf32, #tpu.memory_space<vmem>>[vector<16xi32>], vector<16xf32>,
      %gather3A_444 = tpu.vector_load_idx %arg9[%get3A_429] : memref<10000xf32, #tpu.memory_space<vmem>>[vector<16xi32>], vector<16xf32>,
      %sub3A_445 = arith.subf %gather3A_443, %gather3A_444 : vector<16xf32>
      %broadcast_in_dim3A_446 = arith.constant 1 : i32
      %broadcast_in_dim3A_447 = vector.broadcast %broadcast_in_dim3A_446 : i32 to vector<16xi32>
      tpu.vector_store_idx %arg14[%add3A_437, %broadcast_in_dim3A_447], %sub3A_445 : memref<128x8xf32, #tpu.memory_space<vmem>>[vector<16xi32>, vector<16xi32>], vector<16xf32>,
      %gather3A_448 = tpu.vector_load_idx %arg10[%get3A_433] : memref<10000xf32, #tpu.memory_space<vmem>>[vector<16xi32>], vector<16xf32>,
      %gather3A_449 = tpu.vector_load_idx %arg10[%get3A_429] : memref<10000xf32, #tpu.memory_space<vmem>>[vector<16xi32>], vector<16xf32>,
      %sub3A_450 = arith.subf %gather3A_448, %gather3A_449 : vector<16xf32>
      %broadcast_in_dim3A_451 = arith.constant 2 : i32
      %broadcast_in_dim3A_452 = vector.broadcast %broadcast_in_dim3A_451 : i32 to vector<16xi32>
      tpu.vector_store_idx %arg14[%add3A_437, %broadcast_in_dim3A_452], %sub3A_450 : memref<128x8xf32, #tpu.memory_space<vmem>>[vector<16xi32>, vector<16xi32>], vector<16xf32>,
      %add3A_453 = arith.constant 112 : i32
      %add3A_454 = arith.addi %add3A_47, %add3A_453 : i32
      %get3A_455 = arith.index_cast %add3A_454 : i32 to index
      %get3A_456 = tpu.vector_load %arg11[%get3A_455] {strides = array<i32>} : memref<10112xi32, #tpu.memory_space<vmem>>, vector<16xi32>,
      %add3A_457 = arith.constant 112 : i32
      %add3A_458 = arith.addi %add3A_47, %add3A_457 : i32
      %get3A_459 = arith.index_cast %add3A_458 : i32 to index
      %get3A_460 = tpu.vector_load %arg12[%get3A_459] {strides = array<i32>} : memref<10112xi32, #tpu.memory_space<vmem>>, vector<16xi32>,
      %iota3A_461 = tpu.iota {dimensions = array<i32: 0>} : vector<16xi32>
      %add3A_462 = arith.constant 112 : i32
      %add3A_463 = vector.broadcast %add3A_462 : i32 to vector<16xi32>
      %add3A_464 = arith.addi %iota3A_461, %add3A_463 : vector<16xi32>
      %gather3A_465 = tpu.vector_load_idx %arg8[%get3A_460] : memref<10000xf32, #tpu.memory_space<vmem>>[vector<16xi32>], vector<16xf32>,
      %gather3A_466 = tpu.vector_load_idx %arg8[%get3A_456] : memref<10000xf32, #tpu.memory_space<vmem>>[vector<16xi32>], vector<16xf32>,
      %sub3A_467 = arith.subf %gather3A_465, %gather3A_466 : vector<16xf32>
      %broadcast_in_dim3A_468 = arith.constant 0 : i32
      %broadcast_in_dim3A_469 = vector.broadcast %broadcast_in_dim3A_468 : i32 to vector<16xi32>
      tpu.vector_store_idx %arg14[%add3A_464, %broadcast_in_dim3A_469], %sub3A_467 : memref<128x8xf32, #tpu.memory_space<vmem>>[vector<16xi32>, vector<16xi32>], vector<16xf32>,
      %gather3A_470 = tpu.vector_load_idx %arg9[%get3A_460] : memref<10000xf32, #tpu.memory_space<vmem>>[vector<16xi32>], vector<16xf32>,
      %gather3A_471 = tpu.vector_load_idx %arg9[%get3A_456] : memref<10000xf32, #tpu.memory_space<vmem>>[vector<16xi32>], vector<16xf32>,
      %sub3A_472 = arith.subf %gather3A_470, %gather3A_471 : vector<16xf32>
      %broadcast_in_dim3A_473 = arith.constant 1 : i32
      %broadcast_in_dim3A_474 = vector.broadcast %broadcast_in_dim3A_473 : i32 to vector<16xi32>
      tpu.vector_store_idx %arg14[%add3A_464, %broadcast_in_dim3A_474], %sub3A_472 : memref<128x8xf32, #tpu.memory_space<vmem>>[vector<16xi32>, vector<16xi32>], vector<16xf32>,
      %gather3A_475 = tpu.vector_load_idx %arg10[%get3A_460] : memref<10000xf32, #tpu.memory_space<vmem>>[vector<16xi32>], vector<16xf32>,
      %gather3A_476 = tpu.vector_load_idx %arg10[%get3A_456] : memref<10000xf32, #tpu.memory_space<vmem>>[vector<16xi32>], vector<16xf32>,
      %sub3A_477 = arith.subf %gather3A_475, %gather3A_476 : vector<16xf32>
      %broadcast_in_dim3A_478 = arith.constant 2 : i32
      %broadcast_in_dim3A_479 = vector.broadcast %broadcast_in_dim3A_478 : i32 to vector<16xi32>
      tpu.vector_store_idx %arg14[%add3A_464, %broadcast_in_dim3A_479], %sub3A_477 : memref<128x8xf32, #tpu.memory_space<vmem>>[vector<16xi32>, vector<16xi32>], vector<16xf32>,
      %add3A_480 = arith.addi %mul3A_2, %add3A_47 : i32
      %dma_start3A_481 = arith.constant 0 : i32
      %dma_start3A_482 = tpu.memref_slice %arg7[%add3A_480, %dma_start3A_481] : memref<320000x8xf32, #tpu.memory_space<hbm>> -> memref<128x8xf32, #tpu.memory_space<hbm>>
      %dma_start3A_483 = arith.constant 0 : i32
      %dma_start3A_484 = tpu.memref_slice %arg7[%add3A_480, %dma_start3A_483] : memref<320000x8xf32, #tpu.memory_space<hbm>> -> memref<128x8xf32, #tpu.memory_space<hbm>>
      tpu.enqueue_dma source(%arg14 : memref<128x8xf32, #tpu.memory_space<vmem>>) target(%dma_start3A_484 : memref<128x8xf32, #tpu.memory_space<hbm>>) target_semaphore(%arg16 : memref<!tpu.dma_semaphore, #tpu.memory_space<semaphore_mem>>)
      %dma_wait3A_485 = arith.constant 0 : i32
      %dma_wait3A_486 = tpu.memref_slice %arg7[%add3A_259, %dma_wait3A_485] : memref<320000x8xf32, #tpu.memory_space<hbm>> -> memref<128x8xf32, #tpu.memory_space<hbm>>
      %dma_wait3A_487 = arith.constant 0 : i32
      %dma_wait3A_488 = tpu.memref_slice %arg7[%add3A_259, %dma_wait3A_487] : memref<320000x8xf32, #tpu.memory_space<hbm>> -> memref<128x8xf32, #tpu.memory_space<hbm>>
      tpu.wait_dma2 semaphore(%arg15 : memref<!tpu.dma_semaphore, #tpu.memory_space<semaphore_mem>>) src(%arg13 : memref<128x8xf32, #tpu.memory_space<vmem>>) dst(%dma_wait3A_488 : memref<128x8xf32, #tpu.memory_space<hbm>>)
      %dma_wait3A_489 = arith.constant 0 : i32
      %dma_wait3A_490 = tpu.memref_slice %arg7[%add3A_480, %dma_wait3A_489] : memref<320000x8xf32, #tpu.memory_space<hbm>> -> memref<128x8xf32, #tpu.memory_space<hbm>>
      %dma_wait3A_491 = arith.constant 0 : i32
      %dma_wait3A_492 = tpu.memref_slice %arg7[%add3A_480, %dma_wait3A_491] : memref<320000x8xf32, #tpu.memory_space<hbm>> -> memref<128x8xf32, #tpu.memory_space<hbm>>
      tpu.wait_dma2 semaphore(%arg16 : memref<!tpu.dma_semaphore, #tpu.memory_space<semaphore_mem>>) src(%arg14 : memref<128x8xf32, #tpu.memory_space<vmem>>) dst(%dma_wait3A_492 : memref<128x8xf32, #tpu.memory_space<hbm>>)
    }
    %scan3A_35 = arith.constant 39 : i32
    %lt3A_36 = arith.constant 4 : i32
    %lt3A_37 = arith.cmpi slt, %add3A, %lt3A_36 : i32
    %convert_element_type3A_38 = arith.extui %lt3A_37 : i1 to i32
    %cond3A_39 = arith.constant 0 : i32
    %cond3A_40 = arith.cmpi ne, %convert_element_type3A_38, %cond3A_39 : i32
    scf.if %cond3A_40 {
      %get3A = arith.constant 9984 : index
      %get3A_41 = tpu.vector_load %arg11[%get3A] {strides = array<i32>} : memref<10112xi32, #tpu.memory_space<vmem>>, vector<16xi32>,
      %get3A_42 = arith.constant 9984 : index
      %get3A_43 = tpu.vector_load %arg12[%get3A_42] {strides = array<i32>} : memref<10112xi32, #tpu.memory_space<vmem>>, vector<16xi32>,
      %iota3A = tpu.iota {dimensions = array<i32: 0>} : vector<16xi32>
      %add3A_44 = arith.constant 0 : i32
      %add3A_45 = vector.broadcast %add3A_44 : i32 to vector<16xi32>
      %add3A_46 = arith.addi %iota3A, %add3A_45 : vector<16xi32>
      %gather3A = tpu.vector_load_idx %arg8[%get3A_43] : memref<10000xf32, #tpu.memory_space<vmem>>[vector<16xi32>], vector<16xf32>,
      %gather3A_47 = tpu.vector_load_idx %arg8[%get3A_41] : memref<10000xf32, #tpu.memory_space<vmem>>[vector<16xi32>], vector<16xf32>,
      %sub3A = arith.subf %gather3A, %gather3A_47 : vector<16xf32>
      %broadcast_in_dim3A = arith.constant 0 : i32
      %broadcast_in_dim3A_48 = vector.broadcast %broadcast_in_dim3A : i32 to vector<16xi32>
      tpu.vector_store_idx %arg14[%add3A_46, %broadcast_in_dim3A_48], %sub3A : memref<128x8xf32, #tpu.memory_space<vmem>>[vector<16xi32>, vector<16xi32>], vector<16xf32>,
      %gather3A_49 = tpu.vector_load_idx %arg9[%get3A_43] : memref<10000xf32, #tpu.memory_space<vmem>>[vector<16xi32>], vector<16xf32>,
      %gather3A_50 = tpu.vector_load_idx %arg9[%get3A_41] : memref<10000xf32, #tpu.memory_space<vmem>>[vector<16xi32>], vector<16xf32>,
      %sub3A_51 = arith.subf %gather3A_49, %gather3A_50 : vector<16xf32>
      %broadcast_in_dim3A_52 = arith.constant 1 : i32
      %broadcast_in_dim3A_53 = vector.broadcast %broadcast_in_dim3A_52 : i32 to vector<16xi32>
      tpu.vector_store_idx %arg14[%add3A_46, %broadcast_in_dim3A_53], %sub3A_51 : memref<128x8xf32, #tpu.memory_space<vmem>>[vector<16xi32>, vector<16xi32>], vector<16xf32>,
      %gather3A_54 = tpu.vector_load_idx %arg10[%get3A_43] : memref<10000xf32, #tpu.memory_space<vmem>>[vector<16xi32>], vector<16xf32>,
      %gather3A_55 = tpu.vector_load_idx %arg10[%get3A_41] : memref<10000xf32, #tpu.memory_space<vmem>>[vector<16xi32>], vector<16xf32>,
      %sub3A_56 = arith.subf %gather3A_54, %gather3A_55 : vector<16xf32>
      %broadcast_in_dim3A_57 = arith.constant 2 : i32
      %broadcast_in_dim3A_58 = vector.broadcast %broadcast_in_dim3A_57 : i32 to vector<16xi32>
      tpu.vector_store_idx %arg14[%add3A_46, %broadcast_in_dim3A_58], %sub3A_56 : memref<128x8xf32, #tpu.memory_space<vmem>>[vector<16xi32>, vector<16xi32>], vector<16xf32>,
      %get3A_59 = arith.constant 10000 : index
      %get3A_60 = tpu.vector_load %arg11[%get3A_59] {strides = array<i32>} : memref<10112xi32, #tpu.memory_space<vmem>>, vector<16xi32>,
      %get3A_61 = arith.constant 10000 : index
      %get3A_62 = tpu.vector_load %arg12[%get3A_61] {strides = array<i32>} : memref<10112xi32, #tpu.memory_space<vmem>>, vector<16xi32>,
      %iota3A_63 = tpu.iota {dimensions = array<i32: 0>} : vector<16xi32>
      %add3A_64 = arith.constant 16 : i32
      %add3A_65 = vector.broadcast %add3A_64 : i32 to vector<16xi32>
      %add3A_66 = arith.addi %iota3A_63, %add3A_65 : vector<16xi32>
      %gather3A_67 = tpu.vector_load_idx %arg8[%get3A_62] : memref<10000xf32, #tpu.memory_space<vmem>>[vector<16xi32>], vector<16xf32>,
      %gather3A_68 = tpu.vector_load_idx %arg8[%get3A_60] : memref<10000xf32, #tpu.memory_space<vmem>>[vector<16xi32>], vector<16xf32>,
      %sub3A_69 = arith.subf %gather3A_67, %gather3A_68 : vector<16xf32>
      %broadcast_in_dim3A_70 = arith.constant 0 : i32
      %broadcast_in_dim3A_71 = vector.broadcast %broadcast_in_dim3A_70 : i32 to vector<16xi32>
      tpu.vector_store_idx %arg14[%add3A_66, %broadcast_in_dim3A_71], %sub3A_69 : memref<128x8xf32, #tpu.memory_space<vmem>>[vector<16xi32>, vector<16xi32>], vector<16xf32>,
      %gather3A_72 = tpu.vector_load_idx %arg9[%get3A_62] : memref<10000xf32, #tpu.memory_space<vmem>>[vector<16xi32>], vector<16xf32>,
      %gather3A_73 = tpu.vector_load_idx %arg9[%get3A_60] : memref<10000xf32, #tpu.memory_space<vmem>>[vector<16xi32>], vector<16xf32>,
      %sub3A_74 = arith.subf %gather3A_72, %gather3A_73 : vector<16xf32>
      %broadcast_in_dim3A_75 = arith.constant 1 : i32
      %broadcast_in_dim3A_76 = vector.broadcast %broadcast_in_dim3A_75 : i32 to vector<16xi32>
      tpu.vector_store_idx %arg14[%add3A_66, %broadcast_in_dim3A_76], %sub3A_74 : memref<128x8xf32, #tpu.memory_space<vmem>>[vector<16xi32>, vector<16xi32>], vector<16xf32>,
      %gather3A_77 = tpu.vector_load_idx %arg10[%get3A_62] : memref<10000xf32, #tpu.memory_space<vmem>>[vector<16xi32>], vector<16xf32>,
      %gather3A_78 = tpu.vector_load_idx %arg10[%get3A_60] : memref<10000xf32, #tpu.memory_space<vmem>>[vector<16xi32>], vector<16xf32>,
      %sub3A_79 = arith.subf %gather3A_77, %gather3A_78 : vector<16xf32>
      %broadcast_in_dim3A_80 = arith.constant 2 : i32
      %broadcast_in_dim3A_81 = vector.broadcast %broadcast_in_dim3A_80 : i32 to vector<16xi32>
      tpu.vector_store_idx %arg14[%add3A_66, %broadcast_in_dim3A_81], %sub3A_79 : memref<128x8xf32, #tpu.memory_space<vmem>>[vector<16xi32>, vector<16xi32>], vector<16xf32>,
      %get3A_82 = arith.constant 10016 : index
      %get3A_83 = tpu.vector_load %arg11[%get3A_82] {strides = array<i32>} : memref<10112xi32, #tpu.memory_space<vmem>>, vector<16xi32>,
      %get3A_84 = arith.constant 10016 : index
      %get3A_85 = tpu.vector_load %arg12[%get3A_84] {strides = array<i32>} : memref<10112xi32, #tpu.memory_space<vmem>>, vector<16xi32>,
      %iota3A_86 = tpu.iota {dimensions = array<i32: 0>} : vector<16xi32>
      %add3A_87 = arith.constant 32 : i32
      %add3A_88 = vector.broadcast %add3A_87 : i32 to vector<16xi32>
      %add3A_89 = arith.addi %iota3A_86, %add3A_88 : vector<16xi32>
      %gather3A_90 = tpu.vector_load_idx %arg8[%get3A_85] : memref<10000xf32, #tpu.memory_space<vmem>>[vector<16xi32>], vector<16xf32>,
      %gather3A_91 = tpu.vector_load_idx %arg8[%get3A_83] : memref<10000xf32, #tpu.memory_space<vmem>>[vector<16xi32>], vector<16xf32>,
      %sub3A_92 = arith.subf %gather3A_90, %gather3A_91 : vector<16xf32>
      %broadcast_in_dim3A_93 = arith.constant 0 : i32
      %broadcast_in_dim3A_94 = vector.broadcast %broadcast_in_dim3A_93 : i32 to vector<16xi32>
      tpu.vector_store_idx %arg14[%add3A_89, %broadcast_in_dim3A_94], %sub3A_92 : memref<128x8xf32, #tpu.memory_space<vmem>>[vector<16xi32>, vector<16xi32>], vector<16xf32>,
      %gather3A_95 = tpu.vector_load_idx %arg9[%get3A_85] : memref<10000xf32, #tpu.memory_space<vmem>>[vector<16xi32>], vector<16xf32>,
      %gather3A_96 = tpu.vector_load_idx %arg9[%get3A_83] : memref<10000xf32, #tpu.memory_space<vmem>>[vector<16xi32>], vector<16xf32>,
      %sub3A_97 = arith.subf %gather3A_95, %gather3A_96 : vector<16xf32>
      %broadcast_in_dim3A_98 = arith.constant 1 : i32
      %broadcast_in_dim3A_99 = vector.broadcast %broadcast_in_dim3A_98 : i32 to vector<16xi32>
      tpu.vector_store_idx %arg14[%add3A_89, %broadcast_in_dim3A_99], %sub3A_97 : memref<128x8xf32, #tpu.memory_space<vmem>>[vector<16xi32>, vector<16xi32>], vector<16xf32>,
      %gather3A_100 = tpu.vector_load_idx %arg10[%get3A_85] : memref<10000xf32, #tpu.memory_space<vmem>>[vector<16xi32>], vector<16xf32>,
      %gather3A_101 = tpu.vector_load_idx %arg10[%get3A_83] : memref<10000xf32, #tpu.memory_space<vmem>>[vector<16xi32>], vector<16xf32>,
      %sub3A_102 = arith.subf %gather3A_100, %gather3A_101 : vector<16xf32>
      %broadcast_in_dim3A_103 = arith.constant 2 : i32
      %broadcast_in_dim3A_104 = vector.broadcast %broadcast_in_dim3A_103 : i32 to vector<16xi32>
      tpu.vector_store_idx %arg14[%add3A_89, %broadcast_in_dim3A_104], %sub3A_102 : memref<128x8xf32, #tpu.memory_space<vmem>>[vector<16xi32>, vector<16xi32>], vector<16xf32>,
      %get3A_105 = arith.constant 10032 : index
      %get3A_106 = tpu.vector_load %arg11[%get3A_105] {strides = array<i32>} : memref<10112xi32, #tpu.memory_space<vmem>>, vector<16xi32>,
      %get3A_107 = arith.constant 10032 : index
      %get3A_108 = tpu.vector_load %arg12[%get3A_107] {strides = array<i32>} : memref<10112xi32, #tpu.memory_space<vmem>>, vector<16xi32>,
      %iota3A_109 = tpu.iota {dimensions = array<i32: 0>} : vector<16xi32>
      %add3A_110 = arith.constant 48 : i32
      %add3A_111 = vector.broadcast %add3A_110 : i32 to vector<16xi32>
      %add3A_112 = arith.addi %iota3A_109, %add3A_111 : vector<16xi32>
      %gather3A_113 = tpu.vector_load_idx %arg8[%get3A_108] : memref<10000xf32, #tpu.memory_space<vmem>>[vector<16xi32>], vector<16xf32>,
      %gather3A_114 = tpu.vector_load_idx %arg8[%get3A_106] : memref<10000xf32, #tpu.memory_space<vmem>>[vector<16xi32>], vector<16xf32>,
      %sub3A_115 = arith.subf %gather3A_113, %gather3A_114 : vector<16xf32>
      %broadcast_in_dim3A_116 = arith.constant 0 : i32
      %broadcast_in_dim3A_117 = vector.broadcast %broadcast_in_dim3A_116 : i32 to vector<16xi32>
      tpu.vector_store_idx %arg14[%add3A_112, %broadcast_in_dim3A_117], %sub3A_115 : memref<128x8xf32, #tpu.memory_space<vmem>>[vector<16xi32>, vector<16xi32>], vector<16xf32>,
      %gather3A_118 = tpu.vector_load_idx %arg9[%get3A_108] : memref<10000xf32, #tpu.memory_space<vmem>>[vector<16xi32>], vector<16xf32>,
      %gather3A_119 = tpu.vector_load_idx %arg9[%get3A_106] : memref<10000xf32, #tpu.memory_space<vmem>>[vector<16xi32>], vector<16xf32>,
      %sub3A_120 = arith.subf %gather3A_118, %gather3A_119 : vector<16xf32>
      %broadcast_in_dim3A_121 = arith.constant 1 : i32
      %broadcast_in_dim3A_122 = vector.broadcast %broadcast_in_dim3A_121 : i32 to vector<16xi32>
      tpu.vector_store_idx %arg14[%add3A_112, %broadcast_in_dim3A_122], %sub3A_120 : memref<128x8xf32, #tpu.memory_space<vmem>>[vector<16xi32>, vector<16xi32>], vector<16xf32>,
      %gather3A_123 = tpu.vector_load_idx %arg10[%get3A_108] : memref<10000xf32, #tpu.memory_space<vmem>>[vector<16xi32>], vector<16xf32>,
      %gather3A_124 = tpu.vector_load_idx %arg10[%get3A_106] : memref<10000xf32, #tpu.memory_space<vmem>>[vector<16xi32>], vector<16xf32>,
      %sub3A_125 = arith.subf %gather3A_123, %gather3A_124 : vector<16xf32>
      %broadcast_in_dim3A_126 = arith.constant 2 : i32
      %broadcast_in_dim3A_127 = vector.broadcast %broadcast_in_dim3A_126 : i32 to vector<16xi32>
      tpu.vector_store_idx %arg14[%add3A_112, %broadcast_in_dim3A_127], %sub3A_125 : memref<128x8xf32, #tpu.memory_space<vmem>>[vector<16xi32>, vector<16xi32>], vector<16xf32>,
      %get3A_128 = arith.constant 10048 : index
      %get3A_129 = tpu.vector_load %arg11[%get3A_128] {strides = array<i32>} : memref<10112xi32, #tpu.memory_space<vmem>>, vector<16xi32>,
      %get3A_130 = arith.constant 10048 : index
      %get3A_131 = tpu.vector_load %arg12[%get3A_130] {strides = array<i32>} : memref<10112xi32, #tpu.memory_space<vmem>>, vector<16xi32>,
      %iota3A_132 = tpu.iota {dimensions = array<i32: 0>} : vector<16xi32>
      %add3A_133 = arith.constant 64 : i32
      %add3A_134 = vector.broadcast %add3A_133 : i32 to vector<16xi32>
      %add3A_135 = arith.addi %iota3A_132, %add3A_134 : vector<16xi32>
      %gather3A_136 = tpu.vector_load_idx %arg8[%get3A_131] : memref<10000xf32, #tpu.memory_space<vmem>>[vector<16xi32>], vector<16xf32>,
      %gather3A_137 = tpu.vector_load_idx %arg8[%get3A_129] : memref<10000xf32, #tpu.memory_space<vmem>>[vector<16xi32>], vector<16xf32>,
      %sub3A_138 = arith.subf %gather3A_136, %gather3A_137 : vector<16xf32>
      %broadcast_in_dim3A_139 = arith.constant 0 : i32
      %broadcast_in_dim3A_140 = vector.broadcast %broadcast_in_dim3A_139 : i32 to vector<16xi32>
      tpu.vector_store_idx %arg14[%add3A_135, %broadcast_in_dim3A_140], %sub3A_138 : memref<128x8xf32, #tpu.memory_space<vmem>>[vector<16xi32>, vector<16xi32>], vector<16xf32>,
      %gather3A_141 = tpu.vector_load_idx %arg9[%get3A_131] : memref<10000xf32, #tpu.memory_space<vmem>>[vector<16xi32>], vector<16xf32>,
      %gather3A_142 = tpu.vector_load_idx %arg9[%get3A_129] : memref<10000xf32, #tpu.memory_space<vmem>>[vector<16xi32>], vector<16xf32>,
      %sub3A_143 = arith.subf %gather3A_141, %gather3A_142 : vector<16xf32>
      %broadcast_in_dim3A_144 = arith.constant 1 : i32
      %broadcast_in_dim3A_145 = vector.broadcast %broadcast_in_dim3A_144 : i32 to vector<16xi32>
      tpu.vector_store_idx %arg14[%add3A_135, %broadcast_in_dim3A_145], %sub3A_143 : memref<128x8xf32, #tpu.memory_space<vmem>>[vector<16xi32>, vector<16xi32>], vector<16xf32>,
      %gather3A_146 = tpu.vector_load_idx %arg10[%get3A_131] : memref<10000xf32, #tpu.memory_space<vmem>>[vector<16xi32>], vector<16xf32>,
      %gather3A_147 = tpu.vector_load_idx %arg10[%get3A_129] : memref<10000xf32, #tpu.memory_space<vmem>>[vector<16xi32>], vector<16xf32>,
      %sub3A_148 = arith.subf %gather3A_146, %gather3A_147 : vector<16xf32>
      %broadcast_in_dim3A_149 = arith.constant 2 : i32
      %broadcast_in_dim3A_150 = vector.broadcast %broadcast_in_dim3A_149 : i32 to vector<16xi32>
      tpu.vector_store_idx %arg14[%add3A_135, %broadcast_in_dim3A_150], %sub3A_148 : memref<128x8xf32, #tpu.memory_space<vmem>>[vector<16xi32>, vector<16xi32>], vector<16xf32>,
      %get3A_151 = arith.constant 10064 : index
      %get3A_152 = tpu.vector_load %arg11[%get3A_151] {strides = array<i32>} : memref<10112xi32, #tpu.memory_space<vmem>>, vector<16xi32>,
      %get3A_153 = arith.constant 10064 : index
      %get3A_154 = tpu.vector_load %arg12[%get3A_153] {strides = array<i32>} : memref<10112xi32, #tpu.memory_space<vmem>>, vector<16xi32>,
      %iota3A_155 = tpu.iota {dimensions = array<i32: 0>} : vector<16xi32>
      %add3A_156 = arith.constant 80 : i32
      %add3A_157 = vector.broadcast %add3A_156 : i32 to vector<16xi32>
      %add3A_158 = arith.addi %iota3A_155, %add3A_157 : vector<16xi32>
      %gather3A_159 = tpu.vector_load_idx %arg8[%get3A_154] : memref<10000xf32, #tpu.memory_space<vmem>>[vector<16xi32>], vector<16xf32>,
      %gather3A_160 = tpu.vector_load_idx %arg8[%get3A_152] : memref<10000xf32, #tpu.memory_space<vmem>>[vector<16xi32>], vector<16xf32>,
      %sub3A_161 = arith.subf %gather3A_159, %gather3A_160 : vector<16xf32>
      %broadcast_in_dim3A_162 = arith.constant 0 : i32
      %broadcast_in_dim3A_163 = vector.broadcast %broadcast_in_dim3A_162 : i32 to vector<16xi32>
      tpu.vector_store_idx %arg14[%add3A_158, %broadcast_in_dim3A_163], %sub3A_161 : memref<128x8xf32, #tpu.memory_space<vmem>>[vector<16xi32>, vector<16xi32>], vector<16xf32>,
      %gather3A_164 = tpu.vector_load_idx %arg9[%get3A_154] : memref<10000xf32, #tpu.memory_space<vmem>>[vector<16xi32>], vector<16xf32>,
      %gather3A_165 = tpu.vector_load_idx %arg9[%get3A_152] : memref<10000xf32, #tpu.memory_space<vmem>>[vector<16xi32>], vector<16xf32>,
      %sub3A_166 = arith.subf %gather3A_164, %gather3A_165 : vector<16xf32>
      %broadcast_in_dim3A_167 = arith.constant 1 : i32
      %broadcast_in_dim3A_168 = vector.broadcast %broadcast_in_dim3A_167 : i32 to vector<16xi32>
      tpu.vector_store_idx %arg14[%add3A_158, %broadcast_in_dim3A_168], %sub3A_166 : memref<128x8xf32, #tpu.memory_space<vmem>>[vector<16xi32>, vector<16xi32>], vector<16xf32>,
      %gather3A_169 = tpu.vector_load_idx %arg10[%get3A_154] : memref<10000xf32, #tpu.memory_space<vmem>>[vector<16xi32>], vector<16xf32>,
      %gather3A_170 = tpu.vector_load_idx %arg10[%get3A_152] : memref<10000xf32, #tpu.memory_space<vmem>>[vector<16xi32>], vector<16xf32>,
      %sub3A_171 = arith.subf %gather3A_169, %gather3A_170 : vector<16xf32>
      %broadcast_in_dim3A_172 = arith.constant 2 : i32
      %broadcast_in_dim3A_173 = vector.broadcast %broadcast_in_dim3A_172 : i32 to vector<16xi32>
      tpu.vector_store_idx %arg14[%add3A_158, %broadcast_in_dim3A_173], %sub3A_171 : memref<128x8xf32, #tpu.memory_space<vmem>>[vector<16xi32>, vector<16xi32>], vector<16xf32>,
      %get3A_174 = arith.constant 10080 : index
      %get3A_175 = tpu.vector_load %arg11[%get3A_174] {strides = array<i32>} : memref<10112xi32, #tpu.memory_space<vmem>>, vector<16xi32>,
      %get3A_176 = arith.constant 10080 : index
      %get3A_177 = tpu.vector_load %arg12[%get3A_176] {strides = array<i32>} : memref<10112xi32, #tpu.memory_space<vmem>>, vector<16xi32>,
      %iota3A_178 = tpu.iota {dimensions = array<i32: 0>} : vector<16xi32>
      %add3A_179 = arith.constant 96 : i32
      %add3A_180 = vector.broadcast %add3A_179 : i32 to vector<16xi32>
      %add3A_181 = arith.addi %iota3A_178, %add3A_180 : vector<16xi32>
      %gather3A_182 = tpu.vector_load_idx %arg8[%get3A_177] : memref<10000xf32, #tpu.memory_space<vmem>>[vector<16xi32>], vector<16xf32>,
      %gather3A_183 = tpu.vector_load_idx %arg8[%get3A_175] : memref<10000xf32, #tpu.memory_space<vmem>>[vector<16xi32>], vector<16xf32>,
      %sub3A_184 = arith.subf %gather3A_182, %gather3A_183 : vector<16xf32>
      %broadcast_in_dim3A_185 = arith.constant 0 : i32
      %broadcast_in_dim3A_186 = vector.broadcast %broadcast_in_dim3A_185 : i32 to vector<16xi32>
      tpu.vector_store_idx %arg14[%add3A_181, %broadcast_in_dim3A_186], %sub3A_184 : memref<128x8xf32, #tpu.memory_space<vmem>>[vector<16xi32>, vector<16xi32>], vector<16xf32>,
      %gather3A_187 = tpu.vector_load_idx %arg9[%get3A_177] : memref<10000xf32, #tpu.memory_space<vmem>>[vector<16xi32>], vector<16xf32>,
      %gather3A_188 = tpu.vector_load_idx %arg9[%get3A_175] : memref<10000xf32, #tpu.memory_space<vmem>>[vector<16xi32>], vector<16xf32>,
      %sub3A_189 = arith.subf %gather3A_187, %gather3A_188 : vector<16xf32>
      %broadcast_in_dim3A_190 = arith.constant 1 : i32
      %broadcast_in_dim3A_191 = vector.broadcast %broadcast_in_dim3A_190 : i32 to vector<16xi32>
      tpu.vector_store_idx %arg14[%add3A_181, %broadcast_in_dim3A_191], %sub3A_189 : memref<128x8xf32, #tpu.memory_space<vmem>>[vector<16xi32>, vector<16xi32>], vector<16xf32>,
      %gather3A_192 = tpu.vector_load_idx %arg10[%get3A_177] : memref<10000xf32, #tpu.memory_space<vmem>>[vector<16xi32>], vector<16xf32>,
      %gather3A_193 = tpu.vector_load_idx %arg10[%get3A_175] : memref<10000xf32, #tpu.memory_space<vmem>>[vector<16xi32>], vector<16xf32>,
      %sub3A_194 = arith.subf %gather3A_192, %gather3A_193 : vector<16xf32>
      %broadcast_in_dim3A_195 = arith.constant 2 : i32
      %broadcast_in_dim3A_196 = vector.broadcast %broadcast_in_dim3A_195 : i32 to vector<16xi32>
      tpu.vector_store_idx %arg14[%add3A_181, %broadcast_in_dim3A_196], %sub3A_194 : memref<128x8xf32, #tpu.memory_space<vmem>>[vector<16xi32>, vector<16xi32>], vector<16xf32>,
      %get3A_197 = arith.constant 10096 : index
      %get3A_198 = tpu.vector_load %arg11[%get3A_197] {strides = array<i32>} : memref<10112xi32, #tpu.memory_space<vmem>>, vector<16xi32>,
      %get3A_199 = arith.constant 10096 : index
      %get3A_200 = tpu.vector_load %arg12[%get3A_199] {strides = array<i32>} : memref<10112xi32, #tpu.memory_space<vmem>>, vector<16xi32>,
      %iota3A_201 = tpu.iota {dimensions = array<i32: 0>} : vector<16xi32>
      %add3A_202 = arith.constant 112 : i32
      %add3A_203 = vector.broadcast %add3A_202 : i32 to vector<16xi32>
      %add3A_204 = arith.addi %iota3A_201, %add3A_203 : vector<16xi32>
      %gather3A_205 = tpu.vector_load_idx %arg8[%get3A_200] : memref<10000xf32, #tpu.memory_space<vmem>>[vector<16xi32>], vector<16xf32>,
      %gather3A_206 = tpu.vector_load_idx %arg8[%get3A_198] : memref<10000xf32, #tpu.memory_space<vmem>>[vector<16xi32>], vector<16xf32>,
      %sub3A_207 = arith.subf %gather3A_205, %gather3A_206 : vector<16xf32>
      %broadcast_in_dim3A_208 = arith.constant 0 : i32
      %broadcast_in_dim3A_209 = vector.broadcast %broadcast_in_dim3A_208 : i32 to vector<16xi32>
      tpu.vector_store_idx %arg14[%add3A_204, %broadcast_in_dim3A_209], %sub3A_207 : memref<128x8xf32, #tpu.memory_space<vmem>>[vector<16xi32>, vector<16xi32>], vector<16xf32>,
      %gather3A_210 = tpu.vector_load_idx %arg9[%get3A_200] : memref<10000xf32, #tpu.memory_space<vmem>>[vector<16xi32>], vector<16xf32>,
      %gather3A_211 = tpu.vector_load_idx %arg9[%get3A_198] : memref<10000xf32, #tpu.memory_space<vmem>>[vector<16xi32>], vector<16xf32>,
      %sub3A_212 = arith.subf %gather3A_210, %gather3A_211 : vector<16xf32>
      %broadcast_in_dim3A_213 = arith.constant 1 : i32
      %broadcast_in_dim3A_214 = vector.broadcast %broadcast_in_dim3A_213 : i32 to vector<16xi32>
      tpu.vector_store_idx %arg14[%add3A_204, %broadcast_in_dim3A_214], %sub3A_212 : memref<128x8xf32, #tpu.memory_space<vmem>>[vector<16xi32>, vector<16xi32>], vector<16xf32>,
      %gather3A_215 = tpu.vector_load_idx %arg10[%get3A_200] : memref<10000xf32, #tpu.memory_space<vmem>>[vector<16xi32>], vector<16xf32>,
      %gather3A_216 = tpu.vector_load_idx %arg10[%get3A_198] : memref<10000xf32, #tpu.memory_space<vmem>>[vector<16xi32>], vector<16xf32>,
      %sub3A_217 = arith.subf %gather3A_215, %gather3A_216 : vector<16xf32>
      %broadcast_in_dim3A_218 = arith.constant 2 : i32
      %broadcast_in_dim3A_219 = vector.broadcast %broadcast_in_dim3A_218 : i32 to vector<16xi32>
      tpu.vector_store_idx %arg14[%add3A_204, %broadcast_in_dim3A_219], %sub3A_217 : memref<128x8xf32, #tpu.memory_space<vmem>>[vector<16xi32>, vector<16xi32>], vector<16xf32>,
      "tpu.region"() ({
        %run_scoped3A = tpu.sem_alloc : memref<!tpu.dma_semaphore, #tpu.memory_space<semaphore_mem>>
        %dma_start3A_220 = arith.constant 0 : i32
        %dma_start3A_221 = tpu.memref_slice %arg7[%mul3A_6, %dma_start3A_220] : memref<320000x8xf32, #tpu.memory_space<hbm>> -> memref<128x8xf32, #tpu.memory_space<hbm>>
        %dma_start3A_222 = arith.constant 0 : i32
        %dma_start3A_223 = tpu.memref_slice %arg7[%mul3A_6, %dma_start3A_222] : memref<320000x8xf32, #tpu.memory_space<hbm>> -> memref<128x8xf32, #tpu.memory_space<hbm>>
        tpu.enqueue_dma source(%arg14 : memref<128x8xf32, #tpu.memory_space<vmem>>) target(%dma_start3A_223 : memref<128x8xf32, #tpu.memory_space<hbm>>) target_semaphore(%run_scoped3A : memref<!tpu.dma_semaphore, #tpu.memory_space<semaphore_mem>>)
        %dma_wait3A_224 = arith.constant 0 : i32
        %dma_wait3A_225 = tpu.memref_slice %arg7[%mul3A_6, %dma_wait3A_224] : memref<320000x8xf32, #tpu.memory_space<hbm>> -> memref<128x8xf32, #tpu.memory_space<hbm>>
        %dma_wait3A_226 = arith.constant 0 : i32
        %dma_wait3A_227 = tpu.memref_slice %arg7[%mul3A_6, %dma_wait3A_226] : memref<320000x8xf32, #tpu.memory_space<hbm>> -> memref<128x8xf32, #tpu.memory_space<hbm>>
        tpu.wait_dma2 semaphore(%run_scoped3A : memref<!tpu.dma_semaphore, #tpu.memory_space<semaphore_mem>>) src(%arg14 : memref<128x8xf32, #tpu.memory_space<vmem>>) dst(%dma_wait3A_227 : memref<128x8xf32, #tpu.memory_space<hbm>>)
        tpu.yield
      }) : () -> ()
    } else {
    }
    return
  }
}

#map = affine_map<(d0, d1) -> (0, 0)>
#map1 = affine_map<(d0, d1) -> (0)>
module attributes {stable_mosaic.version = 14 : i64} {
  func.func @body_fn(%arg0: i32, %arg1: i32, %arg2: memref<10000x128xf32, #tpu.memory_space<hbm>>, %arg3: memref<64000xi32, #tpu.memory_space<hbm>>, %arg4: memref<64000x128xf32, #tpu.memory_space<hbm>>, %arg5: memref<2048xi32, #tpu.memory_space<vmem>>, %arg6: memref<128x128xf32, #tpu.memory_space<vmem>>, %arg7: memref<128x128xf32, #tpu.memory_space<vmem>>, %arg8: memref<10000x128xf32, #tpu.memory_space<vmem_shared>>, %arg9: memref<!tpu.dma_semaphore, #tpu.memory_space<semaphore_mem>>, %arg10: memref<!tpu.dma_semaphore, #tpu.memory_space<semaphore_mem>>, %arg11: memref<!tpu.dma_semaphore, #tpu.memory_space<semaphore_mem>>, %arg12: memref<!tpu.dma_semaphore, #tpu.memory_space<semaphore_mem>>) attributes {dimension_semantics = [#tpu.dimension_semantics<core_parallel>, #tpu.dimension_semantics<subcore_parallel>], iteration_bounds = array<i64: 2, 16>, scalar_prefetch = 0 : i64, scratch_operands = 8 : i64, tpu.core_type = #tpu.core_type<sc_vector_subcore>, window_params = [{transform_indices = #map}, {transform_indices = #map1}, {transform_indices = #map}]} {
    %mul3A = arith.constant 2 : i32
    %mul3A_0 = arith.muli %arg1, %mul3A : i32
    %add3A = arith.addi %mul3A_0, %arg0 : i32
    %mul3A_1 = arith.constant 1920 : i32
    %mul3A_2 = arith.muli %add3A, %mul3A_1 : i32
    %add3A_3 = arith.constant 480 : i32
    %add3A_4 = arith.addi %add3A_3, %add3A : i32
    %mul3A_5 = arith.constant 128 : i32
    %mul3A_6 = arith.muli %add3A_4, %mul3A_5 : i32
    %dma_start3A = arith.constant 0 : i32
    %dma_start3A_7 = tpu.memref_slice %arg5[%dma_start3A] : memref<2048xi32, #tpu.memory_space<vmem>> -> memref<1920xi32, #tpu.memory_space<vmem>>
    %dma_start3A_8 = tpu.memref_slice %arg3[%mul3A_2] : memref<64000xi32, #tpu.memory_space<hbm>> -> memref<1920xi32, #tpu.memory_space<hbm>>
    %dma_start3A_9 = arith.constant 0 : i32
    %dma_start3A_10 = tpu.memref_slice %arg5[%dma_start3A_9] : memref<2048xi32, #tpu.memory_space<vmem>> -> memref<1920xi32, #tpu.memory_space<vmem>>
    %dma_start3A_11 = tpu.memref_slice %arg3[%mul3A_2] : memref<64000xi32, #tpu.memory_space<hbm>> -> memref<1920xi32, #tpu.memory_space<hbm>>
    tpu.enqueue_dma source(%dma_start3A_11 : memref<1920xi32, #tpu.memory_space<hbm>>) target(%dma_start3A_10 : memref<1920xi32, #tpu.memory_space<vmem>>) target_semaphore(%arg12 : memref<!tpu.dma_semaphore, #tpu.memory_space<semaphore_mem>>)
    %lt3A = arith.constant 20 : i32
    %lt3A_12 = arith.cmpi slt, %add3A, %lt3A : i32
    %convert_element_type3A = arith.extui %lt3A_12 : i1 to i32
    %cond3A = arith.constant 0 : i32
    %cond3A_13 = arith.cmpi ne, %convert_element_type3A, %cond3A : i32
    scf.if %cond3A_13 {
      "tpu.region"() ({
        %run_scoped3A = tpu.sem_alloc : memref<!tpu.dma_semaphore, #tpu.memory_space<semaphore_mem>>
        %dma_start3A_47 = arith.constant 1920 : i32
        %dma_start3A_48 = tpu.memref_slice %arg5[%dma_start3A_47] : memref<2048xi32, #tpu.memory_space<vmem>> -> memref<128xi32, #tpu.memory_space<vmem>>
        %dma_start3A_49 = tpu.memref_slice %arg3[%mul3A_6] : memref<64000xi32, #tpu.memory_space<hbm>> -> memref<128xi32, #tpu.memory_space<hbm>>
        %dma_start3A_50 = arith.constant 1920 : i32
        %dma_start3A_51 = tpu.memref_slice %arg5[%dma_start3A_50] : memref<2048xi32, #tpu.memory_space<vmem>> -> memref<128xi32, #tpu.memory_space<vmem>>
        %dma_start3A_52 = tpu.memref_slice %arg3[%mul3A_6] : memref<64000xi32, #tpu.memory_space<hbm>> -> memref<128xi32, #tpu.memory_space<hbm>>
        tpu.enqueue_dma source(%dma_start3A_52 : memref<128xi32, #tpu.memory_space<hbm>>) target(%dma_start3A_51 : memref<128xi32, #tpu.memory_space<vmem>>) target_semaphore(%run_scoped3A : memref<!tpu.dma_semaphore, #tpu.memory_space<semaphore_mem>>)
        %dma_wait3A_53 = arith.constant 1920 : i32
        %dma_wait3A_54 = tpu.memref_slice %arg5[%dma_wait3A_53] : memref<2048xi32, #tpu.memory_space<vmem>> -> memref<128xi32, #tpu.memory_space<vmem>>
        %dma_wait3A_55 = tpu.memref_slice %arg3[%mul3A_6] : memref<64000xi32, #tpu.memory_space<hbm>> -> memref<128xi32, #tpu.memory_space<hbm>>
        %dma_wait3A_56 = arith.constant 1920 : i32
        %dma_wait3A_57 = tpu.memref_slice %arg5[%dma_wait3A_56] : memref<2048xi32, #tpu.memory_space<vmem>> -> memref<128xi32, #tpu.memory_space<vmem>>
        %dma_wait3A_58 = tpu.memref_slice %arg3[%mul3A_6] : memref<64000xi32, #tpu.memory_space<hbm>> -> memref<128xi32, #tpu.memory_space<hbm>>
        tpu.wait_dma2 semaphore(%run_scoped3A : memref<!tpu.dma_semaphore, #tpu.memory_space<semaphore_mem>>) src(%dma_wait3A_58 : memref<128xi32, #tpu.memory_space<hbm>>) dst(%dma_wait3A_57 : memref<128xi32, #tpu.memory_space<vmem>>)
        tpu.yield
      }) : () -> ()
    } else {
    }
    %mul3A_14 = arith.constant 624 : i32
    %mul3A_15 = arith.muli %arg1, %mul3A_14 : i32
    "tpu.region"() ({
      %run_scoped3A = tpu.sem_alloc : memref<!tpu.dma_semaphore, #tpu.memory_space<semaphore_mem>>
      %dma_start3A_47 = arith.constant 0 : i32
      %dma_start3A_48 = tpu.memref_slice %arg8[%mul3A_15, %dma_start3A_47] : memref<10000x128xf32, #tpu.memory_space<vmem_shared>> -> memref<624x128xf32, #tpu.memory_space<vmem_shared>>
      %dma_start3A_49 = arith.constant 0 : i32
      %dma_start3A_50 = tpu.memref_slice %arg2[%mul3A_15, %dma_start3A_49] : memref<10000x128xf32, #tpu.memory_space<hbm>> -> memref<624x128xf32, #tpu.memory_space<hbm>>
      tpu.enqueue_dma source(%dma_start3A_50 : memref<624x128xf32, #tpu.memory_space<hbm>>) target(%dma_start3A_48 : memref<624x128xf32, #tpu.memory_space<vmem_shared>>) target_semaphore(%run_scoped3A : memref<!tpu.dma_semaphore, #tpu.memory_space<semaphore_mem>>)
      %dma_wait3A_51 = arith.constant 0 : i32
      %dma_wait3A_52 = tpu.memref_slice %arg8[%mul3A_15, %dma_wait3A_51] : memref<10000x128xf32, #tpu.memory_space<vmem_shared>> -> memref<624x128xf32, #tpu.memory_space<vmem_shared>>
      %dma_wait3A_53 = arith.constant 0 : i32
      %dma_wait3A_54 = tpu.memref_slice %arg2[%mul3A_15, %dma_wait3A_53] : memref<10000x128xf32, #tpu.memory_space<hbm>> -> memref<624x128xf32, #tpu.memory_space<hbm>>
      tpu.wait_dma2 semaphore(%run_scoped3A : memref<!tpu.dma_semaphore, #tpu.memory_space<semaphore_mem>>) src(%dma_wait3A_54 : memref<624x128xf32, #tpu.memory_space<hbm>>) dst(%dma_wait3A_52 : memref<624x128xf32, #tpu.memory_space<vmem_shared>>)
      tpu.yield
    }) : () -> ()
    %eq3A = arith.constant 15 : i32
    %eq3A_16 = arith.cmpi eq, %arg1, %eq3A : i32
    %convert_element_type3A_17 = arith.extui %eq3A_16 : i1 to i32
    %cond3A_18 = arith.constant 0 : i32
    %cond3A_19 = arith.cmpi ne, %convert_element_type3A_17, %cond3A_18 : i32
    scf.if %cond3A_19 {
      "tpu.region"() ({
        %run_scoped3A = tpu.sem_alloc : memref<!tpu.dma_semaphore, #tpu.memory_space<semaphore_mem>>
        %dma_start3A_47 = arith.constant 9984 : i32
        %dma_start3A_48 = arith.constant 0 : i32
        %dma_start3A_49 = tpu.memref_slice %arg8[%dma_start3A_47, %dma_start3A_48] : memref<10000x128xf32, #tpu.memory_space<vmem_shared>> -> memref<16x128xf32, #tpu.memory_space<vmem_shared>>
        %dma_start3A_50 = arith.constant 9984 : i32
        %dma_start3A_51 = arith.constant 0 : i32
        %dma_start3A_52 = tpu.memref_slice %arg2[%dma_start3A_50, %dma_start3A_51] : memref<10000x128xf32, #tpu.memory_space<hbm>> -> memref<16x128xf32, #tpu.memory_space<hbm>>
        tpu.enqueue_dma source(%dma_start3A_52 : memref<16x128xf32, #tpu.memory_space<hbm>>) target(%dma_start3A_49 : memref<16x128xf32, #tpu.memory_space<vmem_shared>>) target_semaphore(%run_scoped3A : memref<!tpu.dma_semaphore, #tpu.memory_space<semaphore_mem>>)
        %dma_wait3A_53 = arith.constant 9984 : i32
        %dma_wait3A_54 = arith.constant 0 : i32
        %dma_wait3A_55 = tpu.memref_slice %arg8[%dma_wait3A_53, %dma_wait3A_54] : memref<10000x128xf32, #tpu.memory_space<vmem_shared>> -> memref<16x128xf32, #tpu.memory_space<vmem_shared>>
        %dma_wait3A_56 = arith.constant 9984 : i32
        %dma_wait3A_57 = arith.constant 0 : i32
        %dma_wait3A_58 = tpu.memref_slice %arg2[%dma_wait3A_56, %dma_wait3A_57] : memref<10000x128xf32, #tpu.memory_space<hbm>> -> memref<16x128xf32, #tpu.memory_space<hbm>>
        tpu.wait_dma2 semaphore(%run_scoped3A : memref<!tpu.dma_semaphore, #tpu.memory_space<semaphore_mem>>) src(%dma_wait3A_58 : memref<16x128xf32, #tpu.memory_space<hbm>>) dst(%dma_wait3A_55 : memref<16x128xf32, #tpu.memory_space<vmem_shared>>)
        tpu.yield
      }) : () -> ()
    } else {
    }
    %barrier3A = arith.constant 0 : index
    tpu.barrier barrier_id(%barrier3A)
    %dma_wait3A = arith.constant 0 : i32
    %dma_wait3A_20 = tpu.memref_slice %arg5[%dma_wait3A] : memref<2048xi32, #tpu.memory_space<vmem>> -> memref<1920xi32, #tpu.memory_space<vmem>>
    %dma_wait3A_21 = tpu.memref_slice %arg3[%mul3A_2] : memref<64000xi32, #tpu.memory_space<hbm>> -> memref<1920xi32, #tpu.memory_space<hbm>>
    %dma_wait3A_22 = arith.constant 0 : i32
    %dma_wait3A_23 = tpu.memref_slice %arg5[%dma_wait3A_22] : memref<2048xi32, #tpu.memory_space<vmem>> -> memref<1920xi32, #tpu.memory_space<vmem>>
    %dma_wait3A_24 = tpu.memref_slice %arg3[%mul3A_2] : memref<64000xi32, #tpu.memory_space<hbm>> -> memref<1920xi32, #tpu.memory_space<hbm>>
    tpu.wait_dma2 semaphore(%arg12 : memref<!tpu.dma_semaphore, #tpu.memory_space<semaphore_mem>>) src(%dma_wait3A_24 : memref<1920xi32, #tpu.memory_space<hbm>>) dst(%dma_wait3A_23 : memref<1920xi32, #tpu.memory_space<vmem>>)
    %scan3A = arith.constant 0 : i32
    %scan3A_25 = arith.constant 0 : i32
    %scan3A_26 = arith.constant 7 : i32
    %scan3A_27 = arith.addi %scan3A_25, %scan3A_26 : i32
    %scan3A_28 = arith.constant 1 : i32
    scf.for %scan3A_47 = %scan3A_25 to %scan3A_27 step %scan3A_28  : i32 {
      %mul3A_48 = arith.constant 2 : i32
      %mul3A_49 = arith.muli %mul3A_48, %scan3A_47 : i32
      %mul3A_50 = arith.constant 128 : i32
      %mul3A_51 = arith.muli %mul3A_49, %mul3A_50 : i32
      %add3A_52 = arith.constant 128 : i32
      %add3A_53 = arith.addi %mul3A_51, %add3A_52 : i32
      %dma_start3A_54 = tpu.memref_slice %arg5[%mul3A_51] : memref<2048xi32, #tpu.memory_space<vmem>> -> memref<128xi32, #tpu.memory_space<vmem>>
      %dma_start3A_55 = arith.constant 0 : i32
      %dma_start3A_56 = arith.constant 0 : i32
      %dma_start3A_57 = tpu.memref_slice %arg8[%dma_start3A_55, %dma_start3A_56] : memref<10000x128xf32, #tpu.memory_space<vmem_shared>> -> memref<10000x128xf32, #tpu.memory_space<vmem_shared>>
      tpu.enqueue_indirect_dma source(%dma_start3A_57 : memref<10000x128xf32, #tpu.memory_space<vmem_shared>>) target(%arg6 : memref<128x128xf32, #tpu.memory_space<vmem>>) offsets(%dma_start3A_54 : memref<128xi32, #tpu.memory_space<vmem>>) semaphore(%arg9 : memref<!tpu.dma_semaphore, #tpu.memory_space<semaphore_mem>>)
      %dma_start3A_58 = tpu.memref_slice %arg5[%add3A_53] : memref<2048xi32, #tpu.memory_space<vmem>> -> memref<128xi32, #tpu.memory_space<vmem>>
      %dma_start3A_59 = arith.constant 0 : i32
      %dma_start3A_60 = arith.constant 0 : i32
      %dma_start3A_61 = tpu.memref_slice %arg8[%dma_start3A_59, %dma_start3A_60] : memref<10000x128xf32, #tpu.memory_space<vmem_shared>> -> memref<10000x128xf32, #tpu.memory_space<vmem_shared>>
      tpu.enqueue_indirect_dma source(%dma_start3A_61 : memref<10000x128xf32, #tpu.memory_space<vmem_shared>>) target(%arg7 : memref<128x128xf32, #tpu.memory_space<vmem>>) offsets(%dma_start3A_58 : memref<128xi32, #tpu.memory_space<vmem>>) semaphore(%arg10 : memref<!tpu.dma_semaphore, #tpu.memory_space<semaphore_mem>>)
      %dma_wait3A_62 = tpu.memref_slice %arg5[%mul3A_51] : memref<2048xi32, #tpu.memory_space<vmem>> -> memref<128xi32, #tpu.memory_space<vmem>>
      %dma_wait3A_63 = arith.constant 0 : i32
      %dma_wait3A_64 = arith.constant 0 : i32
      %dma_wait3A_65 = tpu.memref_slice %arg8[%dma_wait3A_63, %dma_wait3A_64] : memref<10000x128xf32, #tpu.memory_space<vmem_shared>> -> memref<10000x128xf32, #tpu.memory_space<vmem_shared>>
      tpu.wait_indirect_dma semaphore(%arg9 : memref<!tpu.dma_semaphore, #tpu.memory_space<semaphore_mem>>) src(%dma_wait3A_65 : memref<10000x128xf32, #tpu.memory_space<vmem_shared>>) dst(%arg6 : memref<128x128xf32, #tpu.memory_space<vmem>>)
      %add3A_66 = arith.addi %mul3A_2, %mul3A_51 : i32
      %dma_start3A_67 = arith.constant 0 : i32
      %dma_start3A_68 = tpu.memref_slice %arg4[%add3A_66, %dma_start3A_67] : memref<64000x128xf32, #tpu.memory_space<hbm>> -> memref<128x128xf32, #tpu.memory_space<hbm>>
      %dma_start3A_69 = arith.constant 0 : i32
      %dma_start3A_70 = tpu.memref_slice %arg4[%add3A_66, %dma_start3A_69] : memref<64000x128xf32, #tpu.memory_space<hbm>> -> memref<128x128xf32, #tpu.memory_space<hbm>>
      tpu.enqueue_dma source(%arg6 : memref<128x128xf32, #tpu.memory_space<vmem>>) target(%dma_start3A_70 : memref<128x128xf32, #tpu.memory_space<hbm>>) target_semaphore(%arg11 : memref<!tpu.dma_semaphore, #tpu.memory_space<semaphore_mem>>)
      %dma_wait3A_71 = tpu.memref_slice %arg5[%add3A_53] : memref<2048xi32, #tpu.memory_space<vmem>> -> memref<128xi32, #tpu.memory_space<vmem>>
      %dma_wait3A_72 = arith.constant 0 : i32
      %dma_wait3A_73 = arith.constant 0 : i32
      %dma_wait3A_74 = tpu.memref_slice %arg8[%dma_wait3A_72, %dma_wait3A_73] : memref<10000x128xf32, #tpu.memory_space<vmem_shared>> -> memref<10000x128xf32, #tpu.memory_space<vmem_shared>>
      tpu.wait_indirect_dma semaphore(%arg10 : memref<!tpu.dma_semaphore, #tpu.memory_space<semaphore_mem>>) src(%dma_wait3A_74 : memref<10000x128xf32, #tpu.memory_space<vmem_shared>>) dst(%arg7 : memref<128x128xf32, #tpu.memory_space<vmem>>)
      %add3A_75 = arith.addi %mul3A_2, %add3A_53 : i32
      %dma_start3A_76 = arith.constant 0 : i32
      %dma_start3A_77 = tpu.memref_slice %arg4[%add3A_75, %dma_start3A_76] : memref<64000x128xf32, #tpu.memory_space<hbm>> -> memref<128x128xf32, #tpu.memory_space<hbm>>
      %dma_start3A_78 = arith.constant 0 : i32
      %dma_start3A_79 = tpu.memref_slice %arg4[%add3A_75, %dma_start3A_78] : memref<64000x128xf32, #tpu.memory_space<hbm>> -> memref<128x128xf32, #tpu.memory_space<hbm>>
      tpu.enqueue_dma source(%arg7 : memref<128x128xf32, #tpu.memory_space<vmem>>) target(%dma_start3A_79 : memref<128x128xf32, #tpu.memory_space<hbm>>) target_semaphore(%arg12 : memref<!tpu.dma_semaphore, #tpu.memory_space<semaphore_mem>>)
      %dma_wait3A_80 = arith.constant 0 : i32
      %dma_wait3A_81 = tpu.memref_slice %arg4[%add3A_66, %dma_wait3A_80] : memref<64000x128xf32, #tpu.memory_space<hbm>> -> memref<128x128xf32, #tpu.memory_space<hbm>>
      %dma_wait3A_82 = arith.constant 0 : i32
      %dma_wait3A_83 = tpu.memref_slice %arg4[%add3A_66, %dma_wait3A_82] : memref<64000x128xf32, #tpu.memory_space<hbm>> -> memref<128x128xf32, #tpu.memory_space<hbm>>
      tpu.wait_dma2 semaphore(%arg11 : memref<!tpu.dma_semaphore, #tpu.memory_space<semaphore_mem>>) src(%arg6 : memref<128x128xf32, #tpu.memory_space<vmem>>) dst(%dma_wait3A_83 : memref<128x128xf32, #tpu.memory_space<hbm>>)
      %dma_wait3A_84 = arith.constant 0 : i32
      %dma_wait3A_85 = tpu.memref_slice %arg4[%add3A_75, %dma_wait3A_84] : memref<64000x128xf32, #tpu.memory_space<hbm>> -> memref<128x128xf32, #tpu.memory_space<hbm>>
      %dma_wait3A_86 = arith.constant 0 : i32
      %dma_wait3A_87 = tpu.memref_slice %arg4[%add3A_75, %dma_wait3A_86] : memref<64000x128xf32, #tpu.memory_space<hbm>> -> memref<128x128xf32, #tpu.memory_space<hbm>>
      tpu.wait_dma2 semaphore(%arg12 : memref<!tpu.dma_semaphore, #tpu.memory_space<semaphore_mem>>) src(%arg7 : memref<128x128xf32, #tpu.memory_space<vmem>>) dst(%dma_wait3A_87 : memref<128x128xf32, #tpu.memory_space<hbm>>)
    }
    %scan3A_29 = arith.constant 7 : i32
    %dma_start3A_30 = arith.constant 1792 : i32
    %dma_start3A_31 = tpu.memref_slice %arg5[%dma_start3A_30] : memref<2048xi32, #tpu.memory_space<vmem>> -> memref<128xi32, #tpu.memory_space<vmem>>
    %dma_start3A_32 = arith.constant 0 : i32
    %dma_start3A_33 = arith.constant 0 : i32
    %dma_start3A_34 = tpu.memref_slice %arg8[%dma_start3A_32, %dma_start3A_33] : memref<10000x128xf32, #tpu.memory_space<vmem_shared>> -> memref<10000x128xf32, #tpu.memory_space<vmem_shared>>
    tpu.enqueue_indirect_dma source(%dma_start3A_34 : memref<10000x128xf32, #tpu.memory_space<vmem_shared>>) target(%arg6 : memref<128x128xf32, #tpu.memory_space<vmem>>) offsets(%dma_start3A_31 : memref<128xi32, #tpu.memory_space<vmem>>) semaphore(%arg9 : memref<!tpu.dma_semaphore, #tpu.memory_space<semaphore_mem>>)
    %dma_wait3A_35 = arith.constant 1792 : i32
    %dma_wait3A_36 = tpu.memref_slice %arg5[%dma_wait3A_35] : memref<2048xi32, #tpu.memory_space<vmem>> -> memref<128xi32, #tpu.memory_space<vmem>>
    %dma_wait3A_37 = arith.constant 0 : i32
    %dma_wait3A_38 = arith.constant 0 : i32
    %dma_wait3A_39 = tpu.memref_slice %arg8[%dma_wait3A_37, %dma_wait3A_38] : memref<10000x128xf32, #tpu.memory_space<vmem_shared>> -> memref<10000x128xf32, #tpu.memory_space<vmem_shared>>
    tpu.wait_indirect_dma semaphore(%arg9 : memref<!tpu.dma_semaphore, #tpu.memory_space<semaphore_mem>>) src(%dma_wait3A_39 : memref<10000x128xf32, #tpu.memory_space<vmem_shared>>) dst(%arg6 : memref<128x128xf32, #tpu.memory_space<vmem>>)
    %add3A_40 = arith.constant 1792 : i32
    %add3A_41 = arith.addi %mul3A_2, %add3A_40 : i32
    "tpu.region"() ({
      %run_scoped3A = tpu.sem_alloc : memref<!tpu.dma_semaphore, #tpu.memory_space<semaphore_mem>>
      %dma_start3A_47 = arith.constant 0 : i32
      %dma_start3A_48 = tpu.memref_slice %arg4[%add3A_41, %dma_start3A_47] : memref<64000x128xf32, #tpu.memory_space<hbm>> -> memref<128x128xf32, #tpu.memory_space<hbm>>
      %dma_start3A_49 = arith.constant 0 : i32
      %dma_start3A_50 = tpu.memref_slice %arg4[%add3A_41, %dma_start3A_49] : memref<64000x128xf32, #tpu.memory_space<hbm>> -> memref<128x128xf32, #tpu.memory_space<hbm>>
      tpu.enqueue_dma source(%arg6 : memref<128x128xf32, #tpu.memory_space<vmem>>) target(%dma_start3A_50 : memref<128x128xf32, #tpu.memory_space<hbm>>) target_semaphore(%run_scoped3A : memref<!tpu.dma_semaphore, #tpu.memory_space<semaphore_mem>>)
      %dma_wait3A_51 = arith.constant 0 : i32
      %dma_wait3A_52 = tpu.memref_slice %arg4[%add3A_41, %dma_wait3A_51] : memref<64000x128xf32, #tpu.memory_space<hbm>> -> memref<128x128xf32, #tpu.memory_space<hbm>>
      %dma_wait3A_53 = arith.constant 0 : i32
      %dma_wait3A_54 = tpu.memref_slice %arg4[%add3A_41, %dma_wait3A_53] : memref<64000x128xf32, #tpu.memory_space<hbm>> -> memref<128x128xf32, #tpu.memory_space<hbm>>
      tpu.wait_dma2 semaphore(%run_scoped3A : memref<!tpu.dma_semaphore, #tpu.memory_space<semaphore_mem>>) src(%arg6 : memref<128x128xf32, #tpu.memory_space<vmem>>) dst(%dma_wait3A_54 : memref<128x128xf32, #tpu.memory_space<hbm>>)
      tpu.yield
    }) : () -> ()
    %lt3A_42 = arith.constant 20 : i32
    %lt3A_43 = arith.cmpi slt, %add3A, %lt3A_42 : i32
    %convert_element_type3A_44 = arith.extui %lt3A_43 : i1 to i32
    %cond3A_45 = arith.constant 0 : i32
    %cond3A_46 = arith.cmpi ne, %convert_element_type3A_44, %cond3A_45 : i32
    scf.if %cond3A_46 {
      %dma_start3A_47 = arith.constant 1920 : i32
      %dma_start3A_48 = tpu.memref_slice %arg5[%dma_start3A_47] : memref<2048xi32, #tpu.memory_space<vmem>> -> memref<128xi32, #tpu.memory_space<vmem>>
      %dma_start3A_49 = arith.constant 0 : i32
      %dma_start3A_50 = arith.constant 0 : i32
      %dma_start3A_51 = tpu.memref_slice %arg8[%dma_start3A_49, %dma_start3A_50] : memref<10000x128xf32, #tpu.memory_space<vmem_shared>> -> memref<10000x128xf32, #tpu.memory_space<vmem_shared>>
      tpu.enqueue_indirect_dma source(%dma_start3A_51 : memref<10000x128xf32, #tpu.memory_space<vmem_shared>>) target(%arg7 : memref<128x128xf32, #tpu.memory_space<vmem>>) offsets(%dma_start3A_48 : memref<128xi32, #tpu.memory_space<vmem>>) semaphore(%arg10 : memref<!tpu.dma_semaphore, #tpu.memory_space<semaphore_mem>>)
      %dma_wait3A_52 = arith.constant 1920 : i32
      %dma_wait3A_53 = tpu.memref_slice %arg5[%dma_wait3A_52] : memref<2048xi32, #tpu.memory_space<vmem>> -> memref<128xi32, #tpu.memory_space<vmem>>
      %dma_wait3A_54 = arith.constant 0 : i32
      %dma_wait3A_55 = arith.constant 0 : i32
      %dma_wait3A_56 = tpu.memref_slice %arg8[%dma_wait3A_54, %dma_wait3A_55] : memref<10000x128xf32, #tpu.memory_space<vmem_shared>> -> memref<10000x128xf32, #tpu.memory_space<vmem_shared>>
      tpu.wait_indirect_dma semaphore(%arg10 : memref<!tpu.dma_semaphore, #tpu.memory_space<semaphore_mem>>) src(%dma_wait3A_56 : memref<10000x128xf32, #tpu.memory_space<vmem_shared>>) dst(%arg7 : memref<128x128xf32, #tpu.memory_space<vmem>>)
      "tpu.region"() ({
        %run_scoped3A = tpu.sem_alloc : memref<!tpu.dma_semaphore, #tpu.memory_space<semaphore_mem>>
        %dma_start3A_57 = arith.constant 0 : i32
        %dma_start3A_58 = tpu.memref_slice %arg4[%mul3A_6, %dma_start3A_57] : memref<64000x128xf32, #tpu.memory_space<hbm>> -> memref<128x128xf32, #tpu.memory_space<hbm>>
        %dma_start3A_59 = arith.constant 0 : i32
        %dma_start3A_60 = tpu.memref_slice %arg4[%mul3A_6, %dma_start3A_59] : memref<64000x128xf32, #tpu.memory_space<hbm>> -> memref<128x128xf32, #tpu.memory_space<hbm>>
        tpu.enqueue_dma source(%arg7 : memref<128x128xf32, #tpu.memory_space<vmem>>) target(%dma_start3A_60 : memref<128x128xf32, #tpu.memory_space<hbm>>) target_semaphore(%run_scoped3A : memref<!tpu.dma_semaphore, #tpu.memory_space<semaphore_mem>>)
        %dma_wait3A_61 = arith.constant 0 : i32
        %dma_wait3A_62 = tpu.memref_slice %arg4[%mul3A_6, %dma_wait3A_61] : memref<64000x128xf32, #tpu.memory_space<hbm>> -> memref<128x128xf32, #tpu.memory_space<hbm>>
        %dma_wait3A_63 = arith.constant 0 : i32
        %dma_wait3A_64 = tpu.memref_slice %arg4[%mul3A_6, %dma_wait3A_63] : memref<64000x128xf32, #tpu.memory_space<hbm>> -> memref<128x128xf32, #tpu.memory_space<hbm>>
        tpu.wait_dma2 semaphore(%run_scoped3A : memref<!tpu.dma_semaphore, #tpu.memory_space<semaphore_mem>>) src(%arg7 : memref<128x128xf32, #tpu.memory_space<vmem>>) dst(%dma_wait3A_64 : memref<128x128xf32, #tpu.memory_space<hbm>>)
        tpu.yield
      }) : () -> ()
    } else {
    }
    return
  }
}

#map = affine_map<(d0, d1) -> (0, 0)>
module attributes {stable_mosaic.version = 14 : i64} {
  func.func @body_fn(%arg0: i32, %arg1: i32, %arg2: memref<64000x128xf32, #tpu.memory_space<hbm>>, %arg3: memref<504x128xi32, #tpu.memory_space<hbm>>, %arg4: memref<20000x128xf32, #tpu.memory_space<hbm>>, %arg5: memref<20000x128xf32, #tpu.memory_space<hbm>>, %arg6: memref<48x128xi32, #tpu.memory_space<vmem>>, %arg7: memref<128x128xf32, #tpu.memory_space<vmem>>, %arg8: memref<128x128xf32, #tpu.memory_space<vmem>>, %arg9: memref<10000x128xf32, #tpu.memory_space<vmem_shared>>, %arg10: memref<!tpu.dma_semaphore, #tpu.memory_space<semaphore_mem>>, %arg11: memref<!tpu.dma_semaphore, #tpu.memory_space<semaphore_mem>>) attributes {dimension_semantics = [#tpu.dimension_semantics<core_parallel>, #tpu.dimension_semantics<subcore_parallel>], iteration_bounds = array<i64: 2, 16>, scalar_prefetch = 0 : i64, scratch_operands = 6 : i64, tpu.core_type = #tpu.core_type<sc_vector_subcore>, window_params = [{transform_indices = #map}, {transform_indices = #map}, {transform_indices = #map}, {transform_indices = #map}]} {
    %mul3A = arith.constant 2 : i32
    %mul3A_0 = arith.muli %arg1, %mul3A : i32
    %add3A = arith.addi %mul3A_0, %arg0 : i32
    %mul3A_1 = arith.constant 624 : i32
    %mul3A_2 = arith.muli %arg1, %mul3A_1 : i32
    %mul3A_3 = arith.constant 10000 : i32
    %mul3A_4 = arith.muli %arg0, %mul3A_3 : i32
    %add3A_5 = arith.addi %mul3A_4, %mul3A_2 : i32
    "tpu.region"() ({
      %run_scoped3A = tpu.sem_alloc : memref<!tpu.dma_semaphore, #tpu.memory_space<semaphore_mem>>
      %dma_start3A_64 = arith.constant 0 : i32
      %dma_start3A_65 = tpu.memref_slice %arg9[%mul3A_2, %dma_start3A_64] : memref<10000x128xf32, #tpu.memory_space<vmem_shared>> -> memref<624x128xf32, #tpu.memory_space<vmem_shared>>
      %dma_start3A_66 = arith.constant 0 : i32
      %dma_start3A_67 = tpu.memref_slice %arg4[%add3A_5, %dma_start3A_66] : memref<20000x128xf32, #tpu.memory_space<hbm>> -> memref<624x128xf32, #tpu.memory_space<hbm>>
      tpu.enqueue_dma source(%dma_start3A_67 : memref<624x128xf32, #tpu.memory_space<hbm>>) target(%dma_start3A_65 : memref<624x128xf32, #tpu.memory_space<vmem_shared>>) target_semaphore(%run_scoped3A : memref<!tpu.dma_semaphore, #tpu.memory_space<semaphore_mem>>)
      %dma_wait3A_68 = arith.constant 0 : i32
      %dma_wait3A_69 = tpu.memref_slice %arg9[%mul3A_2, %dma_wait3A_68] : memref<10000x128xf32, #tpu.memory_space<vmem_shared>> -> memref<624x128xf32, #tpu.memory_space<vmem_shared>>
      %dma_wait3A_70 = arith.constant 0 : i32
      %dma_wait3A_71 = tpu.memref_slice %arg4[%add3A_5, %dma_wait3A_70] : memref<20000x128xf32, #tpu.memory_space<hbm>> -> memref<624x128xf32, #tpu.memory_space<hbm>>
      tpu.wait_dma2 semaphore(%run_scoped3A : memref<!tpu.dma_semaphore, #tpu.memory_space<semaphore_mem>>) src(%dma_wait3A_71 : memref<624x128xf32, #tpu.memory_space<hbm>>) dst(%dma_wait3A_69 : memref<624x128xf32, #tpu.memory_space<vmem_shared>>)
      tpu.yield
    }) : () -> ()
    %eq3A = arith.constant 15 : i32
    %eq3A_6 = arith.cmpi eq, %arg1, %eq3A : i32
    %convert_element_type3A = arith.extui %eq3A_6 : i1 to i32
    %cond3A = arith.constant 0 : i32
    %cond3A_7 = arith.cmpi ne, %convert_element_type3A, %cond3A : i32
    scf.if %cond3A_7 {
      %mul3A_64 = arith.constant 10000 : i32
      %mul3A_65 = arith.muli %arg0, %mul3A_64 : i32
      %add3A_66 = arith.constant 9984 : i32
      %add3A_67 = arith.addi %mul3A_65, %add3A_66 : i32
      "tpu.region"() ({
        %run_scoped3A = tpu.sem_alloc : memref<!tpu.dma_semaphore, #tpu.memory_space<semaphore_mem>>
        %dma_start3A_68 = arith.constant 9984 : i32
        %dma_start3A_69 = arith.constant 0 : i32
        %dma_start3A_70 = tpu.memref_slice %arg9[%dma_start3A_68, %dma_start3A_69] : memref<10000x128xf32, #tpu.memory_space<vmem_shared>> -> memref<16x128xf32, #tpu.memory_space<vmem_shared>>
        %dma_start3A_71 = arith.constant 0 : i32
        %dma_start3A_72 = tpu.memref_slice %arg4[%add3A_67, %dma_start3A_71] : memref<20000x128xf32, #tpu.memory_space<hbm>> -> memref<16x128xf32, #tpu.memory_space<hbm>>
        tpu.enqueue_dma source(%dma_start3A_72 : memref<16x128xf32, #tpu.memory_space<hbm>>) target(%dma_start3A_70 : memref<16x128xf32, #tpu.memory_space<vmem_shared>>) target_semaphore(%run_scoped3A : memref<!tpu.dma_semaphore, #tpu.memory_space<semaphore_mem>>)
        %dma_wait3A_73 = arith.constant 9984 : i32
        %dma_wait3A_74 = arith.constant 0 : i32
        %dma_wait3A_75 = tpu.memref_slice %arg9[%dma_wait3A_73, %dma_wait3A_74] : memref<10000x128xf32, #tpu.memory_space<vmem_shared>> -> memref<16x128xf32, #tpu.memory_space<vmem_shared>>
        %dma_wait3A_76 = arith.constant 0 : i32
        %dma_wait3A_77 = tpu.memref_slice %arg4[%add3A_67, %dma_wait3A_76] : memref<20000x128xf32, #tpu.memory_space<hbm>> -> memref<16x128xf32, #tpu.memory_space<hbm>>
        tpu.wait_dma2 semaphore(%run_scoped3A : memref<!tpu.dma_semaphore, #tpu.memory_space<semaphore_mem>>) src(%dma_wait3A_77 : memref<16x128xf32, #tpu.memory_space<hbm>>) dst(%dma_wait3A_75 : memref<16x128xf32, #tpu.memory_space<vmem_shared>>)
        tpu.yield
      }) : () -> ()
    } else {
    }
    %mul3A_8 = arith.constant 15 : i32
    %mul3A_9 = arith.muli %add3A, %mul3A_8 : i32
    %jit3A = arith.constant 8 : i32
    %div3A = arith.divsi %mul3A_9, %jit3A : i32
    %sign3A = arith.constant 0 : i32
    %sign3A_10 = arith.cmpi sgt, %mul3A_9, %sign3A : i32
    %sign3A_11 = arith.extui %sign3A_10 : i1 to i32
    %sign3A_12 = arith.constant 0 : i32
    %sign3A_13 = arith.cmpi slt, %mul3A_9, %sign3A_12 : i32
    %sign3A_14 = arith.extui %sign3A_13 : i1 to i32
    %sign3A_15 = arith.subi %sign3A_11, %sign3A_14 : i32
    %sign3A_16 = arith.constant 0 : i32
    %sign3A_17 = arith.cmpi sgt, %jit3A, %sign3A_16 : i32
    %sign3A_18 = arith.extui %sign3A_17 : i1 to i32
    %sign3A_19 = arith.constant 0 : i32
    %sign3A_20 = arith.cmpi slt, %jit3A, %sign3A_19 : i32
    %sign3A_21 = arith.extui %sign3A_20 : i1 to i32
    %sign3A_22 = arith.subi %sign3A_18, %sign3A_21 : i32
    %ne3A = arith.cmpi ne, %sign3A_15, %sign3A_22 : i32
    %rem3A = arith.remsi %mul3A_9, %jit3A : i32
    %ne3A_23 = arith.constant 0 : i32
    %ne3A_24 = arith.cmpi ne, %rem3A, %ne3A_23 : i32
    %and3A = arith.andi %ne3A, %ne3A_24 : i1
    %sub3A = arith.constant 1 : i32
    %sub3A_25 = arith.subi %div3A, %sub3A : i32
    %select_n3A = arith.select %and3A, %sub3A_25, %div3A : i32
    %mul3A_26 = arith.constant 8 : i32
    %mul3A_27 = arith.muli %select_n3A, %mul3A_26 : i32
    %sub3A_28 = arith.subi %mul3A_9, %mul3A_27 : i32
    "tpu.region"() ({
      %run_scoped3A = tpu.sem_alloc : memref<!tpu.dma_semaphore, #tpu.memory_space<semaphore_mem>>
      %dma_start3A_64 = arith.constant 0 : i32
      %dma_start3A_65 = arith.constant 0 : i32
      %dma_start3A_66 = tpu.memref_slice %arg6[%dma_start3A_64, %dma_start3A_65] : memref<48x128xi32, #tpu.memory_space<vmem>> -> memref<24x128xi32, #tpu.memory_space<vmem>>
      %dma_start3A_67 = arith.constant 0 : i32
      %dma_start3A_68 = tpu.memref_slice %arg3[%mul3A_27, %dma_start3A_67] : memref<504x128xi32, #tpu.memory_space<hbm>> -> memref<24x128xi32, #tpu.memory_space<hbm>>
      %dma_start3A_69 = arith.constant 0 : i32
      %dma_start3A_70 = arith.constant 0 : i32
      %dma_start3A_71 = tpu.memref_slice %arg6[%dma_start3A_69, %dma_start3A_70] : memref<48x128xi32, #tpu.memory_space<vmem>> -> memref<24x128xi32, #tpu.memory_space<vmem>>
      %dma_start3A_72 = arith.constant 0 : i32
      %dma_start3A_73 = tpu.memref_slice %arg3[%mul3A_27, %dma_start3A_72] : memref<504x128xi32, #tpu.memory_space<hbm>> -> memref<24x128xi32, #tpu.memory_space<hbm>>
      tpu.enqueue_dma source(%dma_start3A_73 : memref<24x128xi32, #tpu.memory_space<hbm>>) target(%dma_start3A_71 : memref<24x128xi32, #tpu.memory_space<vmem>>) target_semaphore(%run_scoped3A : memref<!tpu.dma_semaphore, #tpu.memory_space<semaphore_mem>>)
      %dma_wait3A_74 = arith.constant 0 : i32
      %dma_wait3A_75 = arith.constant 0 : i32
      %dma_wait3A_76 = tpu.memref_slice %arg6[%dma_wait3A_74, %dma_wait3A_75] : memref<48x128xi32, #tpu.memory_space<vmem>> -> memref<24x128xi32, #tpu.memory_space<vmem>>
      %dma_wait3A_77 = arith.constant 0 : i32
      %dma_wait3A_78 = tpu.memref_slice %arg3[%mul3A_27, %dma_wait3A_77] : memref<504x128xi32, #tpu.memory_space<hbm>> -> memref<24x128xi32, #tpu.memory_space<hbm>>
      %dma_wait3A_79 = arith.constant 0 : i32
      %dma_wait3A_80 = arith.constant 0 : i32
      %dma_wait3A_81 = tpu.memref_slice %arg6[%dma_wait3A_79, %dma_wait3A_80] : memref<48x128xi32, #tpu.memory_space<vmem>> -> memref<24x128xi32, #tpu.memory_space<vmem>>
      %dma_wait3A_82 = arith.constant 0 : i32
      %dma_wait3A_83 = tpu.memref_slice %arg3[%mul3A_27, %dma_wait3A_82] : memref<504x128xi32, #tpu.memory_space<hbm>> -> memref<24x128xi32, #tpu.memory_space<hbm>>
      tpu.wait_dma2 semaphore(%run_scoped3A : memref<!tpu.dma_semaphore, #tpu.memory_space<semaphore_mem>>) src(%dma_wait3A_83 : memref<24x128xi32, #tpu.memory_space<hbm>>) dst(%dma_wait3A_81 : memref<24x128xi32, #tpu.memory_space<vmem>>)
      tpu.yield
    }) : () -> ()
    %lt3A = arith.constant 20 : i32
    %lt3A_29 = arith.cmpi slt, %add3A, %lt3A : i32
    %convert_element_type3A_30 = arith.extui %lt3A_29 : i1 to i32
    %cond3A_31 = arith.constant 0 : i32
    %cond3A_32 = arith.cmpi ne, %convert_element_type3A_30, %cond3A_31 : i32
    scf.if %cond3A_32 {
      "tpu.region"() ({
        %run_scoped3A = tpu.sem_alloc : memref<!tpu.dma_semaphore, #tpu.memory_space<semaphore_mem>>
        %dma_start3A_64 = arith.constant 24 : i32
        %dma_start3A_65 = arith.constant 0 : i32
        %dma_start3A_66 = tpu.memref_slice %arg6[%dma_start3A_64, %dma_start3A_65] : memref<48x128xi32, #tpu.memory_space<vmem>> -> memref<24x128xi32, #tpu.memory_space<vmem>>
        %dma_start3A_67 = arith.constant 480 : i32
        %dma_start3A_68 = arith.constant 0 : i32
        %dma_start3A_69 = tpu.memref_slice %arg3[%dma_start3A_67, %dma_start3A_68] : memref<504x128xi32, #tpu.memory_space<hbm>> -> memref<24x128xi32, #tpu.memory_space<hbm>>
        %dma_start3A_70 = arith.constant 24 : i32
        %dma_start3A_71 = arith.constant 0 : i32
        %dma_start3A_72 = tpu.memref_slice %arg6[%dma_start3A_70, %dma_start3A_71] : memref<48x128xi32, #tpu.memory_space<vmem>> -> memref<24x128xi32, #tpu.memory_space<vmem>>
        %dma_start3A_73 = arith.constant 480 : i32
        %dma_start3A_74 = arith.constant 0 : i32
        %dma_start3A_75 = tpu.memref_slice %arg3[%dma_start3A_73, %dma_start3A_74] : memref<504x128xi32, #tpu.memory_space<hbm>> -> memref<24x128xi32, #tpu.memory_space<hbm>>
        tpu.enqueue_dma source(%dma_start3A_75 : memref<24x128xi32, #tpu.memory_space<hbm>>) target(%dma_start3A_72 : memref<24x128xi32, #tpu.memory_space<vmem>>) target_semaphore(%run_scoped3A : memref<!tpu.dma_semaphore, #tpu.memory_space<semaphore_mem>>)
        %dma_wait3A_76 = arith.constant 24 : i32
        %dma_wait3A_77 = arith.constant 0 : i32
        %dma_wait3A_78 = tpu.memref_slice %arg6[%dma_wait3A_76, %dma_wait3A_77] : memref<48x128xi32, #tpu.memory_space<vmem>> -> memref<24x128xi32, #tpu.memory_space<vmem>>
        %dma_wait3A_79 = arith.constant 480 : i32
        %dma_wait3A_80 = arith.constant 0 : i32
        %dma_wait3A_81 = tpu.memref_slice %arg3[%dma_wait3A_79, %dma_wait3A_80] : memref<504x128xi32, #tpu.memory_space<hbm>> -> memref<24x128xi32, #tpu.memory_space<hbm>>
        %dma_wait3A_82 = arith.constant 24 : i32
        %dma_wait3A_83 = arith.constant 0 : i32
        %dma_wait3A_84 = tpu.memref_slice %arg6[%dma_wait3A_82, %dma_wait3A_83] : memref<48x128xi32, #tpu.memory_space<vmem>> -> memref<24x128xi32, #tpu.memory_space<vmem>>
        %dma_wait3A_85 = arith.constant 480 : i32
        %dma_wait3A_86 = arith.constant 0 : i32
        %dma_wait3A_87 = tpu.memref_slice %arg3[%dma_wait3A_85, %dma_wait3A_86] : memref<504x128xi32, #tpu.memory_space<hbm>> -> memref<24x128xi32, #tpu.memory_space<hbm>>
        tpu.wait_dma2 semaphore(%run_scoped3A : memref<!tpu.dma_semaphore, #tpu.memory_space<semaphore_mem>>) src(%dma_wait3A_87 : memref<24x128xi32, #tpu.memory_space<hbm>>) dst(%dma_wait3A_84 : memref<24x128xi32, #tpu.memory_space<vmem>>)
        tpu.yield
      }) : () -> ()
    } else {
    }
    %barrier3A = arith.constant 0 : index
    tpu.barrier barrier_id(%barrier3A)
    %scan3A = arith.constant 0 : i32
    %scan3A_33 = arith.constant 0 : i32
    %scan3A_34 = arith.constant 7 : i32
    %scan3A_35 = arith.addi %scan3A_33, %scan3A_34 : i32
    %scan3A_36 = arith.constant 1 : i32
    scf.for %scan3A_64 = %scan3A_33 to %scan3A_35 step %scan3A_36  : i32 {
      %mul3A_65 = arith.constant 2 : i32
      %mul3A_66 = arith.muli %mul3A_65, %scan3A_64 : i32
      %add3A_67 = arith.constant 1 : i32
      %add3A_68 = arith.addi %mul3A_66, %add3A_67 : i32
      %add3A_69 = arith.addi %mul3A_9, %mul3A_66 : i32
      %mul3A_70 = arith.constant 128 : i32
      %mul3A_71 = arith.muli %add3A_69, %mul3A_70 : i32
      %dma_start3A_72 = arith.constant 0 : i32
      %dma_start3A_73 = tpu.memref_slice %arg2[%mul3A_71, %dma_start3A_72] : memref<64000x128xf32, #tpu.memory_space<hbm>> -> memref<128x128xf32, #tpu.memory_space<hbm>>
      %dma_start3A_74 = arith.constant 0 : i32
      %dma_start3A_75 = tpu.memref_slice %arg2[%mul3A_71, %dma_start3A_74] : memref<64000x128xf32, #tpu.memory_space<hbm>> -> memref<128x128xf32, #tpu.memory_space<hbm>>
      tpu.enqueue_dma source(%dma_start3A_75 : memref<128x128xf32, #tpu.memory_space<hbm>>) target(%arg7 : memref<128x128xf32, #tpu.memory_space<vmem>>) target_semaphore(%arg10 : memref<!tpu.dma_semaphore, #tpu.memory_space<semaphore_mem>>)
      %add3A_76 = arith.addi %mul3A_9, %add3A_68 : i32
      %mul3A_77 = arith.constant 128 : i32
      %mul3A_78 = arith.muli %add3A_76, %mul3A_77 : i32
      %dma_start3A_79 = arith.constant 0 : i32
      %dma_start3A_80 = tpu.memref_slice %arg2[%mul3A_78, %dma_start3A_79] : memref<64000x128xf32, #tpu.memory_space<hbm>> -> memref<128x128xf32, #tpu.memory_space<hbm>>
      %dma_start3A_81 = arith.constant 0 : i32
      %dma_start3A_82 = tpu.memref_slice %arg2[%mul3A_78, %dma_start3A_81] : memref<64000x128xf32, #tpu.memory_space<hbm>> -> memref<128x128xf32, #tpu.memory_space<hbm>>
      tpu.enqueue_dma source(%dma_start3A_82 : memref<128x128xf32, #tpu.memory_space<hbm>>) target(%arg8 : memref<128x128xf32, #tpu.memory_space<vmem>>) target_semaphore(%arg11 : memref<!tpu.dma_semaphore, #tpu.memory_space<semaphore_mem>>)
      %dma_wait3A_83 = arith.constant 0 : i32
      %dma_wait3A_84 = tpu.memref_slice %arg2[%mul3A_71, %dma_wait3A_83] : memref<64000x128xf32, #tpu.memory_space<hbm>> -> memref<128x128xf32, #tpu.memory_space<hbm>>
      %dma_wait3A_85 = arith.constant 0 : i32
      %dma_wait3A_86 = tpu.memref_slice %arg2[%mul3A_71, %dma_wait3A_85] : memref<64000x128xf32, #tpu.memory_space<hbm>> -> memref<128x128xf32, #tpu.memory_space<hbm>>
      tpu.wait_dma2 semaphore(%arg10 : memref<!tpu.dma_semaphore, #tpu.memory_space<semaphore_mem>>) src(%dma_wait3A_86 : memref<128x128xf32, #tpu.memory_space<hbm>>) dst(%arg7 : memref<128x128xf32, #tpu.memory_space<vmem>>)
      %add3A_87 = arith.addi %sub3A_28, %mul3A_66 : i32
      "tpu.region"() ({
        %run_scoped3A = tpu.sem_alloc : memref<!tpu.dma_semaphore, #tpu.memory_space<semaphore_mem>>
        %dma_start3A_93 = arith.constant 0 : i32
        %dma_start3A_94 = tpu.memref_slice %arg6[%add3A_87, %dma_start3A_93] : memref<48x128xi32, #tpu.memory_space<vmem>> -> memref<1x128xi32, #tpu.memory_space<vmem>>
        %dma_start3A_95 = tpu.memref_squeeze %dma_start3A_94 : memref<1x128xi32, #tpu.memory_space<vmem>> -> memref<128xi32, #tpu.memory_space<vmem>>
        %dma_start3A_96 = arith.constant 0 : i32
        %dma_start3A_97 = arith.constant 0 : i32
        %dma_start3A_98 = tpu.memref_slice %arg9[%dma_start3A_96, %dma_start3A_97] : memref<10000x128xf32, #tpu.memory_space<vmem_shared>> -> memref<10000x128xf32, #tpu.memory_space<vmem_shared>>
        tpu.enqueue_indirect_dma source(%arg7 : memref<128x128xf32, #tpu.memory_space<vmem>>) target(%dma_start3A_98 : memref<10000x128xf32, #tpu.memory_space<vmem_shared>>) offsets(%dma_start3A_95 : memref<128xi32, #tpu.memory_space<vmem>>) semaphore(%run_scoped3A : memref<!tpu.dma_semaphore, #tpu.memory_space<semaphore_mem>>) {add = true}
        %dma_wait3A_99 = arith.constant 0 : i32
        %dma_wait3A_100 = tpu.memref_slice %arg6[%add3A_87, %dma_wait3A_99] : memref<48x128xi32, #tpu.memory_space<vmem>> -> memref<1x128xi32, #tpu.memory_space<vmem>>
        %dma_wait3A_101 = tpu.memref_squeeze %dma_wait3A_100 : memref<1x128xi32, #tpu.memory_space<vmem>> -> memref<128xi32, #tpu.memory_space<vmem>>
        %dma_wait3A_102 = arith.constant 0 : i32
        %dma_wait3A_103 = arith.constant 0 : i32
        %dma_wait3A_104 = tpu.memref_slice %arg9[%dma_wait3A_102, %dma_wait3A_103] : memref<10000x128xf32, #tpu.memory_space<vmem_shared>> -> memref<10000x128xf32, #tpu.memory_space<vmem_shared>>
        tpu.wait_indirect_dma semaphore(%run_scoped3A : memref<!tpu.dma_semaphore, #tpu.memory_space<semaphore_mem>>) src(%arg7 : memref<128x128xf32, #tpu.memory_space<vmem>>) dst(%dma_wait3A_104 : memref<10000x128xf32, #tpu.memory_space<vmem_shared>>)
        tpu.yield
      }) : () -> ()
      %dma_wait3A_88 = arith.constant 0 : i32
      %dma_wait3A_89 = tpu.memref_slice %arg2[%mul3A_78, %dma_wait3A_88] : memref<64000x128xf32, #tpu.memory_space<hbm>> -> memref<128x128xf32, #tpu.memory_space<hbm>>
      %dma_wait3A_90 = arith.constant 0 : i32
      %dma_wait3A_91 = tpu.memref_slice %arg2[%mul3A_78, %dma_wait3A_90] : memref<64000x128xf32, #tpu.memory_space<hbm>> -> memref<128x128xf32, #tpu.memory_space<hbm>>
      tpu.wait_dma2 semaphore(%arg11 : memref<!tpu.dma_semaphore, #tpu.memory_space<semaphore_mem>>) src(%dma_wait3A_91 : memref<128x128xf32, #tpu.memory_space<hbm>>) dst(%arg8 : memref<128x128xf32, #tpu.memory_space<vmem>>)
      %add3A_92 = arith.addi %sub3A_28, %add3A_68 : i32
      "tpu.region"() ({
        %run_scoped3A = tpu.sem_alloc : memref<!tpu.dma_semaphore, #tpu.memory_space<semaphore_mem>>
        %dma_start3A_93 = arith.constant 0 : i32
        %dma_start3A_94 = tpu.memref_slice %arg6[%add3A_92, %dma_start3A_93] : memref<48x128xi32, #tpu.memory_space<vmem>> -> memref<1x128xi32, #tpu.memory_space<vmem>>
        %dma_start3A_95 = tpu.memref_squeeze %dma_start3A_94 : memref<1x128xi32, #tpu.memory_space<vmem>> -> memref<128xi32, #tpu.memory_space<vmem>>
        %dma_start3A_96 = arith.constant 0 : i32
        %dma_start3A_97 = arith.constant 0 : i32
        %dma_start3A_98 = tpu.memref_slice %arg9[%dma_start3A_96, %dma_start3A_97] : memref<10000x128xf32, #tpu.memory_space<vmem_shared>> -> memref<10000x128xf32, #tpu.memory_space<vmem_shared>>
        tpu.enqueue_indirect_dma source(%arg8 : memref<128x128xf32, #tpu.memory_space<vmem>>) target(%dma_start3A_98 : memref<10000x128xf32, #tpu.memory_space<vmem_shared>>) offsets(%dma_start3A_95 : memref<128xi32, #tpu.memory_space<vmem>>) semaphore(%run_scoped3A : memref<!tpu.dma_semaphore, #tpu.memory_space<semaphore_mem>>) {add = true}
        %dma_wait3A_99 = arith.constant 0 : i32
        %dma_wait3A_100 = tpu.memref_slice %arg6[%add3A_92, %dma_wait3A_99] : memref<48x128xi32, #tpu.memory_space<vmem>> -> memref<1x128xi32, #tpu.memory_space<vmem>>
        %dma_wait3A_101 = tpu.memref_squeeze %dma_wait3A_100 : memref<1x128xi32, #tpu.memory_space<vmem>> -> memref<128xi32, #tpu.memory_space<vmem>>
        %dma_wait3A_102 = arith.constant 0 : i32
        %dma_wait3A_103 = arith.constant 0 : i32
        %dma_wait3A_104 = tpu.memref_slice %arg9[%dma_wait3A_102, %dma_wait3A_103] : memref<10000x128xf32, #tpu.memory_space<vmem_shared>> -> memref<10000x128xf32, #tpu.memory_space<vmem_shared>>
        tpu.wait_indirect_dma semaphore(%run_scoped3A : memref<!tpu.dma_semaphore, #tpu.memory_space<semaphore_mem>>) src(%arg8 : memref<128x128xf32, #tpu.memory_space<vmem>>) dst(%dma_wait3A_104 : memref<10000x128xf32, #tpu.memory_space<vmem_shared>>)
        tpu.yield
      }) : () -> ()
    }
    %scan3A_37 = arith.constant 7 : i32
    %add3A_38 = arith.constant 14 : i32
    %add3A_39 = arith.addi %mul3A_9, %add3A_38 : i32
    %mul3A_40 = arith.constant 128 : i32
    %mul3A_41 = arith.muli %add3A_39, %mul3A_40 : i32
    %dma_start3A = arith.constant 0 : i32
    %dma_start3A_42 = tpu.memref_slice %arg2[%mul3A_41, %dma_start3A] : memref<64000x128xf32, #tpu.memory_space<hbm>> -> memref<128x128xf32, #tpu.memory_space<hbm>>
    %dma_start3A_43 = arith.constant 0 : i32
    %dma_start3A_44 = tpu.memref_slice %arg2[%mul3A_41, %dma_start3A_43] : memref<64000x128xf32, #tpu.memory_space<hbm>> -> memref<128x128xf32, #tpu.memory_space<hbm>>
    tpu.enqueue_dma source(%dma_start3A_44 : memref<128x128xf32, #tpu.memory_space<hbm>>) target(%arg7 : memref<128x128xf32, #tpu.memory_space<vmem>>) target_semaphore(%arg10 : memref<!tpu.dma_semaphore, #tpu.memory_space<semaphore_mem>>)
    %dma_wait3A = arith.constant 0 : i32
    %dma_wait3A_45 = tpu.memref_slice %arg2[%mul3A_41, %dma_wait3A] : memref<64000x128xf32, #tpu.memory_space<hbm>> -> memref<128x128xf32, #tpu.memory_space<hbm>>
    %dma_wait3A_46 = arith.constant 0 : i32
    %dma_wait3A_47 = tpu.memref_slice %arg2[%mul3A_41, %dma_wait3A_46] : memref<64000x128xf32, #tpu.memory_space<hbm>> -> memref<128x128xf32, #tpu.memory_space<hbm>>
    tpu.wait_dma2 semaphore(%arg10 : memref<!tpu.dma_semaphore, #tpu.memory_space<semaphore_mem>>) src(%dma_wait3A_47 : memref<128x128xf32, #tpu.memory_space<hbm>>) dst(%arg7 : memref<128x128xf32, #tpu.memory_space<vmem>>)
    %add3A_48 = arith.constant 14 : i32
    %add3A_49 = arith.addi %sub3A_28, %add3A_48 : i32
    "tpu.region"() ({
      %run_scoped3A = tpu.sem_alloc : memref<!tpu.dma_semaphore, #tpu.memory_space<semaphore_mem>>
      %dma_start3A_64 = arith.constant 0 : i32
      %dma_start3A_65 = tpu.memref_slice %arg6[%add3A_49, %dma_start3A_64] : memref<48x128xi32, #tpu.memory_space<vmem>> -> memref<1x128xi32, #tpu.memory_space<vmem>>
      %dma_start3A_66 = tpu.memref_squeeze %dma_start3A_65 : memref<1x128xi32, #tpu.memory_space<vmem>> -> memref<128xi32, #tpu.memory_space<vmem>>
      %dma_start3A_67 = arith.constant 0 : i32
      %dma_start3A_68 = arith.constant 0 : i32
      %dma_start3A_69 = tpu.memref_slice %arg9[%dma_start3A_67, %dma_start3A_68] : memref<10000x128xf32, #tpu.memory_space<vmem_shared>> -> memref<10000x128xf32, #tpu.memory_space<vmem_shared>>
      tpu.enqueue_indirect_dma source(%arg7 : memref<128x128xf32, #tpu.memory_space<vmem>>) target(%dma_start3A_69 : memref<10000x128xf32, #tpu.memory_space<vmem_shared>>) offsets(%dma_start3A_66 : memref<128xi32, #tpu.memory_space<vmem>>) semaphore(%run_scoped3A : memref<!tpu.dma_semaphore, #tpu.memory_space<semaphore_mem>>) {add = true}
      %dma_wait3A_70 = arith.constant 0 : i32
      %dma_wait3A_71 = tpu.memref_slice %arg6[%add3A_49, %dma_wait3A_70] : memref<48x128xi32, #tpu.memory_space<vmem>> -> memref<1x128xi32, #tpu.memory_space<vmem>>
      %dma_wait3A_72 = tpu.memref_squeeze %dma_wait3A_71 : memref<1x128xi32, #tpu.memory_space<vmem>> -> memref<128xi32, #tpu.memory_space<vmem>>
      %dma_wait3A_73 = arith.constant 0 : i32
      %dma_wait3A_74 = arith.constant 0 : i32
      %dma_wait3A_75 = tpu.memref_slice %arg9[%dma_wait3A_73, %dma_wait3A_74] : memref<10000x128xf32, #tpu.memory_space<vmem_shared>> -> memref<10000x128xf32, #tpu.memory_space<vmem_shared>>
      tpu.wait_indirect_dma semaphore(%run_scoped3A : memref<!tpu.dma_semaphore, #tpu.memory_space<semaphore_mem>>) src(%arg7 : memref<128x128xf32, #tpu.memory_space<vmem>>) dst(%dma_wait3A_75 : memref<10000x128xf32, #tpu.memory_space<vmem_shared>>)
      tpu.yield
    }) : () -> ()
    %lt3A_50 = arith.constant 20 : i32
    %lt3A_51 = arith.cmpi slt, %add3A, %lt3A_50 : i32
    %convert_element_type3A_52 = arith.extui %lt3A_51 : i1 to i32
    %cond3A_53 = arith.constant 0 : i32
    %cond3A_54 = arith.cmpi ne, %convert_element_type3A_52, %cond3A_53 : i32
    scf.if %cond3A_54 {
      %add3A_64 = arith.constant 480 : i32
      %add3A_65 = arith.addi %add3A_64, %add3A : i32
      %mul3A_66 = arith.constant 128 : i32
      %mul3A_67 = arith.muli %add3A_65, %mul3A_66 : i32
      %dma_start3A_68 = arith.constant 0 : i32
      %dma_start3A_69 = tpu.memref_slice %arg2[%mul3A_67, %dma_start3A_68] : memref<64000x128xf32, #tpu.memory_space<hbm>> -> memref<128x128xf32, #tpu.memory_space<hbm>>
      %dma_start3A_70 = arith.constant 0 : i32
      %dma_start3A_71 = tpu.memref_slice %arg2[%mul3A_67, %dma_start3A_70] : memref<64000x128xf32, #tpu.memory_space<hbm>> -> memref<128x128xf32, #tpu.memory_space<hbm>>
      tpu.enqueue_dma source(%dma_start3A_71 : memref<128x128xf32, #tpu.memory_space<hbm>>) target(%arg8 : memref<128x128xf32, #tpu.memory_space<vmem>>) target_semaphore(%arg11 : memref<!tpu.dma_semaphore, #tpu.memory_space<semaphore_mem>>)
      %dma_wait3A_72 = arith.constant 0 : i32
      %dma_wait3A_73 = tpu.memref_slice %arg2[%mul3A_67, %dma_wait3A_72] : memref<64000x128xf32, #tpu.memory_space<hbm>> -> memref<128x128xf32, #tpu.memory_space<hbm>>
      %dma_wait3A_74 = arith.constant 0 : i32
      %dma_wait3A_75 = tpu.memref_slice %arg2[%mul3A_67, %dma_wait3A_74] : memref<64000x128xf32, #tpu.memory_space<hbm>> -> memref<128x128xf32, #tpu.memory_space<hbm>>
      tpu.wait_dma2 semaphore(%arg11 : memref<!tpu.dma_semaphore, #tpu.memory_space<semaphore_mem>>) src(%dma_wait3A_75 : memref<128x128xf32, #tpu.memory_space<hbm>>) dst(%arg8 : memref<128x128xf32, #tpu.memory_space<vmem>>)
      %add3A_76 = arith.constant 24 : i32
      %add3A_77 = arith.addi %add3A_76, %add3A : i32
      "tpu.region"() ({
        %run_scoped3A = tpu.sem_alloc : memref<!tpu.dma_semaphore, #tpu.memory_space<semaphore_mem>>
        %dma_start3A_78 = arith.constant 0 : i32
        %dma_start3A_79 = tpu.memref_slice %arg6[%add3A_77, %dma_start3A_78] : memref<48x128xi32, #tpu.memory_space<vmem>> -> memref<1x128xi32, #tpu.memory_space<vmem>>
        %dma_start3A_80 = tpu.memref_squeeze %dma_start3A_79 : memref<1x128xi32, #tpu.memory_space<vmem>> -> memref<128xi32, #tpu.memory_space<vmem>>
        %dma_start3A_81 = arith.constant 0 : i32
        %dma_start3A_82 = arith.constant 0 : i32
        %dma_start3A_83 = tpu.memref_slice %arg9[%dma_start3A_81, %dma_start3A_82] : memref<10000x128xf32, #tpu.memory_space<vmem_shared>> -> memref<10000x128xf32, #tpu.memory_space<vmem_shared>>
        tpu.enqueue_indirect_dma source(%arg8 : memref<128x128xf32, #tpu.memory_space<vmem>>) target(%dma_start3A_83 : memref<10000x128xf32, #tpu.memory_space<vmem_shared>>) offsets(%dma_start3A_80 : memref<128xi32, #tpu.memory_space<vmem>>) semaphore(%run_scoped3A : memref<!tpu.dma_semaphore, #tpu.memory_space<semaphore_mem>>) {add = true}
        %dma_wait3A_84 = arith.constant 0 : i32
        %dma_wait3A_85 = tpu.memref_slice %arg6[%add3A_77, %dma_wait3A_84] : memref<48x128xi32, #tpu.memory_space<vmem>> -> memref<1x128xi32, #tpu.memory_space<vmem>>
        %dma_wait3A_86 = tpu.memref_squeeze %dma_wait3A_85 : memref<1x128xi32, #tpu.memory_space<vmem>> -> memref<128xi32, #tpu.memory_space<vmem>>
        %dma_wait3A_87 = arith.constant 0 : i32
        %dma_wait3A_88 = arith.constant 0 : i32
        %dma_wait3A_89 = tpu.memref_slice %arg9[%dma_wait3A_87, %dma_wait3A_88] : memref<10000x128xf32, #tpu.memory_space<vmem_shared>> -> memref<10000x128xf32, #tpu.memory_space<vmem_shared>>
        tpu.wait_indirect_dma semaphore(%run_scoped3A : memref<!tpu.dma_semaphore, #tpu.memory_space<semaphore_mem>>) src(%arg8 : memref<128x128xf32, #tpu.memory_space<vmem>>) dst(%dma_wait3A_89 : memref<10000x128xf32, #tpu.memory_space<vmem_shared>>)
        tpu.yield
      }) : () -> ()
    } else {
    }
    %barrier3A_55 = arith.constant 0 : index
    tpu.barrier barrier_id(%barrier3A_55)
    %mul3A_56 = arith.constant 10000 : i32
    %mul3A_57 = arith.muli %arg0, %mul3A_56 : i32
    %add3A_58 = arith.addi %mul3A_57, %mul3A_2 : i32
    "tpu.region"() ({
      %run_scoped3A = tpu.sem_alloc : memref<!tpu.dma_semaphore, #tpu.memory_space<semaphore_mem>>
      %dma_start3A_64 = arith.constant 0 : i32
      %dma_start3A_65 = tpu.memref_slice %arg5[%add3A_58, %dma_start3A_64] : memref<20000x128xf32, #tpu.memory_space<hbm>> -> memref<624x128xf32, #tpu.memory_space<hbm>>
      %dma_start3A_66 = arith.constant 0 : i32
      %dma_start3A_67 = tpu.memref_slice %arg9[%mul3A_2, %dma_start3A_66] : memref<10000x128xf32, #tpu.memory_space<vmem_shared>> -> memref<624x128xf32, #tpu.memory_space<vmem_shared>>
      tpu.enqueue_dma source(%dma_start3A_67 : memref<624x128xf32, #tpu.memory_space<vmem_shared>>) target(%dma_start3A_65 : memref<624x128xf32, #tpu.memory_space<hbm>>) target_semaphore(%run_scoped3A : memref<!tpu.dma_semaphore, #tpu.memory_space<semaphore_mem>>)
      %dma_wait3A_68 = arith.constant 0 : i32
      %dma_wait3A_69 = tpu.memref_slice %arg5[%add3A_58, %dma_wait3A_68] : memref<20000x128xf32, #tpu.memory_space<hbm>> -> memref<624x128xf32, #tpu.memory_space<hbm>>
      %dma_wait3A_70 = arith.constant 0 : i32
      %dma_wait3A_71 = tpu.memref_slice %arg9[%mul3A_2, %dma_wait3A_70] : memref<10000x128xf32, #tpu.memory_space<vmem_shared>> -> memref<624x128xf32, #tpu.memory_space<vmem_shared>>
      tpu.wait_dma2 semaphore(%run_scoped3A : memref<!tpu.dma_semaphore, #tpu.memory_space<semaphore_mem>>) src(%dma_wait3A_71 : memref<624x128xf32, #tpu.memory_space<vmem_shared>>) dst(%dma_wait3A_69 : memref<624x128xf32, #tpu.memory_space<hbm>>)
      tpu.yield
    }) : () -> ()
    %eq3A_59 = arith.constant 15 : i32
    %eq3A_60 = arith.cmpi eq, %arg1, %eq3A_59 : i32
    %convert_element_type3A_61 = arith.extui %eq3A_60 : i1 to i32
    %cond3A_62 = arith.constant 0 : i32
    %cond3A_63 = arith.cmpi ne, %convert_element_type3A_61, %cond3A_62 : i32
    scf.if %cond3A_63 {
      %mul3A_64 = arith.constant 10000 : i32
      %mul3A_65 = arith.muli %arg0, %mul3A_64 : i32
      %add3A_66 = arith.constant 9984 : i32
      %add3A_67 = arith.addi %mul3A_65, %add3A_66 : i32
      "tpu.region"() ({
        %run_scoped3A = tpu.sem_alloc : memref<!tpu.dma_semaphore, #tpu.memory_space<semaphore_mem>>
        %dma_start3A_68 = arith.constant 0 : i32
        %dma_start3A_69 = tpu.memref_slice %arg5[%add3A_67, %dma_start3A_68] : memref<20000x128xf32, #tpu.memory_space<hbm>> -> memref<16x128xf32, #tpu.memory_space<hbm>>
        %dma_start3A_70 = arith.constant 9984 : i32
        %dma_start3A_71 = arith.constant 0 : i32
        %dma_start3A_72 = tpu.memref_slice %arg9[%dma_start3A_70, %dma_start3A_71] : memref<10000x128xf32, #tpu.memory_space<vmem_shared>> -> memref<16x128xf32, #tpu.memory_space<vmem_shared>>
        tpu.enqueue_dma source(%dma_start3A_72 : memref<16x128xf32, #tpu.memory_space<vmem_shared>>) target(%dma_start3A_69 : memref<16x128xf32, #tpu.memory_space<hbm>>) target_semaphore(%run_scoped3A : memref<!tpu.dma_semaphore, #tpu.memory_space<semaphore_mem>>)
        %dma_wait3A_73 = arith.constant 0 : i32
        %dma_wait3A_74 = tpu.memref_slice %arg5[%add3A_67, %dma_wait3A_73] : memref<20000x128xf32, #tpu.memory_space<hbm>> -> memref<16x128xf32, #tpu.memory_space<hbm>>
        %dma_wait3A_75 = arith.constant 9984 : i32
        %dma_wait3A_76 = arith.constant 0 : i32
        %dma_wait3A_77 = tpu.memref_slice %arg9[%dma_wait3A_75, %dma_wait3A_76] : memref<10000x128xf32, #tpu.memory_space<vmem_shared>> -> memref<16x128xf32, #tpu.memory_space<vmem_shared>>
        tpu.wait_dma2 semaphore(%run_scoped3A : memref<!tpu.dma_semaphore, #tpu.memory_space<semaphore_mem>>) src(%dma_wait3A_77 : memref<16x128xf32, #tpu.memory_space<vmem_shared>>) dst(%dma_wait3A_74 : memref<16x128xf32, #tpu.memory_space<hbm>>)
        tpu.yield
      }) : () -> ()
    } else {
    }
    return
  }
}

#map = affine_map<(d0, d1) -> (0, 0)>
#map1 = affine_map<(d0, d1) -> (0)>
module attributes {stable_mosaic.version = 14 : i64} {
  func.func @body_fn(%arg0: i32, %arg1: i32, %arg2: memref<10000x128xf32, #tpu.memory_space<hbm>>, %arg3: memref<128000xi32, #tpu.memory_space<hbm>>, %arg4: memref<128000x128xf32, #tpu.memory_space<hbm>>, %arg5: memref<4096xi32, #tpu.memory_space<vmem>>, %arg6: memref<128x128xf32, #tpu.memory_space<vmem>>, %arg7: memref<128x128xf32, #tpu.memory_space<vmem>>, %arg8: memref<10000x128xf32, #tpu.memory_space<vmem_shared>>, %arg9: memref<!tpu.dma_semaphore, #tpu.memory_space<semaphore_mem>>, %arg10: memref<!tpu.dma_semaphore, #tpu.memory_space<semaphore_mem>>, %arg11: memref<!tpu.dma_semaphore, #tpu.memory_space<semaphore_mem>>, %arg12: memref<!tpu.dma_semaphore, #tpu.memory_space<semaphore_mem>>) attributes {dimension_semantics = [#tpu.dimension_semantics<core_parallel>, #tpu.dimension_semantics<subcore_parallel>], iteration_bounds = array<i64: 2, 16>, scalar_prefetch = 0 : i64, scratch_operands = 8 : i64, tpu.core_type = #tpu.core_type<sc_vector_subcore>, window_params = [{transform_indices = #map}, {transform_indices = #map1}, {transform_indices = #map}]} {
    %mul3A = arith.constant 2 : i32
    %mul3A_0 = arith.muli %arg1, %mul3A : i32
    %add3A = arith.addi %mul3A_0, %arg0 : i32
    %mul3A_1 = arith.constant 3968 : i32
    %mul3A_2 = arith.muli %add3A, %mul3A_1 : i32
    %add3A_3 = arith.constant 992 : i32
    %add3A_4 = arith.addi %add3A_3, %add3A : i32
    %mul3A_5 = arith.constant 128 : i32
    %mul3A_6 = arith.muli %add3A_4, %mul3A_5 : i32
    %dma_start3A = arith.constant 0 : i32
    %dma_start3A_7 = tpu.memref_slice %arg5[%dma_start3A] : memref<4096xi32, #tpu.memory_space<vmem>> -> memref<3968xi32, #tpu.memory_space<vmem>>
    %dma_start3A_8 = tpu.memref_slice %arg3[%mul3A_2] : memref<128000xi32, #tpu.memory_space<hbm>> -> memref<3968xi32, #tpu.memory_space<hbm>>
    %dma_start3A_9 = arith.constant 0 : i32
    %dma_start3A_10 = tpu.memref_slice %arg5[%dma_start3A_9] : memref<4096xi32, #tpu.memory_space<vmem>> -> memref<3968xi32, #tpu.memory_space<vmem>>
    %dma_start3A_11 = tpu.memref_slice %arg3[%mul3A_2] : memref<128000xi32, #tpu.memory_space<hbm>> -> memref<3968xi32, #tpu.memory_space<hbm>>
    tpu.enqueue_dma source(%dma_start3A_11 : memref<3968xi32, #tpu.memory_space<hbm>>) target(%dma_start3A_10 : memref<3968xi32, #tpu.memory_space<vmem>>) target_semaphore(%arg12 : memref<!tpu.dma_semaphore, #tpu.memory_space<semaphore_mem>>)
    %lt3A = arith.constant 8 : i32
    %lt3A_12 = arith.cmpi slt, %add3A, %lt3A : i32
    %convert_element_type3A = arith.extui %lt3A_12 : i1 to i32
    %cond3A = arith.constant 0 : i32
    %cond3A_13 = arith.cmpi ne, %convert_element_type3A, %cond3A : i32
    scf.if %cond3A_13 {
      "tpu.region"() ({
        %run_scoped3A = tpu.sem_alloc : memref<!tpu.dma_semaphore, #tpu.memory_space<semaphore_mem>>
        %dma_start3A_47 = arith.constant 3968 : i32
        %dma_start3A_48 = tpu.memref_slice %arg5[%dma_start3A_47] : memref<4096xi32, #tpu.memory_space<vmem>> -> memref<128xi32, #tpu.memory_space<vmem>>
        %dma_start3A_49 = tpu.memref_slice %arg3[%mul3A_6] : memref<128000xi32, #tpu.memory_space<hbm>> -> memref<128xi32, #tpu.memory_space<hbm>>
        %dma_start3A_50 = arith.constant 3968 : i32
        %dma_start3A_51 = tpu.memref_slice %arg5[%dma_start3A_50] : memref<4096xi32, #tpu.memory_space<vmem>> -> memref<128xi32, #tpu.memory_space<vmem>>
        %dma_start3A_52 = tpu.memref_slice %arg3[%mul3A_6] : memref<128000xi32, #tpu.memory_space<hbm>> -> memref<128xi32, #tpu.memory_space<hbm>>
        tpu.enqueue_dma source(%dma_start3A_52 : memref<128xi32, #tpu.memory_space<hbm>>) target(%dma_start3A_51 : memref<128xi32, #tpu.memory_space<vmem>>) target_semaphore(%run_scoped3A : memref<!tpu.dma_semaphore, #tpu.memory_space<semaphore_mem>>)
        %dma_wait3A_53 = arith.constant 3968 : i32
        %dma_wait3A_54 = tpu.memref_slice %arg5[%dma_wait3A_53] : memref<4096xi32, #tpu.memory_space<vmem>> -> memref<128xi32, #tpu.memory_space<vmem>>
        %dma_wait3A_55 = tpu.memref_slice %arg3[%mul3A_6] : memref<128000xi32, #tpu.memory_space<hbm>> -> memref<128xi32, #tpu.memory_space<hbm>>
        %dma_wait3A_56 = arith.constant 3968 : i32
        %dma_wait3A_57 = tpu.memref_slice %arg5[%dma_wait3A_56] : memref<4096xi32, #tpu.memory_space<vmem>> -> memref<128xi32, #tpu.memory_space<vmem>>
        %dma_wait3A_58 = tpu.memref_slice %arg3[%mul3A_6] : memref<128000xi32, #tpu.memory_space<hbm>> -> memref<128xi32, #tpu.memory_space<hbm>>
        tpu.wait_dma2 semaphore(%run_scoped3A : memref<!tpu.dma_semaphore, #tpu.memory_space<semaphore_mem>>) src(%dma_wait3A_58 : memref<128xi32, #tpu.memory_space<hbm>>) dst(%dma_wait3A_57 : memref<128xi32, #tpu.memory_space<vmem>>)
        tpu.yield
      }) : () -> ()
    } else {
    }
    %mul3A_14 = arith.constant 624 : i32
    %mul3A_15 = arith.muli %arg1, %mul3A_14 : i32
    "tpu.region"() ({
      %run_scoped3A = tpu.sem_alloc : memref<!tpu.dma_semaphore, #tpu.memory_space<semaphore_mem>>
      %dma_start3A_47 = arith.constant 0 : i32
      %dma_start3A_48 = tpu.memref_slice %arg8[%mul3A_15, %dma_start3A_47] : memref<10000x128xf32, #tpu.memory_space<vmem_shared>> -> memref<624x128xf32, #tpu.memory_space<vmem_shared>>
      %dma_start3A_49 = arith.constant 0 : i32
      %dma_start3A_50 = tpu.memref_slice %arg2[%mul3A_15, %dma_start3A_49] : memref<10000x128xf32, #tpu.memory_space<hbm>> -> memref<624x128xf32, #tpu.memory_space<hbm>>
      tpu.enqueue_dma source(%dma_start3A_50 : memref<624x128xf32, #tpu.memory_space<hbm>>) target(%dma_start3A_48 : memref<624x128xf32, #tpu.memory_space<vmem_shared>>) target_semaphore(%run_scoped3A : memref<!tpu.dma_semaphore, #tpu.memory_space<semaphore_mem>>)
      %dma_wait3A_51 = arith.constant 0 : i32
      %dma_wait3A_52 = tpu.memref_slice %arg8[%mul3A_15, %dma_wait3A_51] : memref<10000x128xf32, #tpu.memory_space<vmem_shared>> -> memref<624x128xf32, #tpu.memory_space<vmem_shared>>
      %dma_wait3A_53 = arith.constant 0 : i32
      %dma_wait3A_54 = tpu.memref_slice %arg2[%mul3A_15, %dma_wait3A_53] : memref<10000x128xf32, #tpu.memory_space<hbm>> -> memref<624x128xf32, #tpu.memory_space<hbm>>
      tpu.wait_dma2 semaphore(%run_scoped3A : memref<!tpu.dma_semaphore, #tpu.memory_space<semaphore_mem>>) src(%dma_wait3A_54 : memref<624x128xf32, #tpu.memory_space<hbm>>) dst(%dma_wait3A_52 : memref<624x128xf32, #tpu.memory_space<vmem_shared>>)
      tpu.yield
    }) : () -> ()
    %eq3A = arith.constant 15 : i32
    %eq3A_16 = arith.cmpi eq, %arg1, %eq3A : i32
    %convert_element_type3A_17 = arith.extui %eq3A_16 : i1 to i32
    %cond3A_18 = arith.constant 0 : i32
    %cond3A_19 = arith.cmpi ne, %convert_element_type3A_17, %cond3A_18 : i32
    scf.if %cond3A_19 {
      "tpu.region"() ({
        %run_scoped3A = tpu.sem_alloc : memref<!tpu.dma_semaphore, #tpu.memory_space<semaphore_mem>>
        %dma_start3A_47 = arith.constant 9984 : i32
        %dma_start3A_48 = arith.constant 0 : i32
        %dma_start3A_49 = tpu.memref_slice %arg8[%dma_start3A_47, %dma_start3A_48] : memref<10000x128xf32, #tpu.memory_space<vmem_shared>> -> memref<16x128xf32, #tpu.memory_space<vmem_shared>>
        %dma_start3A_50 = arith.constant 9984 : i32
        %dma_start3A_51 = arith.constant 0 : i32
        %dma_start3A_52 = tpu.memref_slice %arg2[%dma_start3A_50, %dma_start3A_51] : memref<10000x128xf32, #tpu.memory_space<hbm>> -> memref<16x128xf32, #tpu.memory_space<hbm>>
        tpu.enqueue_dma source(%dma_start3A_52 : memref<16x128xf32, #tpu.memory_space<hbm>>) target(%dma_start3A_49 : memref<16x128xf32, #tpu.memory_space<vmem_shared>>) target_semaphore(%run_scoped3A : memref<!tpu.dma_semaphore, #tpu.memory_space<semaphore_mem>>)
        %dma_wait3A_53 = arith.constant 9984 : i32
        %dma_wait3A_54 = arith.constant 0 : i32
        %dma_wait3A_55 = tpu.memref_slice %arg8[%dma_wait3A_53, %dma_wait3A_54] : memref<10000x128xf32, #tpu.memory_space<vmem_shared>> -> memref<16x128xf32, #tpu.memory_space<vmem_shared>>
        %dma_wait3A_56 = arith.constant 9984 : i32
        %dma_wait3A_57 = arith.constant 0 : i32
        %dma_wait3A_58 = tpu.memref_slice %arg2[%dma_wait3A_56, %dma_wait3A_57] : memref<10000x128xf32, #tpu.memory_space<hbm>> -> memref<16x128xf32, #tpu.memory_space<hbm>>
        tpu.wait_dma2 semaphore(%run_scoped3A : memref<!tpu.dma_semaphore, #tpu.memory_space<semaphore_mem>>) src(%dma_wait3A_58 : memref<16x128xf32, #tpu.memory_space<hbm>>) dst(%dma_wait3A_55 : memref<16x128xf32, #tpu.memory_space<vmem_shared>>)
        tpu.yield
      }) : () -> ()
    } else {
    }
    %barrier3A = arith.constant 0 : index
    tpu.barrier barrier_id(%barrier3A)
    %dma_wait3A = arith.constant 0 : i32
    %dma_wait3A_20 = tpu.memref_slice %arg5[%dma_wait3A] : memref<4096xi32, #tpu.memory_space<vmem>> -> memref<3968xi32, #tpu.memory_space<vmem>>
    %dma_wait3A_21 = tpu.memref_slice %arg3[%mul3A_2] : memref<128000xi32, #tpu.memory_space<hbm>> -> memref<3968xi32, #tpu.memory_space<hbm>>
    %dma_wait3A_22 = arith.constant 0 : i32
    %dma_wait3A_23 = tpu.memref_slice %arg5[%dma_wait3A_22] : memref<4096xi32, #tpu.memory_space<vmem>> -> memref<3968xi32, #tpu.memory_space<vmem>>
    %dma_wait3A_24 = tpu.memref_slice %arg3[%mul3A_2] : memref<128000xi32, #tpu.memory_space<hbm>> -> memref<3968xi32, #tpu.memory_space<hbm>>
    tpu.wait_dma2 semaphore(%arg12 : memref<!tpu.dma_semaphore, #tpu.memory_space<semaphore_mem>>) src(%dma_wait3A_24 : memref<3968xi32, #tpu.memory_space<hbm>>) dst(%dma_wait3A_23 : memref<3968xi32, #tpu.memory_space<vmem>>)
    %scan3A = arith.constant 0 : i32
    %scan3A_25 = arith.constant 0 : i32
    %scan3A_26 = arith.constant 15 : i32
    %scan3A_27 = arith.addi %scan3A_25, %scan3A_26 : i32
    %scan3A_28 = arith.constant 1 : i32
    scf.for %scan3A_47 = %scan3A_25 to %scan3A_27 step %scan3A_28  : i32 {
      %mul3A_48 = arith.constant 2 : i32
      %mul3A_49 = arith.muli %mul3A_48, %scan3A_47 : i32
      %mul3A_50 = arith.constant 128 : i32
      %mul3A_51 = arith.muli %mul3A_49, %mul3A_50 : i32
      %add3A_52 = arith.constant 128 : i32
      %add3A_53 = arith.addi %mul3A_51, %add3A_52 : i32
      %dma_start3A_54 = tpu.memref_slice %arg5[%mul3A_51] : memref<4096xi32, #tpu.memory_space<vmem>> -> memref<128xi32, #tpu.memory_space<vmem>>
      %dma_start3A_55 = arith.constant 0 : i32
      %dma_start3A_56 = arith.constant 0 : i32
      %dma_start3A_57 = tpu.memref_slice %arg8[%dma_start3A_55, %dma_start3A_56] : memref<10000x128xf32, #tpu.memory_space<vmem_shared>> -> memref<10000x128xf32, #tpu.memory_space<vmem_shared>>
      tpu.enqueue_indirect_dma source(%dma_start3A_57 : memref<10000x128xf32, #tpu.memory_space<vmem_shared>>) target(%arg6 : memref<128x128xf32, #tpu.memory_space<vmem>>) offsets(%dma_start3A_54 : memref<128xi32, #tpu.memory_space<vmem>>) semaphore(%arg9 : memref<!tpu.dma_semaphore, #tpu.memory_space<semaphore_mem>>)
      %dma_start3A_58 = tpu.memref_slice %arg5[%add3A_53] : memref<4096xi32, #tpu.memory_space<vmem>> -> memref<128xi32, #tpu.memory_space<vmem>>
      %dma_start3A_59 = arith.constant 0 : i32
      %dma_start3A_60 = arith.constant 0 : i32
      %dma_start3A_61 = tpu.memref_slice %arg8[%dma_start3A_59, %dma_start3A_60] : memref<10000x128xf32, #tpu.memory_space<vmem_shared>> -> memref<10000x128xf32, #tpu.memory_space<vmem_shared>>
      tpu.enqueue_indirect_dma source(%dma_start3A_61 : memref<10000x128xf32, #tpu.memory_space<vmem_shared>>) target(%arg7 : memref<128x128xf32, #tpu.memory_space<vmem>>) offsets(%dma_start3A_58 : memref<128xi32, #tpu.memory_space<vmem>>) semaphore(%arg10 : memref<!tpu.dma_semaphore, #tpu.memory_space<semaphore_mem>>)
      %dma_wait3A_62 = tpu.memref_slice %arg5[%mul3A_51] : memref<4096xi32, #tpu.memory_space<vmem>> -> memref<128xi32, #tpu.memory_space<vmem>>
      %dma_wait3A_63 = arith.constant 0 : i32
      %dma_wait3A_64 = arith.constant 0 : i32
      %dma_wait3A_65 = tpu.memref_slice %arg8[%dma_wait3A_63, %dma_wait3A_64] : memref<10000x128xf32, #tpu.memory_space<vmem_shared>> -> memref<10000x128xf32, #tpu.memory_space<vmem_shared>>
      tpu.wait_indirect_dma semaphore(%arg9 : memref<!tpu.dma_semaphore, #tpu.memory_space<semaphore_mem>>) src(%dma_wait3A_65 : memref<10000x128xf32, #tpu.memory_space<vmem_shared>>) dst(%arg6 : memref<128x128xf32, #tpu.memory_space<vmem>>)
      %add3A_66 = arith.addi %mul3A_2, %mul3A_51 : i32
      %dma_start3A_67 = arith.constant 0 : i32
      %dma_start3A_68 = tpu.memref_slice %arg4[%add3A_66, %dma_start3A_67] : memref<128000x128xf32, #tpu.memory_space<hbm>> -> memref<128x128xf32, #tpu.memory_space<hbm>>
      %dma_start3A_69 = arith.constant 0 : i32
      %dma_start3A_70 = tpu.memref_slice %arg4[%add3A_66, %dma_start3A_69] : memref<128000x128xf32, #tpu.memory_space<hbm>> -> memref<128x128xf32, #tpu.memory_space<hbm>>
      tpu.enqueue_dma source(%arg6 : memref<128x128xf32, #tpu.memory_space<vmem>>) target(%dma_start3A_70 : memref<128x128xf32, #tpu.memory_space<hbm>>) target_semaphore(%arg11 : memref<!tpu.dma_semaphore, #tpu.memory_space<semaphore_mem>>)
      %dma_wait3A_71 = tpu.memref_slice %arg5[%add3A_53] : memref<4096xi32, #tpu.memory_space<vmem>> -> memref<128xi32, #tpu.memory_space<vmem>>
      %dma_wait3A_72 = arith.constant 0 : i32
      %dma_wait3A_73 = arith.constant 0 : i32
      %dma_wait3A_74 = tpu.memref_slice %arg8[%dma_wait3A_72, %dma_wait3A_73] : memref<10000x128xf32, #tpu.memory_space<vmem_shared>> -> memref<10000x128xf32, #tpu.memory_space<vmem_shared>>
      tpu.wait_indirect_dma semaphore(%arg10 : memref<!tpu.dma_semaphore, #tpu.memory_space<semaphore_mem>>) src(%dma_wait3A_74 : memref<10000x128xf32, #tpu.memory_space<vmem_shared>>) dst(%arg7 : memref<128x128xf32, #tpu.memory_space<vmem>>)
      %add3A_75 = arith.addi %mul3A_2, %add3A_53 : i32
      %dma_start3A_76 = arith.constant 0 : i32
      %dma_start3A_77 = tpu.memref_slice %arg4[%add3A_75, %dma_start3A_76] : memref<128000x128xf32, #tpu.memory_space<hbm>> -> memref<128x128xf32, #tpu.memory_space<hbm>>
      %dma_start3A_78 = arith.constant 0 : i32
      %dma_start3A_79 = tpu.memref_slice %arg4[%add3A_75, %dma_start3A_78] : memref<128000x128xf32, #tpu.memory_space<hbm>> -> memref<128x128xf32, #tpu.memory_space<hbm>>
      tpu.enqueue_dma source(%arg7 : memref<128x128xf32, #tpu.memory_space<vmem>>) target(%dma_start3A_79 : memref<128x128xf32, #tpu.memory_space<hbm>>) target_semaphore(%arg12 : memref<!tpu.dma_semaphore, #tpu.memory_space<semaphore_mem>>)
      %dma_wait3A_80 = arith.constant 0 : i32
      %dma_wait3A_81 = tpu.memref_slice %arg4[%add3A_66, %dma_wait3A_80] : memref<128000x128xf32, #tpu.memory_space<hbm>> -> memref<128x128xf32, #tpu.memory_space<hbm>>
      %dma_wait3A_82 = arith.constant 0 : i32
      %dma_wait3A_83 = tpu.memref_slice %arg4[%add3A_66, %dma_wait3A_82] : memref<128000x128xf32, #tpu.memory_space<hbm>> -> memref<128x128xf32, #tpu.memory_space<hbm>>
      tpu.wait_dma2 semaphore(%arg11 : memref<!tpu.dma_semaphore, #tpu.memory_space<semaphore_mem>>) src(%arg6 : memref<128x128xf32, #tpu.memory_space<vmem>>) dst(%dma_wait3A_83 : memref<128x128xf32, #tpu.memory_space<hbm>>)
      %dma_wait3A_84 = arith.constant 0 : i32
      %dma_wait3A_85 = tpu.memref_slice %arg4[%add3A_75, %dma_wait3A_84] : memref<128000x128xf32, #tpu.memory_space<hbm>> -> memref<128x128xf32, #tpu.memory_space<hbm>>
      %dma_wait3A_86 = arith.constant 0 : i32
      %dma_wait3A_87 = tpu.memref_slice %arg4[%add3A_75, %dma_wait3A_86] : memref<128000x128xf32, #tpu.memory_space<hbm>> -> memref<128x128xf32, #tpu.memory_space<hbm>>
      tpu.wait_dma2 semaphore(%arg12 : memref<!tpu.dma_semaphore, #tpu.memory_space<semaphore_mem>>) src(%arg7 : memref<128x128xf32, #tpu.memory_space<vmem>>) dst(%dma_wait3A_87 : memref<128x128xf32, #tpu.memory_space<hbm>>)
    }
    %scan3A_29 = arith.constant 15 : i32
    %dma_start3A_30 = arith.constant 3840 : i32
    %dma_start3A_31 = tpu.memref_slice %arg5[%dma_start3A_30] : memref<4096xi32, #tpu.memory_space<vmem>> -> memref<128xi32, #tpu.memory_space<vmem>>
    %dma_start3A_32 = arith.constant 0 : i32
    %dma_start3A_33 = arith.constant 0 : i32
    %dma_start3A_34 = tpu.memref_slice %arg8[%dma_start3A_32, %dma_start3A_33] : memref<10000x128xf32, #tpu.memory_space<vmem_shared>> -> memref<10000x128xf32, #tpu.memory_space<vmem_shared>>
    tpu.enqueue_indirect_dma source(%dma_start3A_34 : memref<10000x128xf32, #tpu.memory_space<vmem_shared>>) target(%arg6 : memref<128x128xf32, #tpu.memory_space<vmem>>) offsets(%dma_start3A_31 : memref<128xi32, #tpu.memory_space<vmem>>) semaphore(%arg9 : memref<!tpu.dma_semaphore, #tpu.memory_space<semaphore_mem>>)
    %dma_wait3A_35 = arith.constant 3840 : i32
    %dma_wait3A_36 = tpu.memref_slice %arg5[%dma_wait3A_35] : memref<4096xi32, #tpu.memory_space<vmem>> -> memref<128xi32, #tpu.memory_space<vmem>>
    %dma_wait3A_37 = arith.constant 0 : i32
    %dma_wait3A_38 = arith.constant 0 : i32
    %dma_wait3A_39 = tpu.memref_slice %arg8[%dma_wait3A_37, %dma_wait3A_38] : memref<10000x128xf32, #tpu.memory_space<vmem_shared>> -> memref<10000x128xf32, #tpu.memory_space<vmem_shared>>
    tpu.wait_indirect_dma semaphore(%arg9 : memref<!tpu.dma_semaphore, #tpu.memory_space<semaphore_mem>>) src(%dma_wait3A_39 : memref<10000x128xf32, #tpu.memory_space<vmem_shared>>) dst(%arg6 : memref<128x128xf32, #tpu.memory_space<vmem>>)
    %add3A_40 = arith.constant 3840 : i32
    %add3A_41 = arith.addi %mul3A_2, %add3A_40 : i32
    "tpu.region"() ({
      %run_scoped3A = tpu.sem_alloc : memref<!tpu.dma_semaphore, #tpu.memory_space<semaphore_mem>>
      %dma_start3A_47 = arith.constant 0 : i32
      %dma_start3A_48 = tpu.memref_slice %arg4[%add3A_41, %dma_start3A_47] : memref<128000x128xf32, #tpu.memory_space<hbm>> -> memref<128x128xf32, #tpu.memory_space<hbm>>
      %dma_start3A_49 = arith.constant 0 : i32
      %dma_start3A_50 = tpu.memref_slice %arg4[%add3A_41, %dma_start3A_49] : memref<128000x128xf32, #tpu.memory_space<hbm>> -> memref<128x128xf32, #tpu.memory_space<hbm>>
      tpu.enqueue_dma source(%arg6 : memref<128x128xf32, #tpu.memory_space<vmem>>) target(%dma_start3A_50 : memref<128x128xf32, #tpu.memory_space<hbm>>) target_semaphore(%run_scoped3A : memref<!tpu.dma_semaphore, #tpu.memory_space<semaphore_mem>>)
      %dma_wait3A_51 = arith.constant 0 : i32
      %dma_wait3A_52 = tpu.memref_slice %arg4[%add3A_41, %dma_wait3A_51] : memref<128000x128xf32, #tpu.memory_space<hbm>> -> memref<128x128xf32, #tpu.memory_space<hbm>>
      %dma_wait3A_53 = arith.constant 0 : i32
      %dma_wait3A_54 = tpu.memref_slice %arg4[%add3A_41, %dma_wait3A_53] : memref<128000x128xf32, #tpu.memory_space<hbm>> -> memref<128x128xf32, #tpu.memory_space<hbm>>
      tpu.wait_dma2 semaphore(%run_scoped3A : memref<!tpu.dma_semaphore, #tpu.memory_space<semaphore_mem>>) src(%arg6 : memref<128x128xf32, #tpu.memory_space<vmem>>) dst(%dma_wait3A_54 : memref<128x128xf32, #tpu.memory_space<hbm>>)
      tpu.yield
    }) : () -> ()
    %lt3A_42 = arith.constant 8 : i32
    %lt3A_43 = arith.cmpi slt, %add3A, %lt3A_42 : i32
    %convert_element_type3A_44 = arith.extui %lt3A_43 : i1 to i32
    %cond3A_45 = arith.constant 0 : i32
    %cond3A_46 = arith.cmpi ne, %convert_element_type3A_44, %cond3A_45 : i32
    scf.if %cond3A_46 {
      %dma_start3A_47 = arith.constant 3968 : i32
      %dma_start3A_48 = tpu.memref_slice %arg5[%dma_start3A_47] : memref<4096xi32, #tpu.memory_space<vmem>> -> memref<128xi32, #tpu.memory_space<vmem>>
      %dma_start3A_49 = arith.constant 0 : i32
      %dma_start3A_50 = arith.constant 0 : i32
      %dma_start3A_51 = tpu.memref_slice %arg8[%dma_start3A_49, %dma_start3A_50] : memref<10000x128xf32, #tpu.memory_space<vmem_shared>> -> memref<10000x128xf32, #tpu.memory_space<vmem_shared>>
      tpu.enqueue_indirect_dma source(%dma_start3A_51 : memref<10000x128xf32, #tpu.memory_space<vmem_shared>>) target(%arg7 : memref<128x128xf32, #tpu.memory_space<vmem>>) offsets(%dma_start3A_48 : memref<128xi32, #tpu.memory_space<vmem>>) semaphore(%arg10 : memref<!tpu.dma_semaphore, #tpu.memory_space<semaphore_mem>>)
      %dma_wait3A_52 = arith.constant 3968 : i32
      %dma_wait3A_53 = tpu.memref_slice %arg5[%dma_wait3A_52] : memref<4096xi32, #tpu.memory_space<vmem>> -> memref<128xi32, #tpu.memory_space<vmem>>
      %dma_wait3A_54 = arith.constant 0 : i32
      %dma_wait3A_55 = arith.constant 0 : i32
      %dma_wait3A_56 = tpu.memref_slice %arg8[%dma_wait3A_54, %dma_wait3A_55] : memref<10000x128xf32, #tpu.memory_space<vmem_shared>> -> memref<10000x128xf32, #tpu.memory_space<vmem_shared>>
      tpu.wait_indirect_dma semaphore(%arg10 : memref<!tpu.dma_semaphore, #tpu.memory_space<semaphore_mem>>) src(%dma_wait3A_56 : memref<10000x128xf32, #tpu.memory_space<vmem_shared>>) dst(%arg7 : memref<128x128xf32, #tpu.memory_space<vmem>>)
      "tpu.region"() ({
        %run_scoped3A = tpu.sem_alloc : memref<!tpu.dma_semaphore, #tpu.memory_space<semaphore_mem>>
        %dma_start3A_57 = arith.constant 0 : i32
        %dma_start3A_58 = tpu.memref_slice %arg4[%mul3A_6, %dma_start3A_57] : memref<128000x128xf32, #tpu.memory_space<hbm>> -> memref<128x128xf32, #tpu.memory_space<hbm>>
        %dma_start3A_59 = arith.constant 0 : i32
        %dma_start3A_60 = tpu.memref_slice %arg4[%mul3A_6, %dma_start3A_59] : memref<128000x128xf32, #tpu.memory_space<hbm>> -> memref<128x128xf32, #tpu.memory_space<hbm>>
        tpu.enqueue_dma source(%arg7 : memref<128x128xf32, #tpu.memory_space<vmem>>) target(%dma_start3A_60 : memref<128x128xf32, #tpu.memory_space<hbm>>) target_semaphore(%run_scoped3A : memref<!tpu.dma_semaphore, #tpu.memory_space<semaphore_mem>>)
        %dma_wait3A_61 = arith.constant 0 : i32
        %dma_wait3A_62 = tpu.memref_slice %arg4[%mul3A_6, %dma_wait3A_61] : memref<128000x128xf32, #tpu.memory_space<hbm>> -> memref<128x128xf32, #tpu.memory_space<hbm>>
        %dma_wait3A_63 = arith.constant 0 : i32
        %dma_wait3A_64 = tpu.memref_slice %arg4[%mul3A_6, %dma_wait3A_63] : memref<128000x128xf32, #tpu.memory_space<hbm>> -> memref<128x128xf32, #tpu.memory_space<hbm>>
        tpu.wait_dma2 semaphore(%run_scoped3A : memref<!tpu.dma_semaphore, #tpu.memory_space<semaphore_mem>>) src(%arg7 : memref<128x128xf32, #tpu.memory_space<vmem>>) dst(%dma_wait3A_64 : memref<128x128xf32, #tpu.memory_space<hbm>>)
        tpu.yield
      }) : () -> ()
    } else {
    }
    return
  }
}

#map = affine_map<(d0, d1) -> (0, 0)>
module attributes {stable_mosaic.version = 14 : i64} {
  func.func @body_fn(%arg0: i32, %arg1: i32, %arg2: memref<128000x128xf32, #tpu.memory_space<hbm>>, %arg3: memref<1000x128xi32, #tpu.memory_space<hbm>>, %arg4: memref<20000x128xf32, #tpu.memory_space<hbm>>, %arg5: memref<20000x128xf32, #tpu.memory_space<hbm>>, %arg6: memref<48x128xi32, #tpu.memory_space<vmem>>, %arg7: memref<128x128xf32, #tpu.memory_space<vmem>>, %arg8: memref<128x128xf32, #tpu.memory_space<vmem>>, %arg9: memref<10000x128xf32, #tpu.memory_space<vmem_shared>>, %arg10: memref<!tpu.dma_semaphore, #tpu.memory_space<semaphore_mem>>, %arg11: memref<!tpu.dma_semaphore, #tpu.memory_space<semaphore_mem>>) attributes {dimension_semantics = [#tpu.dimension_semantics<core_parallel>, #tpu.dimension_semantics<subcore_parallel>], iteration_bounds = array<i64: 2, 16>, scalar_prefetch = 0 : i64, scratch_operands = 6 : i64, tpu.core_type = #tpu.core_type<sc_vector_subcore>, window_params = [{transform_indices = #map}, {transform_indices = #map}, {transform_indices = #map}, {transform_indices = #map}]} {
    %mul3A = arith.constant 2 : i32
    %mul3A_0 = arith.muli %arg1, %mul3A : i32
    %add3A = arith.addi %mul3A_0, %arg0 : i32
    %mul3A_1 = arith.constant 624 : i32
    %mul3A_2 = arith.muli %arg1, %mul3A_1 : i32
    %mul3A_3 = arith.constant 10000 : i32
    %mul3A_4 = arith.muli %arg0, %mul3A_3 : i32
    %add3A_5 = arith.addi %mul3A_4, %mul3A_2 : i32
    "tpu.region"() ({
      %run_scoped3A = tpu.sem_alloc : memref<!tpu.dma_semaphore, #tpu.memory_space<semaphore_mem>>
      %dma_start3A_64 = arith.constant 0 : i32
      %dma_start3A_65 = tpu.memref_slice %arg9[%mul3A_2, %dma_start3A_64] : memref<10000x128xf32, #tpu.memory_space<vmem_shared>> -> memref<624x128xf32, #tpu.memory_space<vmem_shared>>
      %dma_start3A_66 = arith.constant 0 : i32
      %dma_start3A_67 = tpu.memref_slice %arg4[%add3A_5, %dma_start3A_66] : memref<20000x128xf32, #tpu.memory_space<hbm>> -> memref<624x128xf32, #tpu.memory_space<hbm>>
      tpu.enqueue_dma source(%dma_start3A_67 : memref<624x128xf32, #tpu.memory_space<hbm>>) target(%dma_start3A_65 : memref<624x128xf32, #tpu.memory_space<vmem_shared>>) target_semaphore(%run_scoped3A : memref<!tpu.dma_semaphore, #tpu.memory_space<semaphore_mem>>)
      %dma_wait3A_68 = arith.constant 0 : i32
      %dma_wait3A_69 = tpu.memref_slice %arg9[%mul3A_2, %dma_wait3A_68] : memref<10000x128xf32, #tpu.memory_space<vmem_shared>> -> memref<624x128xf32, #tpu.memory_space<vmem_shared>>
      %dma_wait3A_70 = arith.constant 0 : i32
      %dma_wait3A_71 = tpu.memref_slice %arg4[%add3A_5, %dma_wait3A_70] : memref<20000x128xf32, #tpu.memory_space<hbm>> -> memref<624x128xf32, #tpu.memory_space<hbm>>
      tpu.wait_dma2 semaphore(%run_scoped3A : memref<!tpu.dma_semaphore, #tpu.memory_space<semaphore_mem>>) src(%dma_wait3A_71 : memref<624x128xf32, #tpu.memory_space<hbm>>) dst(%dma_wait3A_69 : memref<624x128xf32, #tpu.memory_space<vmem_shared>>)
      tpu.yield
    }) : () -> ()
    %eq3A = arith.constant 15 : i32
    %eq3A_6 = arith.cmpi eq, %arg1, %eq3A : i32
    %convert_element_type3A = arith.extui %eq3A_6 : i1 to i32
    %cond3A = arith.constant 0 : i32
    %cond3A_7 = arith.cmpi ne, %convert_element_type3A, %cond3A : i32
    scf.if %cond3A_7 {
      %mul3A_64 = arith.constant 10000 : i32
      %mul3A_65 = arith.muli %arg0, %mul3A_64 : i32
      %add3A_66 = arith.constant 9984 : i32
      %add3A_67 = arith.addi %mul3A_65, %add3A_66 : i32
      "tpu.region"() ({
        %run_scoped3A = tpu.sem_alloc : memref<!tpu.dma_semaphore, #tpu.memory_space<semaphore_mem>>
        %dma_start3A_68 = arith.constant 9984 : i32
        %dma_start3A_69 = arith.constant 0 : i32
        %dma_start3A_70 = tpu.memref_slice %arg9[%dma_start3A_68, %dma_start3A_69] : memref<10000x128xf32, #tpu.memory_space<vmem_shared>> -> memref<16x128xf32, #tpu.memory_space<vmem_shared>>
        %dma_start3A_71 = arith.constant 0 : i32
        %dma_start3A_72 = tpu.memref_slice %arg4[%add3A_67, %dma_start3A_71] : memref<20000x128xf32, #tpu.memory_space<hbm>> -> memref<16x128xf32, #tpu.memory_space<hbm>>
        tpu.enqueue_dma source(%dma_start3A_72 : memref<16x128xf32, #tpu.memory_space<hbm>>) target(%dma_start3A_70 : memref<16x128xf32, #tpu.memory_space<vmem_shared>>) target_semaphore(%run_scoped3A : memref<!tpu.dma_semaphore, #tpu.memory_space<semaphore_mem>>)
        %dma_wait3A_73 = arith.constant 9984 : i32
        %dma_wait3A_74 = arith.constant 0 : i32
        %dma_wait3A_75 = tpu.memref_slice %arg9[%dma_wait3A_73, %dma_wait3A_74] : memref<10000x128xf32, #tpu.memory_space<vmem_shared>> -> memref<16x128xf32, #tpu.memory_space<vmem_shared>>
        %dma_wait3A_76 = arith.constant 0 : i32
        %dma_wait3A_77 = tpu.memref_slice %arg4[%add3A_67, %dma_wait3A_76] : memref<20000x128xf32, #tpu.memory_space<hbm>> -> memref<16x128xf32, #tpu.memory_space<hbm>>
        tpu.wait_dma2 semaphore(%run_scoped3A : memref<!tpu.dma_semaphore, #tpu.memory_space<semaphore_mem>>) src(%dma_wait3A_77 : memref<16x128xf32, #tpu.memory_space<hbm>>) dst(%dma_wait3A_75 : memref<16x128xf32, #tpu.memory_space<vmem_shared>>)
        tpu.yield
      }) : () -> ()
    } else {
    }
    %mul3A_8 = arith.constant 31 : i32
    %mul3A_9 = arith.muli %add3A, %mul3A_8 : i32
    %jit3A = arith.constant 8 : i32
    %div3A = arith.divsi %mul3A_9, %jit3A : i32
    %sign3A = arith.constant 0 : i32
    %sign3A_10 = arith.cmpi sgt, %mul3A_9, %sign3A : i32
    %sign3A_11 = arith.extui %sign3A_10 : i1 to i32
    %sign3A_12 = arith.constant 0 : i32
    %sign3A_13 = arith.cmpi slt, %mul3A_9, %sign3A_12 : i32
    %sign3A_14 = arith.extui %sign3A_13 : i1 to i32
    %sign3A_15 = arith.subi %sign3A_11, %sign3A_14 : i32
    %sign3A_16 = arith.constant 0 : i32
    %sign3A_17 = arith.cmpi sgt, %jit3A, %sign3A_16 : i32
    %sign3A_18 = arith.extui %sign3A_17 : i1 to i32
    %sign3A_19 = arith.constant 0 : i32
    %sign3A_20 = arith.cmpi slt, %jit3A, %sign3A_19 : i32
    %sign3A_21 = arith.extui %sign3A_20 : i1 to i32
    %sign3A_22 = arith.subi %sign3A_18, %sign3A_21 : i32
    %ne3A = arith.cmpi ne, %sign3A_15, %sign3A_22 : i32
    %rem3A = arith.remsi %mul3A_9, %jit3A : i32
    %ne3A_23 = arith.constant 0 : i32
    %ne3A_24 = arith.cmpi ne, %rem3A, %ne3A_23 : i32
    %and3A = arith.andi %ne3A, %ne3A_24 : i1
    %sub3A = arith.constant 1 : i32
    %sub3A_25 = arith.subi %div3A, %sub3A : i32
    %select_n3A = arith.select %and3A, %sub3A_25, %div3A : i32
    %mul3A_26 = arith.constant 8 : i32
    %mul3A_27 = arith.muli %select_n3A, %mul3A_26 : i32
    %sub3A_28 = arith.subi %mul3A_9, %mul3A_27 : i32
    "tpu.region"() ({
      %run_scoped3A = tpu.sem_alloc : memref<!tpu.dma_semaphore, #tpu.memory_space<semaphore_mem>>
      %dma_start3A_64 = arith.constant 0 : i32
      %dma_start3A_65 = arith.constant 0 : i32
      %dma_start3A_66 = tpu.memref_slice %arg6[%dma_start3A_64, %dma_start3A_65] : memref<48x128xi32, #tpu.memory_space<vmem>> -> memref<40x128xi32, #tpu.memory_space<vmem>>
      %dma_start3A_67 = arith.constant 0 : i32
      %dma_start3A_68 = tpu.memref_slice %arg3[%mul3A_27, %dma_start3A_67] : memref<1000x128xi32, #tpu.memory_space<hbm>> -> memref<40x128xi32, #tpu.memory_space<hbm>>
      %dma_start3A_69 = arith.constant 0 : i32
      %dma_start3A_70 = arith.constant 0 : i32
      %dma_start3A_71 = tpu.memref_slice %arg6[%dma_start3A_69, %dma_start3A_70] : memref<48x128xi32, #tpu.memory_space<vmem>> -> memref<40x128xi32, #tpu.memory_space<vmem>>
      %dma_start3A_72 = arith.constant 0 : i32
      %dma_start3A_73 = tpu.memref_slice %arg3[%mul3A_27, %dma_start3A_72] : memref<1000x128xi32, #tpu.memory_space<hbm>> -> memref<40x128xi32, #tpu.memory_space<hbm>>
      tpu.enqueue_dma source(%dma_start3A_73 : memref<40x128xi32, #tpu.memory_space<hbm>>) target(%dma_start3A_71 : memref<40x128xi32, #tpu.memory_space<vmem>>) target_semaphore(%run_scoped3A : memref<!tpu.dma_semaphore, #tpu.memory_space<semaphore_mem>>)
      %dma_wait3A_74 = arith.constant 0 : i32
      %dma_wait3A_75 = arith.constant 0 : i32
      %dma_wait3A_76 = tpu.memref_slice %arg6[%dma_wait3A_74, %dma_wait3A_75] : memref<48x128xi32, #tpu.memory_space<vmem>> -> memref<40x128xi32, #tpu.memory_space<vmem>>
      %dma_wait3A_77 = arith.constant 0 : i32
      %dma_wait3A_78 = tpu.memref_slice %arg3[%mul3A_27, %dma_wait3A_77] : memref<1000x128xi32, #tpu.memory_space<hbm>> -> memref<40x128xi32, #tpu.memory_space<hbm>>
      %dma_wait3A_79 = arith.constant 0 : i32
      %dma_wait3A_80 = arith.constant 0 : i32
      %dma_wait3A_81 = tpu.memref_slice %arg6[%dma_wait3A_79, %dma_wait3A_80] : memref<48x128xi32, #tpu.memory_space<vmem>> -> memref<40x128xi32, #tpu.memory_space<vmem>>
      %dma_wait3A_82 = arith.constant 0 : i32
      %dma_wait3A_83 = tpu.memref_slice %arg3[%mul3A_27, %dma_wait3A_82] : memref<1000x128xi32, #tpu.memory_space<hbm>> -> memref<40x128xi32, #tpu.memory_space<hbm>>
      tpu.wait_dma2 semaphore(%run_scoped3A : memref<!tpu.dma_semaphore, #tpu.memory_space<semaphore_mem>>) src(%dma_wait3A_83 : memref<40x128xi32, #tpu.memory_space<hbm>>) dst(%dma_wait3A_81 : memref<40x128xi32, #tpu.memory_space<vmem>>)
      tpu.yield
    }) : () -> ()
    %lt3A = arith.constant 8 : i32
    %lt3A_29 = arith.cmpi slt, %add3A, %lt3A : i32
    %convert_element_type3A_30 = arith.extui %lt3A_29 : i1 to i32
    %cond3A_31 = arith.constant 0 : i32
    %cond3A_32 = arith.cmpi ne, %convert_element_type3A_30, %cond3A_31 : i32
    scf.if %cond3A_32 {
      "tpu.region"() ({
        %run_scoped3A = tpu.sem_alloc : memref<!tpu.dma_semaphore, #tpu.memory_space<semaphore_mem>>
        %dma_start3A_64 = arith.constant 40 : i32
        %dma_start3A_65 = arith.constant 0 : i32
        %dma_start3A_66 = tpu.memref_slice %arg6[%dma_start3A_64, %dma_start3A_65] : memref<48x128xi32, #tpu.memory_space<vmem>> -> memref<8x128xi32, #tpu.memory_space<vmem>>
        %dma_start3A_67 = arith.constant 992 : i32
        %dma_start3A_68 = arith.constant 0 : i32
        %dma_start3A_69 = tpu.memref_slice %arg3[%dma_start3A_67, %dma_start3A_68] : memref<1000x128xi32, #tpu.memory_space<hbm>> -> memref<8x128xi32, #tpu.memory_space<hbm>>
        %dma_start3A_70 = arith.constant 40 : i32
        %dma_start3A_71 = arith.constant 0 : i32
        %dma_start3A_72 = tpu.memref_slice %arg6[%dma_start3A_70, %dma_start3A_71] : memref<48x128xi32, #tpu.memory_space<vmem>> -> memref<8x128xi32, #tpu.memory_space<vmem>>
        %dma_start3A_73 = arith.constant 992 : i32
        %dma_start3A_74 = arith.constant 0 : i32
        %dma_start3A_75 = tpu.memref_slice %arg3[%dma_start3A_73, %dma_start3A_74] : memref<1000x128xi32, #tpu.memory_space<hbm>> -> memref<8x128xi32, #tpu.memory_space<hbm>>
        tpu.enqueue_dma source(%dma_start3A_75 : memref<8x128xi32, #tpu.memory_space<hbm>>) target(%dma_start3A_72 : memref<8x128xi32, #tpu.memory_space<vmem>>) target_semaphore(%run_scoped3A : memref<!tpu.dma_semaphore, #tpu.memory_space<semaphore_mem>>)
        %dma_wait3A_76 = arith.constant 40 : i32
        %dma_wait3A_77 = arith.constant 0 : i32
        %dma_wait3A_78 = tpu.memref_slice %arg6[%dma_wait3A_76, %dma_wait3A_77] : memref<48x128xi32, #tpu.memory_space<vmem>> -> memref<8x128xi32, #tpu.memory_space<vmem>>
        %dma_wait3A_79 = arith.constant 992 : i32
        %dma_wait3A_80 = arith.constant 0 : i32
        %dma_wait3A_81 = tpu.memref_slice %arg3[%dma_wait3A_79, %dma_wait3A_80] : memref<1000x128xi32, #tpu.memory_space<hbm>> -> memref<8x128xi32, #tpu.memory_space<hbm>>
        %dma_wait3A_82 = arith.constant 40 : i32
        %dma_wait3A_83 = arith.constant 0 : i32
        %dma_wait3A_84 = tpu.memref_slice %arg6[%dma_wait3A_82, %dma_wait3A_83] : memref<48x128xi32, #tpu.memory_space<vmem>> -> memref<8x128xi32, #tpu.memory_space<vmem>>
        %dma_wait3A_85 = arith.constant 992 : i32
        %dma_wait3A_86 = arith.constant 0 : i32
        %dma_wait3A_87 = tpu.memref_slice %arg3[%dma_wait3A_85, %dma_wait3A_86] : memref<1000x128xi32, #tpu.memory_space<hbm>> -> memref<8x128xi32, #tpu.memory_space<hbm>>
        tpu.wait_dma2 semaphore(%run_scoped3A : memref<!tpu.dma_semaphore, #tpu.memory_space<semaphore_mem>>) src(%dma_wait3A_87 : memref<8x128xi32, #tpu.memory_space<hbm>>) dst(%dma_wait3A_84 : memref<8x128xi32, #tpu.memory_space<vmem>>)
        tpu.yield
      }) : () -> ()
    } else {
    }
    %barrier3A = arith.constant 0 : index
    tpu.barrier barrier_id(%barrier3A)
    %scan3A = arith.constant 0 : i32
    %scan3A_33 = arith.constant 0 : i32
    %scan3A_34 = arith.constant 15 : i32
    %scan3A_35 = arith.addi %scan3A_33, %scan3A_34 : i32
    %scan3A_36 = arith.constant 1 : i32
    scf.for %scan3A_64 = %scan3A_33 to %scan3A_35 step %scan3A_36  : i32 {
      %mul3A_65 = arith.constant 2 : i32
      %mul3A_66 = arith.muli %mul3A_65, %scan3A_64 : i32
      %add3A_67 = arith.constant 1 : i32
      %add3A_68 = arith.addi %mul3A_66, %add3A_67 : i32
      %add3A_69 = arith.addi %mul3A_9, %mul3A_66 : i32
      %mul3A_70 = arith.constant 128 : i32
      %mul3A_71 = arith.muli %add3A_69, %mul3A_70 : i32
      %dma_start3A_72 = arith.constant 0 : i32
      %dma_start3A_73 = tpu.memref_slice %arg2[%mul3A_71, %dma_start3A_72] : memref<128000x128xf32, #tpu.memory_space<hbm>> -> memref<128x128xf32, #tpu.memory_space<hbm>>
      %dma_start3A_74 = arith.constant 0 : i32
      %dma_start3A_75 = tpu.memref_slice %arg2[%mul3A_71, %dma_start3A_74] : memref<128000x128xf32, #tpu.memory_space<hbm>> -> memref<128x128xf32, #tpu.memory_space<hbm>>
      tpu.enqueue_dma source(%dma_start3A_75 : memref<128x128xf32, #tpu.memory_space<hbm>>) target(%arg7 : memref<128x128xf32, #tpu.memory_space<vmem>>) target_semaphore(%arg10 : memref<!tpu.dma_semaphore, #tpu.memory_space<semaphore_mem>>)
      %add3A_76 = arith.addi %mul3A_9, %add3A_68 : i32
      %mul3A_77 = arith.constant 128 : i32
      %mul3A_78 = arith.muli %add3A_76, %mul3A_77 : i32
      %dma_start3A_79 = arith.constant 0 : i32
      %dma_start3A_80 = tpu.memref_slice %arg2[%mul3A_78, %dma_start3A_79] : memref<128000x128xf32, #tpu.memory_space<hbm>> -> memref<128x128xf32, #tpu.memory_space<hbm>>
      %dma_start3A_81 = arith.constant 0 : i32
      %dma_start3A_82 = tpu.memref_slice %arg2[%mul3A_78, %dma_start3A_81] : memref<128000x128xf32, #tpu.memory_space<hbm>> -> memref<128x128xf32, #tpu.memory_space<hbm>>
      tpu.enqueue_dma source(%dma_start3A_82 : memref<128x128xf32, #tpu.memory_space<hbm>>) target(%arg8 : memref<128x128xf32, #tpu.memory_space<vmem>>) target_semaphore(%arg11 : memref<!tpu.dma_semaphore, #tpu.memory_space<semaphore_mem>>)
      %dma_wait3A_83 = arith.constant 0 : i32
      %dma_wait3A_84 = tpu.memref_slice %arg2[%mul3A_71, %dma_wait3A_83] : memref<128000x128xf32, #tpu.memory_space<hbm>> -> memref<128x128xf32, #tpu.memory_space<hbm>>
      %dma_wait3A_85 = arith.constant 0 : i32
      %dma_wait3A_86 = tpu.memref_slice %arg2[%mul3A_71, %dma_wait3A_85] : memref<128000x128xf32, #tpu.memory_space<hbm>> -> memref<128x128xf32, #tpu.memory_space<hbm>>
      tpu.wait_dma2 semaphore(%arg10 : memref<!tpu.dma_semaphore, #tpu.memory_space<semaphore_mem>>) src(%dma_wait3A_86 : memref<128x128xf32, #tpu.memory_space<hbm>>) dst(%arg7 : memref<128x128xf32, #tpu.memory_space<vmem>>)
      %add3A_87 = arith.addi %sub3A_28, %mul3A_66 : i32
      "tpu.region"() ({
        %run_scoped3A = tpu.sem_alloc : memref<!tpu.dma_semaphore, #tpu.memory_space<semaphore_mem>>
        %dma_start3A_93 = arith.constant 0 : i32
        %dma_start3A_94 = tpu.memref_slice %arg6[%add3A_87, %dma_start3A_93] : memref<48x128xi32, #tpu.memory_space<vmem>> -> memref<1x128xi32, #tpu.memory_space<vmem>>
        %dma_start3A_95 = tpu.memref_squeeze %dma_start3A_94 : memref<1x128xi32, #tpu.memory_space<vmem>> -> memref<128xi32, #tpu.memory_space<vmem>>
        %dma_start3A_96 = arith.constant 0 : i32
        %dma_start3A_97 = arith.constant 0 : i32
        %dma_start3A_98 = tpu.memref_slice %arg9[%dma_start3A_96, %dma_start3A_97] : memref<10000x128xf32, #tpu.memory_space<vmem_shared>> -> memref<10000x128xf32, #tpu.memory_space<vmem_shared>>
        tpu.enqueue_indirect_dma source(%arg7 : memref<128x128xf32, #tpu.memory_space<vmem>>) target(%dma_start3A_98 : memref<10000x128xf32, #tpu.memory_space<vmem_shared>>) offsets(%dma_start3A_95 : memref<128xi32, #tpu.memory_space<vmem>>) semaphore(%run_scoped3A : memref<!tpu.dma_semaphore, #tpu.memory_space<semaphore_mem>>) {add = true}
        %dma_wait3A_99 = arith.constant 0 : i32
        %dma_wait3A_100 = tpu.memref_slice %arg6[%add3A_87, %dma_wait3A_99] : memref<48x128xi32, #tpu.memory_space<vmem>> -> memref<1x128xi32, #tpu.memory_space<vmem>>
        %dma_wait3A_101 = tpu.memref_squeeze %dma_wait3A_100 : memref<1x128xi32, #tpu.memory_space<vmem>> -> memref<128xi32, #tpu.memory_space<vmem>>
        %dma_wait3A_102 = arith.constant 0 : i32
        %dma_wait3A_103 = arith.constant 0 : i32
        %dma_wait3A_104 = tpu.memref_slice %arg9[%dma_wait3A_102, %dma_wait3A_103] : memref<10000x128xf32, #tpu.memory_space<vmem_shared>> -> memref<10000x128xf32, #tpu.memory_space<vmem_shared>>
        tpu.wait_indirect_dma semaphore(%run_scoped3A : memref<!tpu.dma_semaphore, #tpu.memory_space<semaphore_mem>>) src(%arg7 : memref<128x128xf32, #tpu.memory_space<vmem>>) dst(%dma_wait3A_104 : memref<10000x128xf32, #tpu.memory_space<vmem_shared>>)
        tpu.yield
      }) : () -> ()
      %dma_wait3A_88 = arith.constant 0 : i32
      %dma_wait3A_89 = tpu.memref_slice %arg2[%mul3A_78, %dma_wait3A_88] : memref<128000x128xf32, #tpu.memory_space<hbm>> -> memref<128x128xf32, #tpu.memory_space<hbm>>
      %dma_wait3A_90 = arith.constant 0 : i32
      %dma_wait3A_91 = tpu.memref_slice %arg2[%mul3A_78, %dma_wait3A_90] : memref<128000x128xf32, #tpu.memory_space<hbm>> -> memref<128x128xf32, #tpu.memory_space<hbm>>
      tpu.wait_dma2 semaphore(%arg11 : memref<!tpu.dma_semaphore, #tpu.memory_space<semaphore_mem>>) src(%dma_wait3A_91 : memref<128x128xf32, #tpu.memory_space<hbm>>) dst(%arg8 : memref<128x128xf32, #tpu.memory_space<vmem>>)
      %add3A_92 = arith.addi %sub3A_28, %add3A_68 : i32
      "tpu.region"() ({
        %run_scoped3A = tpu.sem_alloc : memref<!tpu.dma_semaphore, #tpu.memory_space<semaphore_mem>>
        %dma_start3A_93 = arith.constant 0 : i32
        %dma_start3A_94 = tpu.memref_slice %arg6[%add3A_92, %dma_start3A_93] : memref<48x128xi32, #tpu.memory_space<vmem>> -> memref<1x128xi32, #tpu.memory_space<vmem>>
        %dma_start3A_95 = tpu.memref_squeeze %dma_start3A_94 : memref<1x128xi32, #tpu.memory_space<vmem>> -> memref<128xi32, #tpu.memory_space<vmem>>
        %dma_start3A_96 = arith.constant 0 : i32
        %dma_start3A_97 = arith.constant 0 : i32
        %dma_start3A_98 = tpu.memref_slice %arg9[%dma_start3A_96, %dma_start3A_97] : memref<10000x128xf32, #tpu.memory_space<vmem_shared>> -> memref<10000x128xf32, #tpu.memory_space<vmem_shared>>
        tpu.enqueue_indirect_dma source(%arg8 : memref<128x128xf32, #tpu.memory_space<vmem>>) target(%dma_start3A_98 : memref<10000x128xf32, #tpu.memory_space<vmem_shared>>) offsets(%dma_start3A_95 : memref<128xi32, #tpu.memory_space<vmem>>) semaphore(%run_scoped3A : memref<!tpu.dma_semaphore, #tpu.memory_space<semaphore_mem>>) {add = true}
        %dma_wait3A_99 = arith.constant 0 : i32
        %dma_wait3A_100 = tpu.memref_slice %arg6[%add3A_92, %dma_wait3A_99] : memref<48x128xi32, #tpu.memory_space<vmem>> -> memref<1x128xi32, #tpu.memory_space<vmem>>
        %dma_wait3A_101 = tpu.memref_squeeze %dma_wait3A_100 : memref<1x128xi32, #tpu.memory_space<vmem>> -> memref<128xi32, #tpu.memory_space<vmem>>
        %dma_wait3A_102 = arith.constant 0 : i32
        %dma_wait3A_103 = arith.constant 0 : i32
        %dma_wait3A_104 = tpu.memref_slice %arg9[%dma_wait3A_102, %dma_wait3A_103] : memref<10000x128xf32, #tpu.memory_space<vmem_shared>> -> memref<10000x128xf32, #tpu.memory_space<vmem_shared>>
        tpu.wait_indirect_dma semaphore(%run_scoped3A : memref<!tpu.dma_semaphore, #tpu.memory_space<semaphore_mem>>) src(%arg8 : memref<128x128xf32, #tpu.memory_space<vmem>>) dst(%dma_wait3A_104 : memref<10000x128xf32, #tpu.memory_space<vmem_shared>>)
        tpu.yield
      }) : () -> ()
    }
    %scan3A_37 = arith.constant 15 : i32
    %add3A_38 = arith.constant 30 : i32
    %add3A_39 = arith.addi %mul3A_9, %add3A_38 : i32
    %mul3A_40 = arith.constant 128 : i32
    %mul3A_41 = arith.muli %add3A_39, %mul3A_40 : i32
    %dma_start3A = arith.constant 0 : i32
    %dma_start3A_42 = tpu.memref_slice %arg2[%mul3A_41, %dma_start3A] : memref<128000x128xf32, #tpu.memory_space<hbm>> -> memref<128x128xf32, #tpu.memory_space<hbm>>
    %dma_start3A_43 = arith.constant 0 : i32
    %dma_start3A_44 = tpu.memref_slice %arg2[%mul3A_41, %dma_start3A_43] : memref<128000x128xf32, #tpu.memory_space<hbm>> -> memref<128x128xf32, #tpu.memory_space<hbm>>
    tpu.enqueue_dma source(%dma_start3A_44 : memref<128x128xf32, #tpu.memory_space<hbm>>) target(%arg7 : memref<128x128xf32, #tpu.memory_space<vmem>>) target_semaphore(%arg10 : memref<!tpu.dma_semaphore, #tpu.memory_space<semaphore_mem>>)
    %dma_wait3A = arith.constant 0 : i32
    %dma_wait3A_45 = tpu.memref_slice %arg2[%mul3A_41, %dma_wait3A] : memref<128000x128xf32, #tpu.memory_space<hbm>> -> memref<128x128xf32, #tpu.memory_space<hbm>>
    %dma_wait3A_46 = arith.constant 0 : i32
    %dma_wait3A_47 = tpu.memref_slice %arg2[%mul3A_41, %dma_wait3A_46] : memref<128000x128xf32, #tpu.memory_space<hbm>> -> memref<128x128xf32, #tpu.memory_space<hbm>>
    tpu.wait_dma2 semaphore(%arg10 : memref<!tpu.dma_semaphore, #tpu.memory_space<semaphore_mem>>) src(%dma_wait3A_47 : memref<128x128xf32, #tpu.memory_space<hbm>>) dst(%arg7 : memref<128x128xf32, #tpu.memory_space<vmem>>)
    %add3A_48 = arith.constant 30 : i32
    %add3A_49 = arith.addi %sub3A_28, %add3A_48 : i32
    "tpu.region"() ({
      %run_scoped3A = tpu.sem_alloc : memref<!tpu.dma_semaphore, #tpu.memory_space<semaphore_mem>>
      %dma_start3A_64 = arith.constant 0 : i32
      %dma_start3A_65 = tpu.memref_slice %arg6[%add3A_49, %dma_start3A_64] : memref<48x128xi32, #tpu.memory_space<vmem>> -> memref<1x128xi32, #tpu.memory_space<vmem>>
      %dma_start3A_66 = tpu.memref_squeeze %dma_start3A_65 : memref<1x128xi32, #tpu.memory_space<vmem>> -> memref<128xi32, #tpu.memory_space<vmem>>
      %dma_start3A_67 = arith.constant 0 : i32
      %dma_start3A_68 = arith.constant 0 : i32
      %dma_start3A_69 = tpu.memref_slice %arg9[%dma_start3A_67, %dma_start3A_68] : memref<10000x128xf32, #tpu.memory_space<vmem_shared>> -> memref<10000x128xf32, #tpu.memory_space<vmem_shared>>
      tpu.enqueue_indirect_dma source(%arg7 : memref<128x128xf32, #tpu.memory_space<vmem>>) target(%dma_start3A_69 : memref<10000x128xf32, #tpu.memory_space<vmem_shared>>) offsets(%dma_start3A_66 : memref<128xi32, #tpu.memory_space<vmem>>) semaphore(%run_scoped3A : memref<!tpu.dma_semaphore, #tpu.memory_space<semaphore_mem>>) {add = true}
      %dma_wait3A_70 = arith.constant 0 : i32
      %dma_wait3A_71 = tpu.memref_slice %arg6[%add3A_49, %dma_wait3A_70] : memref<48x128xi32, #tpu.memory_space<vmem>> -> memref<1x128xi32, #tpu.memory_space<vmem>>
      %dma_wait3A_72 = tpu.memref_squeeze %dma_wait3A_71 : memref<1x128xi32, #tpu.memory_space<vmem>> -> memref<128xi32, #tpu.memory_space<vmem>>
      %dma_wait3A_73 = arith.constant 0 : i32
      %dma_wait3A_74 = arith.constant 0 : i32
      %dma_wait3A_75 = tpu.memref_slice %arg9[%dma_wait3A_73, %dma_wait3A_74] : memref<10000x128xf32, #tpu.memory_space<vmem_shared>> -> memref<10000x128xf32, #tpu.memory_space<vmem_shared>>
      tpu.wait_indirect_dma semaphore(%run_scoped3A : memref<!tpu.dma_semaphore, #tpu.memory_space<semaphore_mem>>) src(%arg7 : memref<128x128xf32, #tpu.memory_space<vmem>>) dst(%dma_wait3A_75 : memref<10000x128xf32, #tpu.memory_space<vmem_shared>>)
      tpu.yield
    }) : () -> ()
    %lt3A_50 = arith.constant 8 : i32
    %lt3A_51 = arith.cmpi slt, %add3A, %lt3A_50 : i32
    %convert_element_type3A_52 = arith.extui %lt3A_51 : i1 to i32
    %cond3A_53 = arith.constant 0 : i32
    %cond3A_54 = arith.cmpi ne, %convert_element_type3A_52, %cond3A_53 : i32
    scf.if %cond3A_54 {
      %add3A_64 = arith.constant 992 : i32
      %add3A_65 = arith.addi %add3A_64, %add3A : i32
      %mul3A_66 = arith.constant 128 : i32
      %mul3A_67 = arith.muli %add3A_65, %mul3A_66 : i32
      %dma_start3A_68 = arith.constant 0 : i32
      %dma_start3A_69 = tpu.memref_slice %arg2[%mul3A_67, %dma_start3A_68] : memref<128000x128xf32, #tpu.memory_space<hbm>> -> memref<128x128xf32, #tpu.memory_space<hbm>>
      %dma_start3A_70 = arith.constant 0 : i32
      %dma_start3A_71 = tpu.memref_slice %arg2[%mul3A_67, %dma_start3A_70] : memref<128000x128xf32, #tpu.memory_space<hbm>> -> memref<128x128xf32, #tpu.memory_space<hbm>>
      tpu.enqueue_dma source(%dma_start3A_71 : memref<128x128xf32, #tpu.memory_space<hbm>>) target(%arg8 : memref<128x128xf32, #tpu.memory_space<vmem>>) target_semaphore(%arg11 : memref<!tpu.dma_semaphore, #tpu.memory_space<semaphore_mem>>)
      %dma_wait3A_72 = arith.constant 0 : i32
      %dma_wait3A_73 = tpu.memref_slice %arg2[%mul3A_67, %dma_wait3A_72] : memref<128000x128xf32, #tpu.memory_space<hbm>> -> memref<128x128xf32, #tpu.memory_space<hbm>>
      %dma_wait3A_74 = arith.constant 0 : i32
      %dma_wait3A_75 = tpu.memref_slice %arg2[%mul3A_67, %dma_wait3A_74] : memref<128000x128xf32, #tpu.memory_space<hbm>> -> memref<128x128xf32, #tpu.memory_space<hbm>>
      tpu.wait_dma2 semaphore(%arg11 : memref<!tpu.dma_semaphore, #tpu.memory_space<semaphore_mem>>) src(%dma_wait3A_75 : memref<128x128xf32, #tpu.memory_space<hbm>>) dst(%arg8 : memref<128x128xf32, #tpu.memory_space<vmem>>)
      %add3A_76 = arith.constant 40 : i32
      %add3A_77 = arith.addi %add3A_76, %add3A : i32
      "tpu.region"() ({
        %run_scoped3A = tpu.sem_alloc : memref<!tpu.dma_semaphore, #tpu.memory_space<semaphore_mem>>
        %dma_start3A_78 = arith.constant 0 : i32
        %dma_start3A_79 = tpu.memref_slice %arg6[%add3A_77, %dma_start3A_78] : memref<48x128xi32, #tpu.memory_space<vmem>> -> memref<1x128xi32, #tpu.memory_space<vmem>>
        %dma_start3A_80 = tpu.memref_squeeze %dma_start3A_79 : memref<1x128xi32, #tpu.memory_space<vmem>> -> memref<128xi32, #tpu.memory_space<vmem>>
        %dma_start3A_81 = arith.constant 0 : i32
        %dma_start3A_82 = arith.constant 0 : i32
        %dma_start3A_83 = tpu.memref_slice %arg9[%dma_start3A_81, %dma_start3A_82] : memref<10000x128xf32, #tpu.memory_space<vmem_shared>> -> memref<10000x128xf32, #tpu.memory_space<vmem_shared>>
        tpu.enqueue_indirect_dma source(%arg8 : memref<128x128xf32, #tpu.memory_space<vmem>>) target(%dma_start3A_83 : memref<10000x128xf32, #tpu.memory_space<vmem_shared>>) offsets(%dma_start3A_80 : memref<128xi32, #tpu.memory_space<vmem>>) semaphore(%run_scoped3A : memref<!tpu.dma_semaphore, #tpu.memory_space<semaphore_mem>>) {add = true}
        %dma_wait3A_84 = arith.constant 0 : i32
        %dma_wait3A_85 = tpu.memref_slice %arg6[%add3A_77, %dma_wait3A_84] : memref<48x128xi32, #tpu.memory_space<vmem>> -> memref<1x128xi32, #tpu.memory_space<vmem>>
        %dma_wait3A_86 = tpu.memref_squeeze %dma_wait3A_85 : memref<1x128xi32, #tpu.memory_space<vmem>> -> memref<128xi32, #tpu.memory_space<vmem>>
        %dma_wait3A_87 = arith.constant 0 : i32
        %dma_wait3A_88 = arith.constant 0 : i32
        %dma_wait3A_89 = tpu.memref_slice %arg9[%dma_wait3A_87, %dma_wait3A_88] : memref<10000x128xf32, #tpu.memory_space<vmem_shared>> -> memref<10000x128xf32, #tpu.memory_space<vmem_shared>>
        tpu.wait_indirect_dma semaphore(%run_scoped3A : memref<!tpu.dma_semaphore, #tpu.memory_space<semaphore_mem>>) src(%arg8 : memref<128x128xf32, #tpu.memory_space<vmem>>) dst(%dma_wait3A_89 : memref<10000x128xf32, #tpu.memory_space<vmem_shared>>)
        tpu.yield
      }) : () -> ()
    } else {
    }
    %barrier3A_55 = arith.constant 0 : index
    tpu.barrier barrier_id(%barrier3A_55)
    %mul3A_56 = arith.constant 10000 : i32
    %mul3A_57 = arith.muli %arg0, %mul3A_56 : i32
    %add3A_58 = arith.addi %mul3A_57, %mul3A_2 : i32
    "tpu.region"() ({
      %run_scoped3A = tpu.sem_alloc : memref<!tpu.dma_semaphore, #tpu.memory_space<semaphore_mem>>
      %dma_start3A_64 = arith.constant 0 : i32
      %dma_start3A_65 = tpu.memref_slice %arg5[%add3A_58, %dma_start3A_64] : memref<20000x128xf32, #tpu.memory_space<hbm>> -> memref<624x128xf32, #tpu.memory_space<hbm>>
      %dma_start3A_66 = arith.constant 0 : i32
      %dma_start3A_67 = tpu.memref_slice %arg9[%mul3A_2, %dma_start3A_66] : memref<10000x128xf32, #tpu.memory_space<vmem_shared>> -> memref<624x128xf32, #tpu.memory_space<vmem_shared>>
      tpu.enqueue_dma source(%dma_start3A_67 : memref<624x128xf32, #tpu.memory_space<vmem_shared>>) target(%dma_start3A_65 : memref<624x128xf32, #tpu.memory_space<hbm>>) target_semaphore(%run_scoped3A : memref<!tpu.dma_semaphore, #tpu.memory_space<semaphore_mem>>)
      %dma_wait3A_68 = arith.constant 0 : i32
      %dma_wait3A_69 = tpu.memref_slice %arg5[%add3A_58, %dma_wait3A_68] : memref<20000x128xf32, #tpu.memory_space<hbm>> -> memref<624x128xf32, #tpu.memory_space<hbm>>
      %dma_wait3A_70 = arith.constant 0 : i32
      %dma_wait3A_71 = tpu.memref_slice %arg9[%mul3A_2, %dma_wait3A_70] : memref<10000x128xf32, #tpu.memory_space<vmem_shared>> -> memref<624x128xf32, #tpu.memory_space<vmem_shared>>
      tpu.wait_dma2 semaphore(%run_scoped3A : memref<!tpu.dma_semaphore, #tpu.memory_space<semaphore_mem>>) src(%dma_wait3A_71 : memref<624x128xf32, #tpu.memory_space<vmem_shared>>) dst(%dma_wait3A_69 : memref<624x128xf32, #tpu.memory_space<hbm>>)
      tpu.yield
    }) : () -> ()
    %eq3A_59 = arith.constant 15 : i32
    %eq3A_60 = arith.cmpi eq, %arg1, %eq3A_59 : i32
    %convert_element_type3A_61 = arith.extui %eq3A_60 : i1 to i32
    %cond3A_62 = arith.constant 0 : i32
    %cond3A_63 = arith.cmpi ne, %convert_element_type3A_61, %cond3A_62 : i32
    scf.if %cond3A_63 {
      %mul3A_64 = arith.constant 10000 : i32
      %mul3A_65 = arith.muli %arg0, %mul3A_64 : i32
      %add3A_66 = arith.constant 9984 : i32
      %add3A_67 = arith.addi %mul3A_65, %add3A_66 : i32
      "tpu.region"() ({
        %run_scoped3A = tpu.sem_alloc : memref<!tpu.dma_semaphore, #tpu.memory_space<semaphore_mem>>
        %dma_start3A_68 = arith.constant 0 : i32
        %dma_start3A_69 = tpu.memref_slice %arg5[%add3A_67, %dma_start3A_68] : memref<20000x128xf32, #tpu.memory_space<hbm>> -> memref<16x128xf32, #tpu.memory_space<hbm>>
        %dma_start3A_70 = arith.constant 9984 : i32
        %dma_start3A_71 = arith.constant 0 : i32
        %dma_start3A_72 = tpu.memref_slice %arg9[%dma_start3A_70, %dma_start3A_71] : memref<10000x128xf32, #tpu.memory_space<vmem_shared>> -> memref<16x128xf32, #tpu.memory_space<vmem_shared>>
        tpu.enqueue_dma source(%dma_start3A_72 : memref<16x128xf32, #tpu.memory_space<vmem_shared>>) target(%dma_start3A_69 : memref<16x128xf32, #tpu.memory_space<hbm>>) target_semaphore(%run_scoped3A : memref<!tpu.dma_semaphore, #tpu.memory_space<semaphore_mem>>)
        %dma_wait3A_73 = arith.constant 0 : i32
        %dma_wait3A_74 = tpu.memref_slice %arg5[%add3A_67, %dma_wait3A_73] : memref<20000x128xf32, #tpu.memory_space<hbm>> -> memref<16x128xf32, #tpu.memory_space<hbm>>
        %dma_wait3A_75 = arith.constant 9984 : i32
        %dma_wait3A_76 = arith.constant 0 : i32
        %dma_wait3A_77 = tpu.memref_slice %arg9[%dma_wait3A_75, %dma_wait3A_76] : memref<10000x128xf32, #tpu.memory_space<vmem_shared>> -> memref<16x128xf32, #tpu.memory_space<vmem_shared>>
        tpu.wait_dma2 semaphore(%run_scoped3A : memref<!tpu.dma_semaphore, #tpu.memory_space<semaphore_mem>>) src(%dma_wait3A_77 : memref<16x128xf32, #tpu.memory_space<vmem_shared>>) dst(%dma_wait3A_74 : memref<16x128xf32, #tpu.memory_space<hbm>>)
        tpu.yield
      }) : () -> ()
    } else {
    }
    return
  }
}

#map = affine_map<(d0, d1) -> (0, 0)>
module attributes {stable_mosaic.version = 14 : i64} {
  func.func @body_fn(%arg0: i32, %arg1: i32, %arg2: memref<128000x128xf32, #tpu.memory_space<hbm>>, %arg3: memref<1000x128xi32, #tpu.memory_space<hbm>>, %arg4: memref<20000x128xf32, #tpu.memory_space<hbm>>, %arg5: memref<20000x128xf32, #tpu.memory_space<hbm>>, %arg6: memref<48x128xi32, #tpu.memory_space<vmem>>, %arg7: memref<128x128xf32, #tpu.memory_space<vmem>>, %arg8: memref<128x128xf32, #tpu.memory_space<vmem>>, %arg9: memref<10000x128xf32, #tpu.memory_space<vmem_shared>>, %arg10: memref<!tpu.dma_semaphore, #tpu.memory_space<semaphore_mem>>, %arg11: memref<!tpu.dma_semaphore, #tpu.memory_space<semaphore_mem>>) attributes {dimension_semantics = [#tpu.dimension_semantics<core_parallel>, #tpu.dimension_semantics<subcore_parallel>], iteration_bounds = array<i64: 2, 16>, scalar_prefetch = 0 : i64, scratch_operands = 6 : i64, tpu.core_type = #tpu.core_type<sc_vector_subcore>, window_params = [{transform_indices = #map}, {transform_indices = #map}, {transform_indices = #map}, {transform_indices = #map}]} {
    %mul3A = arith.constant 2 : i32
    %mul3A_0 = arith.muli %arg1, %mul3A : i32
    %add3A = arith.addi %mul3A_0, %arg0 : i32
    %mul3A_1 = arith.constant 624 : i32
    %mul3A_2 = arith.muli %arg1, %mul3A_1 : i32
    %mul3A_3 = arith.constant 10000 : i32
    %mul3A_4 = arith.muli %arg0, %mul3A_3 : i32
    %add3A_5 = arith.addi %mul3A_4, %mul3A_2 : i32
    "tpu.region"() ({
      %run_scoped3A = tpu.sem_alloc : memref<!tpu.dma_semaphore, #tpu.memory_space<semaphore_mem>>
      %dma_start3A_64 = arith.constant 0 : i32
      %dma_start3A_65 = tpu.memref_slice %arg9[%mul3A_2, %dma_start3A_64] : memref<10000x128xf32, #tpu.memory_space<vmem_shared>> -> memref<624x128xf32, #tpu.memory_space<vmem_shared>>
      %dma_start3A_66 = arith.constant 0 : i32
      %dma_start3A_67 = tpu.memref_slice %arg4[%add3A_5, %dma_start3A_66] : memref<20000x128xf32, #tpu.memory_space<hbm>> -> memref<624x128xf32, #tpu.memory_space<hbm>>
      tpu.enqueue_dma source(%dma_start3A_67 : memref<624x128xf32, #tpu.memory_space<hbm>>) target(%dma_start3A_65 : memref<624x128xf32, #tpu.memory_space<vmem_shared>>) target_semaphore(%run_scoped3A : memref<!tpu.dma_semaphore, #tpu.memory_space<semaphore_mem>>)
      %dma_wait3A_68 = arith.constant 0 : i32
      %dma_wait3A_69 = tpu.memref_slice %arg9[%mul3A_2, %dma_wait3A_68] : memref<10000x128xf32, #tpu.memory_space<vmem_shared>> -> memref<624x128xf32, #tpu.memory_space<vmem_shared>>
      %dma_wait3A_70 = arith.constant 0 : i32
      %dma_wait3A_71 = tpu.memref_slice %arg4[%add3A_5, %dma_wait3A_70] : memref<20000x128xf32, #tpu.memory_space<hbm>> -> memref<624x128xf32, #tpu.memory_space<hbm>>
      tpu.wait_dma2 semaphore(%run_scoped3A : memref<!tpu.dma_semaphore, #tpu.memory_space<semaphore_mem>>) src(%dma_wait3A_71 : memref<624x128xf32, #tpu.memory_space<hbm>>) dst(%dma_wait3A_69 : memref<624x128xf32, #tpu.memory_space<vmem_shared>>)
      tpu.yield
    }) : () -> ()
    %eq3A = arith.constant 15 : i32
    %eq3A_6 = arith.cmpi eq, %arg1, %eq3A : i32
    %convert_element_type3A = arith.extui %eq3A_6 : i1 to i32
    %cond3A = arith.constant 0 : i32
    %cond3A_7 = arith.cmpi ne, %convert_element_type3A, %cond3A : i32
    scf.if %cond3A_7 {
      %mul3A_64 = arith.constant 10000 : i32
      %mul3A_65 = arith.muli %arg0, %mul3A_64 : i32
      %add3A_66 = arith.constant 9984 : i32
      %add3A_67 = arith.addi %mul3A_65, %add3A_66 : i32
      "tpu.region"() ({
        %run_scoped3A = tpu.sem_alloc : memref<!tpu.dma_semaphore, #tpu.memory_space<semaphore_mem>>
        %dma_start3A_68 = arith.constant 9984 : i32
        %dma_start3A_69 = arith.constant 0 : i32
        %dma_start3A_70 = tpu.memref_slice %arg9[%dma_start3A_68, %dma_start3A_69] : memref<10000x128xf32, #tpu.memory_space<vmem_shared>> -> memref<16x128xf32, #tpu.memory_space<vmem_shared>>
        %dma_start3A_71 = arith.constant 0 : i32
        %dma_start3A_72 = tpu.memref_slice %arg4[%add3A_67, %dma_start3A_71] : memref<20000x128xf32, #tpu.memory_space<hbm>> -> memref<16x128xf32, #tpu.memory_space<hbm>>
        tpu.enqueue_dma source(%dma_start3A_72 : memref<16x128xf32, #tpu.memory_space<hbm>>) target(%dma_start3A_70 : memref<16x128xf32, #tpu.memory_space<vmem_shared>>) target_semaphore(%run_scoped3A : memref<!tpu.dma_semaphore, #tpu.memory_space<semaphore_mem>>)
        %dma_wait3A_73 = arith.constant 9984 : i32
        %dma_wait3A_74 = arith.constant 0 : i32
        %dma_wait3A_75 = tpu.memref_slice %arg9[%dma_wait3A_73, %dma_wait3A_74] : memref<10000x128xf32, #tpu.memory_space<vmem_shared>> -> memref<16x128xf32, #tpu.memory_space<vmem_shared>>
        %dma_wait3A_76 = arith.constant 0 : i32
        %dma_wait3A_77 = tpu.memref_slice %arg4[%add3A_67, %dma_wait3A_76] : memref<20000x128xf32, #tpu.memory_space<hbm>> -> memref<16x128xf32, #tpu.memory_space<hbm>>
        tpu.wait_dma2 semaphore(%run_scoped3A : memref<!tpu.dma_semaphore, #tpu.memory_space<semaphore_mem>>) src(%dma_wait3A_77 : memref<16x128xf32, #tpu.memory_space<hbm>>) dst(%dma_wait3A_75 : memref<16x128xf32, #tpu.memory_space<vmem_shared>>)
        tpu.yield
      }) : () -> ()
    } else {
    }
    %mul3A_8 = arith.constant 31 : i32
    %mul3A_9 = arith.muli %add3A, %mul3A_8 : i32
    %jit3A = arith.constant 8 : i32
    %div3A = arith.divsi %mul3A_9, %jit3A : i32
    %sign3A = arith.constant 0 : i32
    %sign3A_10 = arith.cmpi sgt, %mul3A_9, %sign3A : i32
    %sign3A_11 = arith.extui %sign3A_10 : i1 to i32
    %sign3A_12 = arith.constant 0 : i32
    %sign3A_13 = arith.cmpi slt, %mul3A_9, %sign3A_12 : i32
    %sign3A_14 = arith.extui %sign3A_13 : i1 to i32
    %sign3A_15 = arith.subi %sign3A_11, %sign3A_14 : i32
    %sign3A_16 = arith.constant 0 : i32
    %sign3A_17 = arith.cmpi sgt, %jit3A, %sign3A_16 : i32
    %sign3A_18 = arith.extui %sign3A_17 : i1 to i32
    %sign3A_19 = arith.constant 0 : i32
    %sign3A_20 = arith.cmpi slt, %jit3A, %sign3A_19 : i32
    %sign3A_21 = arith.extui %sign3A_20 : i1 to i32
    %sign3A_22 = arith.subi %sign3A_18, %sign3A_21 : i32
    %ne3A = arith.cmpi ne, %sign3A_15, %sign3A_22 : i32
    %rem3A = arith.remsi %mul3A_9, %jit3A : i32
    %ne3A_23 = arith.constant 0 : i32
    %ne3A_24 = arith.cmpi ne, %rem3A, %ne3A_23 : i32
    %and3A = arith.andi %ne3A, %ne3A_24 : i1
    %sub3A = arith.constant 1 : i32
    %sub3A_25 = arith.subi %div3A, %sub3A : i32
    %select_n3A = arith.select %and3A, %sub3A_25, %div3A : i32
    %mul3A_26 = arith.constant 8 : i32
    %mul3A_27 = arith.muli %select_n3A, %mul3A_26 : i32
    %sub3A_28 = arith.subi %mul3A_9, %mul3A_27 : i32
    "tpu.region"() ({
      %run_scoped3A = tpu.sem_alloc : memref<!tpu.dma_semaphore, #tpu.memory_space<semaphore_mem>>
      %dma_start3A_64 = arith.constant 0 : i32
      %dma_start3A_65 = arith.constant 0 : i32
      %dma_start3A_66 = tpu.memref_slice %arg6[%dma_start3A_64, %dma_start3A_65] : memref<48x128xi32, #tpu.memory_space<vmem>> -> memref<40x128xi32, #tpu.memory_space<vmem>>
      %dma_start3A_67 = arith.constant 0 : i32
      %dma_start3A_68 = tpu.memref_slice %arg3[%mul3A_27, %dma_start3A_67] : memref<1000x128xi32, #tpu.memory_space<hbm>> -> memref<40x128xi32, #tpu.memory_space<hbm>>
      %dma_start3A_69 = arith.constant 0 : i32
      %dma_start3A_70 = arith.constant 0 : i32
      %dma_start3A_71 = tpu.memref_slice %arg6[%dma_start3A_69, %dma_start3A_70] : memref<48x128xi32, #tpu.memory_space<vmem>> -> memref<40x128xi32, #tpu.memory_space<vmem>>
      %dma_start3A_72 = arith.constant 0 : i32
      %dma_start3A_73 = tpu.memref_slice %arg3[%mul3A_27, %dma_start3A_72] : memref<1000x128xi32, #tpu.memory_space<hbm>> -> memref<40x128xi32, #tpu.memory_space<hbm>>
      tpu.enqueue_dma source(%dma_start3A_73 : memref<40x128xi32, #tpu.memory_space<hbm>>) target(%dma_start3A_71 : memref<40x128xi32, #tpu.memory_space<vmem>>) target_semaphore(%run_scoped3A : memref<!tpu.dma_semaphore, #tpu.memory_space<semaphore_mem>>)
      %dma_wait3A_74 = arith.constant 0 : i32
      %dma_wait3A_75 = arith.constant 0 : i32
      %dma_wait3A_76 = tpu.memref_slice %arg6[%dma_wait3A_74, %dma_wait3A_75] : memref<48x128xi32, #tpu.memory_space<vmem>> -> memref<40x128xi32, #tpu.memory_space<vmem>>
      %dma_wait3A_77 = arith.constant 0 : i32
      %dma_wait3A_78 = tpu.memref_slice %arg3[%mul3A_27, %dma_wait3A_77] : memref<1000x128xi32, #tpu.memory_space<hbm>> -> memref<40x128xi32, #tpu.memory_space<hbm>>
      %dma_wait3A_79 = arith.constant 0 : i32
      %dma_wait3A_80 = arith.constant 0 : i32
      %dma_wait3A_81 = tpu.memref_slice %arg6[%dma_wait3A_79, %dma_wait3A_80] : memref<48x128xi32, #tpu.memory_space<vmem>> -> memref<40x128xi32, #tpu.memory_space<vmem>>
      %dma_wait3A_82 = arith.constant 0 : i32
      %dma_wait3A_83 = tpu.memref_slice %arg3[%mul3A_27, %dma_wait3A_82] : memref<1000x128xi32, #tpu.memory_space<hbm>> -> memref<40x128xi32, #tpu.memory_space<hbm>>
      tpu.wait_dma2 semaphore(%run_scoped3A : memref<!tpu.dma_semaphore, #tpu.memory_space<semaphore_mem>>) src(%dma_wait3A_83 : memref<40x128xi32, #tpu.memory_space<hbm>>) dst(%dma_wait3A_81 : memref<40x128xi32, #tpu.memory_space<vmem>>)
      tpu.yield
    }) : () -> ()
    %lt3A = arith.constant 8 : i32
    %lt3A_29 = arith.cmpi slt, %add3A, %lt3A : i32
    %convert_element_type3A_30 = arith.extui %lt3A_29 : i1 to i32
    %cond3A_31 = arith.constant 0 : i32
    %cond3A_32 = arith.cmpi ne, %convert_element_type3A_30, %cond3A_31 : i32
    scf.if %cond3A_32 {
      "tpu.region"() ({
        %run_scoped3A = tpu.sem_alloc : memref<!tpu.dma_semaphore, #tpu.memory_space<semaphore_mem>>
        %dma_start3A_64 = arith.constant 40 : i32
        %dma_start3A_65 = arith.constant 0 : i32
        %dma_start3A_66 = tpu.memref_slice %arg6[%dma_start3A_64, %dma_start3A_65] : memref<48x128xi32, #tpu.memory_space<vmem>> -> memref<8x128xi32, #tpu.memory_space<vmem>>
        %dma_start3A_67 = arith.constant 992 : i32
        %dma_start3A_68 = arith.constant 0 : i32
        %dma_start3A_69 = tpu.memref_slice %arg3[%dma_start3A_67, %dma_start3A_68] : memref<1000x128xi32, #tpu.memory_space<hbm>> -> memref<8x128xi32, #tpu.memory_space<hbm>>
        %dma_start3A_70 = arith.constant 40 : i32
        %dma_start3A_71 = arith.constant 0 : i32
        %dma_start3A_72 = tpu.memref_slice %arg6[%dma_start3A_70, %dma_start3A_71] : memref<48x128xi32, #tpu.memory_space<vmem>> -> memref<8x128xi32, #tpu.memory_space<vmem>>
        %dma_start3A_73 = arith.constant 992 : i32
        %dma_start3A_74 = arith.constant 0 : i32
        %dma_start3A_75 = tpu.memref_slice %arg3[%dma_start3A_73, %dma_start3A_74] : memref<1000x128xi32, #tpu.memory_space<hbm>> -> memref<8x128xi32, #tpu.memory_space<hbm>>
        tpu.enqueue_dma source(%dma_start3A_75 : memref<8x128xi32, #tpu.memory_space<hbm>>) target(%dma_start3A_72 : memref<8x128xi32, #tpu.memory_space<vmem>>) target_semaphore(%run_scoped3A : memref<!tpu.dma_semaphore, #tpu.memory_space<semaphore_mem>>)
        %dma_wait3A_76 = arith.constant 40 : i32
        %dma_wait3A_77 = arith.constant 0 : i32
        %dma_wait3A_78 = tpu.memref_slice %arg6[%dma_wait3A_76, %dma_wait3A_77] : memref<48x128xi32, #tpu.memory_space<vmem>> -> memref<8x128xi32, #tpu.memory_space<vmem>>
        %dma_wait3A_79 = arith.constant 992 : i32
        %dma_wait3A_80 = arith.constant 0 : i32
        %dma_wait3A_81 = tpu.memref_slice %arg3[%dma_wait3A_79, %dma_wait3A_80] : memref<1000x128xi32, #tpu.memory_space<hbm>> -> memref<8x128xi32, #tpu.memory_space<hbm>>
        %dma_wait3A_82 = arith.constant 40 : i32
        %dma_wait3A_83 = arith.constant 0 : i32
        %dma_wait3A_84 = tpu.memref_slice %arg6[%dma_wait3A_82, %dma_wait3A_83] : memref<48x128xi32, #tpu.memory_space<vmem>> -> memref<8x128xi32, #tpu.memory_space<vmem>>
        %dma_wait3A_85 = arith.constant 992 : i32
        %dma_wait3A_86 = arith.constant 0 : i32
        %dma_wait3A_87 = tpu.memref_slice %arg3[%dma_wait3A_85, %dma_wait3A_86] : memref<1000x128xi32, #tpu.memory_space<hbm>> -> memref<8x128xi32, #tpu.memory_space<hbm>>
        tpu.wait_dma2 semaphore(%run_scoped3A : memref<!tpu.dma_semaphore, #tpu.memory_space<semaphore_mem>>) src(%dma_wait3A_87 : memref<8x128xi32, #tpu.memory_space<hbm>>) dst(%dma_wait3A_84 : memref<8x128xi32, #tpu.memory_space<vmem>>)
        tpu.yield
      }) : () -> ()
    } else {
    }
    %barrier3A = arith.constant 0 : index
    tpu.barrier barrier_id(%barrier3A)
    %scan3A = arith.constant 0 : i32
    %scan3A_33 = arith.constant 0 : i32
    %scan3A_34 = arith.constant 15 : i32
    %scan3A_35 = arith.addi %scan3A_33, %scan3A_34 : i32
    %scan3A_36 = arith.constant 1 : i32
    scf.for %scan3A_64 = %scan3A_33 to %scan3A_35 step %scan3A_36  : i32 {
      %mul3A_65 = arith.constant 2 : i32
      %mul3A_66 = arith.muli %mul3A_65, %scan3A_64 : i32
      %add3A_67 = arith.constant 1 : i32
      %add3A_68 = arith.addi %mul3A_66, %add3A_67 : i32
      %add3A_69 = arith.addi %mul3A_9, %mul3A_66 : i32
      %mul3A_70 = arith.constant 128 : i32
      %mul3A_71 = arith.muli %add3A_69, %mul3A_70 : i32
      %dma_start3A_72 = arith.constant 0 : i32
      %dma_start3A_73 = tpu.memref_slice %arg2[%mul3A_71, %dma_start3A_72] : memref<128000x128xf32, #tpu.memory_space<hbm>> -> memref<128x128xf32, #tpu.memory_space<hbm>>
      %dma_start3A_74 = arith.constant 0 : i32
      %dma_start3A_75 = tpu.memref_slice %arg2[%mul3A_71, %dma_start3A_74] : memref<128000x128xf32, #tpu.memory_space<hbm>> -> memref<128x128xf32, #tpu.memory_space<hbm>>
      tpu.enqueue_dma source(%dma_start3A_75 : memref<128x128xf32, #tpu.memory_space<hbm>>) target(%arg7 : memref<128x128xf32, #tpu.memory_space<vmem>>) target_semaphore(%arg10 : memref<!tpu.dma_semaphore, #tpu.memory_space<semaphore_mem>>)
      %add3A_76 = arith.addi %mul3A_9, %add3A_68 : i32
      %mul3A_77 = arith.constant 128 : i32
      %mul3A_78 = arith.muli %add3A_76, %mul3A_77 : i32
      %dma_start3A_79 = arith.constant 0 : i32
      %dma_start3A_80 = tpu.memref_slice %arg2[%mul3A_78, %dma_start3A_79] : memref<128000x128xf32, #tpu.memory_space<hbm>> -> memref<128x128xf32, #tpu.memory_space<hbm>>
      %dma_start3A_81 = arith.constant 0 : i32
      %dma_start3A_82 = tpu.memref_slice %arg2[%mul3A_78, %dma_start3A_81] : memref<128000x128xf32, #tpu.memory_space<hbm>> -> memref<128x128xf32, #tpu.memory_space<hbm>>
      tpu.enqueue_dma source(%dma_start3A_82 : memref<128x128xf32, #tpu.memory_space<hbm>>) target(%arg8 : memref<128x128xf32, #tpu.memory_space<vmem>>) target_semaphore(%arg11 : memref<!tpu.dma_semaphore, #tpu.memory_space<semaphore_mem>>)
      %dma_wait3A_83 = arith.constant 0 : i32
      %dma_wait3A_84 = tpu.memref_slice %arg2[%mul3A_71, %dma_wait3A_83] : memref<128000x128xf32, #tpu.memory_space<hbm>> -> memref<128x128xf32, #tpu.memory_space<hbm>>
      %dma_wait3A_85 = arith.constant 0 : i32
      %dma_wait3A_86 = tpu.memref_slice %arg2[%mul3A_71, %dma_wait3A_85] : memref<128000x128xf32, #tpu.memory_space<hbm>> -> memref<128x128xf32, #tpu.memory_space<hbm>>
      tpu.wait_dma2 semaphore(%arg10 : memref<!tpu.dma_semaphore, #tpu.memory_space<semaphore_mem>>) src(%dma_wait3A_86 : memref<128x128xf32, #tpu.memory_space<hbm>>) dst(%arg7 : memref<128x128xf32, #tpu.memory_space<vmem>>)
      %add3A_87 = arith.addi %sub3A_28, %mul3A_66 : i32
      "tpu.region"() ({
        %run_scoped3A = tpu.sem_alloc : memref<!tpu.dma_semaphore, #tpu.memory_space<semaphore_mem>>
        %dma_start3A_93 = arith.constant 0 : i32
        %dma_start3A_94 = tpu.memref_slice %arg6[%add3A_87, %dma_start3A_93] : memref<48x128xi32, #tpu.memory_space<vmem>> -> memref<1x128xi32, #tpu.memory_space<vmem>>
        %dma_start3A_95 = tpu.memref_squeeze %dma_start3A_94 : memref<1x128xi32, #tpu.memory_space<vmem>> -> memref<128xi32, #tpu.memory_space<vmem>>
        %dma_start3A_96 = arith.constant 0 : i32
        %dma_start3A_97 = arith.constant 0 : i32
        %dma_start3A_98 = tpu.memref_slice %arg9[%dma_start3A_96, %dma_start3A_97] : memref<10000x128xf32, #tpu.memory_space<vmem_shared>> -> memref<10000x128xf32, #tpu.memory_space<vmem_shared>>
        tpu.enqueue_indirect_dma source(%arg7 : memref<128x128xf32, #tpu.memory_space<vmem>>) target(%dma_start3A_98 : memref<10000x128xf32, #tpu.memory_space<vmem_shared>>) offsets(%dma_start3A_95 : memref<128xi32, #tpu.memory_space<vmem>>) semaphore(%run_scoped3A : memref<!tpu.dma_semaphore, #tpu.memory_space<semaphore_mem>>) {add = true}
        %dma_wait3A_99 = arith.constant 0 : i32
        %dma_wait3A_100 = tpu.memref_slice %arg6[%add3A_87, %dma_wait3A_99] : memref<48x128xi32, #tpu.memory_space<vmem>> -> memref<1x128xi32, #tpu.memory_space<vmem>>
        %dma_wait3A_101 = tpu.memref_squeeze %dma_wait3A_100 : memref<1x128xi32, #tpu.memory_space<vmem>> -> memref<128xi32, #tpu.memory_space<vmem>>
        %dma_wait3A_102 = arith.constant 0 : i32
        %dma_wait3A_103 = arith.constant 0 : i32
        %dma_wait3A_104 = tpu.memref_slice %arg9[%dma_wait3A_102, %dma_wait3A_103] : memref<10000x128xf32, #tpu.memory_space<vmem_shared>> -> memref<10000x128xf32, #tpu.memory_space<vmem_shared>>
        tpu.wait_indirect_dma semaphore(%run_scoped3A : memref<!tpu.dma_semaphore, #tpu.memory_space<semaphore_mem>>) src(%arg7 : memref<128x128xf32, #tpu.memory_space<vmem>>) dst(%dma_wait3A_104 : memref<10000x128xf32, #tpu.memory_space<vmem_shared>>)
        tpu.yield
      }) : () -> ()
      %dma_wait3A_88 = arith.constant 0 : i32
      %dma_wait3A_89 = tpu.memref_slice %arg2[%mul3A_78, %dma_wait3A_88] : memref<128000x128xf32, #tpu.memory_space<hbm>> -> memref<128x128xf32, #tpu.memory_space<hbm>>
      %dma_wait3A_90 = arith.constant 0 : i32
      %dma_wait3A_91 = tpu.memref_slice %arg2[%mul3A_78, %dma_wait3A_90] : memref<128000x128xf32, #tpu.memory_space<hbm>> -> memref<128x128xf32, #tpu.memory_space<hbm>>
      tpu.wait_dma2 semaphore(%arg11 : memref<!tpu.dma_semaphore, #tpu.memory_space<semaphore_mem>>) src(%dma_wait3A_91 : memref<128x128xf32, #tpu.memory_space<hbm>>) dst(%arg8 : memref<128x128xf32, #tpu.memory_space<vmem>>)
      %add3A_92 = arith.addi %sub3A_28, %add3A_68 : i32
      "tpu.region"() ({
        %run_scoped3A = tpu.sem_alloc : memref<!tpu.dma_semaphore, #tpu.memory_space<semaphore_mem>>
        %dma_start3A_93 = arith.constant 0 : i32
        %dma_start3A_94 = tpu.memref_slice %arg6[%add3A_92, %dma_start3A_93] : memref<48x128xi32, #tpu.memory_space<vmem>> -> memref<1x128xi32, #tpu.memory_space<vmem>>
        %dma_start3A_95 = tpu.memref_squeeze %dma_start3A_94 : memref<1x128xi32, #tpu.memory_space<vmem>> -> memref<128xi32, #tpu.memory_space<vmem>>
        %dma_start3A_96 = arith.constant 0 : i32
        %dma_start3A_97 = arith.constant 0 : i32
        %dma_start3A_98 = tpu.memref_slice %arg9[%dma_start3A_96, %dma_start3A_97] : memref<10000x128xf32, #tpu.memory_space<vmem_shared>> -> memref<10000x128xf32, #tpu.memory_space<vmem_shared>>
        tpu.enqueue_indirect_dma source(%arg8 : memref<128x128xf32, #tpu.memory_space<vmem>>) target(%dma_start3A_98 : memref<10000x128xf32, #tpu.memory_space<vmem_shared>>) offsets(%dma_start3A_95 : memref<128xi32, #tpu.memory_space<vmem>>) semaphore(%run_scoped3A : memref<!tpu.dma_semaphore, #tpu.memory_space<semaphore_mem>>) {add = true}
        %dma_wait3A_99 = arith.constant 0 : i32
        %dma_wait3A_100 = tpu.memref_slice %arg6[%add3A_92, %dma_wait3A_99] : memref<48x128xi32, #tpu.memory_space<vmem>> -> memref<1x128xi32, #tpu.memory_space<vmem>>
        %dma_wait3A_101 = tpu.memref_squeeze %dma_wait3A_100 : memref<1x128xi32, #tpu.memory_space<vmem>> -> memref<128xi32, #tpu.memory_space<vmem>>
        %dma_wait3A_102 = arith.constant 0 : i32
        %dma_wait3A_103 = arith.constant 0 : i32
        %dma_wait3A_104 = tpu.memref_slice %arg9[%dma_wait3A_102, %dma_wait3A_103] : memref<10000x128xf32, #tpu.memory_space<vmem_shared>> -> memref<10000x128xf32, #tpu.memory_space<vmem_shared>>
        tpu.wait_indirect_dma semaphore(%run_scoped3A : memref<!tpu.dma_semaphore, #tpu.memory_space<semaphore_mem>>) src(%arg8 : memref<128x128xf32, #tpu.memory_space<vmem>>) dst(%dma_wait3A_104 : memref<10000x128xf32, #tpu.memory_space<vmem_shared>>)
        tpu.yield
      }) : () -> ()
    }
    %scan3A_37 = arith.constant 15 : i32
    %add3A_38 = arith.constant 30 : i32
    %add3A_39 = arith.addi %mul3A_9, %add3A_38 : i32
    %mul3A_40 = arith.constant 128 : i32
    %mul3A_41 = arith.muli %add3A_39, %mul3A_40 : i32
    %dma_start3A = arith.constant 0 : i32
    %dma_start3A_42 = tpu.memref_slice %arg2[%mul3A_41, %dma_start3A] : memref<128000x128xf32, #tpu.memory_space<hbm>> -> memref<128x128xf32, #tpu.memory_space<hbm>>
    %dma_start3A_43 = arith.constant 0 : i32
    %dma_start3A_44 = tpu.memref_slice %arg2[%mul3A_41, %dma_start3A_43] : memref<128000x128xf32, #tpu.memory_space<hbm>> -> memref<128x128xf32, #tpu.memory_space<hbm>>
    tpu.enqueue_dma source(%dma_start3A_44 : memref<128x128xf32, #tpu.memory_space<hbm>>) target(%arg7 : memref<128x128xf32, #tpu.memory_space<vmem>>) target_semaphore(%arg10 : memref<!tpu.dma_semaphore, #tpu.memory_space<semaphore_mem>>)
    %dma_wait3A = arith.constant 0 : i32
    %dma_wait3A_45 = tpu.memref_slice %arg2[%mul3A_41, %dma_wait3A] : memref<128000x128xf32, #tpu.memory_space<hbm>> -> memref<128x128xf32, #tpu.memory_space<hbm>>
    %dma_wait3A_46 = arith.constant 0 : i32
    %dma_wait3A_47 = tpu.memref_slice %arg2[%mul3A_41, %dma_wait3A_46] : memref<128000x128xf32, #tpu.memory_space<hbm>> -> memref<128x128xf32, #tpu.memory_space<hbm>>
    tpu.wait_dma2 semaphore(%arg10 : memref<!tpu.dma_semaphore, #tpu.memory_space<semaphore_mem>>) src(%dma_wait3A_47 : memref<128x128xf32, #tpu.memory_space<hbm>>) dst(%arg7 : memref<128x128xf32, #tpu.memory_space<vmem>>)
    %add3A_48 = arith.constant 30 : i32
    %add3A_49 = arith.addi %sub3A_28, %add3A_48 : i32
    "tpu.region"() ({
      %run_scoped3A = tpu.sem_alloc : memref<!tpu.dma_semaphore, #tpu.memory_space<semaphore_mem>>
      %dma_start3A_64 = arith.constant 0 : i32
      %dma_start3A_65 = tpu.memref_slice %arg6[%add3A_49, %dma_start3A_64] : memref<48x128xi32, #tpu.memory_space<vmem>> -> memref<1x128xi32, #tpu.memory_space<vmem>>
      %dma_start3A_66 = tpu.memref_squeeze %dma_start3A_65 : memref<1x128xi32, #tpu.memory_space<vmem>> -> memref<128xi32, #tpu.memory_space<vmem>>
      %dma_start3A_67 = arith.constant 0 : i32
      %dma_start3A_68 = arith.constant 0 : i32
      %dma_start3A_69 = tpu.memref_slice %arg9[%dma_start3A_67, %dma_start3A_68] : memref<10000x128xf32, #tpu.memory_space<vmem_shared>> -> memref<10000x128xf32, #tpu.memory_space<vmem_shared>>
      tpu.enqueue_indirect_dma source(%arg7 : memref<128x128xf32, #tpu.memory_space<vmem>>) target(%dma_start3A_69 : memref<10000x128xf32, #tpu.memory_space<vmem_shared>>) offsets(%dma_start3A_66 : memref<128xi32, #tpu.memory_space<vmem>>) semaphore(%run_scoped3A : memref<!tpu.dma_semaphore, #tpu.memory_space<semaphore_mem>>) {add = true}
      %dma_wait3A_70 = arith.constant 0 : i32
      %dma_wait3A_71 = tpu.memref_slice %arg6[%add3A_49, %dma_wait3A_70] : memref<48x128xi32, #tpu.memory_space<vmem>> -> memref<1x128xi32, #tpu.memory_space<vmem>>
      %dma_wait3A_72 = tpu.memref_squeeze %dma_wait3A_71 : memref<1x128xi32, #tpu.memory_space<vmem>> -> memref<128xi32, #tpu.memory_space<vmem>>
      %dma_wait3A_73 = arith.constant 0 : i32
      %dma_wait3A_74 = arith.constant 0 : i32
      %dma_wait3A_75 = tpu.memref_slice %arg9[%dma_wait3A_73, %dma_wait3A_74] : memref<10000x128xf32, #tpu.memory_space<vmem_shared>> -> memref<10000x128xf32, #tpu.memory_space<vmem_shared>>
      tpu.wait_indirect_dma semaphore(%run_scoped3A : memref<!tpu.dma_semaphore, #tpu.memory_space<semaphore_mem>>) src(%arg7 : memref<128x128xf32, #tpu.memory_space<vmem>>) dst(%dma_wait3A_75 : memref<10000x128xf32, #tpu.memory_space<vmem_shared>>)
      tpu.yield
    }) : () -> ()
    %lt3A_50 = arith.constant 8 : i32
    %lt3A_51 = arith.cmpi slt, %add3A, %lt3A_50 : i32
    %convert_element_type3A_52 = arith.extui %lt3A_51 : i1 to i32
    %cond3A_53 = arith.constant 0 : i32
    %cond3A_54 = arith.cmpi ne, %convert_element_type3A_52, %cond3A_53 : i32
    scf.if %cond3A_54 {
      %add3A_64 = arith.constant 992 : i32
      %add3A_65 = arith.addi %add3A_64, %add3A : i32
      %mul3A_66 = arith.constant 128 : i32
      %mul3A_67 = arith.muli %add3A_65, %mul3A_66 : i32
      %dma_start3A_68 = arith.constant 0 : i32
      %dma_start3A_69 = tpu.memref_slice %arg2[%mul3A_67, %dma_start3A_68] : memref<128000x128xf32, #tpu.memory_space<hbm>> -> memref<128x128xf32, #tpu.memory_space<hbm>>
      %dma_start3A_70 = arith.constant 0 : i32
      %dma_start3A_71 = tpu.memref_slice %arg2[%mul3A_67, %dma_start3A_70] : memref<128000x128xf32, #tpu.memory_space<hbm>> -> memref<128x128xf32, #tpu.memory_space<hbm>>
      tpu.enqueue_dma source(%dma_start3A_71 : memref<128x128xf32, #tpu.memory_space<hbm>>) target(%arg8 : memref<128x128xf32, #tpu.memory_space<vmem>>) target_semaphore(%arg11 : memref<!tpu.dma_semaphore, #tpu.memory_space<semaphore_mem>>)
      %dma_wait3A_72 = arith.constant 0 : i32
      %dma_wait3A_73 = tpu.memref_slice %arg2[%mul3A_67, %dma_wait3A_72] : memref<128000x128xf32, #tpu.memory_space<hbm>> -> memref<128x128xf32, #tpu.memory_space<hbm>>
      %dma_wait3A_74 = arith.constant 0 : i32
      %dma_wait3A_75 = tpu.memref_slice %arg2[%mul3A_67, %dma_wait3A_74] : memref<128000x128xf32, #tpu.memory_space<hbm>> -> memref<128x128xf32, #tpu.memory_space<hbm>>
      tpu.wait_dma2 semaphore(%arg11 : memref<!tpu.dma_semaphore, #tpu.memory_space<semaphore_mem>>) src(%dma_wait3A_75 : memref<128x128xf32, #tpu.memory_space<hbm>>) dst(%arg8 : memref<128x128xf32, #tpu.memory_space<vmem>>)
      %add3A_76 = arith.constant 40 : i32
      %add3A_77 = arith.addi %add3A_76, %add3A : i32
      "tpu.region"() ({
        %run_scoped3A = tpu.sem_alloc : memref<!tpu.dma_semaphore, #tpu.memory_space<semaphore_mem>>
        %dma_start3A_78 = arith.constant 0 : i32
        %dma_start3A_79 = tpu.memref_slice %arg6[%add3A_77, %dma_start3A_78] : memref<48x128xi32, #tpu.memory_space<vmem>> -> memref<1x128xi32, #tpu.memory_space<vmem>>
        %dma_start3A_80 = tpu.memref_squeeze %dma_start3A_79 : memref<1x128xi32, #tpu.memory_space<vmem>> -> memref<128xi32, #tpu.memory_space<vmem>>
        %dma_start3A_81 = arith.constant 0 : i32
        %dma_start3A_82 = arith.constant 0 : i32
        %dma_start3A_83 = tpu.memref_slice %arg9[%dma_start3A_81, %dma_start3A_82] : memref<10000x128xf32, #tpu.memory_space<vmem_shared>> -> memref<10000x128xf32, #tpu.memory_space<vmem_shared>>
        tpu.enqueue_indirect_dma source(%arg8 : memref<128x128xf32, #tpu.memory_space<vmem>>) target(%dma_start3A_83 : memref<10000x128xf32, #tpu.memory_space<vmem_shared>>) offsets(%dma_start3A_80 : memref<128xi32, #tpu.memory_space<vmem>>) semaphore(%run_scoped3A : memref<!tpu.dma_semaphore, #tpu.memory_space<semaphore_mem>>) {add = true}
        %dma_wait3A_84 = arith.constant 0 : i32
        %dma_wait3A_85 = tpu.memref_slice %arg6[%add3A_77, %dma_wait3A_84] : memref<48x128xi32, #tpu.memory_space<vmem>> -> memref<1x128xi32, #tpu.memory_space<vmem>>
        %dma_wait3A_86 = tpu.memref_squeeze %dma_wait3A_85 : memref<1x128xi32, #tpu.memory_space<vmem>> -> memref<128xi32, #tpu.memory_space<vmem>>
        %dma_wait3A_87 = arith.constant 0 : i32
        %dma_wait3A_88 = arith.constant 0 : i32
        %dma_wait3A_89 = tpu.memref_slice %arg9[%dma_wait3A_87, %dma_wait3A_88] : memref<10000x128xf32, #tpu.memory_space<vmem_shared>> -> memref<10000x128xf32, #tpu.memory_space<vmem_shared>>
        tpu.wait_indirect_dma semaphore(%run_scoped3A : memref<!tpu.dma_semaphore, #tpu.memory_space<semaphore_mem>>) src(%arg8 : memref<128x128xf32, #tpu.memory_space<vmem>>) dst(%dma_wait3A_89 : memref<10000x128xf32, #tpu.memory_space<vmem_shared>>)
        tpu.yield
      }) : () -> ()
    } else {
    }
    %barrier3A_55 = arith.constant 0 : index
    tpu.barrier barrier_id(%barrier3A_55)
    %mul3A_56 = arith.constant 10000 : i32
    %mul3A_57 = arith.muli %arg0, %mul3A_56 : i32
    %add3A_58 = arith.addi %mul3A_57, %mul3A_2 : i32
    "tpu.region"() ({
      %run_scoped3A = tpu.sem_alloc : memref<!tpu.dma_semaphore, #tpu.memory_space<semaphore_mem>>
      %dma_start3A_64 = arith.constant 0 : i32
      %dma_start3A_65 = tpu.memref_slice %arg5[%add3A_58, %dma_start3A_64] : memref<20000x128xf32, #tpu.memory_space<hbm>> -> memref<624x128xf32, #tpu.memory_space<hbm>>
      %dma_start3A_66 = arith.constant 0 : i32
      %dma_start3A_67 = tpu.memref_slice %arg9[%mul3A_2, %dma_start3A_66] : memref<10000x128xf32, #tpu.memory_space<vmem_shared>> -> memref<624x128xf32, #tpu.memory_space<vmem_shared>>
      tpu.enqueue_dma source(%dma_start3A_67 : memref<624x128xf32, #tpu.memory_space<vmem_shared>>) target(%dma_start3A_65 : memref<624x128xf32, #tpu.memory_space<hbm>>) target_semaphore(%run_scoped3A : memref<!tpu.dma_semaphore, #tpu.memory_space<semaphore_mem>>)
      %dma_wait3A_68 = arith.constant 0 : i32
      %dma_wait3A_69 = tpu.memref_slice %arg5[%add3A_58, %dma_wait3A_68] : memref<20000x128xf32, #tpu.memory_space<hbm>> -> memref<624x128xf32, #tpu.memory_space<hbm>>
      %dma_wait3A_70 = arith.constant 0 : i32
      %dma_wait3A_71 = tpu.memref_slice %arg9[%mul3A_2, %dma_wait3A_70] : memref<10000x128xf32, #tpu.memory_space<vmem_shared>> -> memref<624x128xf32, #tpu.memory_space<vmem_shared>>
      tpu.wait_dma2 semaphore(%run_scoped3A : memref<!tpu.dma_semaphore, #tpu.memory_space<semaphore_mem>>) src(%dma_wait3A_71 : memref<624x128xf32, #tpu.memory_space<vmem_shared>>) dst(%dma_wait3A_69 : memref<624x128xf32, #tpu.memory_space<hbm>>)
      tpu.yield
    }) : () -> ()
    %eq3A_59 = arith.constant 15 : i32
    %eq3A_60 = arith.cmpi eq, %arg1, %eq3A_59 : i32
    %convert_element_type3A_61 = arith.extui %eq3A_60 : i1 to i32
    %cond3A_62 = arith.constant 0 : i32
    %cond3A_63 = arith.cmpi ne, %convert_element_type3A_61, %cond3A_62 : i32
    scf.if %cond3A_63 {
      %mul3A_64 = arith.constant 10000 : i32
      %mul3A_65 = arith.muli %arg0, %mul3A_64 : i32
      %add3A_66 = arith.constant 9984 : i32
      %add3A_67 = arith.addi %mul3A_65, %add3A_66 : i32
      "tpu.region"() ({
        %run_scoped3A = tpu.sem_alloc : memref<!tpu.dma_semaphore, #tpu.memory_space<semaphore_mem>>
        %dma_start3A_68 = arith.constant 0 : i32
        %dma_start3A_69 = tpu.memref_slice %arg5[%add3A_67, %dma_start3A_68] : memref<20000x128xf32, #tpu.memory_space<hbm>> -> memref<16x128xf32, #tpu.memory_space<hbm>>
        %dma_start3A_70 = arith.constant 9984 : i32
        %dma_start3A_71 = arith.constant 0 : i32
        %dma_start3A_72 = tpu.memref_slice %arg9[%dma_start3A_70, %dma_start3A_71] : memref<10000x128xf32, #tpu.memory_space<vmem_shared>> -> memref<16x128xf32, #tpu.memory_space<vmem_shared>>
        tpu.enqueue_dma source(%dma_start3A_72 : memref<16x128xf32, #tpu.memory_space<vmem_shared>>) target(%dma_start3A_69 : memref<16x128xf32, #tpu.memory_space<hbm>>) target_semaphore(%run_scoped3A : memref<!tpu.dma_semaphore, #tpu.memory_space<semaphore_mem>>)
        %dma_wait3A_73 = arith.constant 0 : i32
        %dma_wait3A_74 = tpu.memref_slice %arg5[%add3A_67, %dma_wait3A_73] : memref<20000x128xf32, #tpu.memory_space<hbm>> -> memref<16x128xf32, #tpu.memory_space<hbm>>
        %dma_wait3A_75 = arith.constant 9984 : i32
        %dma_wait3A_76 = arith.constant 0 : i32
        %dma_wait3A_77 = tpu.memref_slice %arg9[%dma_wait3A_75, %dma_wait3A_76] : memref<10000x128xf32, #tpu.memory_space<vmem_shared>> -> memref<16x128xf32, #tpu.memory_space<vmem_shared>>
        tpu.wait_dma2 semaphore(%run_scoped3A : memref<!tpu.dma_semaphore, #tpu.memory_space<semaphore_mem>>) src(%dma_wait3A_77 : memref<16x128xf32, #tpu.memory_space<vmem_shared>>) dst(%dma_wait3A_74 : memref<16x128xf32, #tpu.memory_space<hbm>>)
        tpu.yield
      }) : () -> ()
    } else {
    }
    return
  }
}

module attributes {stable_mosaic.version = 14 : i64} {
  func.func @_prep_body(%arg0: i32, %arg1: memref<1000x128xf32, #tpu.memory_space<vmem>>, %arg2: memref<128x128xf32, #tpu.memory_space<vmem>>, %arg3: memref<1x128xf32, #tpu.memory_space<vmem>>, %arg4: memref<1000x128xf32, #tpu.memory_space<vmem>>) attributes {dimension_semantics = [#tpu.dimension_semantics<arbitrary>], iteration_bounds = array<i64: 10>, scalar_prefetch = 0 : i64, scratch_operands = 0 : i64, tpu.core_type = #tpu.core_type<tc>, window_params = [{transform_indices = @transform_0, window_bounds = array<i64: 1000, 128>}, {pipeline_mode = #tpu.pipeline_mode<synchronous>, transform_indices = @transform_1, window_bounds = array<i64: 128, 128>}, {pipeline_mode = #tpu.pipeline_mode<synchronous>, transform_indices = @transform_2, window_bounds = array<i64: 1, 128>}, {transform_indices = @transform_3, window_bounds = array<i64: 1000, 128>}]} {
    %get3A = arith.constant 0 : index
    %get3A_0 = arith.constant 0 : index
    %get3A_1 = vector.load %arg1[%get3A, %get3A_0] : memref<1000x128xf32, #tpu.memory_space<vmem>>, vector<1000x128xf32>
    %get3A_2 = arith.constant 0 : index
    %get3A_3 = arith.constant 0 : index
    %get3A_4 = vector.load %arg2[%get3A_2, %get3A_3] : memref<128x128xf32, #tpu.memory_space<vmem>>, vector<128x128xf32>
    %dot_general3A = arith.constant dense<0.000000e+00> : vector<1000x128xf32>
    %dot_general3A_5 = tpu.matmul %get3A_1, %get3A_4, %dot_general3A {dimension_numbers = #tpu.dot_dimension_numbers<[1], [0], [0], [1], [0, 0, 1, 1], [], []>, transpose_lhs_hint = false} : vector<1000x128xf32>, vector<128x128xf32>, vector<1000x128xf32> -> vector<1000x128xf32>
    %get3A_6 = arith.constant 0 : index
    %get3A_7 = arith.constant 0 : index
    %get3A_8 = vector.load %arg3[%get3A_6, %get3A_7] : memref<1x128xf32, #tpu.memory_space<vmem>>, vector<1x128xf32>
    %add3A = vector.broadcast %get3A_8 : vector<1x128xf32> to vector<1000x128xf32>
    %add3A_9 = arith.addf %dot_general3A_5, %add3A : vector<1000x128xf32>
    %swap3A = arith.constant 0 : index
    %swap3A_10 = arith.constant 0 : index
    %swap3A_11 = vector.load %arg4[%swap3A, %swap3A_10] : memref<1000x128xf32, #tpu.memory_space<vmem>>, vector<1000x128xf32>
    tpu.vector_store %arg4[%swap3A, %swap3A_10], %add3A_9 {strides = array<i32>} : memref<1000x128xf32, #tpu.memory_space<vmem>>, vector<1000x128xf32>,
    return
  }
  func.func @transform_0(%arg0: i32) -> (i32, i32) {
    %c0_i32 = arith.constant 0 : i32
    %c0_i32_0 = arith.constant 0 : i32
    return %arg0, %c0_i32 : i32, i32
  }
  func.func @transform_1(%arg0: i32) -> (i32, i32) {
    %c0_i32 = arith.constant 0 : i32
    %c0_i32_0 = arith.constant 0 : i32
    %c0_i32_1 = arith.constant 0 : i32
    return %c0_i32, %c0_i32_0 : i32, i32
  }
  func.func @transform_2(%arg0: i32) -> (i32, i32) {
    %c0_i32 = arith.constant 0 : i32
    %c0_i32_0 = arith.constant 0 : i32
    %c0_i32_1 = arith.constant 0 : i32
    return %c0_i32, %c0_i32_0 : i32, i32
  }
  func.func @transform_3(%arg0: i32) -> (i32, i32) {
    %c0_i32 = arith.constant 0 : i32
    %c0_i32_0 = arith.constant 0 : i32
    return %arg0, %c0_i32 : i32, i32
  }
}

module attributes {stable_mosaic.version = 14 : i64} {
  func.func @_edge_body(%arg0: i32, %arg1: memref<2000x128xf32, #tpu.memory_space<vmem>>, %arg2: memref<2000x8xf32, #tpu.memory_space<vmem>>, %arg3: memref<8x128xf32, #tpu.memory_space<vmem>>, %arg4: memref<1x128xf32, #tpu.memory_space<vmem>>, %arg5: memref<8x128xf32, #tpu.memory_space<vmem>>, %arg6: memref<128x128xf32, #tpu.memory_space<vmem>>, %arg7: memref<1x128xf32, #tpu.memory_space<vmem>>, %arg8: memref<128x128xf32, #tpu.memory_space<vmem>>, %arg9: memref<1x128xf32, #tpu.memory_space<vmem>>, %arg10: memref<2000x128xf32, #tpu.memory_space<vmem>>) attributes {dimension_semantics = [#tpu.dimension_semantics<arbitrary>], iteration_bounds = array<i64: 32>, scalar_prefetch = 0 : i64, scratch_operands = 0 : i64, tpu.core_type = #tpu.core_type<tc>, window_params = [{transform_indices = @transform_0, window_bounds = array<i64: 2000, 128>}, {transform_indices = @transform_1, window_bounds = array<i64: 2000, 8>}, {pipeline_mode = #tpu.pipeline_mode<synchronous>, transform_indices = @transform_2, window_bounds = array<i64: 8, 128>}, {pipeline_mode = #tpu.pipeline_mode<synchronous>, transform_indices = @transform_3, window_bounds = array<i64: 1, 128>}, {pipeline_mode = #tpu.pipeline_mode<synchronous>, transform_indices = @transform_4, window_bounds = array<i64: 8, 128>}, {pipeline_mode = #tpu.pipeline_mode<synchronous>, transform_indices = @transform_5, window_bounds = array<i64: 128, 128>}, {pipeline_mode = #tpu.pipeline_mode<synchronous>, transform_indices = @transform_6, window_bounds = array<i64: 1, 128>}, {pipeline_mode = #tpu.pipeline_mode<synchronous>, transform_indices = @transform_7, window_bounds = array<i64: 128, 128>}, {pipeline_mode = #tpu.pipeline_mode<synchronous>, transform_indices = @transform_8, window_bounds = array<i64: 1, 128>}, {transform_indices = @transform_9, window_bounds = array<i64: 2000, 128>}]} {
    %iota3A = tpu.iota {dimensions = array<i32: 1>} : vector<2000x8xi32>
    %lt3A = arith.constant 3 : i32
    %lt3A_0 = vector.broadcast %lt3A : i32 to vector<2000x8xi32>
    %lt3A_1 = arith.cmpi slt, %iota3A, %lt3A_0 : vector<2000x8xi32>
    %get3A = arith.constant 0 : index
    %get3A_2 = arith.constant 0 : index
    %get3A_3 = vector.load %arg2[%get3A, %get3A_2] : memref<2000x8xf32, #tpu.memory_space<vmem>>, vector<2000x8xf32>
    %jit3A = arith.constant 0.000000e+00 : f32
    %broadcast_in_dim3A = vector.broadcast %jit3A : f32 to vector<2000x8xf32>
    %select_n3A = arith.select %lt3A_1, %get3A_3, %broadcast_in_dim3A : vector<2000x8xi1>, vector<2000x8xf32>
    %mul3A = arith.mulf %select_n3A, %select_n3A : vector<2000x8xf32>
    %reduce_sum3A = arith.constant dense<0.000000e+00> : vector<2000xf32>
    %reduce_sum3A_4 = vector.multi_reduction <add>, %mul3A, %reduce_sum3A [1] : vector<2000x8xf32> to vector<2000xf32>
    %broadcast_in_dim3A_5 = vector.shape_cast %reduce_sum3A_4 : vector<2000xf32> to vector<2000x1xf32>
    %sqrt3A = math.sqrt %broadcast_in_dim3A_5 : vector<2000x1xf32>
    %add3A = arith.constant 9.99999996E-13 : f32
    %add3A_6 = vector.broadcast %add3A : f32 to vector<2000x1xf32>
    %add3A_7 = arith.addf %sqrt3A, %add3A_6 : vector<2000x1xf32>
    %div3A = vector.broadcast %add3A_7 : vector<2000x1xf32> to vector<2000x8xf32>
    %div3A_8 = arith.divf %select_n3A, %div3A : vector<2000x8xf32>
    %get3A_9 = arith.constant 0 : index
    %get3A_10 = arith.constant 0 : index
    %get3A_11 = vector.load %arg1[%get3A_9, %get3A_10] : memref<2000x128xf32, #tpu.memory_space<vmem>>, vector<2000x128xf32>
    %get3A_12 = arith.constant 0 : index
    %get3A_13 = arith.constant 0 : index
    %get3A_14 = vector.load %arg3[%get3A_12, %get3A_13] : memref<8x128xf32, #tpu.memory_space<vmem>>, vector<8x128xf32>
    %dot_general3A = arith.constant dense<0.000000e+00> : vector<2000x128xf32>
    %dot_general3A_15 = tpu.matmul %select_n3A, %get3A_14, %dot_general3A {dimension_numbers = #tpu.dot_dimension_numbers<[1], [0], [0], [1], [0, 0, 1, 1], [], []>, transpose_lhs_hint = false} : vector<2000x8xf32>, vector<8x128xf32>, vector<2000x128xf32> -> vector<2000x128xf32>
    %add3A_16 = arith.addf %get3A_11, %dot_general3A_15 : vector<2000x128xf32>
    %get3A_17 = arith.constant 0 : index
    %get3A_18 = arith.constant 0 : index
    %get3A_19 = vector.load %arg5[%get3A_17, %get3A_18] : memref<8x128xf32, #tpu.memory_space<vmem>>, vector<8x128xf32>
    %dot_general3A_20 = arith.constant dense<0.000000e+00> : vector<2000x128xf32>
    %dot_general3A_21 = tpu.matmul %div3A_8, %get3A_19, %dot_general3A_20 {dimension_numbers = #tpu.dot_dimension_numbers<[1], [0], [0], [1], [0, 0, 1, 1], [], []>, transpose_lhs_hint = false} : vector<2000x8xf32>, vector<8x128xf32>, vector<2000x128xf32> -> vector<2000x128xf32>
    %add3A_22 = arith.addf %add3A_16, %dot_general3A_21 : vector<2000x128xf32>
    %get3A_23 = arith.constant 0 : index
    %get3A_24 = arith.constant 0 : index
    %get3A_25 = vector.load %arg4[%get3A_23, %get3A_24] : memref<1x128xf32, #tpu.memory_space<vmem>>, vector<1x128xf32>
    %mul3A_26 = vector.broadcast %add3A_7 : vector<2000x1xf32> to vector<2000x128xf32>
    %mul3A_27 = vector.broadcast %get3A_25 : vector<1x128xf32> to vector<2000x128xf32>
    %mul3A_28 = arith.mulf %mul3A_26, %mul3A_27 : vector<2000x128xf32>
    %add3A_29 = arith.addf %add3A_22, %mul3A_28 : vector<2000x128xf32>
    %max3A = arith.constant 0.000000e+00 : f32
    %max3A_30 = vector.broadcast %max3A : f32 to vector<2000x128xf32>
    %max3A_31 = arith.maximumf %add3A_29, %max3A_30 : vector<2000x128xf32>
    %get3A_32 = arith.constant 0 : index
    %get3A_33 = arith.constant 0 : index
    %get3A_34 = vector.load %arg6[%get3A_32, %get3A_33] : memref<128x128xf32, #tpu.memory_space<vmem>>, vector<128x128xf32>
    %dot_general3A_35 = arith.constant dense<0.000000e+00> : vector<2000x128xf32>
    %dot_general3A_36 = tpu.matmul %max3A_31, %get3A_34, %dot_general3A_35 {dimension_numbers = #tpu.dot_dimension_numbers<[1], [0], [0], [1], [0, 0, 1, 1], [], []>, transpose_lhs_hint = false} : vector<2000x128xf32>, vector<128x128xf32>, vector<2000x128xf32> -> vector<2000x128xf32>
    %get3A_37 = arith.constant 0 : index
    %get3A_38 = arith.constant 0 : index
    %get3A_39 = vector.load %arg7[%get3A_37, %get3A_38] : memref<1x128xf32, #tpu.memory_space<vmem>>, vector<1x128xf32>
    %add3A_40 = vector.broadcast %get3A_39 : vector<1x128xf32> to vector<2000x128xf32>
    %add3A_41 = arith.addf %dot_general3A_36, %add3A_40 : vector<2000x128xf32>
    %max3A_42 = arith.constant 0.000000e+00 : f32
    %max3A_43 = vector.broadcast %max3A_42 : f32 to vector<2000x128xf32>
    %max3A_44 = arith.maximumf %add3A_41, %max3A_43 : vector<2000x128xf32>
    %get3A_45 = arith.constant 0 : index
    %get3A_46 = arith.constant 0 : index
    %get3A_47 = vector.load %arg8[%get3A_45, %get3A_46] : memref<128x128xf32, #tpu.memory_space<vmem>>, vector<128x128xf32>
    %dot_general3A_48 = arith.constant dense<0.000000e+00> : vector<2000x128xf32>
    %dot_general3A_49 = tpu.matmul %max3A_44, %get3A_47, %dot_general3A_48 {dimension_numbers = #tpu.dot_dimension_numbers<[1], [0], [0], [1], [0, 0, 1, 1], [], []>, transpose_lhs_hint = false} : vector<2000x128xf32>, vector<128x128xf32>, vector<2000x128xf32> -> vector<2000x128xf32>
    %get3A_50 = arith.constant 0 : index
    %get3A_51 = arith.constant 0 : index
    %get3A_52 = vector.load %arg9[%get3A_50, %get3A_51] : memref<1x128xf32, #tpu.memory_space<vmem>>, vector<1x128xf32>
    %add3A_53 = vector.broadcast %get3A_52 : vector<1x128xf32> to vector<2000x128xf32>
    %add3A_54 = arith.addf %dot_general3A_49, %add3A_53 : vector<2000x128xf32>
    %max3A_55 = arith.constant 0.000000e+00 : f32
    %max3A_56 = vector.broadcast %max3A_55 : f32 to vector<2000x128xf32>
    %max3A_57 = arith.maximumf %add3A_54, %max3A_56 : vector<2000x128xf32>
    %swap3A = arith.constant 0 : index
    %swap3A_58 = arith.constant 0 : index
    %swap3A_59 = vector.load %arg10[%swap3A, %swap3A_58] : memref<2000x128xf32, #tpu.memory_space<vmem>>, vector<2000x128xf32>
    tpu.vector_store %arg10[%swap3A, %swap3A_58], %max3A_57 {strides = array<i32>} : memref<2000x128xf32, #tpu.memory_space<vmem>>, vector<2000x128xf32>,
    return
  }
  func.func @transform_0(%arg0: i32) -> (i32, i32) {
    %c0_i32 = arith.constant 0 : i32
    %c0_i32_0 = arith.constant 0 : i32
    return %arg0, %c0_i32 : i32, i32
  }
  func.func @transform_1(%arg0: i32) -> (i32, i32) {
    %add3A = arith.constant 0 : i32
    %add3A_0 = arith.addi %arg0, %add3A : i32
    %c0_i32 = arith.constant 0 : i32
    %c0_i32_1 = arith.constant 0 : i32
    return %add3A_0, %c0_i32 : i32, i32
  }
  func.func @transform_2(%arg0: i32) -> (i32, i32) {
    %c0_i32 = arith.constant 0 : i32
    %c0_i32_0 = arith.constant 0 : i32
    %c0_i32_1 = arith.constant 0 : i32
    return %c0_i32, %c0_i32_0 : i32, i32
  }
  func.func @transform_3(%arg0: i32) -> (i32, i32) {
    %c0_i32 = arith.constant 0 : i32
    %c0_i32_0 = arith.constant 0 : i32
    %c0_i32_1 = arith.constant 0 : i32
    return %c0_i32, %c0_i32_0 : i32, i32
  }
  func.func @transform_4(%arg0: i32) -> (i32, i32) {
    %c0_i32 = arith.constant 0 : i32
    %c0_i32_0 = arith.constant 0 : i32
    %c0_i32_1 = arith.constant 0 : i32
    return %c0_i32, %c0_i32_0 : i32, i32
  }
  func.func @transform_5(%arg0: i32) -> (i32, i32) {
    %c0_i32 = arith.constant 0 : i32
    %c0_i32_0 = arith.constant 0 : i32
    %c0_i32_1 = arith.constant 0 : i32
    return %c0_i32, %c0_i32_0 : i32, i32
  }
  func.func @transform_6(%arg0: i32) -> (i32, i32) {
    %c0_i32 = arith.constant 0 : i32
    %c0_i32_0 = arith.constant 0 : i32
    %c0_i32_1 = arith.constant 0 : i32
    return %c0_i32, %c0_i32_0 : i32, i32
  }
  func.func @transform_7(%arg0: i32) -> (i32, i32) {
    %c0_i32 = arith.constant 0 : i32
    %c0_i32_0 = arith.constant 0 : i32
    %c0_i32_1 = arith.constant 0 : i32
    return %c0_i32, %c0_i32_0 : i32, i32
  }
  func.func @transform_8(%arg0: i32) -> (i32, i32) {
    %c0_i32 = arith.constant 0 : i32
    %c0_i32_0 = arith.constant 0 : i32
    %c0_i32_1 = arith.constant 0 : i32
    return %c0_i32, %c0_i32_0 : i32, i32
  }
  func.func @transform_9(%arg0: i32) -> (i32, i32) {
    %c0_i32 = arith.constant 0 : i32
    %c0_i32_0 = arith.constant 0 : i32
    return %arg0, %c0_i32 : i32, i32
  }
}

module attributes {stable_mosaic.version = 14 : i64} {
  func.func @_edge_body(%arg0: i32, %arg1: memref<2000x128xf32, #tpu.memory_space<vmem>>, %arg2: memref<2000x8xf32, #tpu.memory_space<vmem>>, %arg3: memref<8x128xf32, #tpu.memory_space<vmem>>, %arg4: memref<1x128xf32, #tpu.memory_space<vmem>>, %arg5: memref<8x128xf32, #tpu.memory_space<vmem>>, %arg6: memref<128x128xf32, #tpu.memory_space<vmem>>, %arg7: memref<1x128xf32, #tpu.memory_space<vmem>>, %arg8: memref<128x128xf32, #tpu.memory_space<vmem>>, %arg9: memref<1x128xf32, #tpu.memory_space<vmem>>, %arg10: memref<2000x128xf32, #tpu.memory_space<vmem>>) attributes {dimension_semantics = [#tpu.dimension_semantics<arbitrary>], iteration_bounds = array<i64: 64>, scalar_prefetch = 0 : i64, scratch_operands = 0 : i64, tpu.core_type = #tpu.core_type<tc>, window_params = [{transform_indices = @transform_0, window_bounds = array<i64: 2000, 128>}, {transform_indices = @transform_1, window_bounds = array<i64: 2000, 8>}, {pipeline_mode = #tpu.pipeline_mode<synchronous>, transform_indices = @transform_2, window_bounds = array<i64: 8, 128>}, {pipeline_mode = #tpu.pipeline_mode<synchronous>, transform_indices = @transform_3, window_bounds = array<i64: 1, 128>}, {pipeline_mode = #tpu.pipeline_mode<synchronous>, transform_indices = @transform_4, window_bounds = array<i64: 8, 128>}, {pipeline_mode = #tpu.pipeline_mode<synchronous>, transform_indices = @transform_5, window_bounds = array<i64: 128, 128>}, {pipeline_mode = #tpu.pipeline_mode<synchronous>, transform_indices = @transform_6, window_bounds = array<i64: 1, 128>}, {pipeline_mode = #tpu.pipeline_mode<synchronous>, transform_indices = @transform_7, window_bounds = array<i64: 128, 128>}, {pipeline_mode = #tpu.pipeline_mode<synchronous>, transform_indices = @transform_8, window_bounds = array<i64: 1, 128>}, {transform_indices = @transform_9, window_bounds = array<i64: 2000, 128>}]} {
    %iota3A = tpu.iota {dimensions = array<i32: 1>} : vector<2000x8xi32>
    %lt3A = arith.constant 3 : i32
    %lt3A_0 = vector.broadcast %lt3A : i32 to vector<2000x8xi32>
    %lt3A_1 = arith.cmpi slt, %iota3A, %lt3A_0 : vector<2000x8xi32>
    %get3A = arith.constant 0 : index
    %get3A_2 = arith.constant 0 : index
    %get3A_3 = vector.load %arg2[%get3A, %get3A_2] : memref<2000x8xf32, #tpu.memory_space<vmem>>, vector<2000x8xf32>
    %jit3A = arith.constant 0.000000e+00 : f32
    %broadcast_in_dim3A = vector.broadcast %jit3A : f32 to vector<2000x8xf32>
    %select_n3A = arith.select %lt3A_1, %get3A_3, %broadcast_in_dim3A : vector<2000x8xi1>, vector<2000x8xf32>
    %mul3A = arith.mulf %select_n3A, %select_n3A : vector<2000x8xf32>
    %reduce_sum3A = arith.constant dense<0.000000e+00> : vector<2000xf32>
    %reduce_sum3A_4 = vector.multi_reduction <add>, %mul3A, %reduce_sum3A [1] : vector<2000x8xf32> to vector<2000xf32>
    %broadcast_in_dim3A_5 = vector.shape_cast %reduce_sum3A_4 : vector<2000xf32> to vector<2000x1xf32>
    %sqrt3A = math.sqrt %broadcast_in_dim3A_5 : vector<2000x1xf32>
    %add3A = arith.constant 9.99999996E-13 : f32
    %add3A_6 = vector.broadcast %add3A : f32 to vector<2000x1xf32>
    %add3A_7 = arith.addf %sqrt3A, %add3A_6 : vector<2000x1xf32>
    %div3A = vector.broadcast %add3A_7 : vector<2000x1xf32> to vector<2000x8xf32>
    %div3A_8 = arith.divf %select_n3A, %div3A : vector<2000x8xf32>
    %get3A_9 = arith.constant 0 : index
    %get3A_10 = arith.constant 0 : index
    %get3A_11 = vector.load %arg1[%get3A_9, %get3A_10] : memref<2000x128xf32, #tpu.memory_space<vmem>>, vector<2000x128xf32>
    %get3A_12 = arith.constant 0 : index
    %get3A_13 = arith.constant 0 : index
    %get3A_14 = vector.load %arg3[%get3A_12, %get3A_13] : memref<8x128xf32, #tpu.memory_space<vmem>>, vector<8x128xf32>
    %dot_general3A = arith.constant dense<0.000000e+00> : vector<2000x128xf32>
    %dot_general3A_15 = tpu.matmul %select_n3A, %get3A_14, %dot_general3A {dimension_numbers = #tpu.dot_dimension_numbers<[1], [0], [0], [1], [0, 0, 1, 1], [], []>, transpose_lhs_hint = false} : vector<2000x8xf32>, vector<8x128xf32>, vector<2000x128xf32> -> vector<2000x128xf32>
    %add3A_16 = arith.addf %get3A_11, %dot_general3A_15 : vector<2000x128xf32>
    %get3A_17 = arith.constant 0 : index
    %get3A_18 = arith.constant 0 : index
    %get3A_19 = vector.load %arg5[%get3A_17, %get3A_18] : memref<8x128xf32, #tpu.memory_space<vmem>>, vector<8x128xf32>
    %dot_general3A_20 = arith.constant dense<0.000000e+00> : vector<2000x128xf32>
    %dot_general3A_21 = tpu.matmul %div3A_8, %get3A_19, %dot_general3A_20 {dimension_numbers = #tpu.dot_dimension_numbers<[1], [0], [0], [1], [0, 0, 1, 1], [], []>, transpose_lhs_hint = false} : vector<2000x8xf32>, vector<8x128xf32>, vector<2000x128xf32> -> vector<2000x128xf32>
    %add3A_22 = arith.addf %add3A_16, %dot_general3A_21 : vector<2000x128xf32>
    %get3A_23 = arith.constant 0 : index
    %get3A_24 = arith.constant 0 : index
    %get3A_25 = vector.load %arg4[%get3A_23, %get3A_24] : memref<1x128xf32, #tpu.memory_space<vmem>>, vector<1x128xf32>
    %mul3A_26 = vector.broadcast %add3A_7 : vector<2000x1xf32> to vector<2000x128xf32>
    %mul3A_27 = vector.broadcast %get3A_25 : vector<1x128xf32> to vector<2000x128xf32>
    %mul3A_28 = arith.mulf %mul3A_26, %mul3A_27 : vector<2000x128xf32>
    %add3A_29 = arith.addf %add3A_22, %mul3A_28 : vector<2000x128xf32>
    %max3A = arith.constant 0.000000e+00 : f32
    %max3A_30 = vector.broadcast %max3A : f32 to vector<2000x128xf32>
    %max3A_31 = arith.maximumf %add3A_29, %max3A_30 : vector<2000x128xf32>
    %get3A_32 = arith.constant 0 : index
    %get3A_33 = arith.constant 0 : index
    %get3A_34 = vector.load %arg6[%get3A_32, %get3A_33] : memref<128x128xf32, #tpu.memory_space<vmem>>, vector<128x128xf32>
    %dot_general3A_35 = arith.constant dense<0.000000e+00> : vector<2000x128xf32>
    %dot_general3A_36 = tpu.matmul %max3A_31, %get3A_34, %dot_general3A_35 {dimension_numbers = #tpu.dot_dimension_numbers<[1], [0], [0], [1], [0, 0, 1, 1], [], []>, transpose_lhs_hint = false} : vector<2000x128xf32>, vector<128x128xf32>, vector<2000x128xf32> -> vector<2000x128xf32>
    %get3A_37 = arith.constant 0 : index
    %get3A_38 = arith.constant 0 : index
    %get3A_39 = vector.load %arg7[%get3A_37, %get3A_38] : memref<1x128xf32, #tpu.memory_space<vmem>>, vector<1x128xf32>
    %add3A_40 = vector.broadcast %get3A_39 : vector<1x128xf32> to vector<2000x128xf32>
    %add3A_41 = arith.addf %dot_general3A_36, %add3A_40 : vector<2000x128xf32>
    %max3A_42 = arith.constant 0.000000e+00 : f32
    %max3A_43 = vector.broadcast %max3A_42 : f32 to vector<2000x128xf32>
    %max3A_44 = arith.maximumf %add3A_41, %max3A_43 : vector<2000x128xf32>
    %get3A_45 = arith.constant 0 : index
    %get3A_46 = arith.constant 0 : index
    %get3A_47 = vector.load %arg8[%get3A_45, %get3A_46] : memref<128x128xf32, #tpu.memory_space<vmem>>, vector<128x128xf32>
    %dot_general3A_48 = arith.constant dense<0.000000e+00> : vector<2000x128xf32>
    %dot_general3A_49 = tpu.matmul %max3A_44, %get3A_47, %dot_general3A_48 {dimension_numbers = #tpu.dot_dimension_numbers<[1], [0], [0], [1], [0, 0, 1, 1], [], []>, transpose_lhs_hint = false} : vector<2000x128xf32>, vector<128x128xf32>, vector<2000x128xf32> -> vector<2000x128xf32>
    %get3A_50 = arith.constant 0 : index
    %get3A_51 = arith.constant 0 : index
    %get3A_52 = vector.load %arg9[%get3A_50, %get3A_51] : memref<1x128xf32, #tpu.memory_space<vmem>>, vector<1x128xf32>
    %add3A_53 = vector.broadcast %get3A_52 : vector<1x128xf32> to vector<2000x128xf32>
    %add3A_54 = arith.addf %dot_general3A_49, %add3A_53 : vector<2000x128xf32>
    %max3A_55 = arith.constant 0.000000e+00 : f32
    %max3A_56 = vector.broadcast %max3A_55 : f32 to vector<2000x128xf32>
    %max3A_57 = arith.maximumf %add3A_54, %max3A_56 : vector<2000x128xf32>
    %swap3A = arith.constant 0 : index
    %swap3A_58 = arith.constant 0 : index
    %swap3A_59 = vector.load %arg10[%swap3A, %swap3A_58] : memref<2000x128xf32, #tpu.memory_space<vmem>>, vector<2000x128xf32>
    tpu.vector_store %arg10[%swap3A, %swap3A_58], %max3A_57 {strides = array<i32>} : memref<2000x128xf32, #tpu.memory_space<vmem>>, vector<2000x128xf32>,
    return
  }
  func.func @transform_0(%arg0: i32) -> (i32, i32) {
    %c0_i32 = arith.constant 0 : i32
    %c0_i32_0 = arith.constant 0 : i32
    return %arg0, %c0_i32 : i32, i32
  }
  func.func @transform_1(%arg0: i32) -> (i32, i32) {
    %add3A = arith.constant 32 : i32
    %add3A_0 = arith.addi %arg0, %add3A : i32
    %c0_i32 = arith.constant 0 : i32
    %c0_i32_1 = arith.constant 0 : i32
    return %add3A_0, %c0_i32 : i32, i32
  }
  func.func @transform_2(%arg0: i32) -> (i32, i32) {
    %c0_i32 = arith.constant 0 : i32
    %c0_i32_0 = arith.constant 0 : i32
    %c0_i32_1 = arith.constant 0 : i32
    return %c0_i32, %c0_i32_0 : i32, i32
  }
  func.func @transform_3(%arg0: i32) -> (i32, i32) {
    %c0_i32 = arith.constant 0 : i32
    %c0_i32_0 = arith.constant 0 : i32
    %c0_i32_1 = arith.constant 0 : i32
    return %c0_i32, %c0_i32_0 : i32, i32
  }
  func.func @transform_4(%arg0: i32) -> (i32, i32) {
    %c0_i32 = arith.constant 0 : i32
    %c0_i32_0 = arith.constant 0 : i32
    %c0_i32_1 = arith.constant 0 : i32
    return %c0_i32, %c0_i32_0 : i32, i32
  }
  func.func @transform_5(%arg0: i32) -> (i32, i32) {
    %c0_i32 = arith.constant 0 : i32
    %c0_i32_0 = arith.constant 0 : i32
    %c0_i32_1 = arith.constant 0 : i32
    return %c0_i32, %c0_i32_0 : i32, i32
  }
  func.func @transform_6(%arg0: i32) -> (i32, i32) {
    %c0_i32 = arith.constant 0 : i32
    %c0_i32_0 = arith.constant 0 : i32
    %c0_i32_1 = arith.constant 0 : i32
    return %c0_i32, %c0_i32_0 : i32, i32
  }
  func.func @transform_7(%arg0: i32) -> (i32, i32) {
    %c0_i32 = arith.constant 0 : i32
    %c0_i32_0 = arith.constant 0 : i32
    %c0_i32_1 = arith.constant 0 : i32
    return %c0_i32, %c0_i32_0 : i32, i32
  }
  func.func @transform_8(%arg0: i32) -> (i32, i32) {
    %c0_i32 = arith.constant 0 : i32
    %c0_i32_0 = arith.constant 0 : i32
    %c0_i32_1 = arith.constant 0 : i32
    return %c0_i32, %c0_i32_0 : i32, i32
  }
  func.func @transform_9(%arg0: i32) -> (i32, i32) {
    %c0_i32 = arith.constant 0 : i32
    %c0_i32_0 = arith.constant 0 : i32
    return %arg0, %c0_i32 : i32, i32
  }
}

module attributes {stable_mosaic.version = 14 : i64} {
  func.func @_edge_body(%arg0: i32, %arg1: memref<2000x128xf32, #tpu.memory_space<vmem>>, %arg2: memref<2000x8xf32, #tpu.memory_space<vmem>>, %arg3: memref<8x128xf32, #tpu.memory_space<vmem>>, %arg4: memref<1x128xf32, #tpu.memory_space<vmem>>, %arg5: memref<8x128xf32, #tpu.memory_space<vmem>>, %arg6: memref<128x128xf32, #tpu.memory_space<vmem>>, %arg7: memref<1x128xf32, #tpu.memory_space<vmem>>, %arg8: memref<128x128xf32, #tpu.memory_space<vmem>>, %arg9: memref<1x128xf32, #tpu.memory_space<vmem>>, %arg10: memref<2000x128xf32, #tpu.memory_space<vmem>>) attributes {dimension_semantics = [#tpu.dimension_semantics<arbitrary>], iteration_bounds = array<i64: 64>, scalar_prefetch = 0 : i64, scratch_operands = 0 : i64, tpu.core_type = #tpu.core_type<tc>, window_params = [{transform_indices = @transform_0, window_bounds = array<i64: 2000, 128>}, {transform_indices = @transform_1, window_bounds = array<i64: 2000, 8>}, {pipeline_mode = #tpu.pipeline_mode<synchronous>, transform_indices = @transform_2, window_bounds = array<i64: 8, 128>}, {pipeline_mode = #tpu.pipeline_mode<synchronous>, transform_indices = @transform_3, window_bounds = array<i64: 1, 128>}, {pipeline_mode = #tpu.pipeline_mode<synchronous>, transform_indices = @transform_4, window_bounds = array<i64: 8, 128>}, {pipeline_mode = #tpu.pipeline_mode<synchronous>, transform_indices = @transform_5, window_bounds = array<i64: 128, 128>}, {pipeline_mode = #tpu.pipeline_mode<synchronous>, transform_indices = @transform_6, window_bounds = array<i64: 1, 128>}, {pipeline_mode = #tpu.pipeline_mode<synchronous>, transform_indices = @transform_7, window_bounds = array<i64: 128, 128>}, {pipeline_mode = #tpu.pipeline_mode<synchronous>, transform_indices = @transform_8, window_bounds = array<i64: 1, 128>}, {transform_indices = @transform_9, window_bounds = array<i64: 2000, 128>}]} {
    %iota3A = tpu.iota {dimensions = array<i32: 1>} : vector<2000x8xi32>
    %lt3A = arith.constant 3 : i32
    %lt3A_0 = vector.broadcast %lt3A : i32 to vector<2000x8xi32>
    %lt3A_1 = arith.cmpi slt, %iota3A, %lt3A_0 : vector<2000x8xi32>
    %get3A = arith.constant 0 : index
    %get3A_2 = arith.constant 0 : index
    %get3A_3 = vector.load %arg2[%get3A, %get3A_2] : memref<2000x8xf32, #tpu.memory_space<vmem>>, vector<2000x8xf32>
    %jit3A = arith.constant 0.000000e+00 : f32
    %broadcast_in_dim3A = vector.broadcast %jit3A : f32 to vector<2000x8xf32>
    %select_n3A = arith.select %lt3A_1, %get3A_3, %broadcast_in_dim3A : vector<2000x8xi1>, vector<2000x8xf32>
    %mul3A = arith.mulf %select_n3A, %select_n3A : vector<2000x8xf32>
    %reduce_sum3A = arith.constant dense<0.000000e+00> : vector<2000xf32>
    %reduce_sum3A_4 = vector.multi_reduction <add>, %mul3A, %reduce_sum3A [1] : vector<2000x8xf32> to vector<2000xf32>
    %broadcast_in_dim3A_5 = vector.shape_cast %reduce_sum3A_4 : vector<2000xf32> to vector<2000x1xf32>
    %sqrt3A = math.sqrt %broadcast_in_dim3A_5 : vector<2000x1xf32>
    %add3A = arith.constant 9.99999996E-13 : f32
    %add3A_6 = vector.broadcast %add3A : f32 to vector<2000x1xf32>
    %add3A_7 = arith.addf %sqrt3A, %add3A_6 : vector<2000x1xf32>
    %div3A = vector.broadcast %add3A_7 : vector<2000x1xf32> to vector<2000x8xf32>
    %div3A_8 = arith.divf %select_n3A, %div3A : vector<2000x8xf32>
    %get3A_9 = arith.constant 0 : index
    %get3A_10 = arith.constant 0 : index
    %get3A_11 = vector.load %arg1[%get3A_9, %get3A_10] : memref<2000x128xf32, #tpu.memory_space<vmem>>, vector<2000x128xf32>
    %get3A_12 = arith.constant 0 : index
    %get3A_13 = arith.constant 0 : index
    %get3A_14 = vector.load %arg3[%get3A_12, %get3A_13] : memref<8x128xf32, #tpu.memory_space<vmem>>, vector<8x128xf32>
    %dot_general3A = arith.constant dense<0.000000e+00> : vector<2000x128xf32>
    %dot_general3A_15 = tpu.matmul %select_n3A, %get3A_14, %dot_general3A {dimension_numbers = #tpu.dot_dimension_numbers<[1], [0], [0], [1], [0, 0, 1, 1], [], []>, transpose_lhs_hint = false} : vector<2000x8xf32>, vector<8x128xf32>, vector<2000x128xf32> -> vector<2000x128xf32>
    %add3A_16 = arith.addf %get3A_11, %dot_general3A_15 : vector<2000x128xf32>
    %get3A_17 = arith.constant 0 : index
    %get3A_18 = arith.constant 0 : index
    %get3A_19 = vector.load %arg5[%get3A_17, %get3A_18] : memref<8x128xf32, #tpu.memory_space<vmem>>, vector<8x128xf32>
    %dot_general3A_20 = arith.constant dense<0.000000e+00> : vector<2000x128xf32>
    %dot_general3A_21 = tpu.matmul %div3A_8, %get3A_19, %dot_general3A_20 {dimension_numbers = #tpu.dot_dimension_numbers<[1], [0], [0], [1], [0, 0, 1, 1], [], []>, transpose_lhs_hint = false} : vector<2000x8xf32>, vector<8x128xf32>, vector<2000x128xf32> -> vector<2000x128xf32>
    %add3A_22 = arith.addf %add3A_16, %dot_general3A_21 : vector<2000x128xf32>
    %get3A_23 = arith.constant 0 : index
    %get3A_24 = arith.constant 0 : index
    %get3A_25 = vector.load %arg4[%get3A_23, %get3A_24] : memref<1x128xf32, #tpu.memory_space<vmem>>, vector<1x128xf32>
    %mul3A_26 = vector.broadcast %add3A_7 : vector<2000x1xf32> to vector<2000x128xf32>
    %mul3A_27 = vector.broadcast %get3A_25 : vector<1x128xf32> to vector<2000x128xf32>
    %mul3A_28 = arith.mulf %mul3A_26, %mul3A_27 : vector<2000x128xf32>
    %add3A_29 = arith.addf %add3A_22, %mul3A_28 : vector<2000x128xf32>
    %max3A = arith.constant 0.000000e+00 : f32
    %max3A_30 = vector.broadcast %max3A : f32 to vector<2000x128xf32>
    %max3A_31 = arith.maximumf %add3A_29, %max3A_30 : vector<2000x128xf32>
    %get3A_32 = arith.constant 0 : index
    %get3A_33 = arith.constant 0 : index
    %get3A_34 = vector.load %arg6[%get3A_32, %get3A_33] : memref<128x128xf32, #tpu.memory_space<vmem>>, vector<128x128xf32>
    %dot_general3A_35 = arith.constant dense<0.000000e+00> : vector<2000x128xf32>
    %dot_general3A_36 = tpu.matmul %max3A_31, %get3A_34, %dot_general3A_35 {dimension_numbers = #tpu.dot_dimension_numbers<[1], [0], [0], [1], [0, 0, 1, 1], [], []>, transpose_lhs_hint = false} : vector<2000x128xf32>, vector<128x128xf32>, vector<2000x128xf32> -> vector<2000x128xf32>
    %get3A_37 = arith.constant 0 : index
    %get3A_38 = arith.constant 0 : index
    %get3A_39 = vector.load %arg7[%get3A_37, %get3A_38] : memref<1x128xf32, #tpu.memory_space<vmem>>, vector<1x128xf32>
    %add3A_40 = vector.broadcast %get3A_39 : vector<1x128xf32> to vector<2000x128xf32>
    %add3A_41 = arith.addf %dot_general3A_36, %add3A_40 : vector<2000x128xf32>
    %max3A_42 = arith.constant 0.000000e+00 : f32
    %max3A_43 = vector.broadcast %max3A_42 : f32 to vector<2000x128xf32>
    %max3A_44 = arith.maximumf %add3A_41, %max3A_43 : vector<2000x128xf32>
    %get3A_45 = arith.constant 0 : index
    %get3A_46 = arith.constant 0 : index
    %get3A_47 = vector.load %arg8[%get3A_45, %get3A_46] : memref<128x128xf32, #tpu.memory_space<vmem>>, vector<128x128xf32>
    %dot_general3A_48 = arith.constant dense<0.000000e+00> : vector<2000x128xf32>
    %dot_general3A_49 = tpu.matmul %max3A_44, %get3A_47, %dot_general3A_48 {dimension_numbers = #tpu.dot_dimension_numbers<[1], [0], [0], [1], [0, 0, 1, 1], [], []>, transpose_lhs_hint = false} : vector<2000x128xf32>, vector<128x128xf32>, vector<2000x128xf32> -> vector<2000x128xf32>
    %get3A_50 = arith.constant 0 : index
    %get3A_51 = arith.constant 0 : index
    %get3A_52 = vector.load %arg9[%get3A_50, %get3A_51] : memref<1x128xf32, #tpu.memory_space<vmem>>, vector<1x128xf32>
    %add3A_53 = vector.broadcast %get3A_52 : vector<1x128xf32> to vector<2000x128xf32>
    %add3A_54 = arith.addf %dot_general3A_49, %add3A_53 : vector<2000x128xf32>
    %max3A_55 = arith.constant 0.000000e+00 : f32
    %max3A_56 = vector.broadcast %max3A_55 : f32 to vector<2000x128xf32>
    %max3A_57 = arith.maximumf %add3A_54, %max3A_56 : vector<2000x128xf32>
    %swap3A = arith.constant 0 : index
    %swap3A_58 = arith.constant 0 : index
    %swap3A_59 = vector.load %arg10[%swap3A, %swap3A_58] : memref<2000x128xf32, #tpu.memory_space<vmem>>, vector<2000x128xf32>
    tpu.vector_store %arg10[%swap3A, %swap3A_58], %max3A_57 {strides = array<i32>} : memref<2000x128xf32, #tpu.memory_space<vmem>>, vector<2000x128xf32>,
    return
  }
  func.func @transform_0(%arg0: i32) -> (i32, i32) {
    %c0_i32 = arith.constant 0 : i32
    %c0_i32_0 = arith.constant 0 : i32
    return %arg0, %c0_i32 : i32, i32
  }
  func.func @transform_1(%arg0: i32) -> (i32, i32) {
    %add3A = arith.constant 96 : i32
    %add3A_0 = arith.addi %arg0, %add3A : i32
    %c0_i32 = arith.constant 0 : i32
    %c0_i32_1 = arith.constant 0 : i32
    return %add3A_0, %c0_i32 : i32, i32
  }
  func.func @transform_2(%arg0: i32) -> (i32, i32) {
    %c0_i32 = arith.constant 0 : i32
    %c0_i32_0 = arith.constant 0 : i32
    %c0_i32_1 = arith.constant 0 : i32
    return %c0_i32, %c0_i32_0 : i32, i32
  }
  func.func @transform_3(%arg0: i32) -> (i32, i32) {
    %c0_i32 = arith.constant 0 : i32
    %c0_i32_0 = arith.constant 0 : i32
    %c0_i32_1 = arith.constant 0 : i32
    return %c0_i32, %c0_i32_0 : i32, i32
  }
  func.func @transform_4(%arg0: i32) -> (i32, i32) {
    %c0_i32 = arith.constant 0 : i32
    %c0_i32_0 = arith.constant 0 : i32
    %c0_i32_1 = arith.constant 0 : i32
    return %c0_i32, %c0_i32_0 : i32, i32
  }
  func.func @transform_5(%arg0: i32) -> (i32, i32) {
    %c0_i32 = arith.constant 0 : i32
    %c0_i32_0 = arith.constant 0 : i32
    %c0_i32_1 = arith.constant 0 : i32
    return %c0_i32, %c0_i32_0 : i32, i32
  }
  func.func @transform_6(%arg0: i32) -> (i32, i32) {
    %c0_i32 = arith.constant 0 : i32
    %c0_i32_0 = arith.constant 0 : i32
    %c0_i32_1 = arith.constant 0 : i32
    return %c0_i32, %c0_i32_0 : i32, i32
  }
  func.func @transform_7(%arg0: i32) -> (i32, i32) {
    %c0_i32 = arith.constant 0 : i32
    %c0_i32_0 = arith.constant 0 : i32
    %c0_i32_1 = arith.constant 0 : i32
    return %c0_i32, %c0_i32_0 : i32, i32
  }
  func.func @transform_8(%arg0: i32) -> (i32, i32) {
    %c0_i32 = arith.constant 0 : i32
    %c0_i32_0 = arith.constant 0 : i32
    %c0_i32_1 = arith.constant 0 : i32
    return %c0_i32, %c0_i32_0 : i32, i32
  }
  func.func @transform_9(%arg0: i32) -> (i32, i32) {
    %c0_i32 = arith.constant 0 : i32
    %c0_i32_0 = arith.constant 0 : i32
    return %arg0, %c0_i32 : i32, i32
  }
}

module attributes {stable_mosaic.version = 14 : i64} {
  func.func @_node_body(%arg0: i32, %arg1: memref<1000x128xf32, #tpu.memory_space<vmem>>, %arg2: memref<1000x128xf32, #tpu.memory_space<vmem>>, %arg3: memref<1000x128xf32, #tpu.memory_space<vmem>>, %arg4: memref<128x128xf32, #tpu.memory_space<vmem>>, %arg5: memref<128x128xf32, #tpu.memory_space<vmem>>, %arg6: memref<1x128xf32, #tpu.memory_space<vmem>>, %arg7: memref<128x128xf32, #tpu.memory_space<vmem>>, %arg8: memref<1x128xf32, #tpu.memory_space<vmem>>, %arg9: memref<128x128xf32, #tpu.memory_space<vmem>>, %arg10: memref<1x128xf32, #tpu.memory_space<vmem>>, %arg11: memref<128x128xf32, #tpu.memory_space<vmem>>, %arg12: memref<1x128xf32, #tpu.memory_space<vmem>>, %arg13: memref<1000x128xf32, #tpu.memory_space<vmem>>) attributes {dimension_semantics = [#tpu.dimension_semantics<arbitrary>], iteration_bounds = array<i64: 10>, scalar_prefetch = 0 : i64, scratch_operands = 0 : i64, tpu.core_type = #tpu.core_type<tc>, window_params = [{transform_indices = @transform_0, window_bounds = array<i64: 1000, 128>}, {transform_indices = @transform_1, window_bounds = array<i64: 1000, 128>}, {transform_indices = @transform_2, window_bounds = array<i64: 1000, 128>}, {pipeline_mode = #tpu.pipeline_mode<synchronous>, transform_indices = @transform_3, window_bounds = array<i64: 128, 128>}, {pipeline_mode = #tpu.pipeline_mode<synchronous>, transform_indices = @transform_4, window_bounds = array<i64: 128, 128>}, {pipeline_mode = #tpu.pipeline_mode<synchronous>, transform_indices = @transform_5, window_bounds = array<i64: 1, 128>}, {pipeline_mode = #tpu.pipeline_mode<synchronous>, transform_indices = @transform_6, window_bounds = array<i64: 128, 128>}, {pipeline_mode = #tpu.pipeline_mode<synchronous>, transform_indices = @transform_7, window_bounds = array<i64: 1, 128>}, {pipeline_mode = #tpu.pipeline_mode<synchronous>, transform_indices = @transform_8, window_bounds = array<i64: 128, 128>}, {pipeline_mode = #tpu.pipeline_mode<synchronous>, transform_indices = @transform_9, window_bounds = array<i64: 1, 128>}, {pipeline_mode = #tpu.pipeline_mode<synchronous>, transform_indices = @transform_10, window_bounds = array<i64: 128, 128>}, {pipeline_mode = #tpu.pipeline_mode<synchronous>, transform_indices = @transform_11, window_bounds = array<i64: 1, 128>}, {transform_indices = @transform_12, window_bounds = array<i64: 1000, 128>}]} {
    %get3A = arith.constant 0 : index
    %get3A_0 = arith.constant 0 : index
    %get3A_1 = vector.load %arg2[%get3A, %get3A_0] : memref<1000x128xf32, #tpu.memory_space<vmem>>, vector<1000x128xf32>
    %get3A_2 = arith.constant 0 : index
    %get3A_3 = arith.constant 0 : index
    %get3A_4 = vector.load %arg3[%get3A_2, %get3A_3] : memref<1000x128xf32, #tpu.memory_space<vmem>>, vector<1000x128xf32>
    %add3A = arith.addf %get3A_1, %get3A_4 : vector<1000x128xf32>
    %get3A_5 = arith.constant 0 : index
    %get3A_6 = arith.constant 0 : index
    %get3A_7 = vector.load %arg1[%get3A_5, %get3A_6] : memref<1000x128xf32, #tpu.memory_space<vmem>>, vector<1000x128xf32>
    %get3A_8 = arith.constant 0 : index
    %get3A_9 = arith.constant 0 : index
    %get3A_10 = vector.load %arg4[%get3A_8, %get3A_9] : memref<128x128xf32, #tpu.memory_space<vmem>>, vector<128x128xf32>
    %dot_general3A = arith.constant dense<0.000000e+00> : vector<1000x128xf32>
    %dot_general3A_11 = tpu.matmul %get3A_7, %get3A_10, %dot_general3A {dimension_numbers = #tpu.dot_dimension_numbers<[1], [0], [0], [1], [0, 0, 1, 1], [], []>, transpose_lhs_hint = false} : vector<1000x128xf32>, vector<128x128xf32>, vector<1000x128xf32> -> vector<1000x128xf32>
    %get3A_12 = arith.constant 0 : index
    %get3A_13 = arith.constant 0 : index
    %get3A_14 = vector.load %arg5[%get3A_12, %get3A_13] : memref<128x128xf32, #tpu.memory_space<vmem>>, vector<128x128xf32>
    %dot_general3A_15 = arith.constant dense<0.000000e+00> : vector<1000x128xf32>
    %dot_general3A_16 = tpu.matmul %add3A, %get3A_14, %dot_general3A_15 {dimension_numbers = #tpu.dot_dimension_numbers<[1], [0], [0], [1], [0, 0, 1, 1], [], []>, transpose_lhs_hint = false} : vector<1000x128xf32>, vector<128x128xf32>, vector<1000x128xf32> -> vector<1000x128xf32>
    %add3A_17 = arith.addf %dot_general3A_11, %dot_general3A_16 : vector<1000x128xf32>
    %get3A_18 = arith.constant 0 : index
    %get3A_19 = arith.constant 0 : index
    %get3A_20 = vector.load %arg6[%get3A_18, %get3A_19] : memref<1x128xf32, #tpu.memory_space<vmem>>, vector<1x128xf32>
    %add3A_21 = vector.broadcast %get3A_20 : vector<1x128xf32> to vector<1000x128xf32>
    %add3A_22 = arith.addf %add3A_17, %add3A_21 : vector<1000x128xf32>
    %max3A = arith.constant 0.000000e+00 : f32
    %max3A_23 = vector.broadcast %max3A : f32 to vector<1000x128xf32>
    %max3A_24 = arith.maximumf %add3A_22, %max3A_23 : vector<1000x128xf32>
    %get3A_25 = arith.constant 0 : index
    %get3A_26 = arith.constant 0 : index
    %get3A_27 = vector.load %arg7[%get3A_25, %get3A_26] : memref<128x128xf32, #tpu.memory_space<vmem>>, vector<128x128xf32>
    %dot_general3A_28 = arith.constant dense<0.000000e+00> : vector<1000x128xf32>
    %dot_general3A_29 = tpu.matmul %max3A_24, %get3A_27, %dot_general3A_28 {dimension_numbers = #tpu.dot_dimension_numbers<[1], [0], [0], [1], [0, 0, 1, 1], [], []>, transpose_lhs_hint = false} : vector<1000x128xf32>, vector<128x128xf32>, vector<1000x128xf32> -> vector<1000x128xf32>
    %get3A_30 = arith.constant 0 : index
    %get3A_31 = arith.constant 0 : index
    %get3A_32 = vector.load %arg8[%get3A_30, %get3A_31] : memref<1x128xf32, #tpu.memory_space<vmem>>, vector<1x128xf32>
    %add3A_33 = vector.broadcast %get3A_32 : vector<1x128xf32> to vector<1000x128xf32>
    %add3A_34 = arith.addf %dot_general3A_29, %add3A_33 : vector<1000x128xf32>
    %max3A_35 = arith.constant 0.000000e+00 : f32
    %max3A_36 = vector.broadcast %max3A_35 : f32 to vector<1000x128xf32>
    %max3A_37 = arith.maximumf %add3A_34, %max3A_36 : vector<1000x128xf32>
    %get3A_38 = arith.constant 0 : index
    %get3A_39 = arith.constant 0 : index
    %get3A_40 = vector.load %arg9[%get3A_38, %get3A_39] : memref<128x128xf32, #tpu.memory_space<vmem>>, vector<128x128xf32>
    %dot_general3A_41 = arith.constant dense<0.000000e+00> : vector<1000x128xf32>
    %dot_general3A_42 = tpu.matmul %max3A_37, %get3A_40, %dot_general3A_41 {dimension_numbers = #tpu.dot_dimension_numbers<[1], [0], [0], [1], [0, 0, 1, 1], [], []>, transpose_lhs_hint = false} : vector<1000x128xf32>, vector<128x128xf32>, vector<1000x128xf32> -> vector<1000x128xf32>
    %get3A_43 = arith.constant 0 : index
    %get3A_44 = arith.constant 0 : index
    %get3A_45 = vector.load %arg10[%get3A_43, %get3A_44] : memref<1x128xf32, #tpu.memory_space<vmem>>, vector<1x128xf32>
    %add3A_46 = vector.broadcast %get3A_45 : vector<1x128xf32> to vector<1000x128xf32>
    %add3A_47 = arith.addf %dot_general3A_42, %add3A_46 : vector<1000x128xf32>
    %max3A_48 = arith.constant 0.000000e+00 : f32
    %max3A_49 = vector.broadcast %max3A_48 : f32 to vector<1000x128xf32>
    %max3A_50 = arith.maximumf %add3A_47, %max3A_49 : vector<1000x128xf32>
    %get3A_51 = arith.constant 0 : index
    %get3A_52 = arith.constant 0 : index
    %get3A_53 = vector.load %arg11[%get3A_51, %get3A_52] : memref<128x128xf32, #tpu.memory_space<vmem>>, vector<128x128xf32>
    %dot_general3A_54 = arith.constant dense<0.000000e+00> : vector<1000x128xf32>
    %dot_general3A_55 = tpu.matmul %max3A_50, %get3A_53, %dot_general3A_54 {dimension_numbers = #tpu.dot_dimension_numbers<[1], [0], [0], [1], [0, 0, 1, 1], [], []>, transpose_lhs_hint = false} : vector<1000x128xf32>, vector<128x128xf32>, vector<1000x128xf32> -> vector<1000x128xf32>
    %get3A_56 = arith.constant 0 : index
    %get3A_57 = arith.constant 0 : index
    %get3A_58 = vector.load %arg12[%get3A_56, %get3A_57] : memref<1x128xf32, #tpu.memory_space<vmem>>, vector<1x128xf32>
    %add3A_59 = vector.broadcast %get3A_58 : vector<1x128xf32> to vector<1000x128xf32>
    %add3A_60 = arith.addf %dot_general3A_55, %add3A_59 : vector<1000x128xf32>
    %swap3A = arith.constant 0 : index
    %swap3A_61 = arith.constant 0 : index
    %swap3A_62 = vector.load %arg13[%swap3A, %swap3A_61] : memref<1000x128xf32, #tpu.memory_space<vmem>>, vector<1000x128xf32>
    tpu.vector_store %arg13[%swap3A, %swap3A_61], %add3A_60 {strides = array<i32>} : memref<1000x128xf32, #tpu.memory_space<vmem>>, vector<1000x128xf32>,
    return
  }
  func.func @transform_0(%arg0: i32) -> (i32, i32) {
    %c0_i32 = arith.constant 0 : i32
    %c0_i32_0 = arith.constant 0 : i32
    return %arg0, %c0_i32 : i32, i32
  }
  func.func @transform_1(%arg0: i32) -> (i32, i32) {
    %c0_i32 = arith.constant 0 : i32
    %c0_i32_0 = arith.constant 0 : i32
    return %arg0, %c0_i32 : i32, i32
  }
  func.func @transform_2(%arg0: i32) -> (i32, i32) {
    %c0_i32 = arith.constant 0 : i32
    %c0_i32_0 = arith.constant 0 : i32
    return %arg0, %c0_i32 : i32, i32
  }
  func.func @transform_3(%arg0: i32) -> (i32, i32) {
    %c0_i32 = arith.constant 0 : i32
    %c0_i32_0 = arith.constant 0 : i32
    %c0_i32_1 = arith.constant 0 : i32
    return %c0_i32, %c0_i32_0 : i32, i32
  }
  func.func @transform_4(%arg0: i32) -> (i32, i32) {
    %c0_i32 = arith.constant 0 : i32
    %c0_i32_0 = arith.constant 0 : i32
    %c0_i32_1 = arith.constant 0 : i32
    return %c0_i32, %c0_i32_0 : i32, i32
  }
  func.func @transform_5(%arg0: i32) -> (i32, i32) {
    %c0_i32 = arith.constant 0 : i32
    %c0_i32_0 = arith.constant 0 : i32
    %c0_i32_1 = arith.constant 0 : i32
    return %c0_i32, %c0_i32_0 : i32, i32
  }
  func.func @transform_6(%arg0: i32) -> (i32, i32) {
    %c0_i32 = arith.constant 0 : i32
    %c0_i32_0 = arith.constant 0 : i32
    %c0_i32_1 = arith.constant 0 : i32
    return %c0_i32, %c0_i32_0 : i32, i32
  }
  func.func @transform_7(%arg0: i32) -> (i32, i32) {
    %c0_i32 = arith.constant 0 : i32
    %c0_i32_0 = arith.constant 0 : i32
    %c0_i32_1 = arith.constant 0 : i32
    return %c0_i32, %c0_i32_0 : i32, i32
  }
  func.func @transform_8(%arg0: i32) -> (i32, i32) {
    %c0_i32 = arith.constant 0 : i32
    %c0_i32_0 = arith.constant 0 : i32
    %c0_i32_1 = arith.constant 0 : i32
    return %c0_i32, %c0_i32_0 : i32, i32
  }
  func.func @transform_9(%arg0: i32) -> (i32, i32) {
    %c0_i32 = arith.constant 0 : i32
    %c0_i32_0 = arith.constant 0 : i32
    %c0_i32_1 = arith.constant 0 : i32
    return %c0_i32, %c0_i32_0 : i32, i32
  }
  func.func @transform_10(%arg0: i32) -> (i32, i32) {
    %c0_i32 = arith.constant 0 : i32
    %c0_i32_0 = arith.constant 0 : i32
    %c0_i32_1 = arith.constant 0 : i32
    return %c0_i32, %c0_i32_0 : i32, i32
  }
  func.func @transform_11(%arg0: i32) -> (i32, i32) {
    %c0_i32 = arith.constant 0 : i32
    %c0_i32_0 = arith.constant 0 : i32
    %c0_i32_1 = arith.constant 0 : i32
    return %c0_i32, %c0_i32_0 : i32, i32
  }
  func.func @transform_12(%arg0: i32) -> (i32, i32) {
    %c0_i32 = arith.constant 0 : i32
    %c0_i32_0 = arith.constant 0 : i32
    return %arg0, %c0_i32 : i32, i32
  }
}

</mosaic_0001>

<sc_bundles>
// kernel: kernel.14.cloned.1.call-start
scs
__scs_entry_jumppad:
0x0: {  	(pc) =	sbr.rel $0x88, $3  }
0x1: {  	(tag) =	ssettag $0x0;
	lr =	simm.s32 $0x1  }
0x2: {  	[smem:$0x3F91] =	sst lr;
	_ =	strace $0xD0000000  }
0x3: {  	_ = 	snop  }
0x4: {  	_ = 	snop  }
0x5: {  	_ = 	snop  }
0x6: {  	_ = 	snop  }
0x7: {  	_ = 	snop  }
__scs_overlays_trampoline_lowered:
0x8: {  	[smem:$0x3FA0] =	sst s0  }
0x9: {  	[smem:$0x3FA1] =	sst s1  }
0xa: {  	[smem:$0x3FA2] =	sst s2  }
0xb: {  	[smem:$0x3FA3] =	sst s3  }
0xc: {  	[smem:$0x3FA4] =	sst s4  }
0xd: {  	[smem:$0x3FA5] =	sst s5  }
0xe: {  	[smem:$0x3FA6] =	sst s6  }
0xf: {  	[smem:$0x3FA7] =	sst s7  }
0x10: {  	[smem:$0x3FA8] =	sst s8  }
0x11: {  	[smem:$0x3FA9] =	sst s9;
	s0 =	simm.s32 @!p0 $0x0  }
0x12: {  	s1 =	sld [smem:$0x3F8F];
	s0 =	simm.s32 @p0 $0x1  }
0x13: {  	[smem:$0x3FAA] =	sst s0;
	s0 =	simm.s32 @!p1 $0x0  }
0x14: {  	s2 =	sld [smem:$0x3F8E];
	s0 =	simm.s32 @p1 $0x1  }
0x15: {  	[smem:$0x3FAB] =	sst s0;
	s0 =	simm.s32 @!p2 $0x0  }
0x16: {  	s3 =	sld [smem:$0x3FDB];
	s0 =	simm.s32 @p2 $0x1  }
0x17: {  	s4 =	simm.s32 $0x1BF5;
	[smem:$0x3FAD] =	sst s0  }
0x18: {  	s0 =	sld [smem:$0x3F90];
	_ =	swait.ge [sflag:s4], $0x0  }
0x19: {  	s7 =	sld [smem:$0x3F91]  }
0x1a: {  	s8 =	sadd.s32 $0xFFFFE003, lr  }
0x1b: {  	s9 =	sadd.s32 $0xFFFFFEF7, lr;
	s5 =	simm.s32 $0xFFFFFFFF;
	p2 =	slt.u32 s8, $0xFFFFF086  }
0x1c: {  	p1 =	slt.u32 s9, $0xF7A;
	s5 =	simm.s32 @!p2 $0x0  }
0x1d: {  	s5 =	simm.s32 @p1 $0x1;
	p0 =	seq.s32 s7, s2  }
0x1e: {  	s7 =	smul.u32 @!p0 $0xF7A, s2;
	p2 =	seq.s32 @!p0 s5, $0x0  }
0x1f: {  	s9 =	smul.u32 $0xF7A, s1;
	s8 =	simm.s32 @!p0 $0x1BF5;
	p2 =	por !p2, p0  }
0x20: {  	[sflag:s8] =	ssyncset.s32 @!p0 $0xFFFFF086;
	s6 =	sadd.s32 @!p0 s3, s7;
	s7 =	simm.s32 @!p0 $0x108  }
0x21: {  	s3 =	sadd.s32 s3, s9;
	s6 =	sadd.s32 @!p0 $0x88, s6;
	s7 =	simm.s32 @p2 $0x1082  }
0x22: {  	[simem:s7], [sflag:s8] =	dma.local @!p0 [hbm:s6], $0xF7A  }
0x23: {  	s9 =	sor.u32 $0xD0000000, s2;
	s6 =	simm.s32 $0x108;
	_ =	swait.ge @!p0 [sflag:s8], $0x0  }
0x24: {  	s3 =	sadd.s32 $0x88, s3;
	s6 =	simm.s32 @!p1 $0x1082;
	[sflag:s4] =	ssyncset.s32 $0xFFFFF086  }
0x25: {  	[simem:s6], [sflag:s4] =	dma.local [hbm:s3], $0xF7A  }
0x26: {  	[smem:$0x3F91] =	sst s1;
	(tag) =	ssettag s2;
	_ =	strace s9  }
0x27: {  	s1 =	sld [smem:$0x3FA1]  }
0x28: {  	s2 =	sld [smem:$0x3FA2]  }
0x29: {  	s4 =	sld [smem:$0x3FA4]  }
0x2a: {  	p0 =	seq.s32 s5, $0x0;
	s5 =	sld [smem:$0x3FA5]  }
0x2b: {  	s6 =	sld [smem:$0x3FA6]  }
0x2c: {  	s7 =	sld [smem:$0x3FA7]  }
0x2d: {  	s3 =	simm.s32 $0x108;
	s8 =	sld [smem:$0x3FA8]  }
0x2e: {  	s3 =	simm.s32 @!p0 $0x1082;
	s9 =	sld [smem:$0x3FA9]  }
0x2f: {  	lr =	sadd.s32 s0, s3;
	s0 =	sld [smem:$0x3FA0]  }
0x30: {  	s3 =	sld [smem:$0x3FA3]  }
0x31: {  	[smem:$0x3FAC] =	sst s10  }
0x32: {  	s10 =	sld [smem:$0x3FAA];
	_ =	sdelay $0x3  }
0x33: {  	p0 =	seq.s32 s10, $0x1;
	s10 =	sld [smem:$0x3FAC];
	_ =	sdelay $0x3  }
0x34: {  	[smem:$0x3FAC] =	sst s10  }
0x35: {  	s10 =	sld [smem:$0x3FAB];
	_ =	sdelay $0x3  }
0x36: {  	p1 =	seq.s32 s10, $0x1;
	s10 =	sld [smem:$0x3FAC];
	_ =	sdelay $0x3  }
0x37: {  	[smem:$0x3FAC] =	sst s10  }
0x38: {  	s10 =	sld [smem:$0x3FAD]  }
0x39: {  	_ = 	snop;
	(pc) =	sbr.ind lr, $3  }
0x3a: {  	_ = 	snop  }
0x3b: {  	_ = 	snop  }
0x3c: {  	p2 =	seq.s32 s10, $0x1;
	s10 =	sld [smem:$0x3FAC]  }
0x3d: {  	_ =	shalt  }
0x3e: {  	_ =	shalt  }
0x3f: {  	_ =	shalt  }
0x40: {  	_ =	shalt  }
0x41: {  	_ =	shalt  }
0x42: {  	_ =	shalt  }
0x43: {  	_ =	shalt  }
0x44: {  	_ =	shalt  }
0x45: {  	_ =	shalt  }
0x46: {  	_ =	shalt  }
0x47: {  	_ =	shalt  }
0x48: {  	_ =	shalt  }
0x49: {  	_ =	shalt  }
0x4a: {  	_ =	shalt  }
0x4b: {  	_ =	shalt  }
0x4c: {  	_ =	shalt  }
0x4d: {  	_ =	shalt  }
0x4e: {  	_ =	shalt  }
0x4f: {  	_ =	shalt  }
0x50: {  	_ =	shalt  }
0x51: {  	_ =	shalt  }
0x52: {  	_ =	shalt  }
0x53: {  	_ =	shalt  }
0x54: {  	_ =	shalt  }
0x55: {  	_ =	shalt  }
0x56: {  	_ =	shalt  }
0x57: {  	_ =	shalt  }
0x58: {  	_ =	shalt  }
0x59: {  	_ =	shalt  }
0x5a: {  	_ =	shalt  }
0x5b: {  	_ =	shalt  }
0x5c: {  	_ =	shalt  }
0x5d: {  	_ =	shalt  }
0x5e: {  	_ =	shalt  }
0x5f: {  	_ =	shalt  }
0x60: {  	_ =	shalt  }
0x61: {  	_ =	shalt  }
0x62: {  	_ =	shalt  }
0x63: {  	_ =	shalt  }
0x64: {  	_ =	shalt  }
0x65: {  	_ =	shalt  }
0x66: {  	_ =	shalt  }
0x67: {  	_ =	shalt  }
0x68: {  	_ =	shalt  }
0x69: {  	_ =	shalt  }
0x6a: {  	_ =	shalt  }
0x6b: {  	_ =	shalt  }
0x6c: {  	_ =	shalt  }
0x6d: {  	_ =	shalt  }
0x6e: {  	_ =	shalt  }
0x6f: {  	_ =	shalt  }
0x70: {  	_ =	shalt  }
0x71: {  	_ =	shalt  }
0x72: {  	_ =	shalt  }
0x73: {  	_ =	shalt  }
0x74: {  	_ =	shalt  }
0x75: {  	_ =	shalt  }
0x76: {  	_ =	shalt  }
0x77: {  	_ =	shalt  }
0x78: {  	_ =	shalt  }
0x79: {  	_ =	shalt  }
0x7a: {  	_ =	shalt  }
0x7b: {  	_ =	shalt  }
0x7c: {  	_ =	shalt  }
0x7d: {  	_ =	shalt  }
0x7e: {  	_ =	shalt  }
0x7f: {  	_ =	shalt  }
0x80: {  	_ =	shalt  }
0x81: {  	_ =	shalt  }
0x82: {  	_ =	shalt  }
0x83: {  	_ =	shalt  }
0x84: {  	_ =	shalt  }
0x85: {  	_ =	shalt  }
0x86: {  	_ =	shalt  }
0x87: {  	_ =	shalt  }
.Lfunc_end0:
.L_simem_size_0:
called_computation_lowered:
.L_overlay_start_0:
0x88: {  	s2 =	sld [smem:$0x3FD9]  }
0x89: {  	s3 =	sld [smem:$0x3FFE];
	_ =	sdelay $0x1  }
0x8a: {  	s1 =	srdreg.scid  }
0x8b: {  	s0 =	sand.u32 $0x1, s1  }
0x8c: {  	s16 =	sshll.u32 s0, $0xA;
	s2 =	sadd.s32 s3, s2  }
0x8d: {  	s2 =	sadd.s32 s2, s16  }
0x8e: {  	[smem:$0x3FB8] =	sst s2  }
0x8f: {  	_ = 	snop  }
0x90: {  	(tm) =	ssettm $0x1  }
0x91: {  	s17 =	sld [smem:$0x3FFB];
	_ =	sdelay $0x3  }
0x92: {  	_ =	strace s17  }
0x93: {  	s2 =	sld [smem:$0x3FFC];
	_ =	sdelay $0x3  }
0x94: {  	_ =	strace s2  }
0x95: {  	s2 =	sld [smem:$0x3FFD];
	_ =	sdelay $0x3  }
0x96: {  	_ =	strace s2  }
0x97: {  	_ =	strace $0x8FFFFFFF  }
0x98: {  	s18 =	sld [smem:$0x3FDB];
	_ =	sdelay $0x1  }
0x99: {  	s19 =	simm.s32 $_scs_section_size  }
0x9a: {  	s4 =	simm.s32 $_size__tile_overlayer_lowered;
	s5 =	simm.s32 $_tile_overlayer_lowered  }
0x9b: {  	s22 =	simm.s32 $0x1BFF;
	s21 =	sshll.u32 s5, $0x1;
	s2 =	sadd.s32 s19, s18  }
0x9c: {  	s6 =	simm.s32 $0x0;
	s20 =	sshll.u32 s4, $0x1;
	s4 =	sadd.s32 s21, s2  }
0x9d: {  	[timem:s6], [sflag:s22] =	dma.local [hbm:s4], s20  }
0x9e: {  	_ =	swait.ge [sflag:s22], s20  }
0x9f: {  	s3 =	ssub.s32 $0x0, s20;
	[sflag:s22] =	ssyncset.done $0x0  }
0xa0: {  	[sflag:s22] =	ssyncadd.s32 s3;
	_ =	sdelay $0x1  }
0xa1: {  	s23 =	simm.s32 $0x1B8B  }
0xa2: {  	_ =	swait.ge [sflag:s23], $0x1  }
0xa3: {  	[sflag:s23] =	ssyncset.done $0x0  }
0xa4: {  	s25 =	simm.s32 $0x1B8E;
	s24 =	sld [smem:$0x3FFE];
	[sflag:s23] =	ssyncadd.s32 $0xFFFFFFFF  }
0xa5: {  	s26 =	simm.s32 $execute0_lowered;
	[smem:$0x3FD2] =	sst s25  }
0xa6: {  	s4 =	sshll.u32 s26, $0x1;
	_ =	strace $0x80000046;
	[dreg:$0x1] =	wrdreg $0xFFFFFFFF  }
0xa7: {  	s28 =	simm.s32 $_size_execute0_lowered;
	s2 =	sadd.s32 s2, s4;
	[dreg:$0x0] =	wrdreg $0x0  }
0xa8: {  	s4 =	sshll.u32 s28, $0x1;
	[dreg:$0x2] =	wrdreg s2  }
0xa9: {  	[dreg:$0x3] =	wrdreg s4  }
0xaa: {  	[dreg:$0x4] =	wrdreg $0xC0  }
0xab: {  	_ =	task [dreg:s6], $0x5FFFF  }
0xac: {  	[dreg:$0x1] =	wrdreg $0xFFFFFFFF  }
0xad: {  	[dreg:$0x0] =	wrdreg $0x60  }
0xae: {  	[dreg:$0x2] =	wrdreg s24  }
0xaf: {  	[dreg:$0x3] =	wrdreg $0xA  }
0xb0: {  	_ =	task.clear_ibuf [dreg:s6], $0x4FFFF;
	_ =	strace $0x90000046  }
0xb1: {  	s29 =	simm.s32 $0xA;
	_ =	strace $0x80000048  }
0xb2: {  	_ =	swait.ge [sflag:s29], $0x1  }
0xb3: {  	[sflag:s29] =	ssyncadd.s32 $0xFFFFFFFF  }
0xb4: {  	_ =	strace $0x90000048  }
0xb5: {  	_ =	sfence  }
0xb6: {  	s30 =	sld [smem:$0x0];
	_ =	sdelay $0x2  }
0xb7: {  	s31 =	sshll.u32 s1, $0xD;
	s1 =	sshrl.u32 s1, $0x2  }
0xb8: {  	s3 =	sand.u32 $0x4000, s31;
	s1 =	sadd.s32 s1, s30  }
0xb9: {  	s0 =	sor.u32 s3, s0;
	s1 =	sshll.u32 s1, $0x11  }
0xba: {  	s0 =	sor.u32 s1, s0  }
0xbb: {  	s0 =	sadd.s32 $0x8F2B, s0  }
0xbc: {  	[sflag:s0] =	ssyncadd.remote.s32 $0x1  }
0xbd: {  	_ =	sfence.sel $0xFFFF  }
0xbe: {  	[dreg:$0x0] =	wrdreg $0xFFFFFFFF;
	(pc) =	sbr.abs _section_cstart, $3  }
0xbf: {  	[dreg:$0x1] =	wrdreg $0xFFFFFFFF  }
0xc0: {  	_ =	task.clear_ibuf [dreg:s6], $0x2FFFF;
	_ =	strace $0x9FFFFFFF  }
0xc1: {  	(tm) =	ssettm $0x7FFFFFFF  }
tec
execute0_lowered:
.L_overlay_start_1:
0x0: {  	(tag) =	ssettag $0x1  }
0x1: {  	s6 =	rddreg [dreg:$0x0]  }
0x2: {  	s0 =	rddreg [dreg:$0x1];
	s2 =	simm.s32 $0x0;
	s3 =	srdreg.scid  }
0x3: {  	s1 =	stileid.u32;
	s17 =	simm.s32 $0x1;
	s18 =	simm.s32 $0x2  }
0x4: {  	s19 =	simm.s32 $0x3;
	s20 =	simm.s32 $0x4;
	s21 =	simm.s32 $0xC580  }
0x5: {  	s22 =	simm.s32 $0x10580;
	s23 =	simm.s32 $0x5;
	s24 =	simm.s32 $0x0  }
0x6: {  	[smem:$0x7FF] =	sst s2;
	s9 =	sand.u32 $0x1, s3;
	s5 =	sshll.u32 s1, $0x1  }
0x7: {  	v0 =	vlaneseq.u32;
	s3 =	sadd.s32 $0x18000, s6;
	s4 =	sadd.s32 $0x17A00, s6;
	s8 =	sadd.s32 $0xD600, s6  }
0x8: {  	s11 =	sadd.s32 $0x3800, s6;
	s12 =	sadd.s32 $0x18600, s6;
	v0 =	vmul.u32 $0x80, v0;
	s15 =	smul.u32 $0x4E000, s1  }
0x9: {  	p0 =	sgt.u32 s1, $0x1;
	_ =	strace $0x80000047;
	s7 =	sor.u32 s9, s5  }
0xa: {  	s5 =	sadd.s32 $0x17400, s6;
	s30 =	ssub.s32 $0x2, s9;
	s10 =	smul.u32 $0x2700, s7;
	v1 =	vor.u32 $0x1, v0;
	v2 =	vor.u32 $0x2, v0  }
0xb: {  	s16 =	smul.u32 $0x27000, s9;
	s13 =	sshrl.u32 s30, $0x1;
	s7 =	sshll.u32 s7, $0x7;
	v3 =	vor.u32 $0x800, v0;
	v4 =	vor.u32 $0x801, v0;
	v5 =	vor.u32 $0x802, v0  }
0xc: {  	v6 =	vor.u32 $0x1000, v0;
	v7 =	vor.u32 $0x1001, v0;
	v8 =	vor.u32 $0x1002, v0;
	s13 =	ssub.s32 s30, s13;
	s14 =	sor.u32 $0x4E000, s7;
	s10 =	sshrl.u32 s10, $0x3  }
.Ltmp0:
0xd: {  	v9 =	vor.u32 $0x1800, v0;
	v10 =	vor.u32 $0x1801, v0;
	v11 =	vor.u32 $0x1802, v0;
	s31 =	sshrl.u32 s14, $0x3;
	s14 =	sshll.u32 s14, $0x4;
	(pc) =	sbr.rel .LBB2_1-.Ltmp0, $4  }
0xe: {  	v12 =	vor.u32 $0x2000, v0;
	v13 =	vor.u32 $0x2001, v0;
	v14 =	vor.u32 $0x2002, v0;
	s6 =	sadd.s32 s8, s10;
	s7 =	sadd.s32 s11, s10;
	s8 =	sadd.s32 s8, s31  }
0xf: {  	v15 =	vor.u32 $0x2800, v0;
	v16 =	vor.u32 $0x2801, v0;
	v17 =	vor.u32 $0x2802, v0;
	s9 =	sadd.s32 s11, s31;
	s10 =	sadd.s32 s12, s14;
	s12 =	sadd.s32 s15, s12  }
0x10: {  	v18 =	vor.u32 $0x3000, v0;
	v19 =	vor.u32 $0x3001, v0;
	v20 =	vor.u32 $0x3002, v0;
	s11 =	smax.u32 s13, $0x1;
	s13 =	simm.s32 $0x2780;
	s14 =	simm.s32 $0x4F00  }
0x11: {  	v21 =	vor.u32 $0x3800, v0;
	v22 =	vor.u32 $0x3801, v0;
	v23 =	vor.u32 $0x3802, v0;
	s15 =	simm.s32 $0x7680;
	s12 =	sadd.s32 s16, s12;
	s16 =	simm.s32 $0x9E00  }
.LBB2_5:
0x12: {  	s24 =	sadd.s32 $0x1, s24  }
0x13: {  	p1 =	sne.s32 s24, s11  }
.Ltmp1:
0x14: {  	_ = 	snop;
	(pc) =	sbr.rel @!p1 .LBB2_6-.Ltmp1, $1  }
0x15: {  	_ =	sdelay $0x3  }
.LBB2_1:
0x16: {  	[tilespmem:s2], [sflag:$0x1] =	stream.linear.gather [hbm4b:s3+s2], $0x2780, $0x38;
	[tilespmem:$0x14580] =	vst v63  }
0x17: {  	_ = 	snop  }
0x18: {  	[tilespmem:s13], [sflag:$0x2] =	stream.linear.gather [hbm4b:s4+s2], $0x2780, $0x38;
	[tilespmem:$0x14580] =	vst v63  }
0x19: {  	_ = 	snop  }
0x1a: {  	[tilespmem:s14], [sflag:$0x3] =	stream.linear.gather [hbm4b:s5+s2], $0x2780, $0x38;
	[tilespmem:$0x14580] =	vst v63  }
0x1b: {  	_ = 	snop  }
0x1c: {  	[tilespmem:s15], [sflag:$0x4] =	stream.linear.gather [hbm4b:s6+s2], $0x2700, $0x38;
	[tilespmem:$0x14580] =	vst v63  }
0x1d: {  	_ = 	snop  }
0x1e: {  	[tilespmem:s16], [sflag:$0x1] =	stream.linear.gather [hbm4b:s7+s2], $0x2700, $0x38;
	[tilespmem:$0x14580] =	vst v63  }
0x1f: {  	s25 =	simm.s32 @!p0 $0x0;
	s26 =	simm.s32 @!p0 $0x9D80  }
0x20: {  	[tilespmem:s26], [sflag:$0x5] =	stream.linear.gather @!p0 [hbm4b:s8+s25], $0x80, $0x38;
	[tilespmem:$0x14580] =	vst v63  }
0x21: {  	s26 =	simm.s32 @!p0 $0x5  }
0x22: {  	_ =	swait.ge @!p0 [sflag:s26], $0x80  }
0x23: {  	[sflag:s26] =	ssyncset.done @!p0 $0x0  }
0x24: {  	s28 =	simm.s32 @!p0 $0xC500;
	[sflag:s26] =	ssyncadd.s32 @!p0 $0xFFFFFF80  }
0x25: {  	[tilespmem:s28], [sflag:$0x5] =	stream.linear.gather @!p0 [hbm4b:s9+s25], $0x80, $0x38;
	[tilespmem:$0x14580] =	vst v63  }
0x26: {  	_ =	swait.ge @!p0 [sflag:s26], $0x80  }
0x27: {  	[sflag:s26] =	ssyncset.done @!p0 $0x0  }
0x28: {  	[sflag:s26] =	ssyncadd.s32 @!p0 $0xFFFFFF80  }
0x29: {  	_ =	swait.ge [sflag:s17], $0x2780  }
0x2a: {  	[sflag:s17] =	ssyncset.done $0x0  }
0x2b: {  	[sflag:s17] =	ssyncadd.s32 $0xFFFFD880  }
0x2c: {  	_ =	swait.ge [sflag:s18], $0x2780  }
0x2d: {  	[sflag:s18] =	ssyncset.done $0x0  }
0x2e: {  	[sflag:s18] =	ssyncadd.s32 $0xFFFFD880  }
0x2f: {  	_ =	swait.ge [sflag:s19], $0x2780  }
0x30: {  	[sflag:s19] =	ssyncset.done $0x0  }
0x31: {  	[sflag:s19] =	ssyncadd.s32 $0xFFFFD880  }
0x32: {  	_ =	swait.ge [sflag:s20], $0x2700  }
0x33: {  	[sflag:s20] =	ssyncset.done $0x0  }
0x34: {  	[sflag:s20] =	ssyncadd.s32 $0xFFFFD900  }
0x35: {  	_ =	swait.ge [sflag:s17], $0x2700  }
0x36: {  	[sflag:s17] =	ssyncset.done $0x0  }
0x37: {  	s25 =	smov.u32 s12;
	s26 =	simm.s32 $0x0;
	[sflag:s17] =	ssyncadd.s32 $0xFFFFD900  }
.LBB2_2:
0x38: {  	s28 =	sshra.s32 s26, $0x2  }
0x39: {  	v24 =	vld [tilespmem:s28+$0x9E00]  }
0x3a: {  	v25 =	vld [tilespmem:s28+$0x7680];
	_ =	sdelay $0x6  }
0x3b: {  	v26 =	vld.idx.msk [tilespmem:v24+s2+$0x0], $0xffff  }
0x3c: {  	v27 =	vld.idx.msk [tilespmem:v25+s2+$0x0], $0xffff;
	_ =	sdelay $0x4  }
0x3d: {  	v26 =	vsub.f32 v26, v27;
	_ =	sdelay $0x1  }
0x3e: {  	[tilespmem:v0+s21+$0x0] =	vst.idx.msk $0xffff, v26  }
0x3f: {  	v26 =	vld.idx.msk [tilespmem:v24+s13+$0x0], $0xffff  }
0x40: {  	v52 =	vld.idx.msk [tilespmem:v25+s13+$0x0], $0xffff;
	_ =	sdelay $0x4  }
0x41: {  	v26 =	vsub.f32 v26, v52;
	_ =	sdelay $0x1  }
0x42: {  	[tilespmem:v1+s21+$0x0] =	vst.idx.msk $0xffff, v26  }
0x43: {  	v24 =	vld.idx.msk [tilespmem:v24+s14+$0x0], $0xffff  }
0x44: {  	v25 =	vld.idx.msk [tilespmem:v25+s14+$0x0], $0xffff;
	_ =	sdelay $0x4  }
0x45: {  	v24 =	vsub.f32 v24, v25;
	_ =	sdelay $0x1  }
0x46: {  	[tilespmem:v2+s21+$0x0] =	vst.idx.msk $0xffff, v24  }
0x47: {  	v24 =	vld [tilespmem:s28+$0x9E10]  }
0x48: {  	v53 =	vld [tilespmem:s28+$0x7690];
	_ =	sdelay $0x6  }
0x49: {  	v26 =	vld.idx.msk [tilespmem:v24+s2+$0x0], $0xffff  }
0x4a: {  	v54 =	vld.idx.msk [tilespmem:v53+s2+$0x0], $0xffff;
	_ =	sdelay $0x4  }
0x4b: {  	v26 =	vsub.f32 v26, v54;
	_ =	sdelay $0x1  }
0x4c: {  	[tilespmem:v3+s21+$0x0] =	vst.idx.msk $0xffff, v26  }
0x4d: {  	v26 =	vld.idx.msk [tilespmem:v24+s13+$0x0], $0xffff  }
0x4e: {  	v55 =	vld.idx.msk [tilespmem:v53+s13+$0x0], $0xffff;
	_ =	sdelay $0x4  }
0x4f: {  	v26 =	vsub.f32 v26, v55;
	_ =	sdelay $0x1  }
0x50: {  	[tilespmem:v4+s21+$0x0] =	vst.idx.msk $0xffff, v26  }
0x51: {  	v24 =	vld.idx.msk [tilespmem:v24+s14+$0x0], $0xffff  }
0x52: {  	v25 =	vld.idx.msk [tilespmem:v53+s14+$0x0], $0xffff;
	_ =	sdelay $0x4  }
0x53: {  	v24 =	vsub.f32 v24, v25;
	_ =	sdelay $0x1  }
0x54: {  	[tilespmem:v5+s21+$0x0] =	vst.idx.msk $0xffff, v24  }
0x55: {  	v24 =	vld [tilespmem:s28+$0x9E20]  }
0x56: {  	v56 =	vld [tilespmem:s28+$0x76A0];
	_ =	sdelay $0x6  }
0x57: {  	v26 =	vld.idx.msk [tilespmem:v24+s2+$0x0], $0xffff  }
0x58: {  	v57 =	vld.idx.msk [tilespmem:v56+s2+$0x0], $0xffff;
	_ =	sdelay $0x4  }
0x59: {  	v26 =	vsub.f32 v26, v57;
	_ =	sdelay $0x1  }
0x5a: {  	[tilespmem:v6+s21+$0x0] =	vst.idx.msk $0xffff, v26  }
0x5b: {  	v26 =	vld.idx.msk [tilespmem:v24+s13+$0x0], $0xffff  }
0x5c: {  	v58 =	vld.idx.msk [tilespmem:v56+s13+$0x0], $0xffff;
	_ =	sdelay $0x4  }
0x5d: {  	v26 =	vsub.f32 v26, v58;
	_ =	sdelay $0x1  }
0x5e: {  	[tilespmem:v7+s21+$0x0] =	vst.idx.msk $0xffff, v26  }
0x5f: {  	v24 =	vld.idx.msk [tilespmem:v24+s14+$0x0], $0xffff  }
0x60: {  	v25 =	vld.idx.msk [tilespmem:v56+s14+$0x0], $0xffff;
	_ =	sdelay $0x4  }
0x61: {  	v24 =	vsub.f32 v24, v25;
	_ =	sdelay $0x1  }
0x62: {  	[tilespmem:v8+s21+$0x0] =	vst.idx.msk $0xffff, v24  }
0x63: {  	v24 =	vld [tilespmem:s28+$0x9E30]  }
0x64: {  	v59 =	vld [tilespmem:s28+$0x76B0];
	_ =	sdelay $0x6  }
0x65: {  	v26 =	vld.idx.msk [tilespmem:v24+s2+$0x0], $0xffff  }
0x66: {  	v60 =	vld.idx.msk [tilespmem:v59+s2+$0x0], $0xffff;
	_ =	sdelay $0x4  }
0x67: {  	v26 =	vsub.f32 v26, v60;
	_ =	sdelay $0x1  }
0x68: {  	[tilespmem:v9+s21+$0x0] =	vst.idx.msk $0xffff, v26  }
0x69: {  	v26 =	vld.idx.msk [tilespmem:v24+s13+$0x0], $0xffff  }
0x6a: {  	v61 =	vld.idx.msk [tilespmem:v59+s13+$0x0], $0xffff;
	_ =	sdelay $0x4  }
0x6b: {  	v26 =	vsub.f32 v26, v61;
	_ =	sdelay $0x1  }
0x6c: {  	[tilespmem:v10+s21+$0x0] =	vst.idx.msk $0xffff, v26  }
0x6d: {  	v24 =	vld.idx.msk [tilespmem:v24+s14+$0x0], $0xffff  }
0x6e: {  	v25 =	vld.idx.msk [tilespmem:v59+s14+$0x0], $0xffff;
	_ =	sdelay $0x4  }
0x6f: {  	v24 =	vsub.f32 v24, v25;
	_ =	sdelay $0x1  }
0x70: {  	[tilespmem:v11+s21+$0x0] =	vst.idx.msk $0xffff, v24  }
0x71: {  	v24 =	vld [tilespmem:s28+$0x9E40]  }
0x72: {  	v62 =	vld [tilespmem:s28+$0x76C0];
	_ =	sdelay $0x6  }
0x73: {  	v26 =	vld.idx.msk [tilespmem:v24+s2+$0x0], $0xffff  }
0x74: {  	v63 =	vld.idx.msk [tilespmem:v62+s2+$0x0], $0xffff;
	_ =	sdelay $0x4  }
0x75: {  	v26 =	vsub.f32 v26, v63;
	_ =	sdelay $0x1  }
0x76: {  	[tilespmem:v12+s21+$0x0] =	vst.idx.msk $0xffff, v26  }
0x77: {  	v26 =	vld.idx.msk [tilespmem:v24+s13+$0x0], $0xffff  }
0x78: {  	v30 =	vld.idx.msk [tilespmem:v62+s13+$0x0], $0xffff;
	_ =	sdelay $0x4  }
0x79: {  	v26 =	vsub.f32 v26, v30;
	_ =	sdelay $0x1  }
0x7a: {  	[tilespmem:v13+s21+$0x0] =	vst.idx.msk $0xffff, v26  }
0x7b: {  	v24 =	vld.idx.msk [tilespmem:v24+s14+$0x0], $0xffff  }
0x7c: {  	v25 =	vld.idx.msk [tilespmem:v62+s14+$0x0], $0xffff;
	_ =	sdelay $0x4  }
0x7d: {  	v24 =	vsub.f32 v24, v25;
	_ =	sdelay $0x1  }
0x7e: {  	[tilespmem:v14+s21+$0x0] =	vst.idx.msk $0xffff, v24  }
0x7f: {  	v24 =	vld [tilespmem:s28+$0x9E50]  }
0x80: {  	v31 =	vld [tilespmem:s28+$0x76D0];
	_ =	sdelay $0x6  }
0x81: {  	v26 =	vld.idx.msk [tilespmem:v24+s2+$0x0], $0xffff  }
0x82: {  	v32 =	vld.idx.msk [tilespmem:v31+s2+$0x0], $0xffff;
	_ =	sdelay $0x4  }
0x83: {  	v26 =	vsub.f32 v26, v32;
	_ =	sdelay $0x1  }
0x84: {  	[tilespmem:v15+s21+$0x0] =	vst.idx.msk $0xffff, v26  }
0x85: {  	v26 =	vld.idx.msk [tilespmem:v24+s13+$0x0], $0xffff  }
0x86: {  	v33 =	vld.idx.msk [tilespmem:v31+s13+$0x0], $0xffff;
	_ =	sdelay $0x4  }
0x87: {  	v26 =	vsub.f32 v26, v33;
	_ =	sdelay $0x1  }
0x88: {  	[tilespmem:v16+s21+$0x0] =	vst.idx.msk $0xffff, v26  }
0x89: {  	v24 =	vld.idx.msk [tilespmem:v24+s14+$0x0], $0xffff  }
0x8a: {  	v25 =	vld.idx.msk [tilespmem:v31+s14+$0x0], $0xffff;
	_ =	sdelay $0x4  }
0x8b: {  	v24 =	vsub.f32 v24, v25;
	_ =	sdelay $0x1  }
0x8c: {  	[tilespmem:v17+s21+$0x0] =	vst.idx.msk $0xffff, v24  }
0x8d: {  	v24 =	vld [tilespmem:s28+$0x9E60]  }
0x8e: {  	v34 =	vld [tilespmem:s28+$0x76E0];
	_ =	sdelay $0x6  }
0x8f: {  	v26 =	vld.idx.msk [tilespmem:v24+s2+$0x0], $0xffff  }
0x90: {  	v35 =	vld.idx.msk [tilespmem:v34+s2+$0x0], $0xffff;
	_ =	sdelay $0x4  }
0x91: {  	v26 =	vsub.f32 v26, v35;
	_ =	sdelay $0x1  }
0x92: {  	[tilespmem:v18+s21+$0x0] =	vst.idx.msk $0xffff, v26  }
0x93: {  	v26 =	vld.idx.msk [tilespmem:v24+s13+$0x0], $0xffff  }
0x94: {  	v36 =	vld.idx.msk [tilespmem:v34+s13+$0x0], $0xffff;
	_ =	sdelay $0x4  }
0x95: {  	v26 =	vsub.f32 v26, v36;
	_ =	sdelay $0x1  }
0x96: {  	[tilespmem:v19+s21+$0x0] =	vst.idx.msk $0xffff, v26  }
0x97: {  	v24 =	vld.idx.msk [tilespmem:v24+s14+$0x0], $0xffff  }
0x98: {  	v25 =	vld.idx.msk [tilespmem:v34+s14+$0x0], $0xffff;
	_ =	sdelay $0x4  }
0x99: {  	v24 =	vsub.f32 v24, v25;
	_ =	sdelay $0x1  }
0x9a: {  	[tilespmem:v20+s21+$0x0] =	vst.idx.msk $0xffff, v24  }
0x9b: {  	v24 =	vld [tilespmem:s28+$0x9E70]  }
0x9c: {  	v37 =	vld [tilespmem:s28+$0x76F0];
	_ =	sdelay $0x6  }
0x9d: {  	v26 =	vld.idx.msk [tilespmem:v24+s2+$0x0], $0xffff  }
0x9e: {  	v38 =	vld.idx.msk [tilespmem:v37+s2+$0x0], $0xffff;
	_ =	sdelay $0x4  }
0x9f: {  	v26 =	vsub.f32 v26, v38;
	_ =	sdelay $0x1  }
0xa0: {  	[tilespmem:v21+s21+$0x0] =	vst.idx.msk $0xffff, v26  }
0xa1: {  	v26 =	vld.idx.msk [tilespmem:v24+s13+$0x0], $0xffff  }
0xa2: {  	v39 =	vld.idx.msk [tilespmem:v37+s13+$0x0], $0xffff;
	_ =	sdelay $0x4  }
0xa3: {  	v26 =	vsub.f32 v26, v39;
	_ =	sdelay $0x1  }
0xa4: {  	[tilespmem:v22+s21+$0x0] =	vst.idx.msk $0xffff, v26  }
0xa5: {  	v24 =	vld.idx.msk [tilespmem:v24+s14+$0x0], $0xffff  }
0xa6: {  	v25 =	vld.idx.msk [tilespmem:v37+s14+$0x0], $0xffff;
	_ =	sdelay $0x4  }
0xa7: {  	v24 =	vsub.f32 v24, v25;
	_ =	sdelay $0x1  }
0xa8: {  	[tilespmem:v23+s21+$0x0] =	vst.idx.msk $0xffff, v24  }
0xa9: {  	[hbm4b:s25+s2] =	stream.linear.scatter [tilespmem:s21], [sflag:$0x1], $0x4000, $0x38;
	[tilespmem:$0x14580] =	vst v63  }
0xaa: {  	v24 =	vld [tilespmem:s28+$0x9E80]  }
0xab: {  	v40 =	vld [tilespmem:s28+$0x7700];
	_ =	sdelay $0x6  }
0xac: {  	v26 =	vld.idx.msk [tilespmem:v24+s2+$0x0], $0xffff  }
0xad: {  	v41 =	vld.idx.msk [tilespmem:v40+s2+$0x0], $0xffff;
	_ =	sdelay $0x4  }
0xae: {  	v26 =	vsub.f32 v26, v41;
	_ =	sdelay $0x1  }
0xaf: {  	[tilespmem:v0+s22+$0x0] =	vst.idx.msk $0xffff, v26  }
0xb0: {  	v26 =	vld.idx.msk [tilespmem:v24+s13+$0x0], $0xffff  }
0xb1: {  	v42 =	vld.idx.msk [tilespmem:v40+s13+$0x0], $0xffff;
	_ =	sdelay $0x4  }
0xb2: {  	v26 =	vsub.f32 v26, v42;
	_ =	sdelay $0x1  }
0xb3: {  	[tilespmem:v1+s22+$0x0] =	vst.idx.msk $0xffff, v26  }
0xb4: {  	v24 =	vld.idx.msk [tilespmem:v24+s14+$0x0], $0xffff  }
0xb5: {  	v25 =	vld.idx.msk [tilespmem:v40+s14+$0x0], $0xffff;
	_ =	sdelay $0x4  }
0xb6: {  	v24 =	vsub.f32 v24, v25;
	_ =	sdelay $0x1  }
0xb7: {  	[tilespmem:v2+s22+$0x0] =	vst.idx.msk $0xffff, v24  }
0xb8: {  	v24 =	vld [tilespmem:s28+$0x9E90]  }
0xb9: {  	v43 =	vld [tilespmem:s28+$0x7710];
	_ =	sdelay $0x6  }
0xba: {  	v26 =	vld.idx.msk [tilespmem:v24+s2+$0x0], $0xffff  }
0xbb: {  	v44 =	vld.idx.msk [tilespmem:v43+s2+$0x0], $0xffff;
	_ =	sdelay $0x4  }
0xbc: {  	v26 =	vsub.f32 v26, v44;
	_ =	sdelay $0x1  }
0xbd: {  	[tilespmem:v3+s22+$0x0] =	vst.idx.msk $0xffff, v26  }
0xbe: {  	v26 =	vld.idx.msk [tilespmem:v24+s13+$0x0], $0xffff  }
0xbf: {  	v45 =	vld.idx.msk [tilespmem:v43+s13+$0x0], $0xffff;
	_ =	sdelay $0x4  }
0xc0: {  	v26 =	vsub.f32 v26, v45;
	_ =	sdelay $0x1  }
0xc1: {  	[tilespmem:v4+s22+$0x0] =	vst.idx.msk $0xffff, v26  }
0xc2: {  	v24 =	vld.idx.msk [tilespmem:v24+s14+$0x0], $0xffff  }
0xc3: {  	v25 =	vld.idx.msk [tilespmem:v43+s14+$0x0], $0xffff;
	_ =	sdelay $0x4  }
0xc4: {  	v24 =	vsub.f32 v24, v25;
	_ =	sdelay $0x1  }
0xc5: {  	[tilespmem:v5+s22+$0x0] =	vst.idx.msk $0xffff, v24  }
0xc6: {  	v24 =	vld [tilespmem:s28+$0x9EA0]  }
0xc7: {  	v46 =	vld [tilespmem:s28+$0x7720];
	_ =	sdelay $0x6  }
0xc8: {  	v26 =	vld.idx.msk [tilespmem:v24+s2+$0x0], $0xffff  }
0xc9: {  	v47 =	vld.idx.msk [tilespmem:v46+s2+$0x0], $0xffff;
	_ =	sdelay $0x4  }
0xca: {  	v26 =	vsub.f32 v26, v47;
	_ =	sdelay $0x1  }
0xcb: {  	[tilespmem:v6+s22+$0x0] =	vst.idx.msk $0xffff, v26  }
0xcc: {  	v26 =	vld.idx.msk [tilespmem:v24+s13+$0x0], $0xffff  }
0xcd: {  	v48 =	vld.idx.msk [tilespmem:v46+s13+$0x0], $0xffff;
	_ =	sdelay $0x4  }
0xce: {  	v26 =	vsub.f32 v26, v48;
	_ =	sdelay $0x1  }
0xcf: {  	[tilespmem:v7+s22+$0x0] =	vst.idx.msk $0xffff, v26  }
0xd0: {  	v24 =	vld.idx.msk [tilespmem:v24+s14+$0x0], $0xffff  }
0xd1: {  	v25 =	vld.idx.msk [tilespmem:v46+s14+$0x0], $0xffff;
	_ =	sdelay $0x4  }
0xd2: {  	v24 =	vsub.f32 v24, v25;
	_ =	sdelay $0x1  }
0xd3: {  	[tilespmem:v8+s22+$0x0] =	vst.idx.msk $0xffff, v24  }
0xd4: {  	v24 =	vld [tilespmem:s28+$0x9EB0]  }
0xd5: {  	v49 =	vld [tilespmem:s28+$0x7730];
	_ =	sdelay $0x6  }
0xd6: {  	v26 =	vld.idx.msk [tilespmem:v24+s2+$0x0], $0xffff  }
0xd7: {  	v50 =	vld.idx.msk [tilespmem:v49+s2+$0x0], $0xffff;
	_ =	sdelay $0x4  }
0xd8: {  	v26 =	vsub.f32 v26, v50;
	_ =	sdelay $0x1  }
0xd9: {  	[tilespmem:v9+s22+$0x0] =	vst.idx.msk $0xffff, v26  }
0xda: {  	v26 =	vld.idx.msk [tilespmem:v24+s13+$0x0], $0xffff  }
0xdb: {  	v51 =	vld.idx.msk [tilespmem:v49+s13+$0x0], $0xffff;
	_ =	sdelay $0x4  }
0xdc: {  	v26 =	vsub.f32 v26, v51;
	_ =	sdelay $0x1  }
0xdd: {  	[tilespmem:v10+s22+$0x0] =	vst.idx.msk $0xffff, v26  }
0xde: {  	v24 =	vld.idx.msk [tilespmem:v24+s14+$0x0], $0xffff  }
0xdf: {  	v25 =	vld.idx.msk [tilespmem:v49+s14+$0x0], $0xffff;
	_ =	sdelay $0x4  }
0xe0: {  	v24 =	vsub.f32 v24, v25;
	_ =	sdelay $0x1  }
0xe1: {  	[tilespmem:v11+s22+$0x0] =	vst.idx.msk $0xffff, v24  }
0xe2: {  	v24 =	vld [tilespmem:s28+$0x9EC0]  }
0xe3: {  	v52 =	vld [tilespmem:s28+$0x7740];
	_ =	sdelay $0x6  }
0xe4: {  	v26 =	vld.idx.msk [tilespmem:v24+s2+$0x0], $0xffff  }
0xe5: {  	v53 =	vld.idx.msk [tilespmem:v52+s2+$0x0], $0xffff;
	_ =	sdelay $0x4  }
0xe6: {  	v26 =	vsub.f32 v26, v53;
	_ =	sdelay $0x1  }
0xe7: {  	[tilespmem:v12+s22+$0x0] =	vst.idx.msk $0xffff, v26  }
0xe8: {  	v26 =	vld.idx.msk [tilespmem:v24+s13+$0x0], $0xffff  }
0xe9: {  	v54 =	vld.idx.msk [tilespmem:v52+s13+$0x0], $0xffff;
	_ =	sdelay $0x4  }
0xea: {  	v26 =	vsub.f32 v26, v54;
	_ =	sdelay $0x1  }
0xeb: {  	[tilespmem:v13+s22+$0x0] =	vst.idx.msk $0xffff, v26  }
0xec: {  	v24 =	vld.idx.msk [tilespmem:v24+s14+$0x0], $0xffff  }
0xed: {  	v25 =	vld.idx.msk [tilespmem:v52+s14+$0x0], $0xffff;
	_ =	sdelay $0x4  }
0xee: {  	v24 =	vsub.f32 v24, v25;
	_ =	sdelay $0x1  }
0xef: {  	[tilespmem:v14+s22+$0x0] =	vst.idx.msk $0xffff, v24  }
0xf0: {  	v24 =	vld [tilespmem:s28+$0x9ED0]  }
0xf1: {  	v55 =	vld [tilespmem:s28+$0x7750];
	_ =	sdelay $0x6  }
0xf2: {  	v26 =	vld.idx.msk [tilespmem:v24+s2+$0x0], $0xffff  }
0xf3: {  	v56 =	vld.idx.msk [tilespmem:v55+s2+$0x0], $0xffff;
	_ =	sdelay $0x4  }
0xf4: {  	v26 =	vsub.f32 v26, v56;
	_ =	sdelay $0x1  }
0xf5: {  	[tilespmem:v15+s22+$0x0] =	vst.idx.msk $0xffff, v26  }
0xf6: {  	v26 =	vld.idx.msk [tilespmem:v24+s13+$0x0], $0xffff  }
0xf7: {  	v57 =	vld.idx.msk [tilespmem:v55+s13+$0x0], $0xffff;
	_ =	sdelay $0x4  }
0xf8: {  	v26 =	vsub.f32 v26, v57;
	_ =	sdelay $0x1  }
0xf9: {  	[tilespmem:v16+s22+$0x0] =	vst.idx.msk $0xffff, v26  }
0xfa: {  	v24 =	vld.idx.msk [tilespmem:v24+s14+$0x0], $0xffff  }
0xfb: {  	v25 =	vld.idx.msk [tilespmem:v55+s14+$0x0], $0xffff;
	_ =	sdelay $0x4  }
0xfc: {  	v24 =	vsub.f32 v24, v25;
	_ =	sdelay $0x1  }
0xfd: {  	[tilespmem:v17+s22+$0x0] =	vst.idx.msk $0xffff, v24  }
0xfe: {  	v24 =	vld [tilespmem:s28+$0x9EE0]  }
0xff: {  	v58 =	vld [tilespmem:s28+$0x7760];
	_ =	sdelay $0x6  }
0x100: {  	v26 =	vld.idx.msk [tilespmem:v24+s2+$0x0], $0xffff  }
0x101: {  	v59 =	vld.idx.msk [tilespmem:v58+s2+$0x0], $0xffff;
	_ =	sdelay $0x4  }
0x102: {  	v26 =	vsub.f32 v26, v59;
	_ =	sdelay $0x1  }
0x103: {  	[tilespmem:v18+s22+$0x0] =	vst.idx.msk $0xffff, v26  }
0x104: {  	v26 =	vld.idx.msk [tilespmem:v24+s13+$0x0], $0xffff  }
0x105: {  	v60 =	vld.idx.msk [tilespmem:v58+s13+$0x0], $0xffff;
	_ =	sdelay $0x4  }
0x106: {  	v26 =	vsub.f32 v26, v60;
	_ =	sdelay $0x1  }
0x107: {  	[tilespmem:v19+s22+$0x0] =	vst.idx.msk $0xffff, v26  }
0x108: {  	v24 =	vld.idx.msk [tilespmem:v24+s14+$0x0], $0xffff  }
0x109: {  	v25 =	vld.idx.msk [tilespmem:v58+s14+$0x0], $0xffff;
	_ =	sdelay $0x4  }
0x10a: {  	v24 =	vsub.f32 v24, v25;
	_ =	sdelay $0x1  }
0x10b: {  	[tilespmem:v20+s22+$0x0] =	vst.idx.msk $0xffff, v24  }
0x10c: {  	v24 =	vld [tilespmem:s28+$0x9EF0]  }
0x10d: {  	v61 =	vld [tilespmem:s28+$0x7770];
	_ =	sdelay $0x6  }
0x10e: {  	v26 =	vld.idx.msk [tilespmem:v24+s2+$0x0], $0xffff  }
0x10f: {  	v62 =	vld.idx.msk [tilespmem:v61+s2+$0x0], $0xffff;
	_ =	sdelay $0x4  }
0x110: {  	v26 =	vsub.f32 v26, v62;
	_ =	sdelay $0x1  }
0x111: {  	[tilespmem:v21+s22+$0x0] =	vst.idx.msk $0xffff, v26  }
0x112: {  	v26 =	vld.idx.msk [tilespmem:v24+s13+$0x0], $0xffff  }
0x113: {  	v63 =	vld.idx.msk [tilespmem:v61+s13+$0x0], $0xffff;
	_ =	sdelay $0x4  }
0x114: {  	v26 =	vsub.f32 v26, v63;
	_ =	sdelay $0x1  }
0x115: {  	[tilespmem:v22+s22+$0x0] =	vst.idx.msk $0xffff, v26  }
0x116: {  	v24 =	vld.idx.msk [tilespmem:v24+s14+$0x0], $0xffff  }
0x117: {  	v25 =	vld.idx.msk [tilespmem:v61+s14+$0x0], $0xffff;
	_ =	sdelay $0x4  }
0x118: {  	v24 =	vsub.f32 v24, v25;
	_ =	sdelay $0x1  }
0x119: {  	s31 =	sadd.s32 $0x800, s25;
	[tilespmem:v23+s22+$0x0] =	vst.idx.msk $0xffff, v24  }
0x11a: {  	[hbm4b:s31+s2] =	stream.linear.scatter [tilespmem:s22], [sflag:$0x2], $0x4000, $0x38;
	[tilespmem:$0x14580] =	vst v63  }
0x11b: {  	p1 =	sne.s32 s26, $0x9800;
	_ =	swait.ge [sflag:s17], $0x4000  }
.Ltmp2:
0x11c: {  	[sflag:s17] =	ssyncset.done $0x0;
	(pc) =	sbr.rel @p1 .LBB2_2-.Ltmp2, $4  }
0x11d: {  	[sflag:s17] =	ssyncadd.s32 $0xFFFFC000  }
0x11e: {  	_ =	swait.ge [sflag:s18], $0x4000  }
0x11f: {  	[sflag:s18] =	ssyncset.done $0x0  }
0x120: {  	s26 =	sadd.s32 $0x400, s26;
	s25 =	sadd.s32 $0x1000, s25;
	[sflag:s18] =	ssyncadd.s32 $0xFFFFC000  }
.Ltmp3:
0x121: {  	(pc) =	sbr.rel @p0 .LBB2_5-.Ltmp3, $1  }
0x122: {  	_ =	sdelay $0x3  }
0x123: {  	v24 =	vld [tilespmem:$0xC500]  }
0x124: {  	v25 =	vld [tilespmem:$0x9D80];
	_ =	sdelay $0x6  }
0x125: {  	v26 =	vld.idx.msk [tilespmem:v24+s2+$0x0], $0xffff  }
0x126: {  	v27 =	vld.idx.msk [tilespmem:v25+s2+$0x0], $0xffff;
	_ =	sdelay $0x4  }
0x127: {  	v26 =	vsub.f32 v26, v27;
	_ =	sdelay $0x1  }
0x128: {  	[tilespmem:v0+s22+$0x0] =	vst.idx.msk $0xffff, v26  }
0x129: {  	v26 =	vld.idx.msk [tilespmem:v24+s13+$0x0], $0xffff  }
0x12a: {  	v42 =	vld.idx.msk [tilespmem:v25+s13+$0x0], $0xffff;
	_ =	sdelay $0x4  }
0x12b: {  	v26 =	vsub.f32 v26, v42;
	_ =	sdelay $0x1  }
0x12c: {  	[tilespmem:v1+s22+$0x0] =	vst.idx.msk $0xffff, v26  }
0x12d: {  	v24 =	vld.idx.msk [tilespmem:v24+s14+$0x0], $0xffff  }
0x12e: {  	v25 =	vld.idx.msk [tilespmem:v25+s14+$0x0], $0xffff;
	_ =	sdelay $0x4  }
0x12f: {  	v24 =	vsub.f32 v24, v25;
	_ =	sdelay $0x1  }
0x130: {  	[tilespmem:v2+s22+$0x0] =	vst.idx.msk $0xffff, v24  }
0x131: {  	v24 =	vld [tilespmem:$0xC510]  }
0x132: {  	v43 =	vld [tilespmem:$0x9D90];
	_ =	sdelay $0x6  }
0x133: {  	v26 =	vld.idx.msk [tilespmem:v24+s2+$0x0], $0xffff  }
0x134: {  	v44 =	vld.idx.msk [tilespmem:v43+s2+$0x0], $0xffff;
	_ =	sdelay $0x4  }
0x135: {  	v26 =	vsub.f32 v26, v44;
	_ =	sdelay $0x1  }
0x136: {  	[tilespmem:v3+s22+$0x0] =	vst.idx.msk $0xffff, v26  }
0x137: {  	v26 =	vld.idx.msk [tilespmem:v24+s13+$0x0], $0xffff  }
0x138: {  	v45 =	vld.idx.msk [tilespmem:v43+s13+$0x0], $0xffff;
	_ =	sdelay $0x4  }
0x139: {  	v26 =	vsub.f32 v26, v45;
	_ =	sdelay $0x1  }
0x13a: {  	[tilespmem:v4+s22+$0x0] =	vst.idx.msk $0xffff, v26  }
0x13b: {  	v24 =	vld.idx.msk [tilespmem:v24+s14+$0x0], $0xffff  }
0x13c: {  	v25 =	vld.idx.msk [tilespmem:v43+s14+$0x0], $0xffff;
	_ =	sdelay $0x4  }
0x13d: {  	v24 =	vsub.f32 v24, v25;
	_ =	sdelay $0x1  }
0x13e: {  	[tilespmem:v5+s22+$0x0] =	vst.idx.msk $0xffff, v24  }
0x13f: {  	v24 =	vld [tilespmem:$0xC520]  }
0x140: {  	v46 =	vld [tilespmem:$0x9DA0];
	_ =	sdelay $0x6  }
0x141: {  	v26 =	vld.idx.msk [tilespmem:v24+s2+$0x0], $0xffff  }
0x142: {  	v47 =	vld.idx.msk [tilespmem:v46+s2+$0x0], $0xffff;
	_ =	sdelay $0x4  }
0x143: {  	v26 =	vsub.f32 v26, v47;
	_ =	sdelay $0x1  }
0x144: {  	[tilespmem:v6+s22+$0x0] =	vst.idx.msk $0xffff, v26  }
0x145: {  	v26 =	vld.idx.msk [tilespmem:v24+s13+$0x0], $0xffff  }
0x146: {  	v48 =	vld.idx.msk [tilespmem:v46+s13+$0x0], $0xffff;
	_ =	sdelay $0x4  }
0x147: {  	v26 =	vsub.f32 v26, v48;
	_ =	sdelay $0x1  }
0x148: {  	[tilespmem:v7+s22+$0x0] =	vst.idx.msk $0xffff, v26  }
0x149: {  	v24 =	vld.idx.msk [tilespmem:v24+s14+$0x0], $0xffff  }
0x14a: {  	v25 =	vld.idx.msk [tilespmem:v46+s14+$0x0], $0xffff;
	_ =	sdelay $0x4  }
0x14b: {  	v24 =	vsub.f32 v24, v25;
	_ =	sdelay $0x1  }
0x14c: {  	[tilespmem:v8+s22+$0x0] =	vst.idx.msk $0xffff, v24  }
0x14d: {  	v24 =	vld [tilespmem:$0xC530]  }
0x14e: {  	v49 =	vld [tilespmem:$0x9DB0];
	_ =	sdelay $0x6  }
0x14f: {  	v26 =	vld.idx.msk [tilespmem:v24+s2+$0x0], $0xffff  }
0x150: {  	v50 =	vld.idx.msk [tilespmem:v49+s2+$0x0], $0xffff;
	_ =	sdelay $0x4  }
0x151: {  	v26 =	vsub.f32 v26, v50;
	_ =	sdelay $0x1  }
0x152: {  	[tilespmem:v9+s22+$0x0] =	vst.idx.msk $0xffff, v26  }
0x153: {  	v26 =	vld.idx.msk [tilespmem:v24+s13+$0x0], $0xffff  }
0x154: {  	v51 =	vld.idx.msk [tilespmem:v49+s13+$0x0], $0xffff;
	_ =	sdelay $0x4  }
0x155: {  	v26 =	vsub.f32 v26, v51;
	_ =	sdelay $0x1  }
0x156: {  	[tilespmem:v10+s22+$0x0] =	vst.idx.msk $0xffff, v26  }
0x157: {  	v24 =	vld.idx.msk [tilespmem:v24+s14+$0x0], $0xffff  }
0x158: {  	v25 =	vld.idx.msk [tilespmem:v49+s14+$0x0], $0xffff;
	_ =	sdelay $0x4  }
0x159: {  	v24 =	vsub.f32 v24, v25;
	_ =	sdelay $0x1  }
0x15a: {  	[tilespmem:v11+s22+$0x0] =	vst.idx.msk $0xffff, v24  }
0x15b: {  	v24 =	vld [tilespmem:$0xC540]  }
0x15c: {  	v52 =	vld [tilespmem:$0x9DC0];
	_ =	sdelay $0x6  }
0x15d: {  	v26 =	vld.idx.msk [tilespmem:v24+s2+$0x0], $0xffff  }
0x15e: {  	v53 =	vld.idx.msk [tilespmem:v52+s2+$0x0], $0xffff;
	_ =	sdelay $0x4  }
0x15f: {  	v26 =	vsub.f32 v26, v53;
	_ =	sdelay $0x1  }
0x160: {  	[tilespmem:v12+s22+$0x0] =	vst.idx.msk $0xffff, v26  }
0x161: {  	v26 =	vld.idx.msk [tilespmem:v24+s13+$0x0], $0xffff  }
0x162: {  	v54 =	vld.idx.msk [tilespmem:v52+s13+$0x0], $0xffff;
	_ =	sdelay $0x4  }
0x163: {  	v26 =	vsub.f32 v26, v54;
	_ =	sdelay $0x1  }
0x164: {  	[tilespmem:v13+s22+$0x0] =	vst.idx.msk $0xffff, v26  }
0x165: {  	v24 =	vld.idx.msk [tilespmem:v24+s14+$0x0], $0xffff  }
0x166: {  	v25 =	vld.idx.msk [tilespmem:v52+s14+$0x0], $0xffff;
	_ =	sdelay $0x4  }
0x167: {  	v24 =	vsub.f32 v24, v25;
	_ =	sdelay $0x1  }
0x168: {  	[tilespmem:v14+s22+$0x0] =	vst.idx.msk $0xffff, v24  }
0x169: {  	v24 =	vld [tilespmem:$0xC550]  }
0x16a: {  	v55 =	vld [tilespmem:$0x9DD0];
	_ =	sdelay $0x6  }
0x16b: {  	v26 =	vld.idx.msk [tilespmem:v24+s2+$0x0], $0xffff  }
0x16c: {  	v56 =	vld.idx.msk [tilespmem:v55+s2+$0x0], $0xffff;
	_ =	sdelay $0x4  }
0x16d: {  	v26 =	vsub.f32 v26, v56;
	_ =	sdelay $0x1  }
0x16e: {  	[tilespmem:v15+s22+$0x0] =	vst.idx.msk $0xffff, v26  }
0x16f: {  	v26 =	vld.idx.msk [tilespmem:v24+s13+$0x0], $0xffff  }
0x170: {  	v57 =	vld.idx.msk [tilespmem:v55+s13+$0x0], $0xffff;
	_ =	sdelay $0x4  }
0x171: {  	v26 =	vsub.f32 v26, v57;
	_ =	sdelay $0x1  }
0x172: {  	[tilespmem:v16+s22+$0x0] =	vst.idx.msk $0xffff, v26  }
0x173: {  	v24 =	vld.idx.msk [tilespmem:v24+s14+$0x0], $0xffff  }
0x174: {  	v25 =	vld.idx.msk [tilespmem:v55+s14+$0x0], $0xffff;
	_ =	sdelay $0x4  }
0x175: {  	v24 =	vsub.f32 v24, v25;
	_ =	sdelay $0x1  }
0x176: {  	[tilespmem:v17+s22+$0x0] =	vst.idx.msk $0xffff, v24  }
0x177: {  	v24 =	vld [tilespmem:$0xC560]  }
0x178: {  	v58 =	vld [tilespmem:$0x9DE0];
	_ =	sdelay $0x6  }
0x179: {  	v26 =	vld.idx.msk [tilespmem:v24+s2+$0x0], $0xffff  }
0x17a: {  	v59 =	vld.idx.msk [tilespmem:v58+s2+$0x0], $0xffff;
	_ =	sdelay $0x4  }
0x17b: {  	v26 =	vsub.f32 v26, v59;
	_ =	sdelay $0x1  }
0x17c: {  	[tilespmem:v18+s22+$0x0] =	vst.idx.msk $0xffff, v26  }
0x17d: {  	v26 =	vld.idx.msk [tilespmem:v24+s13+$0x0], $0xffff  }
0x17e: {  	v60 =	vld.idx.msk [tilespmem:v58+s13+$0x0], $0xffff;
	_ =	sdelay $0x4  }
0x17f: {  	v26 =	vsub.f32 v26, v60;
	_ =	sdelay $0x1  }
0x180: {  	[tilespmem:v19+s22+$0x0] =	vst.idx.msk $0xffff, v26  }
0x181: {  	v24 =	vld.idx.msk [tilespmem:v24+s14+$0x0], $0xffff  }
0x182: {  	v25 =	vld.idx.msk [tilespmem:v58+s14+$0x0], $0xffff;
	_ =	sdelay $0x4  }
0x183: {  	v24 =	vsub.f32 v24, v25;
	_ =	sdelay $0x1  }
0x184: {  	[tilespmem:v20+s22+$0x0] =	vst.idx.msk $0xffff, v24  }
0x185: {  	v24 =	vld [tilespmem:$0xC570]  }
0x186: {  	v61 =	vld [tilespmem:$0x9DF0];
	_ =	sdelay $0x6  }
0x187: {  	v26 =	vld.idx.msk [tilespmem:v24+s2+$0x0], $0xffff  }
0x188: {  	v62 =	vld.idx.msk [tilespmem:v61+s2+$0x0], $0xffff;
	_ =	sdelay $0x4  }
0x189: {  	v26 =	vsub.f32 v26, v62;
	_ =	sdelay $0x1  }
0x18a: {  	[tilespmem:v21+s22+$0x0] =	vst.idx.msk $0xffff, v26  }
0x18b: {  	v26 =	vld.idx.msk [tilespmem:v24+s13+$0x0], $0xffff  }
0x18c: {  	v63 =	vld.idx.msk [tilespmem:v61+s13+$0x0], $0xffff;
	_ =	sdelay $0x4  }
0x18d: {  	v26 =	vsub.f32 v26, v63;
	_ =	sdelay $0x1  }
0x18e: {  	[tilespmem:v22+s22+$0x0] =	vst.idx.msk $0xffff, v26  }
0x18f: {  	v24 =	vld.idx.msk [tilespmem:v24+s14+$0x0], $0xffff  }
0x190: {  	v25 =	vld.idx.msk [tilespmem:v61+s14+$0x0], $0xffff;
	_ =	sdelay $0x4  }
0x191: {  	v24 =	vsub.f32 v24, v25;
	_ =	sdelay $0x1  }
.Ltmp4:
0x192: {  	[tilespmem:v23+s22+$0x0] =	vst.idx.msk $0xffff, v24;
	(pc) =	sbr.rel .LBB2_5-.Ltmp4, $4  }
0x193: {  	[hbm4b:s10+s2] =	stream.linear.scatter [tilespmem:s22], [sflag:$0x5], $0x4000, $0x38;
	[tilespmem:$0x14580] =	vst v63  }
0x194: {  	_ =	swait.ge [sflag:s23], $0x4000  }
0x195: {  	[sflag:s23] =	ssyncset.done $0x0  }
0x196: {  	[sflag:s23] =	ssyncadd.s32 $0xFFFFC000  }
.LBB2_6:
0x197: {  	_ =	sfence.sel $0x180000  }
0x198: {  	[bflag:$0x0] =	sbarrier.arrive $0xFFFF  }
0x199: {  	p0 =	sne.s32 s1, $0x0;
	_ =	strace $0x90000047  }
0x19a: {  	s0 =	sadd.s32 @!p0 $0x100000, s0;
	[bflag:$0x2] =	sbarrier.arrive $0xFFFF  }
0x19b: {  	[sflag:s0] =	ssyncadd.tile.s32 @!p0 $0x1;
	_ =	shalt  }
.Lfunc_end2:
_tile_overlayer_lowered:
.L_overlay_start_2:
0x19c: {  	(tag) =	ssettag $0x2  }
0x19d: {  	s0 =	rddreg [dreg:$0x0];
	s2 =	stileid.u32  }
0x19e: {  	s1 =	rddreg [dreg:$0x1];
	p0 =	sne.s32 s2, $0x0  }
0x19f: {  	s3 =	rddreg [dreg:$0x2];
	[bflag:$0x3] =	sbarrier.arrive $0xFFFF;
	s2 =	simm.s32 @!p0 $0x1C05  }
0x1a0: {  	[timem:s3], [sflag:s2] =	dma.local @!p0 [hbm:s0], s1  }
0x1a1: {  	s0 =	simm.s32 @!p0 $0x5  }
0x1a2: {  	_ =	swait.ge @!p0 [sflag:s0], s1  }
0x1a3: {  	s1 =	ssub.s32 @!p0 $0x0, s1;
	[sflag:s0] =	ssyncset.done @!p0 $0x0  }
0x1a4: {  	[sflag:s0] =	ssyncadd.s32 @!p0 s1  }
0x1a5: {  	[bflag:$0x3] =	sbarrier.arrive $0xFFFF  }
0x1a6: {  	_ =	shalt  }

// kernel: kernel.17.cloned.1.call-start
scs
__scs_entry_jumppad:
0x0: {  	(pc) =	sbr.rel $0x88, $3  }
0x1: {  	(tag) =	ssettag $0x0;
	lr =	simm.s32 $0x1  }
0x2: {  	[smem:$0x3F91] =	sst lr;
	_ =	strace $0xD0000000  }
0x3: {  	_ = 	snop  }
0x4: {  	_ = 	snop  }
0x5: {  	_ = 	snop  }
0x6: {  	_ = 	snop  }
0x7: {  	_ = 	snop  }
__scs_overlays_trampoline_lowered:
0x8: {  	[smem:$0x3FA0] =	sst s0  }
0x9: {  	[smem:$0x3FA1] =	sst s1  }
0xa: {  	[smem:$0x3FA2] =	sst s2  }
0xb: {  	[smem:$0x3FA3] =	sst s3  }
0xc: {  	[smem:$0x3FA4] =	sst s4  }
0xd: {  	[smem:$0x3FA5] =	sst s5  }
0xe: {  	[smem:$0x3FA6] =	sst s6  }
0xf: {  	[smem:$0x3FA7] =	sst s7  }
0x10: {  	[smem:$0x3FA8] =	sst s8  }
0x11: {  	[smem:$0x3FA9] =	sst s9;
	s0 =	simm.s32 @!p0 $0x0  }
0x12: {  	s1 =	sld [smem:$0x3F8F];
	s0 =	simm.s32 @p0 $0x1  }
0x13: {  	[smem:$0x3FAA] =	sst s0;
	s0 =	simm.s32 @!p1 $0x0  }
0x14: {  	s2 =	sld [smem:$0x3F8E];
	s0 =	simm.s32 @p1 $0x1  }
0x15: {  	[smem:$0x3FAB] =	sst s0;
	s0 =	simm.s32 @!p2 $0x0  }
0x16: {  	s3 =	sld [smem:$0x3FDB];
	s0 =	simm.s32 @p2 $0x1  }
0x17: {  	s4 =	simm.s32 $0x1BF5;
	[smem:$0x3FAD] =	sst s0  }
0x18: {  	s0 =	sld [smem:$0x3F90];
	_ =	swait.ge [sflag:s4], $0x0  }
0x19: {  	s7 =	sld [smem:$0x3F91]  }
0x1a: {  	s8 =	sadd.s32 $0xFFFFE003, lr  }
0x1b: {  	s9 =	sadd.s32 $0xFFFFFEF7, lr;
	s5 =	simm.s32 $0xFFFFFFFF;
	p2 =	slt.u32 s8, $0xFFFFF086  }
0x1c: {  	p1 =	slt.u32 s9, $0xF7A;
	s5 =	simm.s32 @!p2 $0x0  }
0x1d: {  	s5 =	simm.s32 @p1 $0x1;
	p0 =	seq.s32 s7, s2  }
0x1e: {  	s7 =	smul.u32 @!p0 $0xF7A, s2;
	p2 =	seq.s32 @!p0 s5, $0x0  }
0x1f: {  	s9 =	smul.u32 $0xF7A, s1;
	s8 =	simm.s32 @!p0 $0x1BF5;
	p2 =	por !p2, p0  }
0x20: {  	[sflag:s8] =	ssyncset.s32 @!p0 $0xFFFFF086;
	s6 =	sadd.s32 @!p0 s3, s7;
	s7 =	simm.s32 @!p0 $0x108  }
0x21: {  	s3 =	sadd.s32 s3, s9;
	s6 =	sadd.s32 @!p0 $0x88, s6;
	s7 =	simm.s32 @p2 $0x1082  }
0x22: {  	[simem:s7], [sflag:s8] =	dma.local @!p0 [hbm:s6], $0xF7A  }
0x23: {  	s9 =	sor.u32 $0xD0000000, s2;
	s6 =	simm.s32 $0x108;
	_ =	swait.ge @!p0 [sflag:s8], $0x0  }
0x24: {  	s3 =	sadd.s32 $0x88, s3;
	s6 =	simm.s32 @!p1 $0x1082;
	[sflag:s4] =	ssyncset.s32 $0xFFFFF086  }
0x25: {  	[simem:s6], [sflag:s4] =	dma.local [hbm:s3], $0xF7A  }
0x26: {  	[smem:$0x3F91] =	sst s1;
	(tag) =	ssettag s2;
	_ =	strace s9  }
0x27: {  	s1 =	sld [smem:$0x3FA1]  }
0x28: {  	s2 =	sld [smem:$0x3FA2]  }
0x29: {  	s4 =	sld [smem:$0x3FA4]  }
0x2a: {  	p0 =	seq.s32 s5, $0x0;
	s5 =	sld [smem:$0x3FA5]  }
0x2b: {  	s6 =	sld [smem:$0x3FA6]  }
0x2c: {  	s7 =	sld [smem:$0x3FA7]  }
0x2d: {  	s3 =	simm.s32 $0x108;
	s8 =	sld [smem:$0x3FA8]  }
0x2e: {  	s3 =	simm.s32 @!p0 $0x1082;
	s9 =	sld [smem:$0x3FA9]  }
0x2f: {  	lr =	sadd.s32 s0, s3;
	s0 =	sld [smem:$0x3FA0]  }
0x30: {  	s3 =	sld [smem:$0x3FA3]  }
0x31: {  	[smem:$0x3FAC] =	sst s10  }
0x32: {  	s10 =	sld [smem:$0x3FAA];
	_ =	sdelay $0x3  }
0x33: {  	p0 =	seq.s32 s10, $0x1;
	s10 =	sld [smem:$0x3FAC];
	_ =	sdelay $0x3  }
0x34: {  	[smem:$0x3FAC] =	sst s10  }
0x35: {  	s10 =	sld [smem:$0x3FAB];
	_ =	sdelay $0x3  }
0x36: {  	p1 =	seq.s32 s10, $0x1;
	s10 =	sld [smem:$0x3FAC];
	_ =	sdelay $0x3  }
0x37: {  	[smem:$0x3FAC] =	sst s10  }
0x38: {  	s10 =	sld [smem:$0x3FAD]  }
0x39: {  	_ = 	snop;
	(pc) =	sbr.ind lr, $3  }
0x3a: {  	_ = 	snop  }
0x3b: {  	_ = 	snop  }
0x3c: {  	p2 =	seq.s32 s10, $0x1;
	s10 =	sld [smem:$0x3FAC]  }
0x3d: {  	_ =	shalt  }
0x3e: {  	_ =	shalt  }
0x3f: {  	_ =	shalt  }
0x40: {  	_ =	shalt  }
0x41: {  	_ =	shalt  }
0x42: {  	_ =	shalt  }
0x43: {  	_ =	shalt  }
0x44: {  	_ =	shalt  }
0x45: {  	_ =	shalt  }
0x46: {  	_ =	shalt  }
0x47: {  	_ =	shalt  }
0x48: {  	_ =	shalt  }
0x49: {  	_ =	shalt  }
0x4a: {  	_ =	shalt  }
0x4b: {  	_ =	shalt  }
0x4c: {  	_ =	shalt  }
0x4d: {  	_ =	shalt  }
0x4e: {  	_ =	shalt  }
0x4f: {  	_ =	shalt  }
0x50: {  	_ =	shalt  }
0x51: {  	_ =	shalt  }
0x52: {  	_ =	shalt  }
0x53: {  	_ =	shalt  }
0x54: {  	_ =	shalt  }
0x55: {  	_ =	shalt  }
0x56: {  	_ =	shalt  }
0x57: {  	_ =	shalt  }
0x58: {  	_ =	shalt  }
0x59: {  	_ =	shalt  }
0x5a: {  	_ =	shalt  }
0x5b: {  	_ =	shalt  }
0x5c: {  	_ =	shalt  }
0x5d: {  	_ =	shalt  }
0x5e: {  	_ =	shalt  }
0x5f: {  	_ =	shalt  }
0x60: {  	_ =	shalt  }
0x61: {  	_ =	shalt  }
0x62: {  	_ =	shalt  }
0x63: {  	_ =	shalt  }
0x64: {  	_ =	shalt  }
0x65: {  	_ =	shalt  }
0x66: {  	_ =	shalt  }
0x67: {  	_ =	shalt  }
0x68: {  	_ =	shalt  }
0x69: {  	_ =	shalt  }
0x6a: {  	_ =	shalt  }
0x6b: {  	_ =	shalt  }
0x6c: {  	_ =	shalt  }
0x6d: {  	_ =	shalt  }
0x6e: {  	_ =	shalt  }
0x6f: {  	_ =	shalt  }
0x70: {  	_ =	shalt  }
0x71: {  	_ =	shalt  }
0x72: {  	_ =	shalt  }
0x73: {  	_ =	shalt  }
0x74: {  	_ =	shalt  }
0x75: {  	_ =	shalt  }
0x76: {  	_ =	shalt  }
0x77: {  	_ =	shalt  }
0x78: {  	_ =	shalt  }
0x79: {  	_ =	shalt  }
0x7a: {  	_ =	shalt  }
0x7b: {  	_ =	shalt  }
0x7c: {  	_ =	shalt  }
0x7d: {  	_ =	shalt  }
0x7e: {  	_ =	shalt  }
0x7f: {  	_ =	shalt  }
0x80: {  	_ =	shalt  }
0x81: {  	_ =	shalt  }
0x82: {  	_ =	shalt  }
0x83: {  	_ =	shalt  }
0x84: {  	_ =	shalt  }
0x85: {  	_ =	shalt  }
0x86: {  	_ =	shalt  }
0x87: {  	_ =	shalt  }
.Lfunc_end0:
.L_simem_size_0:
called_computation.1_lowered:
.L_overlay_start_0:
0x88: {  	s2 =	sld [smem:$0x3FD9]  }
0x89: {  	s3 =	sld [smem:$0x3FFE];
	_ =	sdelay $0x1  }
0x8a: {  	s1 =	srdreg.scid  }
0x8b: {  	s0 =	sand.u32 $0x1, s1  }
0x8c: {  	s17 =	sshll.u32 s0, $0xA;
	s2 =	sadd.s32 s3, s2  }
0x8d: {  	s2 =	sadd.s32 s2, s17  }
0x8e: {  	[smem:$0x3FB8] =	sst s2  }
0x8f: {  	_ = 	snop  }
0x90: {  	s18 =	sld [smem:$0x3FD0];
	(tm) =	ssettm $0x1  }
0x91: {  	s19 =	sld [smem:$0x3FFB];
	_ =	sdelay $0x3  }
0x92: {  	_ =	strace s19  }
0x93: {  	s2 =	sld [smem:$0x3FFC];
	_ =	sdelay $0x3  }
0x94: {  	_ =	strace s2  }
0x95: {  	s2 =	sld [smem:$0x3FFD];
	_ =	sdelay $0x3  }
0x96: {  	_ =	strace s2  }
0x97: {  	_ =	strace $0x8FFFFFFF  }
0x98: {  	s20 =	sld [smem:$0x3FDB];
	_ =	sdelay $0x1  }
0x99: {  	s4 =	simm.s32 $_scs_section_size  }
0x9a: {  	s5 =	simm.s32 $_size__tile_overlayer_lowered;
	s6 =	simm.s32 $_tile_overlayer_lowered  }
0x9b: {  	s7 =	simm.s32 $0x1BFF;
	s21 =	sshll.u32 s6, $0x1;
	s4 =	sadd.s32 s4, s20  }
0x9c: {  	s22 =	simm.s32 $0x0;
	s5 =	sshll.u32 s5, $0x1;
	s6 =	sadd.s32 s21, s4  }
0x9d: {  	[timem:s22], [sflag:s7] =	dma.local [hbm:s6], s5  }
0x9e: {  	_ =	swait.ge [sflag:s7], s5  }
0x9f: {  	s5 =	ssub.s32 $0x0, s5;
	[sflag:s7] =	ssyncset.done $0x0  }
0xa0: {  	[sflag:s7] =	ssyncadd.s32 s5;
	_ =	sdelay $0x1  }
0xa1: {  	s23 =	simm.s32 $0x1B8B  }
0xa2: {  	_ =	swait.ge [sflag:s23], $0x1  }
0xa3: {  	[sflag:s23] =	ssyncset.done $0x0  }
0xa4: {  	[sflag:s23] =	ssyncadd.s32 $0xFFFFFFFF  }
0xa5: {  	s5 =	sld [smem:$0x0]  }
0xa6: {  	s6 =	sand.u32 $0xFFFFFFFE, s1  }
0xa7: {  	p0 =	sne.s32 s1, s6  }
0xa8: {  	s6 =	sshll.u32 @p0 s6, $0xE  }
0xa9: {  	s6 =	sadd.s32 @p0 $0x11B8D, s6;
	s7 =	sshll.u32 @p0 s5, $0x11  }
0xaa: {  	s6 =	sor.u32 @p0 s7, s6  }
0xab: {  	[sflag:s6] =	ssyncadd.remote.s32 @p0 $0x1;
	_ =	sdelay $0x1  }
0xac: {  	s6 =	simm.s32 @p0 $0x1B8D  }
0xad: {  	_ =	swait.eq @p0 [sflag:s6], $0x1  }
0xae: {  	[sflag:s6] =	ssyncadd.s32 @p0 $0xFFFFFFFF  }
0xaf: {  	s7 =	sshll.u32 @!p0 s1, $0xE  }
0xb0: {  	s7 =	sor.u32 @!p0 $0x4000, s7;
	s6 =	simm.s32 @!p0 $0x1B8D  }
0xb1: {  	s5 =	sshll.u32 @!p0 s5, $0x11;
	s7 =	sadd.s32 @!p0 $0x11B8D, s7;
	_ =	swait.eq @!p0 [sflag:s6], $0x1  }
0xb2: {  	s5 =	sor.u32 @!p0 s5, s7;
	[sflag:s6] =	ssyncadd.s32 @!p0 $0xFFFFFFFF  }
0xb3: {  	s25 =	simm.s32 $0x1B8E;
	s24 =	sld [smem:$0x3FFE];
	[sflag:s5] =	ssyncadd.remote.s32 @!p0 $0x1  }
0xb4: {  	s26 =	simm.s32 $execute0_lowered;
	[smem:$0x3FD2] =	sst s25  }
0xb5: {  	s6 =	sshll.u32 s26, $0x1;
	_ =	strace $0x80000049;
	[dreg:$0x1] =	wrdreg $0xFFFFFFFF  }
0xb6: {  	s28 =	simm.s32 $_size_execute0_lowered;
	s4 =	sadd.s32 s4, s6;
	[dreg:$0x0] =	wrdreg $0x0  }
0xb7: {  	s6 =	sshll.u32 s28, $0x1;
	[dreg:$0x2] =	wrdreg s4  }
0xb8: {  	[dreg:$0x3] =	wrdreg s6  }
0xb9: {  	[dreg:$0x4] =	wrdreg $0xC0  }
0xba: {  	_ =	task [dreg:s22], $0x5FFFF  }
0xbb: {  	[dreg:$0x1] =	wrdreg $0xFFFFFFFF  }
0xbc: {  	[dreg:$0x0] =	wrdreg $0x60  }
0xbd: {  	[dreg:$0x2] =	wrdreg s18  }
0xbe: {  	[dreg:$0x3] =	wrdreg s24  }
0xbf: {  	[dreg:$0x4] =	wrdreg $0x88000  }
0xc0: {  	[dreg:$0x5] =	wrdreg $0xB  }
0xc1: {  	_ =	task.clear_ibuf [dreg:s22], $0x6FFFF;
	_ =	strace $0x90000049  }
0xc2: {  	s29 =	simm.s32 $0xB;
	_ =	strace $0x8000004B  }
0xc3: {  	_ =	swait.ge [sflag:s29], $0x1  }
0xc4: {  	[sflag:s29] =	ssyncadd.s32 $0xFFFFFFFF  }
0xc5: {  	_ =	strace $0x9000004B  }
0xc6: {  	_ =	sfence  }
0xc7: {  	s30 =	sld [smem:$0x0];
	_ =	sdelay $0x2  }
0xc8: {  	s31 =	sshll.u32 s1, $0xD;
	s1 =	sshrl.u32 s1, $0x2  }
0xc9: {  	s4 =	sand.u32 $0x4000, s31;
	s1 =	sadd.s32 s1, s30  }
0xca: {  	s0 =	sor.u32 s4, s0;
	s1 =	sshll.u32 s1, $0x11  }
0xcb: {  	s0 =	sor.u32 s1, s0  }
0xcc: {  	s0 =	sadd.s32 $0x8F2B, s0  }
0xcd: {  	[sflag:s0] =	ssyncadd.remote.s32 $0x1  }
0xce: {  	_ =	sfence.sel $0xFFFF  }
0xcf: {  	[dreg:$0x0] =	wrdreg $0xFFFFFFFF;
	(pc) =	sbr.abs _section_cstart, $3  }
0xd0: {  	[dreg:$0x1] =	wrdreg $0xFFFFFFFF  }
0xd1: {  	_ =	task.clear_ibuf [dreg:s22], $0x2FFFF;
	_ =	strace $0x9FFFFFFF  }
0xd2: {  	(tm) =	ssettm $0x7FFFFFFF  }
0xd3: {  	_ =	shalt  }
tec
execute0_lowered:
.L_overlay_start_1:
0x0: {  	(tag) =	ssettag $0x1  }
0x1: {  	s7 =	rddreg [dreg:$0x0]  }
0x2: {  	s4 =	rddreg [dreg:$0x1]  }
0x3: {  	s2 =	rddreg [dreg:$0x2]  }
0x4: {  	s0 =	rddreg [dreg:$0x3];
	s5 =	srdreg.scid  }
0x5: {  	s1 =	stileid.u32;
	s3 =	simm.s32 $0x0;
	s17 =	simm.s32 $0x80  }
0x6: {  	s8 =	sand.u32 $0x1, s5;
	s18 =	sshll.u32 s1, $0x1;
	s13 =	smul.u32 $0x4E000, s1  }
0x7: {  	[smem:$0x7FF] =	sst s3;
	s10 =	sadd.s32 $0x4FA600, s4;
	s23 =	smul.u32 $0x2700, s1  }
0x8: {  	s11 =	sadd.s32 $0x4FC600, s4;
	s16 =	sadd.s32 $0x138000, s2;
	s25 =	smul.u32 $0xF000, s1  }
0x9: {  	s31 =	sshll.u32 s1, $0x6;
	p0 =	sgt.u32 s1, $0x9;
	p1 =	sne.s32 s1, $0xF  }
0xa: {  	s6 =	sor.u32 s8, s18;
	_ =	strace $0x8000004A;
	s26 =	smul.u32 $0x7800, s8  }
0xb: {  	s19 =	ssub.s32 $0x2, s8;
	s18 =	simm.s32 $0x800;
	s9 =	smul.u32 $0x780, s6  }
0xc: {  	s20 =	sshrl.u32 s19, $0x1;
	s12 =	sshll.u32 s6, $0x7;
	s22 =	sshrl.u32 s13, $0x2  }
0xd: {  	s24 =	smul.u32 $0x3C000, s6;
	s6 =	sadd.s32 s7, s23;
	s7 =	sadd.s32 $0x27000, s7  }
0xe: {  	s23 =	simm.s32 $0x700;
	s14 =	ssub.s32 s19, s20;
	s12 =	sor.u32 $0xF000, s12  }
0xf: {  	s15 =	sadd.s32 s22, s2;
	s19 =	simm.s32 $0x4800;
	s20 =	simm.s32 $0x1  }
0x10: {  	s22 =	simm.s32 $0x3;
	s9 =	sshrl.u32 s9, $0x3;
	s21 =	sshrl.u32 s12, $0x3  }
0x11: {  	s29 =	sshll.u32 s12, $0x4;
	s12 =	sor.u32 $0x1C05, s31;
	s13 =	sshrl.u32 s15, $0x3  }
0x12: {  	s15 =	sshrl.u32 @!p1 s16, $0x3;
	s16 =	simm.s32 $0x4;
	s4 =	sadd.s32 s10, s9  }
0x13: {  	s5 =	sadd.s32 s10, s21;
	s9 =	sshrl.u32 s24, $0x3;
	s10 =	sadd.s32 s25, s11  }
0x14: {  	s21 =	simm.s32 $0x2;
	s24 =	simm.s32 $0x0;
	s28 =	sadd.s32 s11, s9  }
0x15: {  	s9 =	sadd.s32 s11, s29;
	s30 =	sadd.s32 s26, s10;
	s10 =	smax.u32 s14, $0x1  }
0x16: {  	s14 =	simm.s32 $0x5;
	s8 =	sadd.s32 $0x7000, s28;
	s11 =	sadd.s32 $0x800, s30  }
.LBB2_1:
0x17: {  	[tilespmem:s3], [sflag:$0x4] =	stream.linear.gather [hbm4b:s4+s3], $0x780, $0x38;
	[tilespmem:$0x1C080] =	vst v63  }
0x18: {  	s25 =	simm.s32 @!p0 $0x0;
	s26 =	simm.s32 @!p0 $0x780  }
0x19: {  	[tilespmem:s26], [sflag:$0x5] =	stream.linear.gather @!p0 [hbm4b:s5+s25], $0x80, $0x38;
	[tilespmem:$0x1C080] =	vst v63  }
0x1a: {  	s25 =	simm.s32 @!p0 $0x5  }
0x1b: {  	_ =	swait.ge @!p0 [sflag:s25], $0x80  }
0x1c: {  	[sflag:s25] =	ssyncset.done @!p0 $0x0  }
0x1d: {  	[sflag:s25] =	ssyncadd.s32 @!p0 $0xFFFFFF80  }
0x1e: {  	[spmem:s13], [sflag:s12] =	dma.local [hbm:s6], $0x2700  }
0x1f: {  	_ =	swait.ge [sflag:s14], $0x2700  }
0x20: {  	[sflag:s14] =	ssyncset.done $0x0  }
0x21: {  	s25 =	simm.s32 @!p1 $0x5;
	[sflag:s14] =	ssyncadd.s32 $0xFFFFD900  }
0x22: {  	[spmem:s15], [sflag:s12] =	dma.local @!p1 [hbm:s7], $0x100  }
0x23: {  	_ =	swait.ge @!p1 [sflag:s25], $0x100  }
0x24: {  	[sflag:s25] =	ssyncset.done @!p1 $0x0  }
0x25: {  	[sflag:s25] =	ssyncadd.s32 @!p1 $0xFFFFFF00  }
0x26: {  	[bflag:$0x0] =	sbarrier.arrive $0xFFFF  }
0x27: {  	_ =	swait.ge [sflag:s16], $0x780  }
0x28: {  	[sflag:s16] =	ssyncset.done $0x0  }
0x29: {  	s29 =	simm.s32 $0x0;
	[sflag:s16] =	ssyncadd.s32 $0xFFFFF880  }
0x2a: {  	[tilespmem:s18], [sflag:$0x1] =	stream.indirect.gather [spmem:s2], $0x80, s29, s17, $0xb8;
	[tilespmem:$0x1C080] =	vst v63  }
0x2b: {  	s30 =	simm.s32 $0x80  }
0x2c: {  	[tilespmem:s19], [sflag:$0x2] =	stream.indirect.gather [spmem:s2], $0x80, s30, s17, $0xb8;
	[tilespmem:$0x1C080] =	vst v63  }
0x2d: {  	_ =	swait.ge [sflag:s20], $0x4000  }
0x2e: {  	[sflag:s20] =	ssyncset.done $0x0  }
0x2f: {  	s31 =	sadd.s32 $0xFFFFF800, s11;
	[sflag:s20] =	ssyncadd.s32 $0xFFFFC000  }
0x30: {  	[hbm4b:s31+s3] =	stream.linear.scatter [tilespmem:s18], [sflag:$0x3], $0x4000, $0x38;
	[tilespmem:$0x1C080] =	vst v63  }
0x31: {  	_ =	swait.ge [sflag:s21], $0x4000  }
0x32: {  	[sflag:s21] =	ssyncset.done $0x0  }
0x33: {  	[sflag:s21] =	ssyncadd.s32 $0xFFFFC000  }
0x34: {  	[hbm4b:s11+s3] =	stream.linear.scatter [tilespmem:s19], [sflag:$0x4], $0x4000, $0x38;
	[tilespmem:$0x1C080] =	vst v63  }
0x35: {  	_ =	swait.ge [sflag:s22], $0x4000  }
0x36: {  	[sflag:s22] =	ssyncset.done $0x0  }
0x37: {  	[sflag:s22] =	ssyncadd.s32 $0xFFFFC000  }
0x38: {  	s28 =	simm.s32 $0x800;
	_ =	swait.ge [sflag:s16], $0x4000  }
0x39: {  	s26 =	simm.s32 $0x400;
	s25 =	sadd.s32 $0x1000, s11;
	[sflag:s16] =	ssyncset.done $0x0  }
.LBB2_2:
0x3a: {  	s29 =	sshra.s32 s26, $0x2  }
0x3b: {  	[sflag:s16] =	ssyncadd.s32 $0xFFFFC000;
	s26 =	smov.u32 s28;
	s30 =	sadd.s32 $0x400, s28  }
0x3c: {  	[tilespmem:s18], [sflag:$0x1] =	stream.indirect.gather [spmem:s2], $0x80, s29, s17, $0xb8;
	[tilespmem:$0x1C080] =	vst v63  }
0x3d: {  	p2 =	sne.s32 s28, $0x1800;
	s28 =	sadd.s32 $0x80, s29  }
0x3e: {  	[tilespmem:s19], [sflag:$0x2] =	stream.indirect.gather [spmem:s2], $0x80, s28, s17, $0xb8;
	[tilespmem:$0x1C080] =	vst v63  }
0x3f: {  	_ =	swait.ge [sflag:s20], $0x4000  }
0x40: {  	[sflag:s20] =	ssyncset.done $0x0  }
0x41: {  	s28 =	sadd.s32 $0xFFFFF800, s25;
	[sflag:s20] =	ssyncadd.s32 $0xFFFFC000  }
0x42: {  	[hbm4b:s28+s3] =	stream.linear.scatter [tilespmem:s18], [sflag:$0x3], $0x4000, $0x38;
	[tilespmem:$0x1C080] =	vst v63  }
0x43: {  	_ =	swait.ge [sflag:s21], $0x4000  }
0x44: {  	[sflag:s21] =	ssyncset.done $0x0  }
0x45: {  	[sflag:s21] =	ssyncadd.s32 $0xFFFFC000  }
0x46: {  	[hbm4b:s25+s3] =	stream.linear.scatter [tilespmem:s19], [sflag:$0x4], $0x4000, $0x38;
	[tilespmem:$0x1C080] =	vst v63  }
.Ltmp0:
0x47: {  	_ =	swait.ge [sflag:s22], $0x4000;
	(pc) =	sbr.rel @p2 .LBB2_2-.Ltmp0, $4  }
0x48: {  	[sflag:s22] =	ssyncset.done $0x0  }
0x49: {  	[sflag:s22] =	ssyncadd.s32 $0xFFFFC000  }
0x4a: {  	_ =	swait.ge [sflag:s16], $0x4000  }
0x4b: {  	s28 =	smov.u32 s30;
	s25 =	sadd.s32 $0x1000, s25;
	[sflag:s16] =	ssyncset.done $0x0  }
0x4c: {  	s26 =	sshra.s32 s26, $0x2;
	[sflag:s16] =	ssyncadd.s32 $0xFFFFC000  }
0x4d: {  	[tilespmem:s18], [sflag:$0x1] =	stream.indirect.gather [spmem:s2], $0x80, s26, s17, $0xb8;
	[tilespmem:$0x1C080] =	vst v63  }
0x4e: {  	s26 =	sadd.s32 $0x80, s26  }
0x4f: {  	[tilespmem:s19], [sflag:$0x2] =	stream.indirect.gather [spmem:s2], $0x80, s26, s17, $0xb8;
	[tilespmem:$0x1C080] =	vst v63  }
0x50: {  	_ =	swait.ge [sflag:s20], $0x4000  }
0x51: {  	[sflag:s20] =	ssyncset.done $0x0  }
0x52: {  	s31 =	sadd.s32 $0xFFFFF800, s25;
	[sflag:s20] =	ssyncadd.s32 $0xFFFFC000  }
0x53: {  	[hbm4b:s31+s3] =	stream.linear.scatter [tilespmem:s18], [sflag:$0x3], $0x4000, $0x38;
	[tilespmem:$0x1C080] =	vst v63  }
0x54: {  	_ =	swait.ge [sflag:s21], $0x4000  }
0x55: {  	[sflag:s21] =	ssyncset.done $0x0  }
0x56: {  	[sflag:s21] =	ssyncadd.s32 $0xFFFFC000  }
0x57: {  	[hbm4b:s25+s3] =	stream.linear.scatter [tilespmem:s19], [sflag:$0x4], $0x4000, $0x38;
	[tilespmem:$0x1C080] =	vst v63  }
0x58: {  	_ =	swait.ge [sflag:s22], $0x4000  }
0x59: {  	[sflag:s22] =	ssyncset.done $0x0  }
0x5a: {  	[sflag:s22] =	ssyncadd.s32 $0xFFFFC000  }
0x5b: {  	_ =	swait.ge [sflag:s16], $0x4000  }
0x5c: {  	[sflag:s16] =	ssyncset.done $0x0  }
0x5d: {  	[sflag:s16] =	ssyncadd.s32 $0xFFFFC000  }
0x5e: {  	[tilespmem:s18], [sflag:$0x1] =	stream.indirect.gather [spmem:s2], $0x80, s23, s17, $0xb8;
	[tilespmem:$0x1C080] =	vst v63  }
0x5f: {  	_ =	swait.ge [sflag:s20], $0x4000  }
0x60: {  	[sflag:s20] =	ssyncset.done $0x0  }
0x61: {  	[sflag:s20] =	ssyncadd.s32 $0xFFFFC000  }
0x62: {  	[hbm4b:s8+s3] =	stream.linear.scatter [tilespmem:s18], [sflag:$0x5], $0x4000, $0x38;
	[tilespmem:$0x1C080] =	vst v63  }
0x63: {  	_ =	swait.ge [sflag:s14], $0x4000  }
0x64: {  	s28 =	simm.s32 @!p0 $0x4800;
	[sflag:s14] =	ssyncset.done $0x0  }
0x65: {  	s26 =	simm.s32 @!p0 $0x780;
	s25 =	simm.s32 @!p0 $0x80;
	[sflag:s14] =	ssyncadd.s32 $0xFFFFC000  }
0x66: {  	[tilespmem:s28], [sflag:$0x2] =	stream.indirect.gather @!p0 [spmem:s2], $0x80, s26, s25, $0xb8;
	[tilespmem:$0x1C080] =	vst v63  }
0x67: {  	s25 =	simm.s32 @!p0 $0x2  }
0x68: {  	_ =	swait.ge @!p0 [sflag:s25], $0x4000  }
0x69: {  	s24 =	sadd.s32 $0x1, s24;
	[sflag:s25] =	ssyncset.done @!p0 $0x0  }
0x6a: {  	p2 =	sne.s32 s24, s10;
	[sflag:s25] =	ssyncadd.s32 @!p0 $0xFFFFC000;
	s25 =	simm.s32 @!p0 $0x0  }
0x6b: {  	[hbm4b:s9+s25] =	stream.linear.scatter @!p0 [tilespmem:s28], [sflag:$0x5], $0x4000, $0x38;
	[tilespmem:$0x1C080] =	vst v63  }
.Ltmp1:
0x6c: {  	_ = 	snop;
	(pc) =	sbr.rel @p2 .LBB2_1-.Ltmp1, $4  }
0x6d: {  	s25 =	simm.s32 @!p0 $0x5  }
0x6e: {  	_ =	swait.ge @!p0 [sflag:s25], $0x4000  }
0x6f: {  	[sflag:s25] =	ssyncset.done @!p0 $0x0  }
0x70: {  	[sflag:s25] =	ssyncadd.s32 @!p0 $0xFFFFC000  }
0x71: {  	_ =	sfence.sel $0x180000  }
0x72: {  	[bflag:$0x0] =	sbarrier.arrive $0xFFFF  }
0x73: {  	p0 =	sne.s32 s1, $0x0;
	_ =	strace $0x9000004A  }
0x74: {  	s0 =	sadd.s32 @!p0 $0x100000, s0;
	[bflag:$0x2] =	sbarrier.arrive $0xFFFF  }
0x75: {  	[sflag:s0] =	ssyncadd.tile.s32 @!p0 $0x1;
	_ =	shalt  }
.Lfunc_end2:
_tile_overlayer_lowered:
.L_overlay_start_2:
0x76: {  	(tag) =	ssettag $0x2  }
0x77: {  	s0 =	rddreg [dreg:$0x0];
	s2 =	stileid.u32  }
0x78: {  	s1 =	rddreg [dreg:$0x1];
	p0 =	sne.s32 s2, $0x0  }
0x79: {  	s3 =	rddreg [dreg:$0x2];
	[bflag:$0x3] =	sbarrier.arrive $0xFFFF;
	s2 =	simm.s32 @!p0 $0x1C05  }
0x7a: {  	[timem:s3], [sflag:s2] =	dma.local @!p0 [hbm:s0], s1  }
0x7b: {  	s0 =	simm.s32 @!p0 $0x5  }
0x7c: {  	_ =	swait.ge @!p0 [sflag:s0], s1  }
0x7d: {  	s1 =	ssub.s32 @!p0 $0x0, s1;
	[sflag:s0] =	ssyncset.done @!p0 $0x0  }
0x7e: {  	[sflag:s0] =	ssyncadd.s32 @!p0 s1  }
0x7f: {  	[bflag:$0x3] =	sbarrier.arrive $0xFFFF  }
0x80: {  	_ =	shalt  }

// kernel: kernel.20.cloned.1.call-start
scs
__scs_entry_jumppad:
0x0: {  	(pc) =	sbr.rel $0x88, $3  }
0x1: {  	(tag) =	ssettag $0x0;
	lr =	simm.s32 $0x1  }
0x2: {  	[smem:$0x3F91] =	sst lr;
	_ =	strace $0xD0000000  }
0x3: {  	_ = 	snop  }
0x4: {  	_ = 	snop  }
0x5: {  	_ = 	snop  }
0x6: {  	_ = 	snop  }
0x7: {  	_ = 	snop  }
__scs_overlays_trampoline_lowered:
0x8: {  	[smem:$0x3FA0] =	sst s0  }
0x9: {  	[smem:$0x3FA1] =	sst s1  }
0xa: {  	[smem:$0x3FA2] =	sst s2  }
0xb: {  	[smem:$0x3FA3] =	sst s3  }
0xc: {  	[smem:$0x3FA4] =	sst s4  }
0xd: {  	[smem:$0x3FA5] =	sst s5  }
0xe: {  	[smem:$0x3FA6] =	sst s6  }
0xf: {  	[smem:$0x3FA7] =	sst s7  }
0x10: {  	[smem:$0x3FA8] =	sst s8  }
0x11: {  	[smem:$0x3FA9] =	sst s9;
	s0 =	simm.s32 @!p0 $0x0  }
0x12: {  	s1 =	sld [smem:$0x3F8F];
	s0 =	simm.s32 @p0 $0x1  }
0x13: {  	[smem:$0x3FAA] =	sst s0;
	s0 =	simm.s32 @!p1 $0x0  }
0x14: {  	s2 =	sld [smem:$0x3F8E];
	s0 =	simm.s32 @p1 $0x1  }
0x15: {  	[smem:$0x3FAB] =	sst s0;
	s0 =	simm.s32 @!p2 $0x0  }
0x16: {  	s3 =	sld [smem:$0x3FDB];
	s0 =	simm.s32 @p2 $0x1  }
0x17: {  	s4 =	simm.s32 $0x1BF5;
	[smem:$0x3FAD] =	sst s0  }
0x18: {  	s0 =	sld [smem:$0x3F90];
	_ =	swait.ge [sflag:s4], $0x0  }
0x19: {  	s7 =	sld [smem:$0x3F91]  }
0x1a: {  	s8 =	sadd.s32 $0xFFFFE003, lr  }
0x1b: {  	s9 =	sadd.s32 $0xFFFFFEF7, lr;
	s5 =	simm.s32 $0xFFFFFFFF;
	p2 =	slt.u32 s8, $0xFFFFF086  }
0x1c: {  	p1 =	slt.u32 s9, $0xF7A;
	s5 =	simm.s32 @!p2 $0x0  }
0x1d: {  	s5 =	simm.s32 @p1 $0x1;
	p0 =	seq.s32 s7, s2  }
0x1e: {  	s7 =	smul.u32 @!p0 $0xF7A, s2;
	p2 =	seq.s32 @!p0 s5, $0x0  }
0x1f: {  	s9 =	smul.u32 $0xF7A, s1;
	s8 =	simm.s32 @!p0 $0x1BF5;
	p2 =	por !p2, p0  }
0x20: {  	[sflag:s8] =	ssyncset.s32 @!p0 $0xFFFFF086;
	s6 =	sadd.s32 @!p0 s3, s7;
	s7 =	simm.s32 @!p0 $0x108  }
0x21: {  	s3 =	sadd.s32 s3, s9;
	s6 =	sadd.s32 @!p0 $0x88, s6;
	s7 =	simm.s32 @p2 $0x1082  }
0x22: {  	[simem:s7], [sflag:s8] =	dma.local @!p0 [hbm:s6], $0xF7A  }
0x23: {  	s9 =	sor.u32 $0xD0000000, s2;
	s6 =	simm.s32 $0x108;
	_ =	swait.ge @!p0 [sflag:s8], $0x0  }
0x24: {  	s3 =	sadd.s32 $0x88, s3;
	s6 =	simm.s32 @!p1 $0x1082;
	[sflag:s4] =	ssyncset.s32 $0xFFFFF086  }
0x25: {  	[simem:s6], [sflag:s4] =	dma.local [hbm:s3], $0xF7A  }
0x26: {  	[smem:$0x3F91] =	sst s1;
	(tag) =	ssettag s2;
	_ =	strace s9  }
0x27: {  	s1 =	sld [smem:$0x3FA1]  }
0x28: {  	s2 =	sld [smem:$0x3FA2]  }
0x29: {  	s4 =	sld [smem:$0x3FA4]  }
0x2a: {  	p0 =	seq.s32 s5, $0x0;
	s5 =	sld [smem:$0x3FA5]  }
0x2b: {  	s6 =	sld [smem:$0x3FA6]  }
0x2c: {  	s7 =	sld [smem:$0x3FA7]  }
0x2d: {  	s3 =	simm.s32 $0x108;
	s8 =	sld [smem:$0x3FA8]  }
0x2e: {  	s3 =	simm.s32 @!p0 $0x1082;
	s9 =	sld [smem:$0x3FA9]  }
0x2f: {  	lr =	sadd.s32 s0, s3;
	s0 =	sld [smem:$0x3FA0]  }
0x30: {  	s3 =	sld [smem:$0x3FA3]  }
0x31: {  	[smem:$0x3FAC] =	sst s10  }
0x32: {  	s10 =	sld [smem:$0x3FAA];
	_ =	sdelay $0x3  }
0x33: {  	p0 =	seq.s32 s10, $0x1;
	s10 =	sld [smem:$0x3FAC];
	_ =	sdelay $0x3  }
0x34: {  	[smem:$0x3FAC] =	sst s10  }
0x35: {  	s10 =	sld [smem:$0x3FAB];
	_ =	sdelay $0x3  }
0x36: {  	p1 =	seq.s32 s10, $0x1;
	s10 =	sld [smem:$0x3FAC];
	_ =	sdelay $0x3  }
0x37: {  	[smem:$0x3FAC] =	sst s10  }
0x38: {  	s10 =	sld [smem:$0x3FAD]  }
0x39: {  	_ = 	snop;
	(pc) =	sbr.ind lr, $3  }
0x3a: {  	_ = 	snop  }
0x3b: {  	_ = 	snop  }
0x3c: {  	p2 =	seq.s32 s10, $0x1;
	s10 =	sld [smem:$0x3FAC]  }
0x3d: {  	_ =	shalt  }
0x3e: {  	_ =	shalt  }
0x3f: {  	_ =	shalt  }
0x40: {  	_ =	shalt  }
0x41: {  	_ =	shalt  }
0x42: {  	_ =	shalt  }
0x43: {  	_ =	shalt  }
0x44: {  	_ =	shalt  }
0x45: {  	_ =	shalt  }
0x46: {  	_ =	shalt  }
0x47: {  	_ =	shalt  }
0x48: {  	_ =	shalt  }
0x49: {  	_ =	shalt  }
0x4a: {  	_ =	shalt  }
0x4b: {  	_ =	shalt  }
0x4c: {  	_ =	shalt  }
0x4d: {  	_ =	shalt  }
0x4e: {  	_ =	shalt  }
0x4f: {  	_ =	shalt  }
0x50: {  	_ =	shalt  }
0x51: {  	_ =	shalt  }
0x52: {  	_ =	shalt  }
0x53: {  	_ =	shalt  }
0x54: {  	_ =	shalt  }
0x55: {  	_ =	shalt  }
0x56: {  	_ =	shalt  }
0x57: {  	_ =	shalt  }
0x58: {  	_ =	shalt  }
0x59: {  	_ =	shalt  }
0x5a: {  	_ =	shalt  }
0x5b: {  	_ =	shalt  }
0x5c: {  	_ =	shalt  }
0x5d: {  	_ =	shalt  }
0x5e: {  	_ =	shalt  }
0x5f: {  	_ =	shalt  }
0x60: {  	_ =	shalt  }
0x61: {  	_ =	shalt  }
0x62: {  	_ =	shalt  }
0x63: {  	_ =	shalt  }
0x64: {  	_ =	shalt  }
0x65: {  	_ =	shalt  }
0x66: {  	_ =	shalt  }
0x67: {  	_ =	shalt  }
0x68: {  	_ =	shalt  }
0x69: {  	_ =	shalt  }
0x6a: {  	_ =	shalt  }
0x6b: {  	_ =	shalt  }
0x6c: {  	_ =	shalt  }
0x6d: {  	_ =	shalt  }
0x6e: {  	_ =	shalt  }
0x6f: {  	_ =	shalt  }
0x70: {  	_ =	shalt  }
0x71: {  	_ =	shalt  }
0x72: {  	_ =	shalt  }
0x73: {  	_ =	shalt  }
0x74: {  	_ =	shalt  }
0x75: {  	_ =	shalt  }
0x76: {  	_ =	shalt  }
0x77: {  	_ =	shalt  }
0x78: {  	_ =	shalt  }
0x79: {  	_ =	shalt  }
0x7a: {  	_ =	shalt  }
0x7b: {  	_ =	shalt  }
0x7c: {  	_ =	shalt  }
0x7d: {  	_ =	shalt  }
0x7e: {  	_ =	shalt  }
0x7f: {  	_ =	shalt  }
0x80: {  	_ =	shalt  }
0x81: {  	_ =	shalt  }
0x82: {  	_ =	shalt  }
0x83: {  	_ =	shalt  }
0x84: {  	_ =	shalt  }
0x85: {  	_ =	shalt  }
0x86: {  	_ =	shalt  }
0x87: {  	_ =	shalt  }
.Lfunc_end0:
.L_simem_size_0:
called_computation.2_lowered:
.L_overlay_start_0:
0x88: {  	s2 =	sld [smem:$0x3FD9]  }
0x89: {  	s3 =	sld [smem:$0x3FFE];
	_ =	sdelay $0x1  }
0x8a: {  	s1 =	srdreg.scid  }
0x8b: {  	s0 =	sand.u32 $0x1, s1  }
0x8c: {  	s17 =	sshll.u32 s0, $0xA;
	s2 =	sadd.s32 s3, s2  }
0x8d: {  	s2 =	sadd.s32 s2, s17  }
0x8e: {  	[smem:$0x3FB8] =	sst s2  }
0x8f: {  	_ = 	snop  }
0x90: {  	s18 =	sld [smem:$0x3FD0];
	(tm) =	ssettm $0x1  }
0x91: {  	s19 =	sld [smem:$0x3FFB];
	_ =	sdelay $0x3  }
0x92: {  	_ =	strace s19  }
0x93: {  	s2 =	sld [smem:$0x3FFC];
	_ =	sdelay $0x3  }
0x94: {  	_ =	strace s2  }
0x95: {  	s2 =	sld [smem:$0x3FFD];
	_ =	sdelay $0x3  }
0x96: {  	_ =	strace s2  }
0x97: {  	_ =	strace $0x8FFFFFFF  }
0x98: {  	s20 =	sld [smem:$0x3FDB];
	_ =	sdelay $0x1  }
0x99: {  	s4 =	simm.s32 $_scs_section_size  }
0x9a: {  	s5 =	simm.s32 $_size__tile_overlayer_lowered;
	s6 =	simm.s32 $_tile_overlayer_lowered  }
0x9b: {  	s7 =	simm.s32 $0x1BFF;
	s21 =	sshll.u32 s6, $0x1;
	s4 =	sadd.s32 s4, s20  }
0x9c: {  	s22 =	simm.s32 $0x0;
	s5 =	sshll.u32 s5, $0x1;
	s6 =	sadd.s32 s21, s4  }
0x9d: {  	[timem:s22], [sflag:s7] =	dma.local [hbm:s6], s5  }
0x9e: {  	_ =	swait.ge [sflag:s7], s5  }
0x9f: {  	s5 =	ssub.s32 $0x0, s5;
	[sflag:s7] =	ssyncset.done $0x0  }
0xa0: {  	[sflag:s7] =	ssyncadd.s32 s5;
	_ =	sdelay $0x1  }
0xa1: {  	s23 =	simm.s32 $0x1B8B  }
0xa2: {  	_ =	swait.ge [sflag:s23], $0x1  }
0xa3: {  	[sflag:s23] =	ssyncset.done $0x0  }
0xa4: {  	[sflag:s23] =	ssyncadd.s32 $0xFFFFFFFF  }
0xa5: {  	s5 =	sld [smem:$0x0]  }
0xa6: {  	s6 =	sand.u32 $0xFFFFFFFE, s1  }
0xa7: {  	p0 =	sne.s32 s1, s6  }
0xa8: {  	s6 =	sshll.u32 @p0 s6, $0xE  }
0xa9: {  	s6 =	sadd.s32 @p0 $0x11B8D, s6;
	s7 =	sshll.u32 @p0 s5, $0x11  }
0xaa: {  	s6 =	sor.u32 @p0 s7, s6  }
0xab: {  	[sflag:s6] =	ssyncadd.remote.s32 @p0 $0x1;
	_ =	sdelay $0x1  }
0xac: {  	s6 =	simm.s32 @p0 $0x1B8D  }
0xad: {  	_ =	swait.eq @p0 [sflag:s6], $0x1  }
0xae: {  	[sflag:s6] =	ssyncadd.s32 @p0 $0xFFFFFFFF  }
0xaf: {  	s7 =	sshll.u32 @!p0 s1, $0xE  }
0xb0: {  	s7 =	sor.u32 @!p0 $0x4000, s7;
	s6 =	simm.s32 @!p0 $0x1B8D  }
0xb1: {  	s5 =	sshll.u32 @!p0 s5, $0x11;
	s7 =	sadd.s32 @!p0 $0x11B8D, s7;
	_ =	swait.eq @!p0 [sflag:s6], $0x1  }
0xb2: {  	s5 =	sor.u32 @!p0 s5, s7;
	[sflag:s6] =	ssyncadd.s32 @!p0 $0xFFFFFFFF  }
0xb3: {  	s25 =	simm.s32 $0x1B8E;
	s24 =	sld [smem:$0x3FFE];
	[sflag:s5] =	ssyncadd.remote.s32 @!p0 $0x1  }
0xb4: {  	s26 =	simm.s32 $execute0_lowered;
	[smem:$0x3FD2] =	sst s25  }
0xb5: {  	s6 =	sshll.u32 s26, $0x1;
	_ =	strace $0x8000004C;
	[dreg:$0x1] =	wrdreg $0xFFFFFFFF  }
0xb6: {  	s28 =	simm.s32 $_size_execute0_lowered;
	s4 =	sadd.s32 s4, s6;
	[dreg:$0x0] =	wrdreg $0x0  }
0xb7: {  	s6 =	sshll.u32 s28, $0x1;
	[dreg:$0x2] =	wrdreg s4  }
0xb8: {  	[dreg:$0x3] =	wrdreg s6  }
0xb9: {  	[dreg:$0x4] =	wrdreg $0xC0  }
0xba: {  	_ =	task [dreg:s22], $0x5FFFF  }
0xbb: {  	[dreg:$0x1] =	wrdreg $0xFFFFFFFF  }
0xbc: {  	[dreg:$0x0] =	wrdreg $0x60  }
0xbd: {  	[dreg:$0x2] =	wrdreg s18  }
0xbe: {  	[dreg:$0x3] =	wrdreg s24  }
0xbf: {  	[dreg:$0x4] =	wrdreg $0x90000  }
0xc0: {  	[dreg:$0x5] =	wrdreg $0x9  }
0xc1: {  	_ =	task.clear_ibuf [dreg:s22], $0x6FFFF;
	_ =	strace $0x9000004C  }
0xc2: {  	s29 =	simm.s32 $0x9;
	_ =	strace $0x8000004E  }
0xc3: {  	_ =	swait.ge [sflag:s29], $0x1  }
0xc4: {  	[sflag:s29] =	ssyncadd.s32 $0xFFFFFFFF  }
0xc5: {  	_ =	strace $0x9000004E  }
0xc6: {  	_ =	sfence  }
0xc7: {  	s30 =	sld [smem:$0x0];
	_ =	sdelay $0x2  }
0xc8: {  	s31 =	sshll.u32 s1, $0xD;
	s1 =	sshrl.u32 s1, $0x2  }
0xc9: {  	s4 =	sand.u32 $0x4000, s31;
	s1 =	sadd.s32 s1, s30  }
0xca: {  	s0 =	sor.u32 s4, s0;
	s1 =	sshll.u32 s1, $0x11  }
0xcb: {  	s0 =	sor.u32 s1, s0  }
0xcc: {  	s0 =	sadd.s32 $0x8F2B, s0  }
0xcd: {  	[sflag:s0] =	ssyncadd.remote.s32 $0x1  }
0xce: {  	_ =	sfence.sel $0xFFFF  }
0xcf: {  	[dreg:$0x0] =	wrdreg $0xFFFFFFFF;
	(pc) =	sbr.abs _section_cstart, $3  }
0xd0: {  	[dreg:$0x1] =	wrdreg $0xFFFFFFFF  }
0xd1: {  	_ =	task.clear_ibuf [dreg:s22], $0x2FFFF;
	_ =	strace $0x9FFFFFFF  }
0xd2: {  	(tm) =	ssettm $0x7FFFFFFF  }
0xd3: {  	_ =	shalt  }
tec
execute0_lowered:
.L_overlay_start_1:
0x0: {  	(tag) =	ssettag $0x1  }
0x1: {  	s7 =	rddreg [dreg:$0x0]  }
0x2: {  	s4 =	rddreg [dreg:$0x1]  }
0x3: {  	s2 =	rddreg [dreg:$0x2]  }
0x4: {  	s0 =	rddreg [dreg:$0x3];
	s5 =	srdreg.scid  }
0x5: {  	s1 =	stileid.u32;
	s3 =	simm.s32 $0x0;
	s17 =	simm.s32 $0x80  }
0x6: {  	s8 =	sand.u32 $0x1, s5;
	s18 =	sshll.u32 s1, $0x1;
	s13 =	smul.u32 $0x4E000, s1  }
0x7: {  	[smem:$0x7FF] =	sst s3;
	s10 =	sadd.s32 $0x5F6600, s4;
	s23 =	smul.u32 $0x2700, s1  }
0x8: {  	s11 =	sadd.s32 $0x5FE600, s4;
	s16 =	sadd.s32 $0x138000, s2;
	s25 =	smul.u32 $0x1F000, s1  }
0x9: {  	s31 =	sshll.u32 s1, $0x6;
	p0 =	sgt.u32 s1, $0x3;
	p1 =	sne.s32 s1, $0xF  }
0xa: {  	s6 =	sor.u32 s8, s18;
	_ =	strace $0x8000004D;
	s26 =	smul.u32 $0xF800, s8  }
0xb: {  	s19 =	ssub.s32 $0x2, s8;
	s18 =	simm.s32 $0x1000;
	s9 =	smul.u32 $0xF80, s6  }
0xc: {  	s20 =	sshrl.u32 s19, $0x1;
	s12 =	sshll.u32 s6, $0x7;
	s22 =	sshrl.u32 s13, $0x2  }
0xd: {  	s24 =	smul.u32 $0x7C000, s6;
	s6 =	sadd.s32 s7, s23;
	s7 =	sadd.s32 $0x27000, s7  }
0xe: {  	s23 =	simm.s32 $0xF00;
	s14 =	ssub.s32 s19, s20;
	s12 =	sor.u32 $0x1F000, s12  }
0xf: {  	s15 =	sadd.s32 s22, s2;
	s19 =	simm.s32 $0x5000;
	s20 =	simm.s32 $0x1  }
0x10: {  	s22 =	simm.s32 $0x3;
	s9 =	sshrl.u32 s9, $0x3;
	s21 =	sshrl.u32 s12, $0x3  }
0x11: {  	s29 =	sshll.u32 s12, $0x4;
	s12 =	sor.u32 $0x1C05, s31;
	s13 =	sshrl.u32 s15, $0x3  }
0x12: {  	s15 =	sshrl.u32 @!p1 s16, $0x3;
	s16 =	simm.s32 $0x4;
	s4 =	sadd.s32 s10, s9  }
0x13: {  	s5 =	sadd.s32 s10, s21;
	s9 =	sshrl.u32 s24, $0x3;
	s10 =	sadd.s32 s25, s11  }
0x14: {  	s21 =	simm.s32 $0x2;
	s24 =	simm.s32 $0x0;
	s28 =	sadd.s32 s11, s9  }
0x15: {  	s9 =	sadd.s32 s11, s29;
	s30 =	sadd.s32 s26, s10;
	s10 =	smax.u32 s14, $0x1  }
0x16: {  	s14 =	simm.s32 $0x5;
	s8 =	sadd.s32 $0xF000, s28;
	s11 =	sadd.s32 $0x800, s30  }
.LBB2_1:
0x17: {  	[tilespmem:s3], [sflag:$0x4] =	stream.linear.gather [hbm4b:s4+s3], $0xF80, $0x38;
	[tilespmem:$0x1C880] =	vst v63  }
0x18: {  	s25 =	simm.s32 @!p0 $0x0;
	s26 =	simm.s32 @!p0 $0xF80  }
0x19: {  	[tilespmem:s26], [sflag:$0x5] =	stream.linear.gather @!p0 [hbm4b:s5+s25], $0x80, $0x38;
	[tilespmem:$0x1C880] =	vst v63  }
0x1a: {  	s25 =	simm.s32 @!p0 $0x5  }
0x1b: {  	_ =	swait.ge @!p0 [sflag:s25], $0x80  }
0x1c: {  	[sflag:s25] =	ssyncset.done @!p0 $0x0  }
0x1d: {  	[sflag:s25] =	ssyncadd.s32 @!p0 $0xFFFFFF80  }
0x1e: {  	[spmem:s13], [sflag:s12] =	dma.local [hbm:s6], $0x2700  }
0x1f: {  	_ =	swait.ge [sflag:s14], $0x2700  }
0x20: {  	[sflag:s14] =	ssyncset.done $0x0  }
0x21: {  	s25 =	simm.s32 @!p1 $0x5;
	[sflag:s14] =	ssyncadd.s32 $0xFFFFD900  }
0x22: {  	[spmem:s15], [sflag:s12] =	dma.local @!p1 [hbm:s7], $0x100  }
0x23: {  	_ =	swait.ge @!p1 [sflag:s25], $0x100  }
0x24: {  	[sflag:s25] =	ssyncset.done @!p1 $0x0  }
0x25: {  	[sflag:s25] =	ssyncadd.s32 @!p1 $0xFFFFFF00  }
0x26: {  	[bflag:$0x0] =	sbarrier.arrive $0xFFFF  }
0x27: {  	_ =	swait.ge [sflag:s16], $0xF80  }
0x28: {  	[sflag:s16] =	ssyncset.done $0x0  }
0x29: {  	s29 =	simm.s32 $0x0;
	[sflag:s16] =	ssyncadd.s32 $0xFFFFF080  }
0x2a: {  	[tilespmem:s18], [sflag:$0x1] =	stream.indirect.gather [spmem:s2], $0x80, s29, s17, $0xb8;
	[tilespmem:$0x1C880] =	vst v63  }
0x2b: {  	s30 =	simm.s32 $0x80  }
0x2c: {  	[tilespmem:s19], [sflag:$0x2] =	stream.indirect.gather [spmem:s2], $0x80, s30, s17, $0xb8;
	[tilespmem:$0x1C880] =	vst v63  }
0x2d: {  	_ =	swait.ge [sflag:s20], $0x4000  }
0x2e: {  	[sflag:s20] =	ssyncset.done $0x0  }
0x2f: {  	s31 =	sadd.s32 $0xFFFFF800, s11;
	[sflag:s20] =	ssyncadd.s32 $0xFFFFC000  }
0x30: {  	[hbm4b:s31+s3] =	stream.linear.scatter [tilespmem:s18], [sflag:$0x3], $0x4000, $0x38;
	[tilespmem:$0x1C880] =	vst v63  }
0x31: {  	_ =	swait.ge [sflag:s21], $0x4000  }
0x32: {  	[sflag:s21] =	ssyncset.done $0x0  }
0x33: {  	[sflag:s21] =	ssyncadd.s32 $0xFFFFC000  }
0x34: {  	[hbm4b:s11+s3] =	stream.linear.scatter [tilespmem:s19], [sflag:$0x4], $0x4000, $0x38;
	[tilespmem:$0x1C880] =	vst v63  }
0x35: {  	_ =	swait.ge [sflag:s22], $0x4000  }
0x36: {  	[sflag:s22] =	ssyncset.done $0x0  }
0x37: {  	[sflag:s22] =	ssyncadd.s32 $0xFFFFC000  }
0x38: {  	s28 =	simm.s32 $0x800;
	_ =	swait.ge [sflag:s16], $0x4000  }
0x39: {  	s26 =	simm.s32 $0x400;
	s25 =	sadd.s32 $0x1000, s11;
	[sflag:s16] =	ssyncset.done $0x0  }
.LBB2_2:
0x3a: {  	s29 =	sshra.s32 s26, $0x2  }
0x3b: {  	[sflag:s16] =	ssyncadd.s32 $0xFFFFC000;
	s26 =	smov.u32 s28;
	s30 =	sadd.s32 $0x400, s28  }
0x3c: {  	[tilespmem:s18], [sflag:$0x1] =	stream.indirect.gather [spmem:s2], $0x80, s29, s17, $0xb8;
	[tilespmem:$0x1C880] =	vst v63  }
0x3d: {  	p2 =	sne.s32 s28, $0x3800;
	s28 =	sadd.s32 $0x80, s29  }
0x3e: {  	[tilespmem:s19], [sflag:$0x2] =	stream.indirect.gather [spmem:s2], $0x80, s28, s17, $0xb8;
	[tilespmem:$0x1C880] =	vst v63  }
0x3f: {  	_ =	swait.ge [sflag:s20], $0x4000  }
0x40: {  	[sflag:s20] =	ssyncset.done $0x0  }
0x41: {  	s28 =	sadd.s32 $0xFFFFF800, s25;
	[sflag:s20] =	ssyncadd.s32 $0xFFFFC000  }
0x42: {  	[hbm4b:s28+s3] =	stream.linear.scatter [tilespmem:s18], [sflag:$0x3], $0x4000, $0x38;
	[tilespmem:$0x1C880] =	vst v63  }
0x43: {  	_ =	swait.ge [sflag:s21], $0x4000  }
0x44: {  	[sflag:s21] =	ssyncset.done $0x0  }
0x45: {  	[sflag:s21] =	ssyncadd.s32 $0xFFFFC000  }
0x46: {  	[hbm4b:s25+s3] =	stream.linear.scatter [tilespmem:s19], [sflag:$0x4], $0x4000, $0x38;
	[tilespmem:$0x1C880] =	vst v63  }
.Ltmp0:
0x47: {  	_ =	swait.ge [sflag:s22], $0x4000;
	(pc) =	sbr.rel @p2 .LBB2_2-.Ltmp0, $4  }
0x48: {  	[sflag:s22] =	ssyncset.done $0x0  }
0x49: {  	[sflag:s22] =	ssyncadd.s32 $0xFFFFC000  }
0x4a: {  	_ =	swait.ge [sflag:s16], $0x4000  }
0x4b: {  	s28 =	smov.u32 s30;
	s25 =	sadd.s32 $0x1000, s25;
	[sflag:s16] =	ssyncset.done $0x0  }
0x4c: {  	s26 =	sshra.s32 s26, $0x2;
	[sflag:s16] =	ssyncadd.s32 $0xFFFFC000  }
0x4d: {  	[tilespmem:s18], [sflag:$0x1] =	stream.indirect.gather [spmem:s2], $0x80, s26, s17, $0xb8;
	[tilespmem:$0x1C880] =	vst v63  }
0x4e: {  	s26 =	sadd.s32 $0x80, s26  }
0x4f: {  	[tilespmem:s19], [sflag:$0x2] =	stream.indirect.gather [spmem:s2], $0x80, s26, s17, $0xb8;
	[tilespmem:$0x1C880] =	vst v63  }
0x50: {  	_ =	swait.ge [sflag:s20], $0x4000  }
0x51: {  	[sflag:s20] =	ssyncset.done $0x0  }
0x52: {  	s31 =	sadd.s32 $0xFFFFF800, s25;
	[sflag:s20] =	ssyncadd.s32 $0xFFFFC000  }
0x53: {  	[hbm4b:s31+s3] =	stream.linear.scatter [tilespmem:s18], [sflag:$0x3], $0x4000, $0x38;
	[tilespmem:$0x1C880] =	vst v63  }
0x54: {  	_ =	swait.ge [sflag:s21], $0x4000  }
0x55: {  	[sflag:s21] =	ssyncset.done $0x0  }
0x56: {  	[sflag:s21] =	ssyncadd.s32 $0xFFFFC000  }
0x57: {  	[hbm4b:s25+s3] =	stream.linear.scatter [tilespmem:s19], [sflag:$0x4], $0x4000, $0x38;
	[tilespmem:$0x1C880] =	vst v63  }
0x58: {  	_ =	swait.ge [sflag:s22], $0x4000  }
0x59: {  	[sflag:s22] =	ssyncset.done $0x0  }
0x5a: {  	[sflag:s22] =	ssyncadd.s32 $0xFFFFC000  }
0x5b: {  	_ =	swait.ge [sflag:s16], $0x4000  }
0x5c: {  	[sflag:s16] =	ssyncset.done $0x0  }
0x5d: {  	[sflag:s16] =	ssyncadd.s32 $0xFFFFC000  }
0x5e: {  	[tilespmem:s18], [sflag:$0x1] =	stream.indirect.gather [spmem:s2], $0x80, s23, s17, $0xb8;
	[tilespmem:$0x1C880] =	vst v63  }
0x5f: {  	_ =	swait.ge [sflag:s20], $0x4000  }
0x60: {  	[sflag:s20] =	ssyncset.done $0x0  }
0x61: {  	[sflag:s20] =	ssyncadd.s32 $0xFFFFC000  }
0x62: {  	[hbm4b:s8+s3] =	stream.linear.scatter [tilespmem:s18], [sflag:$0x5], $0x4000, $0x38;
	[tilespmem:$0x1C880] =	vst v63  }
0x63: {  	_ =	swait.ge [sflag:s14], $0x4000  }
0x64: {  	s28 =	simm.s32 @!p0 $0x5000;
	[sflag:s14] =	ssyncset.done $0x0  }
0x65: {  	s26 =	simm.s32 @!p0 $0xF80;
	s25 =	simm.s32 @!p0 $0x80;
	[sflag:s14] =	ssyncadd.s32 $0xFFFFC000  }
0x66: {  	[tilespmem:s28], [sflag:$0x2] =	stream.indirect.gather @!p0 [spmem:s2], $0x80, s26, s25, $0xb8;
	[tilespmem:$0x1C880] =	vst v63  }
0x67: {  	s25 =	simm.s32 @!p0 $0x2  }
0x68: {  	_ =	swait.ge @!p0 [sflag:s25], $0x4000  }
0x69: {  	s24 =	sadd.s32 $0x1, s24;
	[sflag:s25] =	ssyncset.done @!p0 $0x0  }
0x6a: {  	p2 =	sne.s32 s24, s10;
	[sflag:s25] =	ssyncadd.s32 @!p0 $0xFFFFC000;
	s25 =	simm.s32 @!p0 $0x0  }
0x6b: {  	[hbm4b:s9+s25] =	stream.linear.scatter @!p0 [tilespmem:s28], [sflag:$0x5], $0x4000, $0x38;
	[tilespmem:$0x1C880] =	vst v63  }
.Ltmp1:
0x6c: {  	_ = 	snop;
	(pc) =	sbr.rel @p2 .LBB2_1-.Ltmp1, $4  }
0x6d: {  	s25 =	simm.s32 @!p0 $0x5  }
0x6e: {  	_ =	swait.ge @!p0 [sflag:s25], $0x4000  }
0x6f: {  	[sflag:s25] =	ssyncset.done @!p0 $0x0  }
0x70: {  	[sflag:s25] =	ssyncadd.s32 @!p0 $0xFFFFC000  }
0x71: {  	_ =	sfence.sel $0x180000  }
0x72: {  	[bflag:$0x0] =	sbarrier.arrive $0xFFFF  }
0x73: {  	p0 =	sne.s32 s1, $0x0;
	_ =	strace $0x9000004D  }
0x74: {  	s0 =	sadd.s32 @!p0 $0x100000, s0;
	[bflag:$0x2] =	sbarrier.arrive $0xFFFF  }
0x75: {  	[sflag:s0] =	ssyncadd.tile.s32 @!p0 $0x1;
	_ =	shalt  }
.Lfunc_end2:
_tile_overlayer_lowered:
.L_overlay_start_2:
0x76: {  	(tag) =	ssettag $0x2  }
0x77: {  	s0 =	rddreg [dreg:$0x0];
	s2 =	stileid.u32  }
0x78: {  	s1 =	rddreg [dreg:$0x1];
	p0 =	sne.s32 s2, $0x0  }
0x79: {  	s3 =	rddreg [dreg:$0x2];
	[bflag:$0x3] =	sbarrier.arrive $0xFFFF;
	s2 =	simm.s32 @!p0 $0x1C05  }
0x7a: {  	[timem:s3], [sflag:s2] =	dma.local @!p0 [hbm:s0], s1  }
0x7b: {  	s0 =	simm.s32 @!p0 $0x5  }
0x7c: {  	_ =	swait.ge @!p0 [sflag:s0], s1  }
0x7d: {  	s1 =	ssub.s32 @!p0 $0x0, s1;
	[sflag:s0] =	ssyncset.done @!p0 $0x0  }
0x7e: {  	[sflag:s0] =	ssyncadd.s32 @!p0 s1  }
0x7f: {  	[bflag:$0x3] =	sbarrier.arrive $0xFFFF  }
0x80: {  	_ =	shalt  }

// kernel: kernel.23.cloned.1.call-start
scs
__scs_entry_jumppad:
0x0: {  	(pc) =	sbr.rel $0x88, $3  }
0x1: {  	(tag) =	ssettag $0x0;
	lr =	simm.s32 $0x1  }
0x2: {  	[smem:$0x3F91] =	sst lr;
	_ =	strace $0xD0000000  }
0x3: {  	_ = 	snop  }
0x4: {  	_ = 	snop  }
0x5: {  	_ = 	snop  }
0x6: {  	_ = 	snop  }
0x7: {  	_ = 	snop  }
__scs_overlays_trampoline_lowered:
0x8: {  	[smem:$0x3FA0] =	sst s0  }
0x9: {  	[smem:$0x3FA1] =	sst s1  }
0xa: {  	[smem:$0x3FA2] =	sst s2  }
0xb: {  	[smem:$0x3FA3] =	sst s3  }
0xc: {  	[smem:$0x3FA4] =	sst s4  }
0xd: {  	[smem:$0x3FA5] =	sst s5  }
0xe: {  	[smem:$0x3FA6] =	sst s6  }
0xf: {  	[smem:$0x3FA7] =	sst s7  }
0x10: {  	[smem:$0x3FA8] =	sst s8  }
0x11: {  	[smem:$0x3FA9] =	sst s9;
	s0 =	simm.s32 @!p0 $0x0  }
0x12: {  	s1 =	sld [smem:$0x3F8F];
	s0 =	simm.s32 @p0 $0x1  }
0x13: {  	[smem:$0x3FAA] =	sst s0;
	s0 =	simm.s32 @!p1 $0x0  }
0x14: {  	s2 =	sld [smem:$0x3F8E];
	s0 =	simm.s32 @p1 $0x1  }
0x15: {  	[smem:$0x3FAB] =	sst s0;
	s0 =	simm.s32 @!p2 $0x0  }
0x16: {  	s3 =	sld [smem:$0x3FDB];
	s0 =	simm.s32 @p2 $0x1  }
0x17: {  	s4 =	simm.s32 $0x1BF5;
	[smem:$0x3FAD] =	sst s0  }
0x18: {  	s0 =	sld [smem:$0x3F90];
	_ =	swait.ge [sflag:s4], $0x0  }
0x19: {  	s7 =	sld [smem:$0x3F91]  }
0x1a: {  	s8 =	sadd.s32 $0xFFFFE003, lr  }
0x1b: {  	s9 =	sadd.s32 $0xFFFFFEF7, lr;
	s5 =	simm.s32 $0xFFFFFFFF;
	p2 =	slt.u32 s8, $0xFFFFF086  }
0x1c: {  	p1 =	slt.u32 s9, $0xF7A;
	s5 =	simm.s32 @!p2 $0x0  }
0x1d: {  	s5 =	simm.s32 @p1 $0x1;
	p0 =	seq.s32 s7, s2  }
0x1e: {  	s7 =	smul.u32 @!p0 $0xF7A, s2;
	p2 =	seq.s32 @!p0 s5, $0x0  }
0x1f: {  	s9 =	smul.u32 $0xF7A, s1;
	s8 =	simm.s32 @!p0 $0x1BF5;
	p2 =	por !p2, p0  }
0x20: {  	[sflag:s8] =	ssyncset.s32 @!p0 $0xFFFFF086;
	s6 =	sadd.s32 @!p0 s3, s7;
	s7 =	simm.s32 @!p0 $0x108  }
0x21: {  	s3 =	sadd.s32 s3, s9;
	s6 =	sadd.s32 @!p0 $0x88, s6;
	s7 =	simm.s32 @p2 $0x1082  }
0x22: {  	[simem:s7], [sflag:s8] =	dma.local @!p0 [hbm:s6], $0xF7A  }
0x23: {  	s9 =	sor.u32 $0xD0000000, s2;
	s6 =	simm.s32 $0x108;
	_ =	swait.ge @!p0 [sflag:s8], $0x0  }
0x24: {  	s3 =	sadd.s32 $0x88, s3;
	s6 =	simm.s32 @!p1 $0x1082;
	[sflag:s4] =	ssyncset.s32 $0xFFFFF086  }
0x25: {  	[simem:s6], [sflag:s4] =	dma.local [hbm:s3], $0xF7A  }
0x26: {  	[smem:$0x3F91] =	sst s1;
	(tag) =	ssettag s2;
	_ =	strace s9  }
0x27: {  	s1 =	sld [smem:$0x3FA1]  }
0x28: {  	s2 =	sld [smem:$0x3FA2]  }
0x29: {  	s4 =	sld [smem:$0x3FA4]  }
0x2a: {  	p0 =	seq.s32 s5, $0x0;
	s5 =	sld [smem:$0x3FA5]  }
0x2b: {  	s6 =	sld [smem:$0x3FA6]  }
0x2c: {  	s7 =	sld [smem:$0x3FA7]  }
0x2d: {  	s3 =	simm.s32 $0x108;
	s8 =	sld [smem:$0x3FA8]  }
0x2e: {  	s3 =	simm.s32 @!p0 $0x1082;
	s9 =	sld [smem:$0x3FA9]  }
0x2f: {  	lr =	sadd.s32 s0, s3;
	s0 =	sld [smem:$0x3FA0]  }
0x30: {  	s3 =	sld [smem:$0x3FA3]  }
0x31: {  	[smem:$0x3FAC] =	sst s10  }
0x32: {  	s10 =	sld [smem:$0x3FAA];
	_ =	sdelay $0x3  }
0x33: {  	p0 =	seq.s32 s10, $0x1;
	s10 =	sld [smem:$0x3FAC];
	_ =	sdelay $0x3  }
0x34: {  	[smem:$0x3FAC] =	sst s10  }
0x35: {  	s10 =	sld [smem:$0x3FAB];
	_ =	sdelay $0x3  }
0x36: {  	p1 =	seq.s32 s10, $0x1;
	s10 =	sld [smem:$0x3FAC];
	_ =	sdelay $0x3  }
0x37: {  	[smem:$0x3FAC] =	sst s10  }
0x38: {  	s10 =	sld [smem:$0x3FAD]  }
0x39: {  	_ = 	snop;
	(pc) =	sbr.ind lr, $3  }
0x3a: {  	_ = 	snop  }
0x3b: {  	_ = 	snop  }
0x3c: {  	p2 =	seq.s32 s10, $0x1;
	s10 =	sld [smem:$0x3FAC]  }
0x3d: {  	_ =	shalt  }
0x3e: {  	_ =	shalt  }
0x3f: {  	_ =	shalt  }
0x40: {  	_ =	shalt  }
0x41: {  	_ =	shalt  }
0x42: {  	_ =	shalt  }
0x43: {  	_ =	shalt  }
0x44: {  	_ =	shalt  }
0x45: {  	_ =	shalt  }
0x46: {  	_ =	shalt  }
0x47: {  	_ =	shalt  }
0x48: {  	_ =	shalt  }
0x49: {  	_ =	shalt  }
0x4a: {  	_ =	shalt  }
0x4b: {  	_ =	shalt  }
0x4c: {  	_ =	shalt  }
0x4d: {  	_ =	shalt  }
0x4e: {  	_ =	shalt  }
0x4f: {  	_ =	shalt  }
0x50: {  	_ =	shalt  }
0x51: {  	_ =	shalt  }
0x52: {  	_ =	shalt  }
0x53: {  	_ =	shalt  }
0x54: {  	_ =	shalt  }
0x55: {  	_ =	shalt  }
0x56: {  	_ =	shalt  }
0x57: {  	_ =	shalt  }
0x58: {  	_ =	shalt  }
0x59: {  	_ =	shalt  }
0x5a: {  	_ =	shalt  }
0x5b: {  	_ =	shalt  }
0x5c: {  	_ =	shalt  }
0x5d: {  	_ =	shalt  }
0x5e: {  	_ =	shalt  }
0x5f: {  	_ =	shalt  }
0x60: {  	_ =	shalt  }
0x61: {  	_ =	shalt  }
0x62: {  	_ =	shalt  }
0x63: {  	_ =	shalt  }
0x64: {  	_ =	shalt  }
0x65: {  	_ =	shalt  }
0x66: {  	_ =	shalt  }
0x67: {  	_ =	shalt  }
0x68: {  	_ =	shalt  }
0x69: {  	_ =	shalt  }
0x6a: {  	_ =	shalt  }
0x6b: {  	_ =	shalt  }
0x6c: {  	_ =	shalt  }
0x6d: {  	_ =	shalt  }
0x6e: {  	_ =	shalt  }
0x6f: {  	_ =	shalt  }
0x70: {  	_ =	shalt  }
0x71: {  	_ =	shalt  }
0x72: {  	_ =	shalt  }
0x73: {  	_ =	shalt  }
0x74: {  	_ =	shalt  }
0x75: {  	_ =	shalt  }
0x76: {  	_ =	shalt  }
0x77: {  	_ =	shalt  }
0x78: {  	_ =	shalt  }
0x79: {  	_ =	shalt  }
0x7a: {  	_ =	shalt  }
0x7b: {  	_ =	shalt  }
0x7c: {  	_ =	shalt  }
0x7d: {  	_ =	shalt  }
0x7e: {  	_ =	shalt  }
0x7f: {  	_ =	shalt  }
0x80: {  	_ =	shalt  }
0x81: {  	_ =	shalt  }
0x82: {  	_ =	shalt  }
0x83: {  	_ =	shalt  }
0x84: {  	_ =	shalt  }
0x85: {  	_ =	shalt  }
0x86: {  	_ =	shalt  }
0x87: {  	_ =	shalt  }
.Lfunc_end0:
.L_simem_size_0:
called_computation.3_lowered:
.L_overlay_start_0:
0x88: {  	s2 =	sld [smem:$0x3FD9]  }
0x89: {  	s3 =	sld [smem:$0x3FFE];
	_ =	sdelay $0x1  }
0x8a: {  	s1 =	srdreg.scid  }
0x8b: {  	s0 =	sand.u32 $0x1, s1  }
0x8c: {  	s17 =	sshll.u32 s0, $0xA;
	s2 =	sadd.s32 s3, s2  }
0x8d: {  	s2 =	sadd.s32 s2, s17  }
0x8e: {  	[smem:$0x3FB8] =	sst s2  }
0x8f: {  	_ = 	snop  }
0x90: {  	s18 =	sld [smem:$0x3FD0];
	(tm) =	ssettm $0x1  }
0x91: {  	s19 =	sld [smem:$0x3FFB];
	_ =	sdelay $0x3  }
0x92: {  	_ =	strace s19  }
0x93: {  	s2 =	sld [smem:$0x3FFC];
	_ =	sdelay $0x3  }
0x94: {  	_ =	strace s2  }
0x95: {  	s2 =	sld [smem:$0x3FFD];
	_ =	sdelay $0x3  }
0x96: {  	_ =	strace s2  }
0x97: {  	_ =	strace $0x8FFFFFFF  }
0x98: {  	s20 =	sld [smem:$0x3FDB];
	_ =	sdelay $0x1  }
0x99: {  	s4 =	simm.s32 $_scs_section_size  }
0x9a: {  	s5 =	simm.s32 $_size__tile_overlayer_lowered;
	s6 =	simm.s32 $_tile_overlayer_lowered  }
0x9b: {  	s7 =	simm.s32 $0x1BFF;
	s21 =	sshll.u32 s6, $0x1;
	s4 =	sadd.s32 s4, s20  }
0x9c: {  	s22 =	simm.s32 $0x0;
	s5 =	sshll.u32 s5, $0x1;
	s6 =	sadd.s32 s21, s4  }
0x9d: {  	[timem:s22], [sflag:s7] =	dma.local [hbm:s6], s5  }
0x9e: {  	_ =	swait.ge [sflag:s7], s5  }
0x9f: {  	s5 =	ssub.s32 $0x0, s5;
	[sflag:s7] =	ssyncset.done $0x0  }
0xa0: {  	[sflag:s7] =	ssyncadd.s32 s5;
	_ =	sdelay $0x1  }
0xa1: {  	s23 =	simm.s32 $0x1B8B  }
0xa2: {  	_ =	swait.ge [sflag:s23], $0x1  }
0xa3: {  	[sflag:s23] =	ssyncset.done $0x0  }
0xa4: {  	[sflag:s23] =	ssyncadd.s32 $0xFFFFFFFF  }
0xa5: {  	s5 =	sld [smem:$0x0]  }
0xa6: {  	s6 =	sand.u32 $0xFFFFFFFE, s1  }
0xa7: {  	p0 =	sne.s32 s1, s6  }
0xa8: {  	s6 =	sshll.u32 @p0 s6, $0xE  }
0xa9: {  	s6 =	sadd.s32 @p0 $0x11B8D, s6;
	s7 =	sshll.u32 @p0 s5, $0x11  }
0xaa: {  	s6 =	sor.u32 @p0 s7, s6  }
0xab: {  	[sflag:s6] =	ssyncadd.remote.s32 @p0 $0x1;
	_ =	sdelay $0x1  }
0xac: {  	s6 =	simm.s32 @p0 $0x1B8D  }
0xad: {  	_ =	swait.eq @p0 [sflag:s6], $0x1  }
0xae: {  	[sflag:s6] =	ssyncadd.s32 @p0 $0xFFFFFFFF  }
0xaf: {  	s7 =	sshll.u32 @!p0 s1, $0xE  }
0xb0: {  	s7 =	sor.u32 @!p0 $0x4000, s7;
	s6 =	simm.s32 @!p0 $0x1B8D  }
0xb1: {  	s5 =	sshll.u32 @!p0 s5, $0x11;
	s7 =	sadd.s32 @!p0 $0x11B8D, s7;
	_ =	swait.eq @!p0 [sflag:s6], $0x1  }
0xb2: {  	s5 =	sor.u32 @!p0 s5, s7;
	[sflag:s6] =	ssyncadd.s32 @!p0 $0xFFFFFFFF  }
0xb3: {  	s25 =	simm.s32 $0x1B8E;
	s24 =	sld [smem:$0x3FFE];
	[sflag:s5] =	ssyncadd.remote.s32 @!p0 $0x1  }
0xb4: {  	s26 =	simm.s32 $execute0_lowered;
	[smem:$0x3FD2] =	sst s25  }
0xb5: {  	s6 =	sshll.u32 s26, $0x1;
	_ =	strace $0x80000052;
	[dreg:$0x1] =	wrdreg $0xFFFFFFFF  }
0xb6: {  	s28 =	simm.s32 $_size_execute0_lowered;
	s4 =	sadd.s32 s4, s6;
	[dreg:$0x0] =	wrdreg $0x0  }
0xb7: {  	s6 =	sshll.u32 s28, $0x1;
	[dreg:$0x2] =	wrdreg s4  }
0xb8: {  	[dreg:$0x3] =	wrdreg s6  }
0xb9: {  	[dreg:$0x4] =	wrdreg $0xC0  }
0xba: {  	_ =	task [dreg:s22], $0x5FFFF  }
0xbb: {  	[dreg:$0x1] =	wrdreg $0xFFFFFFFF  }
0xbc: {  	[dreg:$0x0] =	wrdreg $0x60  }
0xbd: {  	[dreg:$0x2] =	wrdreg s18  }
0xbe: {  	[dreg:$0x3] =	wrdreg s24  }
0xbf: {  	[dreg:$0x4] =	wrdreg $0x90000  }
0xc0: {  	[dreg:$0x5] =	wrdreg $0xA  }
0xc1: {  	_ =	task.clear_ibuf [dreg:s22], $0x6FFFF;
	_ =	strace $0x90000052  }
0xc2: {  	s29 =	simm.s32 $0xA;
	_ =	strace $0x80000054  }
0xc3: {  	_ =	swait.ge [sflag:s29], $0x1  }
0xc4: {  	[sflag:s29] =	ssyncadd.s32 $0xFFFFFFFF  }
0xc5: {  	_ =	strace $0x90000054  }
0xc6: {  	_ =	sfence  }
0xc7: {  	s30 =	sld [smem:$0x0];
	_ =	sdelay $0x2  }
0xc8: {  	s31 =	sshll.u32 s1, $0xD;
	s1 =	sshrl.u32 s1, $0x2  }
0xc9: {  	s4 =	sand.u32 $0x4000, s31;
	s1 =	sadd.s32 s1, s30  }
0xca: {  	s0 =	sor.u32 s4, s0;
	s1 =	sshll.u32 s1, $0x11  }
0xcb: {  	s0 =	sor.u32 s1, s0  }
0xcc: {  	s0 =	sadd.s32 $0x8F2B, s0  }
0xcd: {  	[sflag:s0] =	ssyncadd.remote.s32 $0x1  }
0xce: {  	_ =	sfence.sel $0xFFFF  }
0xcf: {  	[dreg:$0x0] =	wrdreg $0xFFFFFFFF;
	(pc) =	sbr.abs _section_cstart, $3  }
0xd0: {  	[dreg:$0x1] =	wrdreg $0xFFFFFFFF  }
0xd1: {  	_ =	task.clear_ibuf [dreg:s22], $0x2FFFF;
	_ =	strace $0x9FFFFFFF  }
0xd2: {  	(tm) =	ssettm $0x7FFFFFFF  }
0xd3: {  	_ =	shalt  }
tec
execute0_lowered:
.L_overlay_start_1:
0x0: {  	(tag) =	ssettag $0x1  }
0x1: {  	s7 =	rddreg [dreg:$0x0]  }
0x2: {  	s4 =	rddreg [dreg:$0x1]  }
0x3: {  	s2 =	rddreg [dreg:$0x2]  }
0x4: {  	s0 =	rddreg [dreg:$0x3];
	s5 =	srdreg.scid  }
0x5: {  	s1 =	stileid.u32;
	s3 =	simm.s32 $0x0;
	s17 =	simm.s32 $0x80  }
0x6: {  	s8 =	sand.u32 $0x1, s5;
	s18 =	sshll.u32 s1, $0x1;
	s13 =	smul.u32 $0x4E000, s1  }
0x7: {  	[smem:$0x7FF] =	sst s3;
	s10 =	sadd.s32 $0x5FA600, s4;
	s23 =	smul.u32 $0x2700, s1  }
0x8: {  	s11 =	sadd.s32 $0x8EE600, s4;
	s16 =	sadd.s32 $0x138000, s2;
	s25 =	smul.u32 $0x1F000, s1  }
0x9: {  	s31 =	sshll.u32 s1, $0x6;
	p0 =	sgt.u32 s1, $0x3;
	p1 =	sne.s32 s1, $0xF  }
0xa: {  	s6 =	sor.u32 s8, s18;
	_ =	strace $0x80000053;
	s26 =	smul.u32 $0xF800, s8  }
0xb: {  	s19 =	ssub.s32 $0x2, s8;
	s18 =	simm.s32 $0x1000;
	s9 =	smul.u32 $0xF80, s6  }
0xc: {  	s20 =	sshrl.u32 s19, $0x1;
	s12 =	sshll.u32 s6, $0x7;
	s22 =	sshrl.u32 s13, $0x2  }
0xd: {  	s24 =	smul.u32 $0x7C000, s6;
	s6 =	sadd.s32 s7, s23;
	s7 =	sadd.s32 $0x27000, s7  }
0xe: {  	s23 =	simm.s32 $0xF00;
	s14 =	ssub.s32 s19, s20;
	s12 =	sor.u32 $0x1F000, s12  }
0xf: {  	s15 =	sadd.s32 s22, s2;
	s19 =	simm.s32 $0x5000;
	s20 =	simm.s32 $0x1  }
0x10: {  	s22 =	simm.s32 $0x3;
	s9 =	sshrl.u32 s9, $0x3;
	s21 =	sshrl.u32 s12, $0x3  }
0x11: {  	s29 =	sshll.u32 s12, $0x4;
	s12 =	sor.u32 $0x1C05, s31;
	s13 =	sshrl.u32 s15, $0x3  }
0x12: {  	s15 =	sshrl.u32 @!p1 s16, $0x3;
	s16 =	simm.s32 $0x4;
	s4 =	sadd.s32 s10, s9  }
0x13: {  	s5 =	sadd.s32 s10, s21;
	s9 =	sshrl.u32 s24, $0x3;
	s10 =	sadd.s32 s25, s11  }
0x14: {  	s21 =	simm.s32 $0x2;
	s24 =	simm.s32 $0x0;
	s28 =	sadd.s32 s11, s9  }
0x15: {  	s9 =	sadd.s32 s11, s29;
	s30 =	sadd.s32 s26, s10;
	s10 =	smax.u32 s14, $0x1  }
0x16: {  	s14 =	simm.s32 $0x5;
	s8 =	sadd.s32 $0xF000, s28;
	s11 =	sadd.s32 $0x800, s30  }
.LBB2_1:
0x17: {  	[tilespmem:s3], [sflag:$0x4] =	stream.linear.gather [hbm4b:s4+s3], $0xF80, $0x38;
	[tilespmem:$0x1C880] =	vst v63  }
0x18: {  	s25 =	simm.s32 @!p0 $0x0;
	s26 =	simm.s32 @!p0 $0xF80  }
0x19: {  	[tilespmem:s26], [sflag:$0x5] =	stream.linear.gather @!p0 [hbm4b:s5+s25], $0x80, $0x38;
	[tilespmem:$0x1C880] =	vst v63  }
0x1a: {  	s25 =	simm.s32 @!p0 $0x5  }
0x1b: {  	_ =	swait.ge @!p0 [sflag:s25], $0x80  }
0x1c: {  	[sflag:s25] =	ssyncset.done @!p0 $0x0  }
0x1d: {  	[sflag:s25] =	ssyncadd.s32 @!p0 $0xFFFFFF80  }
0x1e: {  	[spmem:s13], [sflag:s12] =	dma.local [hbm:s6], $0x2700  }
0x1f: {  	_ =	swait.ge [sflag:s14], $0x2700  }
0x20: {  	[sflag:s14] =	ssyncset.done $0x0  }
0x21: {  	s25 =	simm.s32 @!p1 $0x5;
	[sflag:s14] =	ssyncadd.s32 $0xFFFFD900  }
0x22: {  	[spmem:s15], [sflag:s12] =	dma.local @!p1 [hbm:s7], $0x100  }
0x23: {  	_ =	swait.ge @!p1 [sflag:s25], $0x100  }
0x24: {  	[sflag:s25] =	ssyncset.done @!p1 $0x0  }
0x25: {  	[sflag:s25] =	ssyncadd.s32 @!p1 $0xFFFFFF00  }
0x26: {  	[bflag:$0x0] =	sbarrier.arrive $0xFFFF  }
0x27: {  	_ =	swait.ge [sflag:s16], $0xF80  }
0x28: {  	[sflag:s16] =	ssyncset.done $0x0  }
0x29: {  	s29 =	simm.s32 $0x0;
	[sflag:s16] =	ssyncadd.s32 $0xFFFFF080  }
0x2a: {  	[tilespmem:s18], [sflag:$0x1] =	stream.indirect.gather [spmem:s2], $0x80, s29, s17, $0xb8;
	[tilespmem:$0x1C880] =	vst v63  }
0x2b: {  	s30 =	simm.s32 $0x80  }
0x2c: {  	[tilespmem:s19], [sflag:$0x2] =	stream.indirect.gather [spmem:s2], $0x80, s30, s17, $0xb8;
	[tilespmem:$0x1C880] =	vst v63  }
0x2d: {  	_ =	swait.ge [sflag:s20], $0x4000  }
0x2e: {  	[sflag:s20] =	ssyncset.done $0x0  }
0x2f: {  	s31 =	sadd.s32 $0xFFFFF800, s11;
	[sflag:s20] =	ssyncadd.s32 $0xFFFFC000  }
0x30: {  	[hbm4b:s31+s3] =	stream.linear.scatter [tilespmem:s18], [sflag:$0x3], $0x4000, $0x38;
	[tilespmem:$0x1C880] =	vst v63  }
0x31: {  	_ =	swait.ge [sflag:s21], $0x4000  }
0x32: {  	[sflag:s21] =	ssyncset.done $0x0  }
0x33: {  	[sflag:s21] =	ssyncadd.s32 $0xFFFFC000  }
0x34: {  	[hbm4b:s11+s3] =	stream.linear.scatter [tilespmem:s19], [sflag:$0x4], $0x4000, $0x38;
	[tilespmem:$0x1C880] =	vst v63  }
0x35: {  	_ =	swait.ge [sflag:s22], $0x4000  }
0x36: {  	[sflag:s22] =	ssyncset.done $0x0  }
0x37: {  	[sflag:s22] =	ssyncadd.s32 $0xFFFFC000  }
0x38: {  	s28 =	simm.s32 $0x800;
	_ =	swait.ge [sflag:s16], $0x4000  }
0x39: {  	s26 =	simm.s32 $0x400;
	s25 =	sadd.s32 $0x1000, s11;
	[sflag:s16] =	ssyncset.done $0x0  }
.LBB2_2:
0x3a: {  	s29 =	sshra.s32 s26, $0x2  }
0x3b: {  	[sflag:s16] =	ssyncadd.s32 $0xFFFFC000;
	s26 =	smov.u32 s28;
	s30 =	sadd.s32 $0x400, s28  }
0x3c: {  	[tilespmem:s18], [sflag:$0x1] =	stream.indirect.gather [spmem:s2], $0x80, s29, s17, $0xb8;
	[tilespmem:$0x1C880] =	vst v63  }
0x3d: {  	p2 =	sne.s32 s28, $0x3800;
	s28 =	sadd.s32 $0x80, s29  }
0x3e: {  	[tilespmem:s19], [sflag:$0x2] =	stream.indirect.gather [spmem:s2], $0x80, s28, s17, $0xb8;
	[tilespmem:$0x1C880] =	vst v63  }
0x3f: {  	_ =	swait.ge [sflag:s20], $0x4000  }
0x40: {  	[sflag:s20] =	ssyncset.done $0x0  }
0x41: {  	s28 =	sadd.s32 $0xFFFFF800, s25;
	[sflag:s20] =	ssyncadd.s32 $0xFFFFC000  }
0x42: {  	[hbm4b:s28+s3] =	stream.linear.scatter [tilespmem:s18], [sflag:$0x3], $0x4000, $0x38;
	[tilespmem:$0x1C880] =	vst v63  }
0x43: {  	_ =	swait.ge [sflag:s21], $0x4000  }
0x44: {  	[sflag:s21] =	ssyncset.done $0x0  }
0x45: {  	[sflag:s21] =	ssyncadd.s32 $0xFFFFC000  }
0x46: {  	[hbm4b:s25+s3] =	stream.linear.scatter [tilespmem:s19], [sflag:$0x4], $0x4000, $0x38;
	[tilespmem:$0x1C880] =	vst v63  }
.Ltmp0:
0x47: {  	_ =	swait.ge [sflag:s22], $0x4000;
	(pc) =	sbr.rel @p2 .LBB2_2-.Ltmp0, $4  }
0x48: {  	[sflag:s22] =	ssyncset.done $0x0  }
0x49: {  	[sflag:s22] =	ssyncadd.s32 $0xFFFFC000  }
0x4a: {  	_ =	swait.ge [sflag:s16], $0x4000  }
0x4b: {  	s28 =	smov.u32 s30;
	s25 =	sadd.s32 $0x1000, s25;
	[sflag:s16] =	ssyncset.done $0x0  }
0x4c: {  	s26 =	sshra.s32 s26, $0x2;
	[sflag:s16] =	ssyncadd.s32 $0xFFFFC000  }
0x4d: {  	[tilespmem:s18], [sflag:$0x1] =	stream.indirect.gather [spmem:s2], $0x80, s26, s17, $0xb8;
	[tilespmem:$0x1C880] =	vst v63  }
0x4e: {  	s26 =	sadd.s32 $0x80, s26  }
0x4f: {  	[tilespmem:s19], [sflag:$0x2] =	stream.indirect.gather [spmem:s2], $0x80, s26, s17, $0xb8;
	[tilespmem:$0x1C880] =	vst v63  }
0x50: {  	_ =	swait.ge [sflag:s20], $0x4000  }
0x51: {  	[sflag:s20] =	ssyncset.done $0x0  }
0x52: {  	s31 =	sadd.s32 $0xFFFFF800, s25;
	[sflag:s20] =	ssyncadd.s32 $0xFFFFC000  }
0x53: {  	[hbm4b:s31+s3] =	stream.linear.scatter [tilespmem:s18], [sflag:$0x3], $0x4000, $0x38;
	[tilespmem:$0x1C880] =	vst v63  }
0x54: {  	_ =	swait.ge [sflag:s21], $0x4000  }
0x55: {  	[sflag:s21] =	ssyncset.done $0x0  }
0x56: {  	[sflag:s21] =	ssyncadd.s32 $0xFFFFC000  }
0x57: {  	[hbm4b:s25+s3] =	stream.linear.scatter [tilespmem:s19], [sflag:$0x4], $0x4000, $0x38;
	[tilespmem:$0x1C880] =	vst v63  }
0x58: {  	_ =	swait.ge [sflag:s22], $0x4000  }
0x59: {  	[sflag:s22] =	ssyncset.done $0x0  }
0x5a: {  	[sflag:s22] =	ssyncadd.s32 $0xFFFFC000  }
0x5b: {  	_ =	swait.ge [sflag:s16], $0x4000  }
0x5c: {  	[sflag:s16] =	ssyncset.done $0x0  }
0x5d: {  	[sflag:s16] =	ssyncadd.s32 $0xFFFFC000  }
0x5e: {  	[tilespmem:s18], [sflag:$0x1] =	stream.indirect.gather [spmem:s2], $0x80, s23, s17, $0xb8;
	[tilespmem:$0x1C880] =	vst v63  }
0x5f: {  	_ =	swait.ge [sflag:s20], $0x4000  }
0x60: {  	[sflag:s20] =	ssyncset.done $0x0  }
0x61: {  	[sflag:s20] =	ssyncadd.s32 $0xFFFFC000  }
0x62: {  	[hbm4b:s8+s3] =	stream.linear.scatter [tilespmem:s18], [sflag:$0x5], $0x4000, $0x38;
	[tilespmem:$0x1C880] =	vst v63  }
0x63: {  	_ =	swait.ge [sflag:s14], $0x4000  }
0x64: {  	s28 =	simm.s32 @!p0 $0x5000;
	[sflag:s14] =	ssyncset.done $0x0  }
0x65: {  	s26 =	simm.s32 @!p0 $0xF80;
	s25 =	simm.s32 @!p0 $0x80;
	[sflag:s14] =	ssyncadd.s32 $0xFFFFC000  }
0x66: {  	[tilespmem:s28], [sflag:$0x2] =	stream.indirect.gather @!p0 [spmem:s2], $0x80, s26, s25, $0xb8;
	[tilespmem:$0x1C880] =	vst v63  }
0x67: {  	s25 =	simm.s32 @!p0 $0x2  }
0x68: {  	_ =	swait.ge @!p0 [sflag:s25], $0x4000  }
0x69: {  	s24 =	sadd.s32 $0x1, s24;
	[sflag:s25] =	ssyncset.done @!p0 $0x0  }
0x6a: {  	p2 =	sne.s32 s24, s10;
	[sflag:s25] =	ssyncadd.s32 @!p0 $0xFFFFC000;
	s25 =	simm.s32 @!p0 $0x0  }
0x6b: {  	[hbm4b:s9+s25] =	stream.linear.scatter @!p0 [tilespmem:s28], [sflag:$0x5], $0x4000, $0x38;
	[tilespmem:$0x1C880] =	vst v63  }
.Ltmp1:
0x6c: {  	_ = 	snop;
	(pc) =	sbr.rel @p2 .LBB2_1-.Ltmp1, $4  }
0x6d: {  	s25 =	simm.s32 @!p0 $0x5  }
0x6e: {  	_ =	swait.ge @!p0 [sflag:s25], $0x4000  }
0x6f: {  	[sflag:s25] =	ssyncset.done @!p0 $0x0  }
0x70: {  	[sflag:s25] =	ssyncadd.s32 @!p0 $0xFFFFC000  }
0x71: {  	_ =	sfence.sel $0x180000  }
0x72: {  	[bflag:$0x0] =	sbarrier.arrive $0xFFFF  }
0x73: {  	p0 =	sne.s32 s1, $0x0;
	_ =	strace $0x90000053  }
0x74: {  	s0 =	sadd.s32 @!p0 $0x100000, s0;
	[bflag:$0x2] =	sbarrier.arrive $0xFFFF  }
0x75: {  	[sflag:s0] =	ssyncadd.tile.s32 @!p0 $0x1;
	_ =	shalt  }
.Lfunc_end2:
_tile_overlayer_lowered:
.L_overlay_start_2:
0x76: {  	(tag) =	ssettag $0x2  }
0x77: {  	s0 =	rddreg [dreg:$0x0];
	s2 =	stileid.u32  }
0x78: {  	s1 =	rddreg [dreg:$0x1];
	p0 =	sne.s32 s2, $0x0  }
0x79: {  	s3 =	rddreg [dreg:$0x2];
	[bflag:$0x3] =	sbarrier.arrive $0xFFFF;
	s2 =	simm.s32 @!p0 $0x1C05  }
0x7a: {  	[timem:s3], [sflag:s2] =	dma.local @!p0 [hbm:s0], s1  }
0x7b: {  	s0 =	simm.s32 @!p0 $0x5  }
0x7c: {  	_ =	swait.ge @!p0 [sflag:s0], s1  }
0x7d: {  	s1 =	ssub.s32 @!p0 $0x0, s1;
	[sflag:s0] =	ssyncset.done @!p0 $0x0  }
0x7e: {  	[sflag:s0] =	ssyncadd.s32 @!p0 s1  }
0x7f: {  	[bflag:$0x3] =	sbarrier.arrive $0xFFFF  }
0x80: {  	_ =	shalt  }

// kernel: kernel.26.cloned.1.call-start
scs
__scs_entry_jumppad:
0x0: {  	(pc) =	sbr.rel $0x88, $3  }
0x1: {  	(tag) =	ssettag $0x0;
	lr =	simm.s32 $0x1  }
0x2: {  	[smem:$0x3F91] =	sst lr;
	_ =	strace $0xD0000000  }
0x3: {  	_ = 	snop  }
0x4: {  	_ = 	snop  }
0x5: {  	_ = 	snop  }
0x6: {  	_ = 	snop  }
0x7: {  	_ = 	snop  }
__scs_overlays_trampoline_lowered:
0x8: {  	[smem:$0x3FA0] =	sst s0  }
0x9: {  	[smem:$0x3FA1] =	sst s1  }
0xa: {  	[smem:$0x3FA2] =	sst s2  }
0xb: {  	[smem:$0x3FA3] =	sst s3  }
0xc: {  	[smem:$0x3FA4] =	sst s4  }
0xd: {  	[smem:$0x3FA5] =	sst s5  }
0xe: {  	[smem:$0x3FA6] =	sst s6  }
0xf: {  	[smem:$0x3FA7] =	sst s7  }
0x10: {  	[smem:$0x3FA8] =	sst s8  }
0x11: {  	[smem:$0x3FA9] =	sst s9;
	s0 =	simm.s32 @!p0 $0x0  }
0x12: {  	s1 =	sld [smem:$0x3F8F];
	s0 =	simm.s32 @p0 $0x1  }
0x13: {  	[smem:$0x3FAA] =	sst s0;
	s0 =	simm.s32 @!p1 $0x0  }
0x14: {  	s2 =	sld [smem:$0x3F8E];
	s0 =	simm.s32 @p1 $0x1  }
0x15: {  	[smem:$0x3FAB] =	sst s0;
	s0 =	simm.s32 @!p2 $0x0  }
0x16: {  	s3 =	sld [smem:$0x3FDB];
	s0 =	simm.s32 @p2 $0x1  }
0x17: {  	s4 =	simm.s32 $0x1BF5;
	[smem:$0x3FAD] =	sst s0  }
0x18: {  	s0 =	sld [smem:$0x3F90];
	_ =	swait.ge [sflag:s4], $0x0  }
0x19: {  	s7 =	sld [smem:$0x3F91]  }
0x1a: {  	s8 =	sadd.s32 $0xFFFFE003, lr  }
0x1b: {  	s9 =	sadd.s32 $0xFFFFFEF7, lr;
	s5 =	simm.s32 $0xFFFFFFFF;
	p2 =	slt.u32 s8, $0xFFFFF086  }
0x1c: {  	p1 =	slt.u32 s9, $0xF7A;
	s5 =	simm.s32 @!p2 $0x0  }
0x1d: {  	s5 =	simm.s32 @p1 $0x1;
	p0 =	seq.s32 s7, s2  }
0x1e: {  	s7 =	smul.u32 @!p0 $0xF7A, s2;
	p2 =	seq.s32 @!p0 s5, $0x0  }
0x1f: {  	s9 =	smul.u32 $0xF7A, s1;
	s8 =	simm.s32 @!p0 $0x1BF5;
	p2 =	por !p2, p0  }
0x20: {  	[sflag:s8] =	ssyncset.s32 @!p0 $0xFFFFF086;
	s6 =	sadd.s32 @!p0 s3, s7;
	s7 =	simm.s32 @!p0 $0x108  }
0x21: {  	s3 =	sadd.s32 s3, s9;
	s6 =	sadd.s32 @!p0 $0x88, s6;
	s7 =	simm.s32 @p2 $0x1082  }
0x22: {  	[simem:s7], [sflag:s8] =	dma.local @!p0 [hbm:s6], $0xF7A  }
0x23: {  	s9 =	sor.u32 $0xD0000000, s2;
	s6 =	simm.s32 $0x108;
	_ =	swait.ge @!p0 [sflag:s8], $0x0  }
0x24: {  	s3 =	sadd.s32 $0x88, s3;
	s6 =	simm.s32 @!p1 $0x1082;
	[sflag:s4] =	ssyncset.s32 $0xFFFFF086  }
0x25: {  	[simem:s6], [sflag:s4] =	dma.local [hbm:s3], $0xF7A  }
0x26: {  	[smem:$0x3F91] =	sst s1;
	(tag) =	ssettag s2;
	_ =	strace s9  }
0x27: {  	s1 =	sld [smem:$0x3FA1]  }
0x28: {  	s2 =	sld [smem:$0x3FA2]  }
0x29: {  	s4 =	sld [smem:$0x3FA4]  }
0x2a: {  	p0 =	seq.s32 s5, $0x0;
	s5 =	sld [smem:$0x3FA5]  }
0x2b: {  	s6 =	sld [smem:$0x3FA6]  }
0x2c: {  	s7 =	sld [smem:$0x3FA7]  }
0x2d: {  	s3 =	simm.s32 $0x108;
	s8 =	sld [smem:$0x3FA8]  }
0x2e: {  	s3 =	simm.s32 @!p0 $0x1082;
	s9 =	sld [smem:$0x3FA9]  }
0x2f: {  	lr =	sadd.s32 s0, s3;
	s0 =	sld [smem:$0x3FA0]  }
0x30: {  	s3 =	sld [smem:$0x3FA3]  }
0x31: {  	[smem:$0x3FAC] =	sst s10  }
0x32: {  	s10 =	sld [smem:$0x3FAA];
	_ =	sdelay $0x3  }
0x33: {  	p0 =	seq.s32 s10, $0x1;
	s10 =	sld [smem:$0x3FAC];
	_ =	sdelay $0x3  }
0x34: {  	[smem:$0x3FAC] =	sst s10  }
0x35: {  	s10 =	sld [smem:$0x3FAB];
	_ =	sdelay $0x3  }
0x36: {  	p1 =	seq.s32 s10, $0x1;
	s10 =	sld [smem:$0x3FAC];
	_ =	sdelay $0x3  }
0x37: {  	[smem:$0x3FAC] =	sst s10  }
0x38: {  	s10 =	sld [smem:$0x3FAD]  }
0x39: {  	_ = 	snop;
	(pc) =	sbr.ind lr, $3  }
0x3a: {  	_ = 	snop  }
0x3b: {  	_ = 	snop  }
0x3c: {  	p2 =	seq.s32 s10, $0x1;
	s10 =	sld [smem:$0x3FAC]  }
0x3d: {  	_ =	shalt  }
0x3e: {  	_ =	shalt  }
0x3f: {  	_ =	shalt  }
0x40: {  	_ =	shalt  }
0x41: {  	_ =	shalt  }
0x42: {  	_ =	shalt  }
0x43: {  	_ =	shalt  }
0x44: {  	_ =	shalt  }
0x45: {  	_ =	shalt  }
0x46: {  	_ =	shalt  }
0x47: {  	_ =	shalt  }
0x48: {  	_ =	shalt  }
0x49: {  	_ =	shalt  }
0x4a: {  	_ =	shalt  }
0x4b: {  	_ =	shalt  }
0x4c: {  	_ =	shalt  }
0x4d: {  	_ =	shalt  }
0x4e: {  	_ =	shalt  }
0x4f: {  	_ =	shalt  }
0x50: {  	_ =	shalt  }
0x51: {  	_ =	shalt  }
0x52: {  	_ =	shalt  }
0x53: {  	_ =	shalt  }
0x54: {  	_ =	shalt  }
0x55: {  	_ =	shalt  }
0x56: {  	_ =	shalt  }
0x57: {  	_ =	shalt  }
0x58: {  	_ =	shalt  }
0x59: {  	_ =	shalt  }
0x5a: {  	_ =	shalt  }
0x5b: {  	_ =	shalt  }
0x5c: {  	_ =	shalt  }
0x5d: {  	_ =	shalt  }
0x5e: {  	_ =	shalt  }
0x5f: {  	_ =	shalt  }
0x60: {  	_ =	shalt  }
0x61: {  	_ =	shalt  }
0x62: {  	_ =	shalt  }
0x63: {  	_ =	shalt  }
0x64: {  	_ =	shalt  }
0x65: {  	_ =	shalt  }
0x66: {  	_ =	shalt  }
0x67: {  	_ =	shalt  }
0x68: {  	_ =	shalt  }
0x69: {  	_ =	shalt  }
0x6a: {  	_ =	shalt  }
0x6b: {  	_ =	shalt  }
0x6c: {  	_ =	shalt  }
0x6d: {  	_ =	shalt  }
0x6e: {  	_ =	shalt  }
0x6f: {  	_ =	shalt  }
0x70: {  	_ =	shalt  }
0x71: {  	_ =	shalt  }
0x72: {  	_ =	shalt  }
0x73: {  	_ =	shalt  }
0x74: {  	_ =	shalt  }
0x75: {  	_ =	shalt  }
0x76: {  	_ =	shalt  }
0x77: {  	_ =	shalt  }
0x78: {  	_ =	shalt  }
0x79: {  	_ =	shalt  }
0x7a: {  	_ =	shalt  }
0x7b: {  	_ =	shalt  }
0x7c: {  	_ =	shalt  }
0x7d: {  	_ =	shalt  }
0x7e: {  	_ =	shalt  }
0x7f: {  	_ =	shalt  }
0x80: {  	_ =	shalt  }
0x81: {  	_ =	shalt  }
0x82: {  	_ =	shalt  }
0x83: {  	_ =	shalt  }
0x84: {  	_ =	shalt  }
0x85: {  	_ =	shalt  }
0x86: {  	_ =	shalt  }
0x87: {  	_ =	shalt  }
.Lfunc_end0:
.L_simem_size_0:
called_computation.4_lowered:
.L_overlay_start_0:
0x88: {  	s2 =	sld [smem:$0x3FD9]  }
0x89: {  	s3 =	sld [smem:$0x3FFE];
	_ =	sdelay $0x1  }
0x8a: {  	s1 =	srdreg.scid  }
0x8b: {  	s0 =	sand.u32 $0x1, s1  }
0x8c: {  	s17 =	sshll.u32 s0, $0xA;
	s2 =	sadd.s32 s3, s2  }
0x8d: {  	s2 =	sadd.s32 s2, s17  }
0x8e: {  	[smem:$0x3FB8] =	sst s2  }
0x8f: {  	_ = 	snop  }
0x90: {  	(tm) =	ssettm $0x1  }
0x91: {  	s18 =	sld [smem:$0x3FFB];
	_ =	sdelay $0x3  }
0x92: {  	_ =	strace s18  }
0x93: {  	s2 =	sld [smem:$0x3FFC];
	_ =	sdelay $0x3  }
0x94: {  	_ =	strace s2  }
0x95: {  	s2 =	sld [smem:$0x3FFD];
	_ =	sdelay $0x3  }
0x96: {  	_ =	strace s2  }
0x97: {  	_ =	strace $0x8FFFFFFF  }
0x98: {  	s19 =	sld [smem:$0x3FDB];
	_ =	sdelay $0x1  }
0x99: {  	s20 =	simm.s32 $_scs_section_size  }
0x9a: {  	s4 =	simm.s32 $_size__tile_overlayer_lowered;
	s5 =	simm.s32 $_tile_overlayer_lowered  }
0x9b: {  	s6 =	simm.s32 $0x1BFF;
	s21 =	sshll.u32 s5, $0x1;
	s3 =	sadd.s32 s20, s19  }
0x9c: {  	s22 =	simm.s32 $0x0;
	s4 =	sshll.u32 s4, $0x1;
	s5 =	sadd.s32 s21, s3  }
0x9d: {  	[timem:s22], [sflag:s6] =	dma.local [hbm:s5], s4  }
0x9e: {  	_ =	swait.ge [sflag:s6], s4  }
0x9f: {  	s4 =	ssub.s32 $0x0, s4;
	[sflag:s6] =	ssyncset.done $0x0  }
0xa0: {  	[sflag:s6] =	ssyncadd.s32 s4;
	_ =	sdelay $0x1  }
0xa1: {  	s23 =	simm.s32 $0x1B8B  }
0xa2: {  	_ =	swait.ge [sflag:s23], $0x1  }
0xa3: {  	[sflag:s23] =	ssyncset.done $0x0  }
0xa4: {  	[sflag:s23] =	ssyncadd.s32 $0xFFFFFFFF  }
0xa5: {  	s4 =	sld [smem:$0x0]  }
0xa6: {  	s5 =	sand.u32 $0xFFFFFFFE, s1  }
0xa7: {  	p0 =	sne.s32 s1, s5  }
0xa8: {  	s5 =	sshll.u32 @p0 s5, $0xE  }
0xa9: {  	s5 =	sadd.s32 @p0 $0x11B8D, s5;
	s6 =	sshll.u32 @p0 s4, $0x11  }
0xaa: {  	s5 =	sor.u32 @p0 s6, s5  }
0xab: {  	[sflag:s5] =	ssyncadd.remote.s32 @p0 $0x1;
	_ =	sdelay $0x1  }
0xac: {  	s5 =	simm.s32 @p0 $0x1B8D  }
0xad: {  	_ =	swait.eq @p0 [sflag:s5], $0x1  }
0xae: {  	[sflag:s5] =	ssyncadd.s32 @p0 $0xFFFFFFFF  }
0xaf: {  	s6 =	sshll.u32 @!p0 s1, $0xE  }
0xb0: {  	s6 =	sor.u32 @!p0 $0x4000, s6;
	s5 =	simm.s32 @!p0 $0x1B8D  }
0xb1: {  	s4 =	sshll.u32 @!p0 s4, $0x11;
	s6 =	sadd.s32 @!p0 $0x11B8D, s6;
	_ =	swait.eq @!p0 [sflag:s5], $0x1  }
0xb2: {  	s4 =	sor.u32 @!p0 s4, s6;
	[sflag:s5] =	ssyncadd.s32 @!p0 $0xFFFFFFFF  }
0xb3: {  	s25 =	simm.s32 $0x1B8E;
	s24 =	sld [smem:$0x3FFE];
	[sflag:s4] =	ssyncadd.remote.s32 @!p0 $0x1  }
0xb4: {  	s26 =	simm.s32 $execute0_lowered;
	[smem:$0x3FD2] =	sst s25  }
0xb5: {  	s5 =	sshll.u32 s26, $0x1;
	_ =	strace $0x8000004F;
	[dreg:$0x1] =	wrdreg $0xFFFFFFFF  }
0xb6: {  	s28 =	simm.s32 $_size_execute0_lowered;
	s3 =	sadd.s32 s3, s5;
	[dreg:$0x0] =	wrdreg $0x0  }
0xb7: {  	s5 =	sshll.u32 s28, $0x1;
	[dreg:$0x2] =	wrdreg s3  }
0xb8: {  	[dreg:$0x3] =	wrdreg s5  }
0xb9: {  	[dreg:$0x4] =	wrdreg $0xC0  }
0xba: {  	_ =	task [dreg:s22], $0x5FFFF  }
0xbb: {  	[dreg:$0x1] =	wrdreg $0xFFFFFFFF  }
0xbc: {  	[dreg:$0x0] =	wrdreg $0x60  }
0xbd: {  	[dreg:$0x2] =	wrdreg s24  }
0xbe: {  	[dreg:$0x3] =	wrdreg $0x98000  }
0xbf: {  	[dreg:$0x4] =	wrdreg $0xB  }
0xc0: {  	_ =	task.clear_ibuf [dreg:s22], $0x5FFFF;
	_ =	strace $0x9000004F  }
0xc1: {  	s29 =	simm.s32 $0xB;
	_ =	strace $0x80000051  }
0xc2: {  	_ =	swait.ge [sflag:s29], $0x1  }
0xc3: {  	[sflag:s29] =	ssyncadd.s32 $0xFFFFFFFF  }
0xc4: {  	_ =	strace $0x90000051  }
0xc5: {  	_ =	sfence  }
0xc6: {  	s30 =	sld [smem:$0x0];
	_ =	sdelay $0x2  }
0xc7: {  	s31 =	sshll.u32 s1, $0xD;
	s1 =	sshrl.u32 s1, $0x2  }
0xc8: {  	s4 =	sand.u32 $0x4000, s31;
	s1 =	sadd.s32 s1, s30  }
0xc9: {  	s0 =	sor.u32 s4, s0;
	s1 =	sshll.u32 s1, $0x11  }
0xca: {  	s0 =	sor.u32 s1, s0  }
0xcb: {  	s0 =	sadd.s32 $0x8F2B, s0  }
0xcc: {  	[sflag:s0] =	ssyncadd.remote.s32 $0x1  }
0xcd: {  	_ =	sfence.sel $0xFFFF  }
0xce: {  	[dreg:$0x0] =	wrdreg $0xFFFFFFFF;
	(pc) =	sbr.abs _section_cstart, $3  }
0xcf: {  	[dreg:$0x1] =	wrdreg $0xFFFFFFFF  }
0xd0: {  	_ =	task.clear_ibuf [dreg:s22], $0x2FFFF;
	_ =	strace $0x9FFFFFFF  }
0xd1: {  	(tm) =	ssettm $0x7FFFFFFF  }
tec
execute0_lowered:
.L_overlay_start_1:
0x0: {  	(tag) =	ssettag $0x1  }
0x1: {  	s0 =	rddreg [dreg:$0x0]  }
0x2: {  	s1 =	srdreg.scid;
	s22 =	stileid.u32  }
0x3: {  	s2 =	rddreg [dreg:$0x1];
	s3 =	simm.s32 $0x0;
	s28 =	simm.s32 $0x0  }
0x4: {  	s1 =	sand.u32 $0x1, s1;
	s4 =	sshll.u32 s22, $0x1;
	s5 =	smul.u32 $0x4E000, s22  }
0x5: {  	[smem:$0x7FF] =	sst s3;
	s18 =	sadd.s32 $0x7F4600, s0;
	s7 =	smul.u32 $0x270, s22  }
0x6: {  	s8 =	sadd.s32 $0x4FA600, s0;
	s16 =	sadd.s32 $0x548800, s0;
	s19 =	sshll.u32 s22, $0x6  }
0x7: {  	s23 =	sadd.s32 $0x138000, s2;
	s29 =	smul.u32 $0xF000, s22;
	p0 =	sne.s32 s22, $0xF  }
0x8: {  	p1 =	sgt.u32 s22, $0x9;
	s12 =	sor.u32 s1, s4;
	s6 =	smul.u32 $0x2710, s1  }
0x9: {  	_ =	strace $0x80000050;
	s13 =	ssub.s32 $0x2, s1;
	s14 =	smul.u32 $0x138800, s1  }
0xa: {  	[dreg:$0x5] =	wrdreg s23;
	s23 =	simm.s32 $0x5800;
	s4 =	smul.u32 $0xF0, s12  }
0xb: {  	s10 =	sshrl.u32 s13, $0x1;
	s5 =	sshrl.u32 s5, $0x2;
	s20 =	smul.u32 $0x3C000, s12  }
0xc: {  	s11 =	ssub.s32 $0x0, s12;
	s25 =	sshll.u32 s12, $0xB;
	s26 =	sshll.u32 s12, $0x7  }
0xd: {  	s31 =	sadd.s32 s29, s18;
	s6 =	sadd.s32 s7, s6;
	s17 =	ssub.s32 s13, s10  }
0xe: {  	s15 =	sadd.s32 s5, s2;
	s7 =	sshrl.u32 s14, $0x3;
	s14 =	sand.u32 $0x7, s11  }
0xf: {  	s4 =	sand.u32 $0x1F80, s4;
	[dreg:$0x3] =	wrdreg s15;
	s15 =	sshll.u32 s6, $0x4  }
0x10: {  	s6 =	sor.u32 $0x1C03, s19;
	s19 =	sadd.s32 $0x27000, s7;
	s10 =	sshrl.u32 s20, $0x3  }
0x11: {  	s24 =	sshll.u32 s14, $0x7;
	s20 =	smul.u32 $0x1E, s22;
	s14 =	sadd.s32 $0xC00, s26  }
0x12: {  	s17 =	smax.u32 s17, $0x1;
	s22 =	simm.s32 $0x1800;
	s26 =	simm.s32 $0x2  }
0x13: {  	s9 =	sadd.s32 s4, s0;
	s21 =	sadd.s32 s8, s15;
	s8 =	sadd.s32 s8, s19  }
0x14: {  	s13 =	sadd.s32 s18, s10;
	s10 =	sadd.s32 $0x7F4400, s0;
	s12 =	sadd.s32 $0x700, s24  }
0x15: {  	s15 =	sadd.s32 s16, s15;
	[dreg:$0x4] =	wrdreg s21;
	s21 =	smul.u32 $0xF, s1  }
0x16: {  	s16 =	sadd.s32 s16, s19;
	s9 =	sadd.s32 $0x7F2600, s9;
	s11 =	sadd.s32 $0x7000, s13  }
0x17: {  	s13 =	sadd.s32 s25, s18;
	s1 =	smul.u32 $0x7800, s1;
	s20 =	sadd.s32 s21, s20  }
0x18: {  	s25 =	simm.s32 $0x80;
	s13 =	sadd.s32 $0xF0000, s13;
	s30 =	sshll.u32 s20, $0xB  }
0x19: {  	s21 =	simm.s32 $0x3;
	s20 =	sadd.s32 s1, s31;
	s19 =	sadd.s32 s18, s30  }
0x1a: {  	s18 =	sadd.s32 $0x800, s19;
	s19 =	sadd.s32 $0x80, s24;
	s24 =	simm.s32 $0x1  }
.LBB2_1:
0x1b: {  	s0 =	rddreg [dreg:$0x3]  }
0x1c: {  	s1 =	rddreg [dreg:$0x4];
	s29 =	sshrl.u32 s0, $0x3  }
0x1d: {  	[spmem:s29], [sflag:s6] =	dma.local [hbm:s1], $0x2700  }
0x1e: {  	_ =	swait.ge [sflag:s21], $0x2700  }
0x1f: {  	[sflag:s21] =	ssyncset.done $0x0;
	s0 =	rddreg [dreg:$0x5]  }
0x20: {  	[sflag:s21] =	ssyncadd.s32 $0xFFFFD900;
	s30 =	sshrl.u32 @!p0 s0, $0x3;
	s0 =	simm.s32 @!p0 $0x3  }
0x21: {  	[spmem:s30], [sflag:s6] =	dma.local @!p0 [hbm:s8], $0x100  }
0x22: {  	_ =	swait.ge @!p0 [sflag:s0], $0x100  }
0x23: {  	[sflag:s0] =	ssyncset.done @!p0 $0x0  }
0x24: {  	[sflag:s0] =	ssyncadd.s32 @!p0 $0xFFFFFF00  }
0x25: {  	[tilespmem:s3], [sflag:$0x3] =	stream.linear.gather [hbm4b:s9+s3], $0xC00, $0x38;
	[tilespmem:$0x1D080] =	vst v63  }
0x26: {  	_ =	swait.ge [sflag:s21], $0xC00  }
0x27: {  	[sflag:s21] =	ssyncset.done $0x0  }
0x28: {  	s1 =	simm.s32 @!p1 $0xC00;
	s0 =	simm.s32 @!p1 $0x0;
	[sflag:s21] =	ssyncadd.s32 $0xFFFFF400  }
0x29: {  	[tilespmem:s1], [sflag:$0x3] =	stream.linear.gather @!p1 [hbm4b:s10+s0], $0xC00, $0x38;
	[tilespmem:$0x1D080] =	vst v63  }
0x2a: {  	s0 =	simm.s32 @!p1 $0x3  }
0x2b: {  	_ =	swait.ge @!p1 [sflag:s0], $0xC00  }
0x2c: {  	[sflag:s0] =	ssyncset.done @!p1 $0x0  }
0x2d: {  	[sflag:s0] =	ssyncadd.s32 @!p1 $0xFFFFF400  }
0x2e: {  	s4 =	sadd.s32 $0x0, s20;
	[bflag:$0x0] =	sbarrier.arrive $0xFFFF  }
0x2f: {  	[tilespmem:s22], [sflag:$0x1] =	stream.linear.gather [hbm4b:s4+s3], $0x4000, $0x38;
	[tilespmem:$0x1D080] =	vst v63  }
0x30: {  	s5 =	sadd.s32 $0x0, s18  }
0x31: {  	[tilespmem:s23], [sflag:$0x2] =	stream.linear.gather [hbm4b:s5+s3], $0x4000, $0x38;
	[tilespmem:$0x1D080] =	vst v63  }
0x32: {  	_ =	swait.ge [sflag:s24], $0x4000  }
0x33: {  	[sflag:s24] =	ssyncset.done $0x0  }
0x34: {  	s7 =	sadd.s32 $0xFFFFFF80, s19;
	[sflag:s24] =	ssyncadd.s32 $0xFFFFC000  }
0x35: {  	[spmem:s2] =	stream.indirect.scatter.add.f32 [tilespmem:s22], [sflag:$0x3], $0x80, s7, s25, $0xb8;
	[tilespmem:$0x1D080] =	vst v63  }
0x36: {  	_ =	swait.ge [sflag:s21], $0x4000  }
0x37: {  	[sflag:s21] =	ssyncset.done $0x0  }
0x38: {  	[sflag:s21] =	ssyncadd.s32 $0xFFFFC000  }
0x39: {  	_ =	swait.ge [sflag:s26], $0x4000  }
0x3a: {  	[sflag:s26] =	ssyncset.done $0x0  }
0x3b: {  	[sflag:s26] =	ssyncadd.s32 $0xFFFFC000  }
0x3c: {  	[spmem:s2] =	stream.indirect.scatter.add.f32 [tilespmem:s23], [sflag:$0x3], $0x80, s19, s25, $0xb8;
	[tilespmem:$0x1D080] =	vst v63  }
0x3d: {  	s31 =	sadd.s32 $0x100, s19;
	_ =	swait.ge [sflag:s21], $0x4000  }
0x3e: {  	s1 =	simm.s32 $0x1000;
	s0 =	simm.s32 $0x2000;
	[sflag:s21] =	ssyncset.done $0x0  }
.LBB2_2:
0x3f: {  	s4 =	sadd.s32 s1, s20  }
0x40: {  	[sflag:s21] =	ssyncadd.s32 $0xFFFFC000;
	s5 =	smov.u32 s0;
	s7 =	sadd.s32 $0x1000, s0  }
0x41: {  	[tilespmem:s22], [sflag:$0x1] =	stream.linear.gather [hbm4b:s4+s3], $0x4000, $0x38;
	[tilespmem:$0x1D080] =	vst v63  }
0x42: {  	p2 =	sne.s32 s0, $0x6000;
	s0 =	sadd.s32 s1, s18;
	s1 =	smov.u32 s5  }
0x43: {  	[tilespmem:s23], [sflag:$0x2] =	stream.linear.gather [hbm4b:s0+s3], $0x4000, $0x38;
	[tilespmem:$0x1D080] =	vst v63  }
0x44: {  	_ =	swait.ge [sflag:s24], $0x4000  }
0x45: {  	[sflag:s24] =	ssyncset.done $0x0  }
0x46: {  	s0 =	sadd.s32 $0xFFFFFF80, s31;
	[sflag:s24] =	ssyncadd.s32 $0xFFFFC000  }
0x47: {  	[spmem:s2] =	stream.indirect.scatter.add.f32 [tilespmem:s22], [sflag:$0x3], $0x80, s0, s25, $0xb8;
	[tilespmem:$0x1D080] =	vst v63  }
0x48: {  	_ =	swait.ge [sflag:s21], $0x4000  }
0x49: {  	[sflag:s21] =	ssyncset.done $0x0  }
0x4a: {  	[sflag:s21] =	ssyncadd.s32 $0xFFFFC000  }
0x4b: {  	_ =	swait.ge [sflag:s26], $0x4000  }
.Ltmp0:
0x4c: {  	[sflag:s26] =	ssyncset.done $0x0;
	(pc) =	sbr.rel @p2 .LBB2_2-.Ltmp0, $4  }
0x4d: {  	[sflag:s26] =	ssyncadd.s32 $0xFFFFC000  }
0x4e: {  	[spmem:s2] =	stream.indirect.scatter.add.f32 [tilespmem:s23], [sflag:$0x3], $0x80, s31, s25, $0xb8;
	[tilespmem:$0x1D080] =	vst v63  }
0x4f: {  	_ =	swait.ge [sflag:s21], $0x4000  }
0x50: {  	s0 =	smov.u32 s7;
	s31 =	sadd.s32 $0x100, s31;
	[sflag:s21] =	ssyncset.done $0x0  }
0x51: {  	s0 =	sadd.s32 s1, s20;
	[sflag:s21] =	ssyncadd.s32 $0xFFFFC000  }
0x52: {  	[tilespmem:s22], [sflag:$0x1] =	stream.linear.gather [hbm4b:s0+s3], $0x4000, $0x38;
	[tilespmem:$0x1D080] =	vst v63  }
0x53: {  	s5 =	sadd.s32 s1, s18  }
0x54: {  	[tilespmem:s23], [sflag:$0x2] =	stream.linear.gather [hbm4b:s5+s3], $0x4000, $0x38;
	[tilespmem:$0x1D080] =	vst v63  }
0x55: {  	_ =	swait.ge [sflag:s24], $0x4000  }
0x56: {  	[sflag:s24] =	ssyncset.done $0x0  }
0x57: {  	s7 =	sadd.s32 $0xFFFFFF80, s31;
	[sflag:s24] =	ssyncadd.s32 $0xFFFFC000  }
0x58: {  	[spmem:s2] =	stream.indirect.scatter.add.f32 [tilespmem:s22], [sflag:$0x3], $0x80, s7, s25, $0xb8;
	[tilespmem:$0x1D080] =	vst v63  }
0x59: {  	_ =	swait.ge [sflag:s21], $0x4000  }
0x5a: {  	[sflag:s21] =	ssyncset.done $0x0  }
0x5b: {  	[sflag:s21] =	ssyncadd.s32 $0xFFFFC000  }
0x5c: {  	_ =	swait.ge [sflag:s26], $0x4000  }
0x5d: {  	[sflag:s26] =	ssyncset.done $0x0  }
0x5e: {  	[sflag:s26] =	ssyncadd.s32 $0xFFFFC000  }
0x5f: {  	[spmem:s2] =	stream.indirect.scatter.add.f32 [tilespmem:s23], [sflag:$0x3], $0x80, s31, s25, $0xb8;
	[tilespmem:$0x1D080] =	vst v63  }
0x60: {  	_ =	swait.ge [sflag:s21], $0x4000  }
0x61: {  	[sflag:s21] =	ssyncset.done $0x0  }
0x62: {  	[sflag:s21] =	ssyncadd.s32 $0xFFFFC000  }
0x63: {  	[tilespmem:s22], [sflag:$0x1] =	stream.linear.gather [hbm4b:s11+s3], $0x4000, $0x38;
	[tilespmem:$0x1D080] =	vst v63  }
0x64: {  	_ =	swait.ge [sflag:s24], $0x4000  }
0x65: {  	[sflag:s24] =	ssyncset.done $0x0  }
0x66: {  	[sflag:s24] =	ssyncadd.s32 $0xFFFFC000  }
0x67: {  	[spmem:s2] =	stream.indirect.scatter.add.f32 [tilespmem:s22], [sflag:$0x3], $0x80, s12, s25, $0xb8;
	[tilespmem:$0x1D080] =	vst v63  }
0x68: {  	_ =	swait.ge [sflag:s21], $0x4000  }
0x69: {  	[sflag:s21] =	ssyncset.done $0x0  }
0x6a: {  	s1 =	simm.s32 @!p1 $0x5800;
	s0 =	simm.s32 @!p1 $0x0;
	[sflag:s21] =	ssyncadd.s32 $0xFFFFC000  }
0x6b: {  	[tilespmem:s1], [sflag:$0x2] =	stream.linear.gather @!p1 [hbm4b:s13+s0], $0x4000, $0x38;
	[tilespmem:$0x1D080] =	vst v63  }
0x6c: {  	s0 =	simm.s32 @!p1 $0x2  }
0x6d: {  	_ =	swait.ge @!p1 [sflag:s0], $0x4000  }
0x6e: {  	[sflag:s0] =	ssyncset.done @!p1 $0x0  }
0x6f: {  	[sflag:s0] =	ssyncadd.s32 @!p1 $0xFFFFC000;
	s0 =	simm.s32 @!p1 $0x80  }
0x70: {  	[spmem:s2] =	stream.indirect.scatter.add.f32 @!p1 [tilespmem:s1], [sflag:$0x3], $0x80, s14, s0, $0xb8;
	[tilespmem:$0x1D080] =	vst v63  }
0x71: {  	s0 =	simm.s32 @!p1 $0x3  }
0x72: {  	_ =	swait.ge @!p1 [sflag:s0], $0x4000  }
0x73: {  	[sflag:s0] =	ssyncset.done @!p1 $0x0  }
0x74: {  	[sflag:s0] =	ssyncadd.s32 @!p1 $0xFFFFC000  }
0x75: {  	[bflag:$0x0] =	sbarrier.arrive $0xFFFF  }
0x76: {  	[hbm:s15], [sflag:s6] =	dma.local [spmem:s29], $0x2700  }
0x77: {  	s28 =	sadd.s32 $0x1, s28;
	_ =	swait.ge [sflag:s21], $0x2700  }
0x78: {  	p2 =	sne.s32 s28, s17;
	[sflag:s21] =	ssyncset.done $0x0  }
.Ltmp1:
0x79: {  	s0 =	simm.s32 @!p0 $0x3;
	[sflag:s21] =	ssyncadd.s32 $0xFFFFD900;
	(pc) =	sbr.rel @p2 .LBB2_1-.Ltmp1, $4  }
0x7a: {  	[hbm:s16], [sflag:s6] =	dma.local @!p0 [spmem:s30], $0x100  }
0x7b: {  	_ =	swait.ge @!p0 [sflag:s0], $0x100  }
0x7c: {  	[sflag:s0] =	ssyncset.done @!p0 $0x0  }
0x7d: {  	[sflag:s0] =	ssyncadd.s32 @!p0 $0xFFFFFF00  }
0x7e: {  	_ =	sfence.sel $0x180000  }
0x7f: {  	[bflag:$0x0] =	sbarrier.arrive $0xFFFF  }
0x80: {  	_ =	strace $0x90000050  }
0x81: {  	s0 =	stileid.u32;
	[bflag:$0x2] =	sbarrier.arrive $0xFFFF  }
0x82: {  	p0 =	sne.s32 s0, $0x0;
	s0 =	rddreg [dreg:$0x2]  }
0x83: {  	s0 =	sadd.s32 @!p0 $0x100000, s0  }
0x84: {  	[sflag:s0] =	ssyncadd.tile.s32 @!p0 $0x1;
	_ =	shalt  }
.Lfunc_end2:
_tile_overlayer_lowered:
.L_overlay_start_2:
0x85: {  	(tag) =	ssettag $0x2  }
0x86: {  	s0 =	rddreg [dreg:$0x0];
	s2 =	stileid.u32  }
0x87: {  	s1 =	rddreg [dreg:$0x1];
	p0 =	sne.s32 s2, $0x0  }
0x88: {  	s3 =	rddreg [dreg:$0x2];
	[bflag:$0x3] =	sbarrier.arrive $0xFFFF;
	s2 =	simm.s32 @!p0 $0x1C03  }
0x89: {  	[timem:s3], [sflag:s2] =	dma.local @!p0 [hbm:s0], s1  }
0x8a: {  	s0 =	simm.s32 @!p0 $0x3  }
0x8b: {  	_ =	swait.ge @!p0 [sflag:s0], s1  }
0x8c: {  	s1 =	ssub.s32 @!p0 $0x0, s1;
	[sflag:s0] =	ssyncset.done @!p0 $0x0  }
0x8d: {  	[sflag:s0] =	ssyncadd.s32 @!p0 s1  }
0x8e: {  	[bflag:$0x3] =	sbarrier.arrive $0xFFFF  }
0x8f: {  	_ =	shalt  }

// kernel: kernel.29.cloned.1.call-start
scs
__scs_entry_jumppad:
0x0: {  	(pc) =	sbr.rel $0x88, $3  }
0x1: {  	(tag) =	ssettag $0x0;
	lr =	simm.s32 $0x1  }
0x2: {  	[smem:$0x3F91] =	sst lr;
	_ =	strace $0xD0000000  }
0x3: {  	_ = 	snop  }
0x4: {  	_ = 	snop  }
0x5: {  	_ = 	snop  }
0x6: {  	_ = 	snop  }
0x7: {  	_ = 	snop  }
__scs_overlays_trampoline_lowered:
0x8: {  	[smem:$0x3FA0] =	sst s0  }
0x9: {  	[smem:$0x3FA1] =	sst s1  }
0xa: {  	[smem:$0x3FA2] =	sst s2  }
0xb: {  	[smem:$0x3FA3] =	sst s3  }
0xc: {  	[smem:$0x3FA4] =	sst s4  }
0xd: {  	[smem:$0x3FA5] =	sst s5  }
0xe: {  	[smem:$0x3FA6] =	sst s6  }
0xf: {  	[smem:$0x3FA7] =	sst s7  }
0x10: {  	[smem:$0x3FA8] =	sst s8  }
0x11: {  	[smem:$0x3FA9] =	sst s9;
	s0 =	simm.s32 @!p0 $0x0  }
0x12: {  	s1 =	sld [smem:$0x3F8F];
	s0 =	simm.s32 @p0 $0x1  }
0x13: {  	[smem:$0x3FAA] =	sst s0;
	s0 =	simm.s32 @!p1 $0x0  }
0x14: {  	s2 =	sld [smem:$0x3F8E];
	s0 =	simm.s32 @p1 $0x1  }
0x15: {  	[smem:$0x3FAB] =	sst s0;
	s0 =	simm.s32 @!p2 $0x0  }
0x16: {  	s3 =	sld [smem:$0x3FDB];
	s0 =	simm.s32 @p2 $0x1  }
0x17: {  	s4 =	simm.s32 $0x1BF5;
	[smem:$0x3FAD] =	sst s0  }
0x18: {  	s0 =	sld [smem:$0x3F90];
	_ =	swait.ge [sflag:s4], $0x0  }
0x19: {  	s7 =	sld [smem:$0x3F91]  }
0x1a: {  	s8 =	sadd.s32 $0xFFFFE003, lr  }
0x1b: {  	s9 =	sadd.s32 $0xFFFFFEF7, lr;
	s5 =	simm.s32 $0xFFFFFFFF;
	p2 =	slt.u32 s8, $0xFFFFF086  }
0x1c: {  	p1 =	slt.u32 s9, $0xF7A;
	s5 =	simm.s32 @!p2 $0x0  }
0x1d: {  	s5 =	simm.s32 @p1 $0x1;
	p0 =	seq.s32 s7, s2  }
0x1e: {  	s7 =	smul.u32 @!p0 $0xF7A, s2;
	p2 =	seq.s32 @!p0 s5, $0x0  }
0x1f: {  	s9 =	smul.u32 $0xF7A, s1;
	s8 =	simm.s32 @!p0 $0x1BF5;
	p2 =	por !p2, p0  }
0x20: {  	[sflag:s8] =	ssyncset.s32 @!p0 $0xFFFFF086;
	s6 =	sadd.s32 @!p0 s3, s7;
	s7 =	simm.s32 @!p0 $0x108  }
0x21: {  	s3 =	sadd.s32 s3, s9;
	s6 =	sadd.s32 @!p0 $0x88, s6;
	s7 =	simm.s32 @p2 $0x1082  }
0x22: {  	[simem:s7], [sflag:s8] =	dma.local @!p0 [hbm:s6], $0xF7A  }
0x23: {  	s9 =	sor.u32 $0xD0000000, s2;
	s6 =	simm.s32 $0x108;
	_ =	swait.ge @!p0 [sflag:s8], $0x0  }
0x24: {  	s3 =	sadd.s32 $0x88, s3;
	s6 =	simm.s32 @!p1 $0x1082;
	[sflag:s4] =	ssyncset.s32 $0xFFFFF086  }
0x25: {  	[simem:s6], [sflag:s4] =	dma.local [hbm:s3], $0xF7A  }
0x26: {  	[smem:$0x3F91] =	sst s1;
	(tag) =	ssettag s2;
	_ =	strace s9  }
0x27: {  	s1 =	sld [smem:$0x3FA1]  }
0x28: {  	s2 =	sld [smem:$0x3FA2]  }
0x29: {  	s4 =	sld [smem:$0x3FA4]  }
0x2a: {  	p0 =	seq.s32 s5, $0x0;
	s5 =	sld [smem:$0x3FA5]  }
0x2b: {  	s6 =	sld [smem:$0x3FA6]  }
0x2c: {  	s7 =	sld [smem:$0x3FA7]  }
0x2d: {  	s3 =	simm.s32 $0x108;
	s8 =	sld [smem:$0x3FA8]  }
0x2e: {  	s3 =	simm.s32 @!p0 $0x1082;
	s9 =	sld [smem:$0x3FA9]  }
0x2f: {  	lr =	sadd.s32 s0, s3;
	s0 =	sld [smem:$0x3FA0]  }
0x30: {  	s3 =	sld [smem:$0x3FA3]  }
0x31: {  	[smem:$0x3FAC] =	sst s10  }
0x32: {  	s10 =	sld [smem:$0x3FAA];
	_ =	sdelay $0x3  }
0x33: {  	p0 =	seq.s32 s10, $0x1;
	s10 =	sld [smem:$0x3FAC];
	_ =	sdelay $0x3  }
0x34: {  	[smem:$0x3FAC] =	sst s10  }
0x35: {  	s10 =	sld [smem:$0x3FAB];
	_ =	sdelay $0x3  }
0x36: {  	p1 =	seq.s32 s10, $0x1;
	s10 =	sld [smem:$0x3FAC];
	_ =	sdelay $0x3  }
0x37: {  	[smem:$0x3FAC] =	sst s10  }
0x38: {  	s10 =	sld [smem:$0x3FAD]  }
0x39: {  	_ = 	snop;
	(pc) =	sbr.ind lr, $3  }
0x3a: {  	_ = 	snop  }
0x3b: {  	_ = 	snop  }
0x3c: {  	p2 =	seq.s32 s10, $0x1;
	s10 =	sld [smem:$0x3FAC]  }
0x3d: {  	_ =	shalt  }
0x3e: {  	_ =	shalt  }
0x3f: {  	_ =	shalt  }
0x40: {  	_ =	shalt  }
0x41: {  	_ =	shalt  }
0x42: {  	_ =	shalt  }
0x43: {  	_ =	shalt  }
0x44: {  	_ =	shalt  }
0x45: {  	_ =	shalt  }
0x46: {  	_ =	shalt  }
0x47: {  	_ =	shalt  }
0x48: {  	_ =	shalt  }
0x49: {  	_ =	shalt  }
0x4a: {  	_ =	shalt  }
0x4b: {  	_ =	shalt  }
0x4c: {  	_ =	shalt  }
0x4d: {  	_ =	shalt  }
0x4e: {  	_ =	shalt  }
0x4f: {  	_ =	shalt  }
0x50: {  	_ =	shalt  }
0x51: {  	_ =	shalt  }
0x52: {  	_ =	shalt  }
0x53: {  	_ =	shalt  }
0x54: {  	_ =	shalt  }
0x55: {  	_ =	shalt  }
0x56: {  	_ =	shalt  }
0x57: {  	_ =	shalt  }
0x58: {  	_ =	shalt  }
0x59: {  	_ =	shalt  }
0x5a: {  	_ =	shalt  }
0x5b: {  	_ =	shalt  }
0x5c: {  	_ =	shalt  }
0x5d: {  	_ =	shalt  }
0x5e: {  	_ =	shalt  }
0x5f: {  	_ =	shalt  }
0x60: {  	_ =	shalt  }
0x61: {  	_ =	shalt  }
0x62: {  	_ =	shalt  }
0x63: {  	_ =	shalt  }
0x64: {  	_ =	shalt  }
0x65: {  	_ =	shalt  }
0x66: {  	_ =	shalt  }
0x67: {  	_ =	shalt  }
0x68: {  	_ =	shalt  }
0x69: {  	_ =	shalt  }
0x6a: {  	_ =	shalt  }
0x6b: {  	_ =	shalt  }
0x6c: {  	_ =	shalt  }
0x6d: {  	_ =	shalt  }
0x6e: {  	_ =	shalt  }
0x6f: {  	_ =	shalt  }
0x70: {  	_ =	shalt  }
0x71: {  	_ =	shalt  }
0x72: {  	_ =	shalt  }
0x73: {  	_ =	shalt  }
0x74: {  	_ =	shalt  }
0x75: {  	_ =	shalt  }
0x76: {  	_ =	shalt  }
0x77: {  	_ =	shalt  }
0x78: {  	_ =	shalt  }
0x79: {  	_ =	shalt  }
0x7a: {  	_ =	shalt  }
0x7b: {  	_ =	shalt  }
0x7c: {  	_ =	shalt  }
0x7d: {  	_ =	shalt  }
0x7e: {  	_ =	shalt  }
0x7f: {  	_ =	shalt  }
0x80: {  	_ =	shalt  }
0x81: {  	_ =	shalt  }
0x82: {  	_ =	shalt  }
0x83: {  	_ =	shalt  }
0x84: {  	_ =	shalt  }
0x85: {  	_ =	shalt  }
0x86: {  	_ =	shalt  }
0x87: {  	_ =	shalt  }
.Lfunc_end0:
.L_simem_size_0:
called_computation.5_lowered:
.L_overlay_start_0:
0x88: {  	s2 =	sld [smem:$0x3FD9]  }
0x89: {  	s3 =	sld [smem:$0x3FFE];
	_ =	sdelay $0x1  }
0x8a: {  	s1 =	srdreg.scid  }
0x8b: {  	s0 =	sand.u32 $0x1, s1  }
0x8c: {  	s17 =	sshll.u32 s0, $0xA;
	s2 =	sadd.s32 s3, s2  }
0x8d: {  	s2 =	sadd.s32 s2, s17  }
0x8e: {  	[smem:$0x3FB8] =	sst s2  }
0x8f: {  	_ = 	snop  }
0x90: {  	(tm) =	ssettm $0x1  }
0x91: {  	s18 =	sld [smem:$0x3FFB];
	_ =	sdelay $0x3  }
0x92: {  	_ =	strace s18  }
0x93: {  	s2 =	sld [smem:$0x3FFC];
	_ =	sdelay $0x3  }
0x94: {  	_ =	strace s2  }
0x95: {  	s2 =	sld [smem:$0x3FFD];
	_ =	sdelay $0x3  }
0x96: {  	_ =	strace s2  }
0x97: {  	_ =	strace $0x8FFFFFFF  }
0x98: {  	s19 =	sld [smem:$0x3FDB];
	_ =	sdelay $0x1  }
0x99: {  	s20 =	simm.s32 $_scs_section_size  }
0x9a: {  	s4 =	simm.s32 $_size__tile_overlayer_lowered;
	s5 =	simm.s32 $_tile_overlayer_lowered  }
0x9b: {  	s6 =	simm.s32 $0x1BFF;
	s21 =	sshll.u32 s5, $0x1;
	s3 =	sadd.s32 s20, s19  }
0x9c: {  	s22 =	simm.s32 $0x0;
	s4 =	sshll.u32 s4, $0x1;
	s5 =	sadd.s32 s21, s3  }
0x9d: {  	[timem:s22], [sflag:s6] =	dma.local [hbm:s5], s4  }
0x9e: {  	_ =	swait.ge [sflag:s6], s4  }
0x9f: {  	s4 =	ssub.s32 $0x0, s4;
	[sflag:s6] =	ssyncset.done $0x0  }
0xa0: {  	[sflag:s6] =	ssyncadd.s32 s4;
	_ =	sdelay $0x1  }
0xa1: {  	s23 =	simm.s32 $0x1B8B  }
0xa2: {  	_ =	swait.ge [sflag:s23], $0x1  }
0xa3: {  	[sflag:s23] =	ssyncset.done $0x0  }
0xa4: {  	[sflag:s23] =	ssyncadd.s32 $0xFFFFFFFF  }
0xa5: {  	s4 =	sld [smem:$0x0]  }
0xa6: {  	s5 =	sand.u32 $0xFFFFFFFE, s1  }
0xa7: {  	p0 =	sne.s32 s1, s5  }
0xa8: {  	s5 =	sshll.u32 @p0 s5, $0xE  }
0xa9: {  	s5 =	sadd.s32 @p0 $0x11B8D, s5;
	s6 =	sshll.u32 @p0 s4, $0x11  }
0xaa: {  	s5 =	sor.u32 @p0 s6, s5  }
0xab: {  	[sflag:s5] =	ssyncadd.remote.s32 @p0 $0x1;
	_ =	sdelay $0x1  }
0xac: {  	s5 =	simm.s32 @p0 $0x1B8D  }
0xad: {  	_ =	swait.eq @p0 [sflag:s5], $0x1  }
0xae: {  	[sflag:s5] =	ssyncadd.s32 @p0 $0xFFFFFFFF  }
0xaf: {  	s6 =	sshll.u32 @!p0 s1, $0xE  }
0xb0: {  	s6 =	sor.u32 @!p0 $0x4000, s6;
	s5 =	simm.s32 @!p0 $0x1B8D  }
0xb1: {  	s4 =	sshll.u32 @!p0 s4, $0x11;
	s6 =	sadd.s32 @!p0 $0x11B8D, s6;
	_ =	swait.eq @!p0 [sflag:s5], $0x1  }
0xb2: {  	s4 =	sor.u32 @!p0 s4, s6;
	[sflag:s5] =	ssyncadd.s32 @!p0 $0xFFFFFFFF  }
0xb3: {  	s25 =	simm.s32 $0x1B8E;
	s24 =	sld [smem:$0x3FFE];
	[sflag:s4] =	ssyncadd.remote.s32 @!p0 $0x1  }
0xb4: {  	s26 =	simm.s32 $execute0_lowered;
	[smem:$0x3FD2] =	sst s25  }
0xb5: {  	s5 =	sshll.u32 s26, $0x1;
	_ =	strace $0x80000055;
	[dreg:$0x1] =	wrdreg $0xFFFFFFFF  }
0xb6: {  	s28 =	simm.s32 $_size_execute0_lowered;
	s3 =	sadd.s32 s3, s5;
	[dreg:$0x0] =	wrdreg $0x0  }
0xb7: {  	s5 =	sshll.u32 s28, $0x1;
	[dreg:$0x2] =	wrdreg s3  }
0xb8: {  	[dreg:$0x3] =	wrdreg s5  }
0xb9: {  	[dreg:$0x4] =	wrdreg $0xC0  }
0xba: {  	_ =	task [dreg:s22], $0x5FFFF  }
0xbb: {  	[dreg:$0x1] =	wrdreg $0xFFFFFFFF  }
0xbc: {  	[dreg:$0x0] =	wrdreg $0x60  }
0xbd: {  	[dreg:$0x2] =	wrdreg s24  }
0xbe: {  	[dreg:$0x3] =	wrdreg $0x98000  }
0xbf: {  	[dreg:$0x4] =	wrdreg $0x9  }
0xc0: {  	_ =	task.clear_ibuf [dreg:s22], $0x5FFFF;
	_ =	strace $0x90000055  }
0xc1: {  	s29 =	simm.s32 $0x9;
	_ =	strace $0x80000057  }
0xc2: {  	_ =	swait.ge [sflag:s29], $0x1  }
0xc3: {  	[sflag:s29] =	ssyncadd.s32 $0xFFFFFFFF  }
0xc4: {  	_ =	strace $0x90000057  }
0xc5: {  	_ =	sfence  }
0xc6: {  	s30 =	sld [smem:$0x0];
	_ =	sdelay $0x2  }
0xc7: {  	s31 =	sshll.u32 s1, $0xD;
	s1 =	sshrl.u32 s1, $0x2  }
0xc8: {  	s4 =	sand.u32 $0x4000, s31;
	s1 =	sadd.s32 s1, s30  }
0xc9: {  	s0 =	sor.u32 s4, s0;
	s1 =	sshll.u32 s1, $0x11  }
0xca: {  	s0 =	sor.u32 s1, s0  }
0xcb: {  	s0 =	sadd.s32 $0x8F2B, s0  }
0xcc: {  	[sflag:s0] =	ssyncadd.remote.s32 $0x1  }
0xcd: {  	_ =	sfence.sel $0xFFFF  }
0xce: {  	[dreg:$0x0] =	wrdreg $0xFFFFFFFF;
	(pc) =	sbr.abs _section_cstart, $3  }
0xcf: {  	[dreg:$0x1] =	wrdreg $0xFFFFFFFF  }
0xd0: {  	_ =	task.clear_ibuf [dreg:s22], $0x2FFFF;
	_ =	strace $0x9FFFFFFF  }
0xd1: {  	(tm) =	ssettm $0x7FFFFFFF  }
tec
execute0_lowered:
.L_overlay_start_1:
0x0: {  	(tag) =	ssettag $0x1  }
0x1: {  	s0 =	rddreg [dreg:$0x0]  }
0x2: {  	s1 =	srdreg.scid;
	s22 =	stileid.u32  }
0x3: {  	s2 =	rddreg [dreg:$0x1];
	s3 =	simm.s32 $0x0;
	s28 =	simm.s32 $0x0  }
0x4: {  	s1 =	sand.u32 $0x1, s1;
	s4 =	sshll.u32 s22, $0x1;
	s5 =	smul.u32 $0x4E000, s22  }
0x5: {  	[smem:$0x7FF] =	sst s3;
	s18 =	sadd.s32 $0xAE2600, s0;
	s7 =	smul.u32 $0x270, s22  }
0x6: {  	s8 =	sadd.s32 $0x548800, s0;
	s16 =	sadd.s32 $0x4FA600, s0;
	s21 =	sshll.u32 s22, $0x6  }
0x7: {  	s23 =	sadd.s32 $0x138000, s2;
	s29 =	smul.u32 $0x1F000, s22;
	p0 =	sne.s32 s22, $0xF  }
0x8: {  	p1 =	sgt.u32 s22, $0x3;
	s12 =	sor.u32 s1, s4;
	s6 =	smul.u32 $0x2710, s1  }
0x9: {  	_ =	strace $0x80000056;
	s13 =	ssub.s32 $0x2, s1;
	s19 =	smul.u32 $0x138800, s1  }
0xa: {  	[dreg:$0x5] =	wrdreg s23;
	s23 =	simm.s32 $0x5800;
	s4 =	smul.u32 $0x1F0, s12  }
0xb: {  	s10 =	sshrl.u32 s13, $0x1;
	s14 =	sshrl.u32 s5, $0x2;
	s11 =	smul.u32 $0x7C000, s12  }
0xc: {  	s24 =	ssub.s32 $0x0, s12;
	s26 =	sshll.u32 s12, $0xB;
	s31 =	sadd.s32 s29, s18  }
0xd: {  	s17 =	ssub.s32 s13, s10;
	s15 =	sadd.s32 s7, s6;
	s6 =	sor.u32 $0x1C03, s21  }
0xe: {  	s10 =	sshrl.u32 s19, $0x3;
	s13 =	sand.u32 $0x7, s24;
	s21 =	smul.u32 $0x1F, s1  }
0xf: {  	s1 =	smul.u32 $0xF800, s1;
	s24 =	simm.s32 $0x1;
	s4 =	sand.u32 $0x3F80, s4  }
0x10: {  	s15 =	sshll.u32 s15, $0x4;
	s19 =	sadd.s32 $0x27000, s10;
	s11 =	sshrl.u32 s11, $0x3  }
0x11: {  	s10 =	sadd.s32 $0x7600, s0;
	s25 =	sshll.u32 s13, $0x7;
	s13 =	sadd.s32 s26, s18  }
0x12: {  	s17 =	smax.u32 s17, $0x1;
	s26 =	simm.s32 $0x2;
	s9 =	sadd.s32 s4, s0  }
0x13: {  	s4 =	sadd.s32 s14, s2;
	s20 =	sadd.s32 s8, s15;
	s8 =	sadd.s32 s8, s19  }
0x14: {  	s11 =	sadd.s32 s18, s11;
	s14 =	sshll.u32 s12, $0x7;
	s12 =	sadd.s32 $0xF00, s25  }
0x15: {  	s13 =	sadd.s32 $0x1F0000, s13;
	[dreg:$0x4] =	wrdreg s20;
	s20 =	smul.u32 $0x3E, s22  }
0x16: {  	s15 =	sadd.s32 s16, s15;
	s16 =	sadd.s32 s16, s19;
	[dreg:$0x3] =	wrdreg s4  }
0x17: {  	s9 =	sadd.s32 $0x3800, s9;
	s11 =	sadd.s32 $0xF000, s11;
	s20 =	sadd.s32 s21, s20  }
0x18: {  	s14 =	sadd.s32 $0x1400, s14;
	s22 =	simm.s32 $0x1800;
	s30 =	sshll.u32 s20, $0xB  }
0x19: {  	s21 =	simm.s32 $0x3;
	s20 =	sadd.s32 s1, s31;
	s19 =	sadd.s32 s18, s30  }
0x1a: {  	s18 =	sadd.s32 $0x800, s19;
	s19 =	sadd.s32 $0x80, s25;
	s25 =	simm.s32 $0x80  }
.LBB2_1:
0x1b: {  	s0 =	rddreg [dreg:$0x3]  }
0x1c: {  	s1 =	rddreg [dreg:$0x4];
	s29 =	sshrl.u32 s0, $0x3  }
0x1d: {  	[spmem:s29], [sflag:s6] =	dma.local [hbm:s1], $0x2700  }
0x1e: {  	_ =	swait.ge [sflag:s21], $0x2700  }
0x1f: {  	[sflag:s21] =	ssyncset.done $0x0;
	s0 =	rddreg [dreg:$0x5]  }
0x20: {  	[sflag:s21] =	ssyncadd.s32 $0xFFFFD900;
	s30 =	sshrl.u32 @!p0 s0, $0x3;
	s0 =	simm.s32 @!p0 $0x3  }
0x21: {  	[spmem:s30], [sflag:s6] =	dma.local @!p0 [hbm:s8], $0x100  }
0x22: {  	_ =	swait.ge @!p0 [sflag:s0], $0x100  }
0x23: {  	[sflag:s0] =	ssyncset.done @!p0 $0x0  }
0x24: {  	[sflag:s0] =	ssyncadd.s32 @!p0 $0xFFFFFF00  }
0x25: {  	[tilespmem:s3], [sflag:$0x3] =	stream.linear.gather [hbm4b:s9+s3], $0x1400, $0x38;
	[tilespmem:$0x1D080] =	vst v63  }
0x26: {  	_ =	swait.ge [sflag:s21], $0x1400  }
0x27: {  	[sflag:s21] =	ssyncset.done $0x0  }
0x28: {  	s1 =	simm.s32 @!p1 $0x1400;
	s0 =	simm.s32 @!p1 $0x0;
	[sflag:s21] =	ssyncadd.s32 $0xFFFFEC00  }
0x29: {  	[tilespmem:s1], [sflag:$0x3] =	stream.linear.gather @!p1 [hbm4b:s10+s0], $0x400, $0x38;
	[tilespmem:$0x1D080] =	vst v63  }
0x2a: {  	s0 =	simm.s32 @!p1 $0x3  }
0x2b: {  	_ =	swait.ge @!p1 [sflag:s0], $0x400  }
0x2c: {  	[sflag:s0] =	ssyncset.done @!p1 $0x0  }
0x2d: {  	[sflag:s0] =	ssyncadd.s32 @!p1 $0xFFFFFC00  }
0x2e: {  	s4 =	sadd.s32 $0x0, s20;
	[bflag:$0x0] =	sbarrier.arrive $0xFFFF  }
0x2f: {  	[tilespmem:s22], [sflag:$0x1] =	stream.linear.gather [hbm4b:s4+s3], $0x4000, $0x38;
	[tilespmem:$0x1D080] =	vst v63  }
0x30: {  	s5 =	sadd.s32 $0x0, s18  }
0x31: {  	[tilespmem:s23], [sflag:$0x2] =	stream.linear.gather [hbm4b:s5+s3], $0x4000, $0x38;
	[tilespmem:$0x1D080] =	vst v63  }
0x32: {  	_ =	swait.ge [sflag:s24], $0x4000  }
0x33: {  	[sflag:s24] =	ssyncset.done $0x0  }
0x34: {  	s7 =	sadd.s32 $0xFFFFFF80, s19;
	[sflag:s24] =	ssyncadd.s32 $0xFFFFC000  }
0x35: {  	[spmem:s2] =	stream.indirect.scatter.add.f32 [tilespmem:s22], [sflag:$0x3], $0x80, s7, s25, $0xb8;
	[tilespmem:$0x1D080] =	vst v63  }
0x36: {  	_ =	swait.ge [sflag:s21], $0x4000  }
0x37: {  	[sflag:s21] =	ssyncset.done $0x0  }
0x38: {  	[sflag:s21] =	ssyncadd.s32 $0xFFFFC000  }
0x39: {  	_ =	swait.ge [sflag:s26], $0x4000  }
0x3a: {  	[sflag:s26] =	ssyncset.done $0x0  }
0x3b: {  	[sflag:s26] =	ssyncadd.s32 $0xFFFFC000  }
0x3c: {  	[spmem:s2] =	stream.indirect.scatter.add.f32 [tilespmem:s23], [sflag:$0x3], $0x80, s19, s25, $0xb8;
	[tilespmem:$0x1D080] =	vst v63  }
0x3d: {  	s31 =	sadd.s32 $0x100, s19;
	_ =	swait.ge [sflag:s21], $0x4000  }
0x3e: {  	s1 =	simm.s32 $0x1000;
	s0 =	simm.s32 $0x2000;
	[sflag:s21] =	ssyncset.done $0x0  }
.LBB2_2:
0x3f: {  	s4 =	sadd.s32 s1, s20  }
0x40: {  	[sflag:s21] =	ssyncadd.s32 $0xFFFFC000;
	s5 =	smov.u32 s0;
	s7 =	sadd.s32 $0x1000, s0  }
0x41: {  	[tilespmem:s22], [sflag:$0x1] =	stream.linear.gather [hbm4b:s4+s3], $0x4000, $0x38;
	[tilespmem:$0x1D080] =	vst v63  }
0x42: {  	p2 =	sne.s32 s0, $0xE000;
	s0 =	sadd.s32 s1, s18;
	s1 =	smov.u32 s5  }
0x43: {  	[tilespmem:s23], [sflag:$0x2] =	stream.linear.gather [hbm4b:s0+s3], $0x4000, $0x38;
	[tilespmem:$0x1D080] =	vst v63  }
0x44: {  	_ =	swait.ge [sflag:s24], $0x4000  }
0x45: {  	[sflag:s24] =	ssyncset.done $0x0  }
0x46: {  	s0 =	sadd.s32 $0xFFFFFF80, s31;
	[sflag:s24] =	ssyncadd.s32 $0xFFFFC000  }
0x47: {  	[spmem:s2] =	stream.indirect.scatter.add.f32 [tilespmem:s22], [sflag:$0x3], $0x80, s0, s25, $0xb8;
	[tilespmem:$0x1D080] =	vst v63  }
0x48: {  	_ =	swait.ge [sflag:s21], $0x4000  }
0x49: {  	[sflag:s21] =	ssyncset.done $0x0  }
0x4a: {  	[sflag:s21] =	ssyncadd.s32 $0xFFFFC000  }
0x4b: {  	_ =	swait.ge [sflag:s26], $0x4000  }
.Ltmp0:
0x4c: {  	[sflag:s26] =	ssyncset.done $0x0;
	(pc) =	sbr.rel @p2 .LBB2_2-.Ltmp0, $4  }
0x4d: {  	[sflag:s26] =	ssyncadd.s32 $0xFFFFC000  }
0x4e: {  	[spmem:s2] =	stream.indirect.scatter.add.f32 [tilespmem:s23], [sflag:$0x3], $0x80, s31, s25, $0xb8;
	[tilespmem:$0x1D080] =	vst v63  }
0x4f: {  	_ =	swait.ge [sflag:s21], $0x4000  }
0x50: {  	s0 =	smov.u32 s7;
	s31 =	sadd.s32 $0x100, s31;
	[sflag:s21] =	ssyncset.done $0x0  }
0x51: {  	s0 =	sadd.s32 s1, s20;
	[sflag:s21] =	ssyncadd.s32 $0xFFFFC000  }
0x52: {  	[tilespmem:s22], [sflag:$0x1] =	stream.linear.gather [hbm4b:s0+s3], $0x4000, $0x38;
	[tilespmem:$0x1D080] =	vst v63  }
0x53: {  	s5 =	sadd.s32 s1, s18  }
0x54: {  	[tilespmem:s23], [sflag:$0x2] =	stream.linear.gather [hbm4b:s5+s3], $0x4000, $0x38;
	[tilespmem:$0x1D080] =	vst v63  }
0x55: {  	_ =	swait.ge [sflag:s24], $0x4000  }
0x56: {  	[sflag:s24] =	ssyncset.done $0x0  }
0x57: {  	s7 =	sadd.s32 $0xFFFFFF80, s31;
	[sflag:s24] =	ssyncadd.s32 $0xFFFFC000  }
0x58: {  	[spmem:s2] =	stream.indirect.scatter.add.f32 [tilespmem:s22], [sflag:$0x3], $0x80, s7, s25, $0xb8;
	[tilespmem:$0x1D080] =	vst v63  }
0x59: {  	_ =	swait.ge [sflag:s21], $0x4000  }
0x5a: {  	[sflag:s21] =	ssyncset.done $0x0  }
0x5b: {  	[sflag:s21] =	ssyncadd.s32 $0xFFFFC000  }
0x5c: {  	_ =	swait.ge [sflag:s26], $0x4000  }
0x5d: {  	[sflag:s26] =	ssyncset.done $0x0  }
0x5e: {  	[sflag:s26] =	ssyncadd.s32 $0xFFFFC000  }
0x5f: {  	[spmem:s2] =	stream.indirect.scatter.add.f32 [tilespmem:s23], [sflag:$0x3], $0x80, s31, s25, $0xb8;
	[tilespmem:$0x1D080] =	vst v63  }
0x60: {  	_ =	swait.ge [sflag:s21], $0x4000  }
0x61: {  	[sflag:s21] =	ssyncset.done $0x0  }
0x62: {  	[sflag:s21] =	ssyncadd.s32 $0xFFFFC000  }
0x63: {  	[tilespmem:s22], [sflag:$0x1] =	stream.linear.gather [hbm4b:s11+s3], $0x4000, $0x38;
	[tilespmem:$0x1D080] =	vst v63  }
0x64: {  	_ =	swait.ge [sflag:s24], $0x4000  }
0x65: {  	[sflag:s24] =	ssyncset.done $0x0  }
0x66: {  	[sflag:s24] =	ssyncadd.s32 $0xFFFFC000  }
0x67: {  	[spmem:s2] =	stream.indirect.scatter.add.f32 [tilespmem:s22], [sflag:$0x3], $0x80, s12, s25, $0xb8;
	[tilespmem:$0x1D080] =	vst v63  }
0x68: {  	_ =	swait.ge [sflag:s21], $0x4000  }
0x69: {  	[sflag:s21] =	ssyncset.done $0x0  }
0x6a: {  	s1 =	simm.s32 @!p1 $0x5800;
	s0 =	simm.s32 @!p1 $0x0;
	[sflag:s21] =	ssyncadd.s32 $0xFFFFC000  }
0x6b: {  	[tilespmem:s1], [sflag:$0x2] =	stream.linear.gather @!p1 [hbm4b:s13+s0], $0x4000, $0x38;
	[tilespmem:$0x1D080] =	vst v63  }
0x6c: {  	s0 =	simm.s32 @!p1 $0x2  }
0x6d: {  	_ =	swait.ge @!p1 [sflag:s0], $0x4000  }
0x6e: {  	[sflag:s0] =	ssyncset.done @!p1 $0x0  }
0x6f: {  	[sflag:s0] =	ssyncadd.s32 @!p1 $0xFFFFC000;
	s0 =	simm.s32 @!p1 $0x80  }
0x70: {  	[spmem:s2] =	stream.indirect.scatter.add.f32 @!p1 [tilespmem:s1], [sflag:$0x3], $0x80, s14, s0, $0xb8;
	[tilespmem:$0x1D080] =	vst v63  }
0x71: {  	s0 =	simm.s32 @!p1 $0x3  }
0x72: {  	_ =	swait.ge @!p1 [sflag:s0], $0x4000  }
0x73: {  	[sflag:s0] =	ssyncset.done @!p1 $0x0  }
0x74: {  	[sflag:s0] =	ssyncadd.s32 @!p1 $0xFFFFC000  }
0x75: {  	[bflag:$0x0] =	sbarrier.arrive $0xFFFF  }
0x76: {  	[hbm:s15], [sflag:s6] =	dma.local [spmem:s29], $0x2700  }
0x77: {  	s28 =	sadd.s32 $0x1, s28;
	_ =	swait.ge [sflag:s21], $0x2700  }
0x78: {  	p2 =	sne.s32 s28, s17;
	[sflag:s21] =	ssyncset.done $0x0  }
.Ltmp1:
0x79: {  	s0 =	simm.s32 @!p0 $0x3;
	[sflag:s21] =	ssyncadd.s32 $0xFFFFD900;
	(pc) =	sbr.rel @p2 .LBB2_1-.Ltmp1, $4  }
0x7a: {  	[hbm:s16], [sflag:s6] =	dma.local @!p0 [spmem:s30], $0x100  }
0x7b: {  	_ =	swait.ge @!p0 [sflag:s0], $0x100  }
0x7c: {  	[sflag:s0] =	ssyncset.done @!p0 $0x0  }
0x7d: {  	[sflag:s0] =	ssyncadd.s32 @!p0 $0xFFFFFF00  }
0x7e: {  	_ =	sfence.sel $0x180000  }
0x7f: {  	[bflag:$0x0] =	sbarrier.arrive $0xFFFF  }
0x80: {  	_ =	strace $0x90000056  }
0x81: {  	s0 =	stileid.u32;
	[bflag:$0x2] =	sbarrier.arrive $0xFFFF  }
0x82: {  	p0 =	sne.s32 s0, $0x0;
	s0 =	rddreg [dreg:$0x2]  }
0x83: {  	s0 =	sadd.s32 @!p0 $0x100000, s0  }
0x84: {  	[sflag:s0] =	ssyncadd.tile.s32 @!p0 $0x1;
	_ =	shalt  }
.Lfunc_end2:
_tile_overlayer_lowered:
.L_overlay_start_2:
0x85: {  	(tag) =	ssettag $0x2  }
0x86: {  	s0 =	rddreg [dreg:$0x0];
	s2 =	stileid.u32  }
0x87: {  	s1 =	rddreg [dreg:$0x1];
	p0 =	sne.s32 s2, $0x0  }
0x88: {  	s3 =	rddreg [dreg:$0x2];
	[bflag:$0x3] =	sbarrier.arrive $0xFFFF;
	s2 =	simm.s32 @!p0 $0x1C03  }
0x89: {  	[timem:s3], [sflag:s2] =	dma.local @!p0 [hbm:s0], s1  }
0x8a: {  	s0 =	simm.s32 @!p0 $0x3  }
0x8b: {  	_ =	swait.ge @!p0 [sflag:s0], s1  }
0x8c: {  	s1 =	ssub.s32 @!p0 $0x0, s1;
	[sflag:s0] =	ssyncset.done @!p0 $0x0  }
0x8d: {  	[sflag:s0] =	ssyncadd.s32 @!p0 s1  }
0x8e: {  	[bflag:$0x3] =	sbarrier.arrive $0xFFFF  }
0x8f: {  	_ =	shalt  }

// kernel: kernel.32.cloned.1.call-start
scs
__scs_entry_jumppad:
0x0: {  	(pc) =	sbr.rel $0x88, $3  }
0x1: {  	(tag) =	ssettag $0x0;
	lr =	simm.s32 $0x1  }
0x2: {  	[smem:$0x3F91] =	sst lr;
	_ =	strace $0xD0000000  }
0x3: {  	_ = 	snop  }
0x4: {  	_ = 	snop  }
0x5: {  	_ = 	snop  }
0x6: {  	_ = 	snop  }
0x7: {  	_ = 	snop  }
__scs_overlays_trampoline_lowered:
0x8: {  	[smem:$0x3FA0] =	sst s0  }
0x9: {  	[smem:$0x3FA1] =	sst s1  }
0xa: {  	[smem:$0x3FA2] =	sst s2  }
0xb: {  	[smem:$0x3FA3] =	sst s3  }
0xc: {  	[smem:$0x3FA4] =	sst s4  }
0xd: {  	[smem:$0x3FA5] =	sst s5  }
0xe: {  	[smem:$0x3FA6] =	sst s6  }
0xf: {  	[smem:$0x3FA7] =	sst s7  }
0x10: {  	[smem:$0x3FA8] =	sst s8  }
0x11: {  	[smem:$0x3FA9] =	sst s9;
	s0 =	simm.s32 @!p0 $0x0  }
0x12: {  	s1 =	sld [smem:$0x3F8F];
	s0 =	simm.s32 @p0 $0x1  }
0x13: {  	[smem:$0x3FAA] =	sst s0;
	s0 =	simm.s32 @!p1 $0x0  }
0x14: {  	s2 =	sld [smem:$0x3F8E];
	s0 =	simm.s32 @p1 $0x1  }
0x15: {  	[smem:$0x3FAB] =	sst s0;
	s0 =	simm.s32 @!p2 $0x0  }
0x16: {  	s3 =	sld [smem:$0x3FDB];
	s0 =	simm.s32 @p2 $0x1  }
0x17: {  	s4 =	simm.s32 $0x1BF5;
	[smem:$0x3FAD] =	sst s0  }
0x18: {  	s0 =	sld [smem:$0x3F90];
	_ =	swait.ge [sflag:s4], $0x0  }
0x19: {  	s7 =	sld [smem:$0x3F91]  }
0x1a: {  	s8 =	sadd.s32 $0xFFFFE003, lr  }
0x1b: {  	s9 =	sadd.s32 $0xFFFFFEF7, lr;
	s5 =	simm.s32 $0xFFFFFFFF;
	p2 =	slt.u32 s8, $0xFFFFF086  }
0x1c: {  	p1 =	slt.u32 s9, $0xF7A;
	s5 =	simm.s32 @!p2 $0x0  }
0x1d: {  	s5 =	simm.s32 @p1 $0x1;
	p0 =	seq.s32 s7, s2  }
0x1e: {  	s7 =	smul.u32 @!p0 $0xF7A, s2;
	p2 =	seq.s32 @!p0 s5, $0x0  }
0x1f: {  	s9 =	smul.u32 $0xF7A, s1;
	s8 =	simm.s32 @!p0 $0x1BF5;
	p2 =	por !p2, p0  }
0x20: {  	[sflag:s8] =	ssyncset.s32 @!p0 $0xFFFFF086;
	s6 =	sadd.s32 @!p0 s3, s7;
	s7 =	simm.s32 @!p0 $0x108  }
0x21: {  	s3 =	sadd.s32 s3, s9;
	s6 =	sadd.s32 @!p0 $0x88, s6;
	s7 =	simm.s32 @p2 $0x1082  }
0x22: {  	[simem:s7], [sflag:s8] =	dma.local @!p0 [hbm:s6], $0xF7A  }
0x23: {  	s9 =	sor.u32 $0xD0000000, s2;
	s6 =	simm.s32 $0x108;
	_ =	swait.ge @!p0 [sflag:s8], $0x0  }
0x24: {  	s3 =	sadd.s32 $0x88, s3;
	s6 =	simm.s32 @!p1 $0x1082;
	[sflag:s4] =	ssyncset.s32 $0xFFFFF086  }
0x25: {  	[simem:s6], [sflag:s4] =	dma.local [hbm:s3], $0xF7A  }
0x26: {  	[smem:$0x3F91] =	sst s1;
	(tag) =	ssettag s2;
	_ =	strace s9  }
0x27: {  	s1 =	sld [smem:$0x3FA1]  }
0x28: {  	s2 =	sld [smem:$0x3FA2]  }
0x29: {  	s4 =	sld [smem:$0x3FA4]  }
0x2a: {  	p0 =	seq.s32 s5, $0x0;
	s5 =	sld [smem:$0x3FA5]  }
0x2b: {  	s6 =	sld [smem:$0x3FA6]  }
0x2c: {  	s7 =	sld [smem:$0x3FA7]  }
0x2d: {  	s3 =	simm.s32 $0x108;
	s8 =	sld [smem:$0x3FA8]  }
0x2e: {  	s3 =	simm.s32 @!p0 $0x1082;
	s9 =	sld [smem:$0x3FA9]  }
0x2f: {  	lr =	sadd.s32 s0, s3;
	s0 =	sld [smem:$0x3FA0]  }
0x30: {  	s3 =	sld [smem:$0x3FA3]  }
0x31: {  	[smem:$0x3FAC] =	sst s10  }
0x32: {  	s10 =	sld [smem:$0x3FAA];
	_ =	sdelay $0x3  }
0x33: {  	p0 =	seq.s32 s10, $0x1;
	s10 =	sld [smem:$0x3FAC];
	_ =	sdelay $0x3  }
0x34: {  	[smem:$0x3FAC] =	sst s10  }
0x35: {  	s10 =	sld [smem:$0x3FAB];
	_ =	sdelay $0x3  }
0x36: {  	p1 =	seq.s32 s10, $0x1;
	s10 =	sld [smem:$0x3FAC];
	_ =	sdelay $0x3  }
0x37: {  	[smem:$0x3FAC] =	sst s10  }
0x38: {  	s10 =	sld [smem:$0x3FAD]  }
0x39: {  	_ = 	snop;
	(pc) =	sbr.ind lr, $3  }
0x3a: {  	_ = 	snop  }
0x3b: {  	_ = 	snop  }
0x3c: {  	p2 =	seq.s32 s10, $0x1;
	s10 =	sld [smem:$0x3FAC]  }
0x3d: {  	_ =	shalt  }
0x3e: {  	_ =	shalt  }
0x3f: {  	_ =	shalt  }
0x40: {  	_ =	shalt  }
0x41: {  	_ =	shalt  }
0x42: {  	_ =	shalt  }
0x43: {  	_ =	shalt  }
0x44: {  	_ =	shalt  }
0x45: {  	_ =	shalt  }
0x46: {  	_ =	shalt  }
0x47: {  	_ =	shalt  }
0x48: {  	_ =	shalt  }
0x49: {  	_ =	shalt  }
0x4a: {  	_ =	shalt  }
0x4b: {  	_ =	shalt  }
0x4c: {  	_ =	shalt  }
0x4d: {  	_ =	shalt  }
0x4e: {  	_ =	shalt  }
0x4f: {  	_ =	shalt  }
0x50: {  	_ =	shalt  }
0x51: {  	_ =	shalt  }
0x52: {  	_ =	shalt  }
0x53: {  	_ =	shalt  }
0x54: {  	_ =	shalt  }
0x55: {  	_ =	shalt  }
0x56: {  	_ =	shalt  }
0x57: {  	_ =	shalt  }
0x58: {  	_ =	shalt  }
0x59: {  	_ =	shalt  }
0x5a: {  	_ =	shalt  }
0x5b: {  	_ =	shalt  }
0x5c: {  	_ =	shalt  }
0x5d: {  	_ =	shalt  }
0x5e: {  	_ =	shalt  }
0x5f: {  	_ =	shalt  }
0x60: {  	_ =	shalt  }
0x61: {  	_ =	shalt  }
0x62: {  	_ =	shalt  }
0x63: {  	_ =	shalt  }
0x64: {  	_ =	shalt  }
0x65: {  	_ =	shalt  }
0x66: {  	_ =	shalt  }
0x67: {  	_ =	shalt  }
0x68: {  	_ =	shalt  }
0x69: {  	_ =	shalt  }
0x6a: {  	_ =	shalt  }
0x6b: {  	_ =	shalt  }
0x6c: {  	_ =	shalt  }
0x6d: {  	_ =	shalt  }
0x6e: {  	_ =	shalt  }
0x6f: {  	_ =	shalt  }
0x70: {  	_ =	shalt  }
0x71: {  	_ =	shalt  }
0x72: {  	_ =	shalt  }
0x73: {  	_ =	shalt  }
0x74: {  	_ =	shalt  }
0x75: {  	_ =	shalt  }
0x76: {  	_ =	shalt  }
0x77: {  	_ =	shalt  }
0x78: {  	_ =	shalt  }
0x79: {  	_ =	shalt  }
0x7a: {  	_ =	shalt  }
0x7b: {  	_ =	shalt  }
0x7c: {  	_ =	shalt  }
0x7d: {  	_ =	shalt  }
0x7e: {  	_ =	shalt  }
0x7f: {  	_ =	shalt  }
0x80: {  	_ =	shalt  }
0x81: {  	_ =	shalt  }
0x82: {  	_ =	shalt  }
0x83: {  	_ =	shalt  }
0x84: {  	_ =	shalt  }
0x85: {  	_ =	shalt  }
0x86: {  	_ =	shalt  }
0x87: {  	_ =	shalt  }
.Lfunc_end0:
.L_simem_size_0:
called_computation.6_lowered:
.L_overlay_start_0:
0x88: {  	s2 =	sld [smem:$0x3FD9]  }
0x89: {  	s3 =	sld [smem:$0x3FFE];
	_ =	sdelay $0x1  }
0x8a: {  	s1 =	srdreg.scid  }
0x8b: {  	s0 =	sand.u32 $0x1, s1  }
0x8c: {  	s16 =	sshll.u32 s0, $0xA;
	s2 =	sadd.s32 s3, s2  }
0x8d: {  	s2 =	sadd.s32 s2, s16  }
0x8e: {  	[smem:$0x3FB8] =	sst s2  }
0x8f: {  	_ = 	snop  }
0x90: {  	(tm) =	ssettm $0x1  }
0x91: {  	s17 =	sld [smem:$0x3FFB];
	_ =	sdelay $0x3  }
0x92: {  	_ =	strace s17  }
0x93: {  	s2 =	sld [smem:$0x3FFC];
	_ =	sdelay $0x3  }
0x94: {  	_ =	strace s2  }
0x95: {  	s2 =	sld [smem:$0x3FFD];
	_ =	sdelay $0x3  }
0x96: {  	_ =	strace s2  }
0x97: {  	_ =	strace $0x8FFFFFFF  }
0x98: {  	s18 =	sld [smem:$0x3FDB];
	_ =	sdelay $0x1  }
0x99: {  	s19 =	simm.s32 $_scs_section_size  }
0x9a: {  	s4 =	simm.s32 $_size__tile_overlayer_lowered;
	s5 =	simm.s32 $_tile_overlayer_lowered  }
0x9b: {  	s22 =	simm.s32 $0x1BFF;
	s21 =	sshll.u32 s5, $0x1;
	s2 =	sadd.s32 s19, s18  }
0x9c: {  	s6 =	simm.s32 $0x0;
	s20 =	sshll.u32 s4, $0x1;
	s4 =	sadd.s32 s21, s2  }
0x9d: {  	[timem:s6], [sflag:s22] =	dma.local [hbm:s4], s20  }
0x9e: {  	_ =	swait.ge [sflag:s22], s20  }
0x9f: {  	s3 =	ssub.s32 $0x0, s20;
	[sflag:s22] =	ssyncset.done $0x0  }
0xa0: {  	[sflag:s22] =	ssyncadd.s32 s3;
	_ =	sdelay $0x1  }
0xa1: {  	s23 =	simm.s32 $0x1B8B  }
0xa2: {  	_ =	swait.ge [sflag:s23], $0x1  }
0xa3: {  	[sflag:s23] =	ssyncset.done $0x0  }
0xa4: {  	s25 =	simm.s32 $0x1B8E;
	s24 =	sld [smem:$0x3FFE];
	[sflag:s23] =	ssyncadd.s32 $0xFFFFFFFF  }
0xa5: {  	s26 =	simm.s32 $execute0_lowered;
	[smem:$0x3FD2] =	sst s25  }
0xa6: {  	s4 =	sshll.u32 s26, $0x1;
	_ =	strace $0x80000058;
	[dreg:$0x1] =	wrdreg $0xFFFFFFFF  }
0xa7: {  	s28 =	simm.s32 $_size_execute0_lowered;
	s2 =	sadd.s32 s2, s4;
	[dreg:$0x0] =	wrdreg $0x0  }
0xa8: {  	s4 =	sshll.u32 s28, $0x1;
	[dreg:$0x2] =	wrdreg s2  }
0xa9: {  	[dreg:$0x3] =	wrdreg s4  }
0xaa: {  	[dreg:$0x4] =	wrdreg $0xC0  }
0xab: {  	_ =	task [dreg:s6], $0x5FFFF  }
0xac: {  	[dreg:$0x1] =	wrdreg $0xFFFFFFFF  }
0xad: {  	[dreg:$0x0] =	wrdreg $0x60  }
0xae: {  	[dreg:$0x2] =	wrdreg s24  }
0xaf: {  	[dreg:$0x3] =	wrdreg $0x98000  }
0xb0: {  	[dreg:$0x4] =	wrdreg $0x9  }
0xb1: {  	_ =	task.clear_ibuf [dreg:s6], $0x5FFFF;
	_ =	strace $0x90000058  }
0xb2: {  	s29 =	simm.s32 $0x9;
	_ =	strace $0x8000005A  }
0xb3: {  	_ =	swait.ge [sflag:s29], $0x1  }
0xb4: {  	[sflag:s29] =	ssyncadd.s32 $0xFFFFFFFF  }
0xb5: {  	_ =	strace $0x9000005A  }
0xb6: {  	_ =	sfence  }
0xb7: {  	s30 =	sld [smem:$0x0];
	_ =	sdelay $0x2  }
0xb8: {  	s31 =	sshll.u32 s1, $0xD;
	s1 =	sshrl.u32 s1, $0x2  }
0xb9: {  	s3 =	sand.u32 $0x4000, s31;
	s1 =	sadd.s32 s1, s30  }
0xba: {  	s0 =	sor.u32 s3, s0;
	s1 =	sshll.u32 s1, $0x11  }
0xbb: {  	s0 =	sor.u32 s1, s0  }
0xbc: {  	s0 =	sadd.s32 $0x8F2B, s0  }
0xbd: {  	[sflag:s0] =	ssyncadd.remote.s32 $0x1  }
0xbe: {  	_ =	sfence.sel $0xFFFF  }
0xbf: {  	[dreg:$0x0] =	wrdreg $0xFFFFFFFF;
	(pc) =	sbr.abs _section_cstart, $3  }
0xc0: {  	[dreg:$0x1] =	wrdreg $0xFFFFFFFF  }
0xc1: {  	_ =	task.clear_ibuf [dreg:s6], $0x2FFFF;
	_ =	strace $0x9FFFFFFF  }
0xc2: {  	(tm) =	ssettm $0x7FFFFFFF  }
0xc3: {  	_ =	shalt  }
tec
execute0_lowered:
.L_overlay_start_1:
0x0: {  	(tag) =	ssettag $0x1  }
0x1: {  	s0 =	rddreg [dreg:$0x0]  }
0x2: {  	s1 =	srdreg.scid;
	s22 =	stileid.u32  }
0x3: {  	s2 =	rddreg [dreg:$0x1];
	s3 =	simm.s32 $0x0;
	s28 =	simm.s32 $0x0  }
0x4: {  	s1 =	sand.u32 $0x1, s1;
	s4 =	sshll.u32 s22, $0x1;
	s5 =	smul.u32 $0x4E000, s22  }
0x5: {  	[smem:$0x7FF] =	sst s3;
	s18 =	sadd.s32 $0x596A00, s0;
	s7 =	smul.u32 $0x270, s22  }
0x6: {  	s8 =	sadd.s32 $0x4FA600, s0;
	s16 =	sadd.s32 $0x548800, s0;
	s21 =	sshll.u32 s22, $0x6  }
0x7: {  	s23 =	sadd.s32 $0x138000, s2;
	s29 =	smul.u32 $0x1F000, s22;
	p0 =	sne.s32 s22, $0xF  }
0x8: {  	p1 =	sgt.u32 s22, $0x3;
	s12 =	sor.u32 s1, s4;
	s6 =	smul.u32 $0x2710, s1  }
0x9: {  	_ =	strace $0x80000059;
	s13 =	ssub.s32 $0x2, s1;
	s19 =	smul.u32 $0x138800, s1  }
0xa: {  	[dreg:$0x5] =	wrdreg s23;
	s23 =	simm.s32 $0x5800;
	s4 =	smul.u32 $0x1F0, s12  }
0xb: {  	s10 =	sshrl.u32 s13, $0x1;
	s14 =	sshrl.u32 s5, $0x2;
	s11 =	smul.u32 $0x7C000, s12  }
0xc: {  	s24 =	ssub.s32 $0x0, s12;
	s26 =	sshll.u32 s12, $0xB;
	s31 =	sadd.s32 s29, s18  }
0xd: {  	s17 =	ssub.s32 s13, s10;
	s15 =	sadd.s32 s7, s6;
	s6 =	sor.u32 $0x1C03, s21  }
0xe: {  	s10 =	sshrl.u32 s19, $0x3;
	s13 =	sand.u32 $0x7, s24;
	s21 =	smul.u32 $0x1F, s1  }
0xf: {  	s1 =	smul.u32 $0xF800, s1;
	s24 =	simm.s32 $0x1;
	s4 =	sand.u32 $0x3F80, s4  }
0x10: {  	s15 =	sshll.u32 s15, $0x4;
	s19 =	sadd.s32 $0x27000, s10;
	s11 =	sshrl.u32 s11, $0x3  }
0x11: {  	s10 =	sadd.s32 $0xB600, s0;
	s25 =	sshll.u32 s13, $0x7;
	s13 =	sadd.s32 s26, s18  }
0x12: {  	s17 =	smax.u32 s17, $0x1;
	s26 =	simm.s32 $0x2;
	s9 =	sadd.s32 s4, s0  }
0x13: {  	s4 =	sadd.s32 s14, s2;
	s20 =	sadd.s32 s8, s15;
	s8 =	sadd.s32 s8, s19  }
0x14: {  	s11 =	sadd.s32 s18, s11;
	s14 =	sshll.u32 s12, $0x7;
	s12 =	sadd.s32 $0xF00, s25  }
0x15: {  	s13 =	sadd.s32 $0x1F0000, s13;
	[dreg:$0x4] =	wrdreg s20;
	s20 =	smul.u32 $0x3E, s22  }
0x16: {  	s15 =	sadd.s32 s16, s15;
	s16 =	sadd.s32 s16, s19;
	[dreg:$0x3] =	wrdreg s4  }
0x17: {  	s9 =	sadd.s32 $0x7800, s9;
	s11 =	sadd.s32 $0xF000, s11;
	s20 =	sadd.s32 s21, s20  }
0x18: {  	s14 =	sadd.s32 $0x1400, s14;
	s22 =	simm.s32 $0x1800;
	s30 =	sshll.u32 s20, $0xB  }
0x19: {  	s21 =	simm.s32 $0x3;
	s20 =	sadd.s32 s1, s31;
	s19 =	sadd.s32 s18, s30  }
0x1a: {  	s18 =	sadd.s32 $0x800, s19;
	s19 =	sadd.s32 $0x80, s25;
	s25 =	simm.s32 $0x80  }
.LBB2_1:
0x1b: {  	s0 =	rddreg [dreg:$0x3]  }
0x1c: {  	s1 =	rddreg [dreg:$0x4];
	s29 =	sshrl.u32 s0, $0x3  }
0x1d: {  	[spmem:s29], [sflag:s6] =	dma.local [hbm:s1], $0x2700  }
0x1e: {  	_ =	swait.ge [sflag:s21], $0x2700  }
0x1f: {  	[sflag:s21] =	ssyncset.done $0x0;
	s0 =	rddreg [dreg:$0x5]  }
0x20: {  	[sflag:s21] =	ssyncadd.s32 $0xFFFFD900;
	s30 =	sshrl.u32 @!p0 s0, $0x3;
	s0 =	simm.s32 @!p0 $0x3  }
0x21: {  	[spmem:s30], [sflag:s6] =	dma.local @!p0 [hbm:s8], $0x100  }
0x22: {  	_ =	swait.ge @!p0 [sflag:s0], $0x100  }
0x23: {  	[sflag:s0] =	ssyncset.done @!p0 $0x0  }
0x24: {  	[sflag:s0] =	ssyncadd.s32 @!p0 $0xFFFFFF00  }
0x25: {  	[tilespmem:s3], [sflag:$0x3] =	stream.linear.gather [hbm4b:s9+s3], $0x1400, $0x38;
	[tilespmem:$0x1D080] =	vst v63  }
0x26: {  	_ =	swait.ge [sflag:s21], $0x1400  }
0x27: {  	[sflag:s21] =	ssyncset.done $0x0  }
0x28: {  	s1 =	simm.s32 @!p1 $0x1400;
	s0 =	simm.s32 @!p1 $0x0;
	[sflag:s21] =	ssyncadd.s32 $0xFFFFEC00  }
0x29: {  	[tilespmem:s1], [sflag:$0x3] =	stream.linear.gather @!p1 [hbm4b:s10+s0], $0x400, $0x38;
	[tilespmem:$0x1D080] =	vst v63  }
0x2a: {  	s0 =	simm.s32 @!p1 $0x3  }
0x2b: {  	_ =	swait.ge @!p1 [sflag:s0], $0x400  }
0x2c: {  	[sflag:s0] =	ssyncset.done @!p1 $0x0  }
0x2d: {  	[sflag:s0] =	ssyncadd.s32 @!p1 $0xFFFFFC00  }
0x2e: {  	s4 =	sadd.s32 $0x0, s20;
	[bflag:$0x0] =	sbarrier.arrive $0xFFFF  }
0x2f: {  	[tilespmem:s22], [sflag:$0x1] =	stream.linear.gather [hbm4b:s4+s3], $0x4000, $0x38;
	[tilespmem:$0x1D080] =	vst v63  }
0x30: {  	s5 =	sadd.s32 $0x0, s18  }
0x31: {  	[tilespmem:s23], [sflag:$0x2] =	stream.linear.gather [hbm4b:s5+s3], $0x4000, $0x38;
	[tilespmem:$0x1D080] =	vst v63  }
0x32: {  	_ =	swait.ge [sflag:s24], $0x4000  }
0x33: {  	[sflag:s24] =	ssyncset.done $0x0  }
0x34: {  	s7 =	sadd.s32 $0xFFFFFF80, s19;
	[sflag:s24] =	ssyncadd.s32 $0xFFFFC000  }
0x35: {  	[spmem:s2] =	stream.indirect.scatter.add.f32 [tilespmem:s22], [sflag:$0x3], $0x80, s7, s25, $0xb8;
	[tilespmem:$0x1D080] =	vst v63  }
0x36: {  	_ =	swait.ge [sflag:s21], $0x4000  }
0x37: {  	[sflag:s21] =	ssyncset.done $0x0  }
0x38: {  	[sflag:s21] =	ssyncadd.s32 $0xFFFFC000  }
0x39: {  	_ =	swait.ge [sflag:s26], $0x4000  }
0x3a: {  	[sflag:s26] =	ssyncset.done $0x0  }
0x3b: {  	[sflag:s26] =	ssyncadd.s32 $0xFFFFC000  }
0x3c: {  	[spmem:s2] =	stream.indirect.scatter.add.f32 [tilespmem:s23], [sflag:$0x3], $0x80, s19, s25, $0xb8;
	[tilespmem:$0x1D080] =	vst v63  }
0x3d: {  	s31 =	sadd.s32 $0x100, s19;
	_ =	swait.ge [sflag:s21], $0x4000  }
0x3e: {  	s1 =	simm.s32 $0x1000;
	s0 =	simm.s32 $0x2000;
	[sflag:s21] =	ssyncset.done $0x0  }
.LBB2_2:
0x3f: {  	s4 =	sadd.s32 s1, s20  }
0x40: {  	[sflag:s21] =	ssyncadd.s32 $0xFFFFC000;
	s5 =	smov.u32 s0;
	s7 =	sadd.s32 $0x1000, s0  }
0x41: {  	[tilespmem:s22], [sflag:$0x1] =	stream.linear.gather [hbm4b:s4+s3], $0x4000, $0x38;
	[tilespmem:$0x1D080] =	vst v63  }
0x42: {  	p2 =	sne.s32 s0, $0xE000;
	s0 =	sadd.s32 s1, s18;
	s1 =	smov.u32 s5  }
0x43: {  	[tilespmem:s23], [sflag:$0x2] =	stream.linear.gather [hbm4b:s0+s3], $0x4000, $0x38;
	[tilespmem:$0x1D080] =	vst v63  }
0x44: {  	_ =	swait.ge [sflag:s24], $0x4000  }
0x45: {  	[sflag:s24] =	ssyncset.done $0x0  }
0x46: {  	s0 =	sadd.s32 $0xFFFFFF80, s31;
	[sflag:s24] =	ssyncadd.s32 $0xFFFFC000  }
0x47: {  	[spmem:s2] =	stream.indirect.scatter.add.f32 [tilespmem:s22], [sflag:$0x3], $0x80, s0, s25, $0xb8;
	[tilespmem:$0x1D080] =	vst v63  }
0x48: {  	_ =	swait.ge [sflag:s21], $0x4000  }
0x49: {  	[sflag:s21] =	ssyncset.done $0x0  }
0x4a: {  	[sflag:s21] =	ssyncadd.s32 $0xFFFFC000  }
0x4b: {  	_ =	swait.ge [sflag:s26], $0x4000  }
.Ltmp0:
0x4c: {  	[sflag:s26] =	ssyncset.done $0x0;
	(pc) =	sbr.rel @p2 .LBB2_2-.Ltmp0, $4  }
0x4d: {  	[sflag:s26] =	ssyncadd.s32 $0xFFFFC000  }
0x4e: {  	[spmem:s2] =	stream.indirect.scatter.add.f32 [tilespmem:s23], [sflag:$0x3], $0x80, s31, s25, $0xb8;
	[tilespmem:$0x1D080] =	vst v63  }
0x4f: {  	_ =	swait.ge [sflag:s21], $0x4000  }
0x50: {  	s0 =	smov.u32 s7;
	s31 =	sadd.s32 $0x100, s31;
	[sflag:s21] =	ssyncset.done $0x0  }
0x51: {  	s0 =	sadd.s32 s1, s20;
	[sflag:s21] =	ssyncadd.s32 $0xFFFFC000  }
0x52: {  	[tilespmem:s22], [sflag:$0x1] =	stream.linear.gather [hbm4b:s0+s3], $0x4000, $0x38;
	[tilespmem:$0x1D080] =	vst v63  }
0x53: {  	s5 =	sadd.s32 s1, s18  }
0x54: {  	[tilespmem:s23], [sflag:$0x2] =	stream.linear.gather [hbm4b:s5+s3], $0x4000, $0x38;
	[tilespmem:$0x1D080] =	vst v63  }
0x55: {  	_ =	swait.ge [sflag:s24], $0x4000  }
0x56: {  	[sflag:s24] =	ssyncset.done $0x0  }
0x57: {  	s7 =	sadd.s32 $0xFFFFFF80, s31;
	[sflag:s24] =	ssyncadd.s32 $0xFFFFC000  }
0x58: {  	[spmem:s2] =	stream.indirect.scatter.add.f32 [tilespmem:s22], [sflag:$0x3], $0x80, s7, s25, $0xb8;
	[tilespmem:$0x1D080] =	vst v63  }
0x59: {  	_ =	swait.ge [sflag:s21], $0x4000  }
0x5a: {  	[sflag:s21] =	ssyncset.done $0x0  }
0x5b: {  	[sflag:s21] =	ssyncadd.s32 $0xFFFFC000  }
0x5c: {  	_ =	swait.ge [sflag:s26], $0x4000  }
0x5d: {  	[sflag:s26] =	ssyncset.done $0x0  }
0x5e: {  	[sflag:s26] =	ssyncadd.s32 $0xFFFFC000  }
0x5f: {  	[spmem:s2] =	stream.indirect.scatter.add.f32 [tilespmem:s23], [sflag:$0x3], $0x80, s31, s25, $0xb8;
	[tilespmem:$0x1D080] =	vst v63  }
0x60: {  	_ =	swait.ge [sflag:s21], $0x4000  }
0x61: {  	[sflag:s21] =	ssyncset.done $0x0  }
0x62: {  	[sflag:s21] =	ssyncadd.s32 $0xFFFFC000  }
0x63: {  	[tilespmem:s22], [sflag:$0x1] =	stream.linear.gather [hbm4b:s11+s3], $0x4000, $0x38;
	[tilespmem:$0x1D080] =	vst v63  }
0x64: {  	_ =	swait.ge [sflag:s24], $0x4000  }
0x65: {  	[sflag:s24] =	ssyncset.done $0x0  }
0x66: {  	[sflag:s24] =	ssyncadd.s32 $0xFFFFC000  }
0x67: {  	[spmem:s2] =	stream.indirect.scatter.add.f32 [tilespmem:s22], [sflag:$0x3], $0x80, s12, s25, $0xb8;
	[tilespmem:$0x1D080] =	vst v63  }
0x68: {  	_ =	swait.ge [sflag:s21], $0x4000  }
0x69: {  	[sflag:s21] =	ssyncset.done $0x0  }
0x6a: {  	s1 =	simm.s32 @!p1 $0x5800;
	s0 =	simm.s32 @!p1 $0x0;
	[sflag:s21] =	ssyncadd.s32 $0xFFFFC000  }
0x6b: {  	[tilespmem:s1], [sflag:$0x2] =	stream.linear.gather @!p1 [hbm4b:s13+s0], $0x4000, $0x38;
	[tilespmem:$0x1D080] =	vst v63  }
0x6c: {  	s0 =	simm.s32 @!p1 $0x2  }
0x6d: {  	_ =	swait.ge @!p1 [sflag:s0], $0x4000  }
0x6e: {  	[sflag:s0] =	ssyncset.done @!p1 $0x0  }
0x6f: {  	[sflag:s0] =	ssyncadd.s32 @!p1 $0xFFFFC000;
	s0 =	simm.s32 @!p1 $0x80  }
0x70: {  	[spmem:s2] =	stream.indirect.scatter.add.f32 @!p1 [tilespmem:s1], [sflag:$0x3], $0x80, s14, s0, $0xb8;
	[tilespmem:$0x1D080] =	vst v63  }
0x71: {  	s0 =	simm.s32 @!p1 $0x3  }
0x72: {  	_ =	swait.ge @!p1 [sflag:s0], $0x4000  }
0x73: {  	[sflag:s0] =	ssyncset.done @!p1 $0x0  }
0x74: {  	[sflag:s0] =	ssyncadd.s32 @!p1 $0xFFFFC000  }
0x75: {  	[bflag:$0x0] =	sbarrier.arrive $0xFFFF  }
0x76: {  	[hbm:s15], [sflag:s6] =	dma.local [spmem:s29], $0x2700  }
0x77: {  	s28 =	sadd.s32 $0x1, s28;
	_ =	swait.ge [sflag:s21], $0x2700  }
0x78: {  	p2 =	sne.s32 s28, s17;
	[sflag:s21] =	ssyncset.done $0x0  }
.Ltmp1:
0x79: {  	s0 =	simm.s32 @!p0 $0x3;
	[sflag:s21] =	ssyncadd.s32 $0xFFFFD900;
	(pc) =	sbr.rel @p2 .LBB2_1-.Ltmp1, $4  }
0x7a: {  	[hbm:s16], [sflag:s6] =	dma.local @!p0 [spmem:s30], $0x100  }
0x7b: {  	_ =	swait.ge @!p0 [sflag:s0], $0x100  }
0x7c: {  	[sflag:s0] =	ssyncset.done @!p0 $0x0  }
0x7d: {  	[sflag:s0] =	ssyncadd.s32 @!p0 $0xFFFFFF00  }
0x7e: {  	_ =	sfence.sel $0x180000  }
0x7f: {  	[bflag:$0x0] =	sbarrier.arrive $0xFFFF  }
0x80: {  	_ =	strace $0x90000059  }
0x81: {  	s0 =	stileid.u32;
	[bflag:$0x2] =	sbarrier.arrive $0xFFFF  }
0x82: {  	p0 =	sne.s32 s0, $0x0;
	s0 =	rddreg [dreg:$0x2]  }
0x83: {  	s0 =	sadd.s32 @!p0 $0x100000, s0  }
0x84: {  	[sflag:s0] =	ssyncadd.tile.s32 @!p0 $0x1;
	_ =	shalt  }
.Lfunc_end2:
_tile_overlayer_lowered:
.L_overlay_start_2:
0x85: {  	(tag) =	ssettag $0x2  }
0x86: {  	s0 =	rddreg [dreg:$0x0];
	s2 =	stileid.u32  }
0x87: {  	s1 =	rddreg [dreg:$0x1];
	p0 =	sne.s32 s2, $0x0  }
0x88: {  	s3 =	rddreg [dreg:$0x2];
	[bflag:$0x3] =	sbarrier.arrive $0xFFFF;
	s2 =	simm.s32 @!p0 $0x1C03  }
0x89: {  	[timem:s3], [sflag:s2] =	dma.local @!p0 [hbm:s0], s1  }
0x8a: {  	s0 =	simm.s32 @!p0 $0x3  }
0x8b: {  	_ =	swait.ge @!p0 [sflag:s0], s1  }
0x8c: {  	s1 =	ssub.s32 @!p0 $0x0, s1;
	[sflag:s0] =	ssyncset.done @!p0 $0x0  }
0x8d: {  	[sflag:s0] =	ssyncadd.s32 @!p0 s1  }
0x8e: {  	[bflag:$0x3] =	sbarrier.arrive $0xFFFF  }
0x8f: {  	_ =	shalt  }

</sc_bundles>
